<compile_context>
chip_gen: v7x
topology: tpu7x:2x2x1
jax: 0.10.2.dev20260603
libtpu: 0.0.44.dev20260713+nightly
codegen_flags: <defaults>
</compile_context>

<pallas_src>
import functools

import jax
import jax.numpy as jnp
from jax import lax
from jax.experimental import pallas as pl
from jax.experimental.pallas import tpu as pltpu
from jax.experimental.pallas import tpu_sc as plsc

DIM = 32
NC = 2
NS = 16
NW = NC * NS

BB = 128
NBUF = 4

_MESH = plsc.VectorSubcoreMesh(
    core_axis_name="c", subcore_axis_name="s", num_cores=NC, num_subcores=NS
)


@functools.partial(jax.jit, static_argnums=(2, 3))
def _sc_gather(idx, table, l_sz, nbh):
    ntask = l_sz * nbh
    tpw = ntask // NW

    @functools.partial(
        pl.kernel,
        out_type=jax.ShapeDtypeStruct((l_sz, DIM // 8, nbh, 8, BB), jnp.float32),
        mesh=_MESH,
        scratch_types=[
            pltpu.VMEM((tpw, BB), jnp.int32),
            pltpu.VMEM((NBUF, BB, DIM), jnp.float32),
            pltpu.VMEM((NBUF, DIM // 8, 8, BB), jnp.float32),
            pltpu.SemaphoreType.DMA((NBUF,)),
            pltpu.SemaphoreType.DMA((NBUF,)),
        ],
        compiler_params=pltpu.CompilerParams(
            use_tc_tiling_on_sc=False, needs_layout_passes=False
        ),
    )
    def body(idx_hbm, table_hbm, out_hbm, idx_v, rows_v, tbuf_v, gsem, wsem):
        wid = lax.axis_index("s") * NC + lax.axis_index("c")
        t0 = wid * tpw
        pltpu.sync_copy(idx_hbm.at[pl.ds(t0, tpw)], idx_v)

        iota = lax.iota(jnp.int32, 16)
        blkvecs = [iota + blk * 16 for blk in range(8)]

        def fire(tl, p):
            pltpu.async_copy(
                table_hbm.at[idx_v.at[tl]], rows_v.at[p], gsem.at[p]
            )

        for i in range(NBUF - 1):
            fire(i, i)

        def outer(g2, carry):
            for p in range(NBUF):
                tl = g2 * NBUF + p
                t = t0 + tl
                l = t // nbh
                bh = t % nbh

                @pl.when(tl + NBUF - 1 < tpw)
                def _fire_next():
                    fire(tl + NBUF - 1, (p + NBUF - 1) % NBUF)

                pltpu.make_async_copy(
                    table_hbm.at[pl.ds(0, BB)], rows_v.at[p], gsem.at[p]
                ).wait()

                @pl.when(tl >= NBUF)
                def _drain_writes():
                    for dh in range(DIM // 8):
                        pltpu.make_async_copy(
                            out_hbm.at[0].at[0].at[0],
                            tbuf_v.at[p].at[dh],
                            wsem.at[p],
                        ).wait()

                rows = rows_v.at[p]
                if False:
                    for d in range(DIM):
                        dsplat = jnp.full((16,), d, jnp.int32)
                        for blk in range(8):
                            v = plsc.load_gather(rows, [blkvecs[blk], dsplat])
                            tbuf_v[p, d // 8, d % 8, pl.ds(blk * 16, 16)] = v

                for dh in range(DIM // 8):
                    pltpu.async_copy(
                        tbuf_v.at[p].at[dh],
                        out_hbm.at[l].at[dh].at[bh],
                        wsem.at[p],
                    )
            return carry

        lax.fori_loop(0, tpw // NBUF, outer, 0)

        for p in range(NBUF):
            for dh in range(DIM // 8):
                pltpu.make_async_copy(
                    out_hbm.at[0].at[0].at[0], tbuf_v.at[p].at[dh], wsem.at[p]
                ).wait()

    return body(idx, table)


def kernel(inp, embeddings):
    b, l_sz = inp.shape
    nbh = b // BB
    idx = jnp.transpose(inp).reshape(l_sz * nbh, BB).astype(jnp.int32)
    o5 = _sc_gather(idx, embeddings, l_sz, nbh)
    return o5.transpose(2, 4, 0, 1, 3).reshape(b, l_sz, DIM)

# --- scband reference (transcript-rebuilt; emitter-appended) ---
"""Pipeline reference for scband-embed-41266045780328 (READ-ONLY COPY).

The authoritative reference and input builder live on the scoring server;
editing this copy changes nothing except your own understanding.
"""

import jax, jax.numpy as jnp
import numpy as np

VOCAB = 1000000
DIM = 32
B = 16384
L = 50

def setup_inputs(seed: int = 0) -> dict:
    key = jax.random.key(seed)
    k1, k2 = jax.random.split(key)
    indices = jax.random.randint(k1, (B, L), 0, VOCAB)
    embeddings = jax.random.normal(k2, (VOCAB, DIM), dtype=jnp.float32) * 0.01
    return {"inp": indices, "embeddings": embeddings}

def reference(inp, embeddings):
    # Embed.forward with a single discrete group, num_continuous=0.
    # auto_append_discrete_group_dim=True since num_discrete_groups == 1.
    discrete = inp[..., None]  # rearrange '... -> ... 1'
    # num_discrete_groups == 1, so no group-offset add.
    # default_discrete_indices gather (identity mapping, kept for faithfulness)
    default_discrete_indices = jnp.arange(VOCAB)
    discrete = default_discrete_indices[discrete]
    # nn.Embedding lookup
    discrete_embed = jnp.take(embeddings, discrete, axis=0)  # [B, L, 1, DIM]
    # sum_discrete_groups=True: reduce '... nd d -> ... d'
    discrete_embed = discrete_embed.sum(axis=-2)  # [B, L, DIM]
    # one_of_discrete_or_continuous and return_only_discrete_or_continuous -> return discrete_embed
    return discrete_embed

if __name__ == "__main__":
    import jax
    _d = setup_inputs()
    print(jax.jit(kernel)(*tuple(_d.values())))

</pallas_src>

<mosaic_0001>
#map = affine_map<(d0, d1) -> (0, 0)>
#map1 = affine_map<(d0, d1) -> (0, 0, 0, 0, 0)>
module attributes {stable_mosaic.version = 14 : i64} {
  func.func @body(%arg0: i32, %arg1: i32, %arg2: memref<6400x128xi32, #tpu.memory_space<hbm>>, %arg3: memref<1000000x32xf32, #tpu.memory_space<hbm>>, %arg4: memref<50x4x128x8x128xf32, #tpu.memory_space<hbm>>, %arg5: memref<200x128xi32, #tpu.memory_space<vmem>>, %arg6: memref<4x128x32xf32, #tpu.memory_space<vmem>>, %arg7: memref<4x4x8x128xf32, #tpu.memory_space<vmem>>, %arg8: memref<4x!tpu.dma_semaphore, #tpu.memory_space<semaphore_mem>>, %arg9: memref<4x!tpu.dma_semaphore, #tpu.memory_space<semaphore_mem>>) attributes {dimension_semantics = [#tpu.dimension_semantics<core_parallel>, #tpu.dimension_semantics<subcore_parallel>], iteration_bounds = array<i64: 2, 16>, scalar_prefetch = 0 : i64, scratch_operands = 5 : i64, tpu.core_type = #tpu.core_type<sc_vector_subcore>, window_params = [{transform_indices = #map}, {transform_indices = #map}, {transform_indices = #map1}]} {
    %mul3A = arith.constant 2 : i32
    %mul3A_0 = arith.muli %arg1, %mul3A : i32
    %add3A = arith.addi %mul3A_0, %arg0 : i32
    %mul3A_1 = arith.constant 200 : i32
    %mul3A_2 = arith.muli %add3A, %mul3A_1 : i32
    "tpu.region"() ({
      %run_scoped3A = tpu.sem_alloc : memref<!tpu.dma_semaphore, #tpu.memory_space<semaphore_mem>>
      %dma_start3A_971 = arith.constant 0 : i32
      %dma_start3A_972 = tpu.memref_slice %arg2[%mul3A_2, %dma_start3A_971] : memref<6400x128xi32, #tpu.memory_space<hbm>> -> memref<200x128xi32, #tpu.memory_space<hbm>>
      %dma_start3A_973 = arith.constant 0 : i32
      %dma_start3A_974 = tpu.memref_slice %arg2[%mul3A_2, %dma_start3A_973] : memref<6400x128xi32, #tpu.memory_space<hbm>> -> memref<200x128xi32, #tpu.memory_space<hbm>>
      tpu.enqueue_dma source(%dma_start3A_974 : memref<200x128xi32, #tpu.memory_space<hbm>>) target(%arg5 : memref<200x128xi32, #tpu.memory_space<vmem>>) target_semaphore(%run_scoped3A : memref<!tpu.dma_semaphore, #tpu.memory_space<semaphore_mem>>)
      %dma_wait3A_975 = arith.constant 0 : i32
      %dma_wait3A_976 = tpu.memref_slice %arg2[%mul3A_2, %dma_wait3A_975] : memref<6400x128xi32, #tpu.memory_space<hbm>> -> memref<200x128xi32, #tpu.memory_space<hbm>>
      %dma_wait3A_977 = arith.constant 0 : i32
      %dma_wait3A_978 = tpu.memref_slice %arg2[%mul3A_2, %dma_wait3A_977] : memref<6400x128xi32, #tpu.memory_space<hbm>> -> memref<200x128xi32, #tpu.memory_space<hbm>>
      tpu.wait_dma2 semaphore(%run_scoped3A : memref<!tpu.dma_semaphore, #tpu.memory_space<semaphore_mem>>) src(%dma_wait3A_978 : memref<200x128xi32, #tpu.memory_space<hbm>>) dst(%arg5 : memref<200x128xi32, #tpu.memory_space<vmem>>)
      tpu.yield
    }) : () -> ()
    %iota3A = tpu.iota {dimensions = array<i32: 0>} : vector<16xi32>
    %add3A_3 = arith.constant 0 : i32
    %add3A_4 = vector.broadcast %add3A_3 : i32 to vector<16xi32>
    %add3A_5 = arith.addi %iota3A, %add3A_4 : vector<16xi32>
    %add3A_6 = arith.constant 16 : i32
    %add3A_7 = vector.broadcast %add3A_6 : i32 to vector<16xi32>
    %add3A_8 = arith.addi %iota3A, %add3A_7 : vector<16xi32>
    %add3A_9 = arith.constant 32 : i32
    %add3A_10 = vector.broadcast %add3A_9 : i32 to vector<16xi32>
    %add3A_11 = arith.addi %iota3A, %add3A_10 : vector<16xi32>
    %add3A_12 = arith.constant 48 : i32
    %add3A_13 = vector.broadcast %add3A_12 : i32 to vector<16xi32>
    %add3A_14 = arith.addi %iota3A, %add3A_13 : vector<16xi32>
    %add3A_15 = arith.constant 64 : i32
    %add3A_16 = vector.broadcast %add3A_15 : i32 to vector<16xi32>
    %add3A_17 = arith.addi %iota3A, %add3A_16 : vector<16xi32>
    %add3A_18 = arith.constant 80 : i32
    %add3A_19 = vector.broadcast %add3A_18 : i32 to vector<16xi32>
    %add3A_20 = arith.addi %iota3A, %add3A_19 : vector<16xi32>
    %add3A_21 = arith.constant 96 : i32
    %add3A_22 = vector.broadcast %add3A_21 : i32 to vector<16xi32>
    %add3A_23 = arith.addi %iota3A, %add3A_22 : vector<16xi32>
    %add3A_24 = arith.constant 112 : i32
    %add3A_25 = vector.broadcast %add3A_24 : i32 to vector<16xi32>
    %add3A_26 = arith.addi %iota3A, %add3A_25 : vector<16xi32>
    %dma_start3A = arith.constant 0 : i32
    %dma_start3A_27 = arith.constant 0 : i32
    %dma_start3A_28 = arith.constant 0 : i32
    %dma_start3A_29 = arith.constant 0 : i32
    %dma_start3A_30 = arith.constant 0 : i32
    %dma_start3A_31 = tpu.memref_slice %arg6[%dma_start3A_27, %dma_start3A_29, %dma_start3A_30] : memref<4x128x32xf32, #tpu.memory_space<vmem>> -> memref<1x128x32xf32, #tpu.memory_space<vmem>>
    %dma_start3A_32 = tpu.memref_squeeze %dma_start3A_31 : memref<1x128x32xf32, #tpu.memory_space<vmem>> -> memref<128x32xf32, #tpu.memory_space<vmem>>
    %dma_start3A_33 = arith.constant 0 : i32
    %dma_start3A_34 = tpu.memref_slice %arg5[%dma_start3A, %dma_start3A_33] : memref<200x128xi32, #tpu.memory_space<vmem>> -> memref<1x128xi32, #tpu.memory_space<vmem>>
    %dma_start3A_35 = tpu.memref_squeeze %dma_start3A_34 : memref<1x128xi32, #tpu.memory_space<vmem>> -> memref<128xi32, #tpu.memory_space<vmem>>
    %dma_start3A_36 = arith.constant 0 : i32
    %dma_start3A_37 = arith.constant 0 : i32
    %dma_start3A_38 = tpu.memref_slice %arg3[%dma_start3A_36, %dma_start3A_37] : memref<1000000x32xf32, #tpu.memory_space<hbm>> -> memref<1000000x32xf32, #tpu.memory_space<hbm>>
    %dma_start3A_39 = tpu.memref_slice %arg8[%dma_start3A_28] : memref<4x!tpu.dma_semaphore, #tpu.memory_space<semaphore_mem>> -> memref<1x!tpu.dma_semaphore, #tpu.memory_space<semaphore_mem>>
    %dma_start3A_40 = tpu.memref_squeeze %dma_start3A_39 : memref<1x!tpu.dma_semaphore, #tpu.memory_space<semaphore_mem>> -> memref<!tpu.dma_semaphore, #tpu.memory_space<semaphore_mem>>
    tpu.enqueue_indirect_dma source(%dma_start3A_38 : memref<1000000x32xf32, #tpu.memory_space<hbm>>) target(%dma_start3A_32 : memref<128x32xf32, #tpu.memory_space<vmem>>) offsets(%dma_start3A_35 : memref<128xi32, #tpu.memory_space<vmem>>) semaphore(%dma_start3A_40 : memref<!tpu.dma_semaphore, #tpu.memory_space<semaphore_mem>>)
    %dma_start3A_41 = arith.constant 1 : i32
    %dma_start3A_42 = arith.constant 1 : i32
    %dma_start3A_43 = arith.constant 1 : i32
    %dma_start3A_44 = arith.constant 0 : i32
    %dma_start3A_45 = arith.constant 0 : i32
    %dma_start3A_46 = tpu.memref_slice %arg6[%dma_start3A_42, %dma_start3A_44, %dma_start3A_45] : memref<4x128x32xf32, #tpu.memory_space<vmem>> -> memref<1x128x32xf32, #tpu.memory_space<vmem>>
    %dma_start3A_47 = tpu.memref_squeeze %dma_start3A_46 : memref<1x128x32xf32, #tpu.memory_space<vmem>> -> memref<128x32xf32, #tpu.memory_space<vmem>>
    %dma_start3A_48 = arith.constant 0 : i32
    %dma_start3A_49 = tpu.memref_slice %arg5[%dma_start3A_41, %dma_start3A_48] : memref<200x128xi32, #tpu.memory_space<vmem>> -> memref<1x128xi32, #tpu.memory_space<vmem>>
    %dma_start3A_50 = tpu.memref_squeeze %dma_start3A_49 : memref<1x128xi32, #tpu.memory_space<vmem>> -> memref<128xi32, #tpu.memory_space<vmem>>
    %dma_start3A_51 = arith.constant 0 : i32
    %dma_start3A_52 = arith.constant 0 : i32
    %dma_start3A_53 = tpu.memref_slice %arg3[%dma_start3A_51, %dma_start3A_52] : memref<1000000x32xf32, #tpu.memory_space<hbm>> -> memref<1000000x32xf32, #tpu.memory_space<hbm>>
    %dma_start3A_54 = tpu.memref_slice %arg8[%dma_start3A_43] : memref<4x!tpu.dma_semaphore, #tpu.memory_space<semaphore_mem>> -> memref<1x!tpu.dma_semaphore, #tpu.memory_space<semaphore_mem>>
    %dma_start3A_55 = tpu.memref_squeeze %dma_start3A_54 : memref<1x!tpu.dma_semaphore, #tpu.memory_space<semaphore_mem>> -> memref<!tpu.dma_semaphore, #tpu.memory_space<semaphore_mem>>
    tpu.enqueue_indirect_dma source(%dma_start3A_53 : memref<1000000x32xf32, #tpu.memory_space<hbm>>) target(%dma_start3A_47 : memref<128x32xf32, #tpu.memory_space<vmem>>) offsets(%dma_start3A_50 : memref<128xi32, #tpu.memory_space<vmem>>) semaphore(%dma_start3A_55 : memref<!tpu.dma_semaphore, #tpu.memory_space<semaphore_mem>>)
    %dma_start3A_56 = arith.constant 2 : i32
    %dma_start3A_57 = arith.constant 2 : i32
    %dma_start3A_58 = arith.constant 2 : i32
    %dma_start3A_59 = arith.constant 0 : i32
    %dma_start3A_60 = arith.constant 0 : i32
    %dma_start3A_61 = tpu.memref_slice %arg6[%dma_start3A_57, %dma_start3A_59, %dma_start3A_60] : memref<4x128x32xf32, #tpu.memory_space<vmem>> -> memref<1x128x32xf32, #tpu.memory_space<vmem>>
    %dma_start3A_62 = tpu.memref_squeeze %dma_start3A_61 : memref<1x128x32xf32, #tpu.memory_space<vmem>> -> memref<128x32xf32, #tpu.memory_space<vmem>>
    %dma_start3A_63 = arith.constant 0 : i32
    %dma_start3A_64 = tpu.memref_slice %arg5[%dma_start3A_56, %dma_start3A_63] : memref<200x128xi32, #tpu.memory_space<vmem>> -> memref<1x128xi32, #tpu.memory_space<vmem>>
    %dma_start3A_65 = tpu.memref_squeeze %dma_start3A_64 : memref<1x128xi32, #tpu.memory_space<vmem>> -> memref<128xi32, #tpu.memory_space<vmem>>
    %dma_start3A_66 = arith.constant 0 : i32
    %dma_start3A_67 = arith.constant 0 : i32
    %dma_start3A_68 = tpu.memref_slice %arg3[%dma_start3A_66, %dma_start3A_67] : memref<1000000x32xf32, #tpu.memory_space<hbm>> -> memref<1000000x32xf32, #tpu.memory_space<hbm>>
    %dma_start3A_69 = tpu.memref_slice %arg8[%dma_start3A_58] : memref<4x!tpu.dma_semaphore, #tpu.memory_space<semaphore_mem>> -> memref<1x!tpu.dma_semaphore, #tpu.memory_space<semaphore_mem>>
    %dma_start3A_70 = tpu.memref_squeeze %dma_start3A_69 : memref<1x!tpu.dma_semaphore, #tpu.memory_space<semaphore_mem>> -> memref<!tpu.dma_semaphore, #tpu.memory_space<semaphore_mem>>
    tpu.enqueue_indirect_dma source(%dma_start3A_68 : memref<1000000x32xf32, #tpu.memory_space<hbm>>) target(%dma_start3A_62 : memref<128x32xf32, #tpu.memory_space<vmem>>) offsets(%dma_start3A_65 : memref<128xi32, #tpu.memory_space<vmem>>) semaphore(%dma_start3A_70 : memref<!tpu.dma_semaphore, #tpu.memory_space<semaphore_mem>>)
    %scan3A = arith.constant 0 : i32
    %scan3A_71 = arith.constant 0 : i32
    %scan3A_72 = arith.constant 50 : i32
    %scan3A_73 = arith.addi %scan3A_71, %scan3A_72 : i32
    %scan3A_74 = arith.constant 1 : i32
    scf.for %scan3A_971 = %scan3A_71 to %scan3A_73 step %scan3A_74  : i32 {
      %mul3A_972 = arith.constant 4 : i32
      %mul3A_973 = arith.muli %scan3A_971, %mul3A_972 : i32
      %add3A_974 = arith.constant 0 : i32
      %add3A_975 = arith.addi %mul3A_973, %add3A_974 : i32
      %add3A_976 = arith.addi %mul3A_2, %add3A_975 : i32
      %jit3A = arith.constant 128 : i32
      %div3A = arith.divsi %add3A_976, %jit3A : i32
      %sign3A = arith.constant 0 : i32
      %sign3A_977 = arith.cmpi sgt, %add3A_976, %sign3A : i32
      %sign3A_978 = arith.extui %sign3A_977 : i1 to i32
      %sign3A_979 = arith.constant 0 : i32
      %sign3A_980 = arith.cmpi slt, %add3A_976, %sign3A_979 : i32
      %sign3A_981 = arith.extui %sign3A_980 : i1 to i32
      %sign3A_982 = arith.subi %sign3A_978, %sign3A_981 : i32
      %sign3A_983 = arith.constant 0 : i32
      %sign3A_984 = arith.cmpi sgt, %jit3A, %sign3A_983 : i32
      %sign3A_985 = arith.extui %sign3A_984 : i1 to i32
      %sign3A_986 = arith.constant 0 : i32
      %sign3A_987 = arith.cmpi slt, %jit3A, %sign3A_986 : i32
      %sign3A_988 = arith.extui %sign3A_987 : i1 to i32
      %sign3A_989 = arith.subi %sign3A_985, %sign3A_988 : i32
      %ne3A = arith.cmpi ne, %sign3A_982, %sign3A_989 : i32
      %rem3A = arith.remsi %add3A_976, %jit3A : i32
      %ne3A_990 = arith.constant 0 : i32
      %ne3A_991 = arith.cmpi ne, %rem3A, %ne3A_990 : i32
      %and3A = arith.andi %ne3A, %ne3A_991 : i1
      %sub3A = arith.constant 1 : i32
      %sub3A_992 = arith.subi %div3A, %sub3A : i32
      %select_n3A = arith.select %and3A, %sub3A_992, %div3A : i32
      %jit3A_993 = arith.constant 128 : i32
      %eq3A = arith.constant 0 : i32
      %eq3A_994 = arith.cmpi eq, %jit3A_993, %eq3A : i32
      %jit3A_995 = arith.constant 1 : i32
      %select_n3A_996 = arith.select %eq3A_994, %jit3A_995, %jit3A_993 : i32
      %rem3A_997 = arith.remsi %add3A_976, %select_n3A_996 : i32
      %ne3A_998 = arith.constant 0 : i32
      %ne3A_999 = arith.cmpi ne, %rem3A_997, %ne3A_998 : i32
      %lt3A = arith.constant 0 : i32
      %lt3A_1000 = arith.cmpi slt, %rem3A_997, %lt3A : i32
      %lt3A_1001 = arith.constant 0 : i32
      %lt3A_1002 = arith.cmpi slt, %select_n3A_996, %lt3A_1001 : i32
      %ne3A_1003 = arith.xori %lt3A_1000, %lt3A_1002 : i1
      %and3A_1004 = arith.andi %ne3A_1003, %ne3A_999 : i1
      %add3A_1005 = arith.addi %rem3A_997, %select_n3A_996 : i32
      %select_n3A_1006 = arith.select %and3A_1004, %add3A_1005, %rem3A_997 : i32
      %add3A_1007 = arith.constant 4 : i32
      %add3A_1008 = arith.addi %add3A_975, %add3A_1007 : i32
      %sub3A_1009 = arith.constant 1 : i32
      %sub3A_1010 = arith.subi %add3A_1008, %sub3A_1009 : i32
      %lt3A_1011 = arith.constant 200 : i32
      %lt3A_1012 = arith.cmpi slt, %sub3A_1010, %lt3A_1011 : i32
      %convert_element_type3A = arith.extui %lt3A_1012 : i1 to i32
      %cond3A = arith.constant 0 : i32
      %cond3A_1013 = arith.cmpi ne, %convert_element_type3A, %cond3A : i32
      scf.if %cond3A_1013 {
        %add3A_2131 = arith.constant 4 : i32
        %add3A_2132 = arith.addi %add3A_975, %add3A_2131 : i32
        %sub3A_2133 = arith.constant 1 : i32
        %sub3A_2134 = arith.subi %add3A_2132, %sub3A_2133 : i32
        %dma_start3A_2135 = arith.constant 3 : i32
        %dma_start3A_2136 = arith.constant 3 : i32
        %dma_start3A_2137 = arith.constant 0 : i32
        %dma_start3A_2138 = arith.constant 0 : i32
        %dma_start3A_2139 = tpu.memref_slice %arg6[%dma_start3A_2135, %dma_start3A_2137, %dma_start3A_2138] : memref<4x128x32xf32, #tpu.memory_space<vmem>> -> memref<1x128x32xf32, #tpu.memory_space<vmem>>
        %dma_start3A_2140 = tpu.memref_squeeze %dma_start3A_2139 : memref<1x128x32xf32, #tpu.memory_space<vmem>> -> memref<128x32xf32, #tpu.memory_space<vmem>>
        %dma_start3A_2141 = arith.constant 0 : i32
        %dma_start3A_2142 = tpu.memref_slice %arg5[%sub3A_2134, %dma_start3A_2141] : memref<200x128xi32, #tpu.memory_space<vmem>> -> memref<1x128xi32, #tpu.memory_space<vmem>>
        %dma_start3A_2143 = tpu.memref_squeeze %dma_start3A_2142 : memref<1x128xi32, #tpu.memory_space<vmem>> -> memref<128xi32, #tpu.memory_space<vmem>>
        %dma_start3A_2144 = arith.constant 0 : i32
        %dma_start3A_2145 = arith.constant 0 : i32
        %dma_start3A_2146 = tpu.memref_slice %arg3[%dma_start3A_2144, %dma_start3A_2145] : memref<1000000x32xf32, #tpu.memory_space<hbm>> -> memref<1000000x32xf32, #tpu.memory_space<hbm>>
        %dma_start3A_2147 = tpu.memref_slice %arg8[%dma_start3A_2136] : memref<4x!tpu.dma_semaphore, #tpu.memory_space<semaphore_mem>> -> memref<1x!tpu.dma_semaphore, #tpu.memory_space<semaphore_mem>>
        %dma_start3A_2148 = tpu.memref_squeeze %dma_start3A_2147 : memref<1x!tpu.dma_semaphore, #tpu.memory_space<semaphore_mem>> -> memref<!tpu.dma_semaphore, #tpu.memory_space<semaphore_mem>>
        tpu.enqueue_indirect_dma source(%dma_start3A_2146 : memref<1000000x32xf32, #tpu.memory_space<hbm>>) target(%dma_start3A_2140 : memref<128x32xf32, #tpu.memory_space<vmem>>) offsets(%dma_start3A_2143 : memref<128xi32, #tpu.memory_space<vmem>>) semaphore(%dma_start3A_2148 : memref<!tpu.dma_semaphore, #tpu.memory_space<semaphore_mem>>)
      } else {
      }
      %dma_wait3A_1014 = arith.constant 0 : i32
      %dma_wait3A_1015 = arith.constant 0 : i32
      %dma_wait3A_1016 = arith.constant 0 : i32
      %dma_wait3A_1017 = arith.constant 0 : i32
      %dma_wait3A_1018 = tpu.memref_slice %arg6[%dma_wait3A_1014, %dma_wait3A_1016, %dma_wait3A_1017] : memref<4x128x32xf32, #tpu.memory_space<vmem>> -> memref<1x128x32xf32, #tpu.memory_space<vmem>>
      %dma_wait3A_1019 = tpu.memref_squeeze %dma_wait3A_1018 : memref<1x128x32xf32, #tpu.memory_space<vmem>> -> memref<128x32xf32, #tpu.memory_space<vmem>>
      %dma_wait3A_1020 = arith.constant 0 : i32
      %dma_wait3A_1021 = arith.constant 0 : i32
      %dma_wait3A_1022 = tpu.memref_slice %arg3[%dma_wait3A_1020, %dma_wait3A_1021] : memref<1000000x32xf32, #tpu.memory_space<hbm>> -> memref<128x32xf32, #tpu.memory_space<hbm>>
      %dma_wait3A_1023 = tpu.memref_slice %arg8[%dma_wait3A_1015] : memref<4x!tpu.dma_semaphore, #tpu.memory_space<semaphore_mem>> -> memref<1x!tpu.dma_semaphore, #tpu.memory_space<semaphore_mem>>
      %dma_wait3A_1024 = tpu.memref_squeeze %dma_wait3A_1023 : memref<1x!tpu.dma_semaphore, #tpu.memory_space<semaphore_mem>> -> memref<!tpu.dma_semaphore, #tpu.memory_space<semaphore_mem>>
      %dma_wait3A_1025 = arith.constant 0 : i32
      %dma_wait3A_1026 = arith.constant 0 : i32
      %dma_wait3A_1027 = tpu.memref_slice %arg6[%dma_wait3A_1014, %dma_wait3A_1025, %dma_wait3A_1026] : memref<4x128x32xf32, #tpu.memory_space<vmem>> -> memref<1x128x32xf32, #tpu.memory_space<vmem>>
      %dma_wait3A_1028 = tpu.memref_squeeze %dma_wait3A_1027 : memref<1x128x32xf32, #tpu.memory_space<vmem>> -> memref<128x32xf32, #tpu.memory_space<vmem>>
      %dma_wait3A_1029 = arith.constant 0 : i32
      %dma_wait3A_1030 = arith.constant 0 : i32
      %dma_wait3A_1031 = tpu.memref_slice %arg3[%dma_wait3A_1029, %dma_wait3A_1030] : memref<1000000x32xf32, #tpu.memory_space<hbm>> -> memref<128x32xf32, #tpu.memory_space<hbm>>
      tpu.wait_dma2 semaphore(%dma_wait3A_1024 : memref<!tpu.dma_semaphore, #tpu.memory_space<semaphore_mem>>) src(%dma_wait3A_1031 : memref<128x32xf32, #tpu.memory_space<hbm>>) dst(%dma_wait3A_1028 : memref<128x32xf32, #tpu.memory_space<vmem>>)
      %ge3A = arith.constant 4 : i32
      %ge3A_1032 = arith.cmpi sge, %add3A_975, %ge3A : i32
      %convert_element_type3A_1033 = arith.extui %ge3A_1032 : i1 to i32
      %cond3A_1034 = arith.constant 0 : i32
      %cond3A_1035 = arith.cmpi ne, %convert_element_type3A_1033, %cond3A_1034 : i32
      scf.if %cond3A_1035 {
        %dma_wait3A_2131 = arith.constant 0 : i32
        %dma_wait3A_2132 = arith.constant 0 : i32
        %dma_wait3A_2133 = arith.constant 0 : i32
        %dma_wait3A_2134 = arith.constant 0 : i32
        %dma_wait3A_2135 = arith.constant 0 : i32
        %dma_wait3A_2136 = arith.constant 0 : i32
        %dma_wait3A_2137 = arith.constant 0 : i32
        %dma_wait3A_2138 = arith.constant 0 : i32
        %dma_wait3A_2139 = arith.constant 0 : i32
        %dma_wait3A_2140 = tpu.memref_slice %arg7[%dma_wait3A_2134, %dma_wait3A_2137, %dma_wait3A_2138, %dma_wait3A_2139] : memref<4x4x8x128xf32, #tpu.memory_space<vmem>> -> memref<1x4x8x128xf32, #tpu.memory_space<vmem>>
        %dma_wait3A_2141 = tpu.memref_squeeze %dma_wait3A_2140 : memref<1x4x8x128xf32, #tpu.memory_space<vmem>> -> memref<4x8x128xf32, #tpu.memory_space<vmem>>
        %dma_wait3A_2142 = arith.constant 0 : i32
        %dma_wait3A_2143 = arith.constant 0 : i32
        %dma_wait3A_2144 = tpu.memref_slice %dma_wait3A_2141[%dma_wait3A_2135, %dma_wait3A_2142, %dma_wait3A_2143] : memref<4x8x128xf32, #tpu.memory_space<vmem>> -> memref<1x8x128xf32, #tpu.memory_space<vmem>>
        %dma_wait3A_2145 = tpu.memref_squeeze %dma_wait3A_2144 : memref<1x8x128xf32, #tpu.memory_space<vmem>> -> memref<8x128xf32, #tpu.memory_space<vmem>>
        %dma_wait3A_2146 = arith.constant 0 : i32
        %dma_wait3A_2147 = arith.constant 0 : i32
        %dma_wait3A_2148 = arith.constant 0 : i32
        %dma_wait3A_2149 = arith.constant 0 : i32
        %dma_wait3A_2150 = tpu.memref_slice %arg4[%dma_wait3A_2131, %dma_wait3A_2146, %dma_wait3A_2147, %dma_wait3A_2148, %dma_wait3A_2149] : memref<50x4x128x8x128xf32, #tpu.memory_space<hbm>> -> memref<1x4x128x8x128xf32, #tpu.memory_space<hbm>>
        %dma_wait3A_2151 = tpu.memref_squeeze %dma_wait3A_2150 : memref<1x4x128x8x128xf32, #tpu.memory_space<hbm>> -> memref<4x128x8x128xf32, #tpu.memory_space<hbm>>
        %dma_wait3A_2152 = arith.constant 0 : i32
        %dma_wait3A_2153 = arith.constant 0 : i32
        %dma_wait3A_2154 = arith.constant 0 : i32
        %dma_wait3A_2155 = tpu.memref_slice %dma_wait3A_2151[%dma_wait3A_2132, %dma_wait3A_2152, %dma_wait3A_2153, %dma_wait3A_2154] : memref<4x128x8x128xf32, #tpu.memory_space<hbm>> -> memref<1x128x8x128xf32, #tpu.memory_space<hbm>>
        %dma_wait3A_2156 = tpu.memref_squeeze %dma_wait3A_2155 : memref<1x128x8x128xf32, #tpu.memory_space<hbm>> -> memref<128x8x128xf32, #tpu.memory_space<hbm>>
        %dma_wait3A_2157 = arith.constant 0 : i32
        %dma_wait3A_2158 = arith.constant 0 : i32
        %dma_wait3A_2159 = tpu.memref_slice %dma_wait3A_2156[%dma_wait3A_2133, %dma_wait3A_2157, %dma_wait3A_2158] : memref<128x8x128xf32, #tpu.memory_space<hbm>> -> memref<1x8x128xf32, #tpu.memory_space<hbm>>
        %dma_wait3A_2160 = tpu.memref_squeeze %dma_wait3A_2159 : memref<1x8x128xf32, #tpu.memory_space<hbm>> -> memref<8x128xf32, #tpu.memory_space<hbm>>
        %dma_wait3A_2161 = tpu.memref_slice %arg9[%dma_wait3A_2136] : memref<4x!tpu.dma_semaphore, #tpu.memory_space<semaphore_mem>> -> memref<1x!tpu.dma_semaphore, #tpu.memory_space<semaphore_mem>>
        %dma_wait3A_2162 = tpu.memref_squeeze %dma_wait3A_2161 : memref<1x!tpu.dma_semaphore, #tpu.memory_space<semaphore_mem>> -> memref<!tpu.dma_semaphore, #tpu.memory_space<semaphore_mem>>
        %dma_wait3A_2163 = arith.constant 0 : i32
        %dma_wait3A_2164 = arith.constant 0 : i32
        %dma_wait3A_2165 = arith.constant 0 : i32
        %dma_wait3A_2166 = tpu.memref_slice %arg7[%dma_wait3A_2134, %dma_wait3A_2163, %dma_wait3A_2164, %dma_wait3A_2165] : memref<4x4x8x128xf32, #tpu.memory_space<vmem>> -> memref<1x4x8x128xf32, #tpu.memory_space<vmem>>
        %dma_wait3A_2167 = tpu.memref_squeeze %dma_wait3A_2166 : memref<1x4x8x128xf32, #tpu.memory_space<vmem>> -> memref<4x8x128xf32, #tpu.memory_space<vmem>>
        %dma_wait3A_2168 = arith.constant 0 : i32
        %dma_wait3A_2169 = arith.constant 0 : i32
        %dma_wait3A_2170 = tpu.memref_slice %dma_wait3A_2167[%dma_wait3A_2135, %dma_wait3A_2168, %dma_wait3A_2169] : memref<4x8x128xf32, #tpu.memory_space<vmem>> -> memref<1x8x128xf32, #tpu.memory_space<vmem>>
        %dma_wait3A_2171 = tpu.memref_squeeze %dma_wait3A_2170 : memref<1x8x128xf32, #tpu.memory_space<vmem>> -> memref<8x128xf32, #tpu.memory_space<vmem>>
        %dma_wait3A_2172 = arith.constant 0 : i32
        %dma_wait3A_2173 = arith.constant 0 : i32
        %dma_wait3A_2174 = arith.constant 0 : i32
        %dma_wait3A_2175 = arith.constant 0 : i32
        %dma_wait3A_2176 = tpu.memref_slice %arg4[%dma_wait3A_2131, %dma_wait3A_2172, %dma_wait3A_2173, %dma_wait3A_2174, %dma_wait3A_2175] : memref<50x4x128x8x128xf32, #tpu.memory_space<hbm>> -> memref<1x4x128x8x128xf32, #tpu.memory_space<hbm>>
        %dma_wait3A_2177 = tpu.memref_squeeze %dma_wait3A_2176 : memref<1x4x128x8x128xf32, #tpu.memory_space<hbm>> -> memref<4x128x8x128xf32, #tpu.memory_space<hbm>>
        %dma_wait3A_2178 = arith.constant 0 : i32
        %dma_wait3A_2179 = arith.constant 0 : i32
        %dma_wait3A_2180 = arith.constant 0 : i32
        %dma_wait3A_2181 = tpu.memref_slice %dma_wait3A_2177[%dma_wait3A_2132, %dma_wait3A_2178, %dma_wait3A_2179, %dma_wait3A_2180] : memref<4x128x8x128xf32, #tpu.memory_space<hbm>> -> memref<1x128x8x128xf32, #tpu.memory_space<hbm>>
        %dma_wait3A_2182 = tpu.memref_squeeze %dma_wait3A_2181 : memref<1x128x8x128xf32, #tpu.memory_space<hbm>> -> memref<128x8x128xf32, #tpu.memory_space<hbm>>
        %dma_wait3A_2183 = arith.constant 0 : i32
        %dma_wait3A_2184 = arith.constant 0 : i32
        %dma_wait3A_2185 = tpu.memref_slice %dma_wait3A_2182[%dma_wait3A_2133, %dma_wait3A_2183, %dma_wait3A_2184] : memref<128x8x128xf32, #tpu.memory_space<hbm>> -> memref<1x8x128xf32, #tpu.memory_space<hbm>>
        %dma_wait3A_2186 = tpu.memref_squeeze %dma_wait3A_2185 : memref<1x8x128xf32, #tpu.memory_space<hbm>> -> memref<8x128xf32, #tpu.memory_space<hbm>>
        tpu.wait_dma2 semaphore(%dma_wait3A_2162 : memref<!tpu.dma_semaphore, #tpu.memory_space<semaphore_mem>>) src(%dma_wait3A_2186 : memref<8x128xf32, #tpu.memory_space<hbm>>) dst(%dma_wait3A_2171 : memref<8x128xf32, #tpu.memory_space<vmem>>)
        %dma_wait3A_2187 = arith.constant 0 : i32
        %dma_wait3A_2188 = arith.constant 0 : i32
        %dma_wait3A_2189 = arith.constant 0 : i32
        %dma_wait3A_2190 = arith.constant 0 : i32
        %dma_wait3A_2191 = arith.constant 1 : i32
        %dma_wait3A_2192 = arith.constant 0 : i32
        %dma_wait3A_2193 = arith.constant 0 : i32
        %dma_wait3A_2194 = arith.constant 0 : i32
        %dma_wait3A_2195 = arith.constant 0 : i32
        %dma_wait3A_2196 = tpu.memref_slice %arg7[%dma_wait3A_2190, %dma_wait3A_2193, %dma_wait3A_2194, %dma_wait3A_2195] : memref<4x4x8x128xf32, #tpu.memory_space<vmem>> -> memref<1x4x8x128xf32, #tpu.memory_space<vmem>>
        %dma_wait3A_2197 = tpu.memref_squeeze %dma_wait3A_2196 : memref<1x4x8x128xf32, #tpu.memory_space<vmem>> -> memref<4x8x128xf32, #tpu.memory_space<vmem>>
        %dma_wait3A_2198 = arith.constant 0 : i32
        %dma_wait3A_2199 = arith.constant 0 : i32
        %dma_wait3A_2200 = tpu.memref_slice %dma_wait3A_2197[%dma_wait3A_2191, %dma_wait3A_2198, %dma_wait3A_2199] : memref<4x8x128xf32, #tpu.memory_space<vmem>> -> memref<1x8x128xf32, #tpu.memory_space<vmem>>
        %dma_wait3A_2201 = tpu.memref_squeeze %dma_wait3A_2200 : memref<1x8x128xf32, #tpu.memory_space<vmem>> -> memref<8x128xf32, #tpu.memory_space<vmem>>
        %dma_wait3A_2202 = arith.constant 0 : i32
        %dma_wait3A_2203 = arith.constant 0 : i32
        %dma_wait3A_2204 = arith.constant 0 : i32
        %dma_wait3A_2205 = arith.constant 0 : i32
        %dma_wait3A_2206 = tpu.memref_slice %arg4[%dma_wait3A_2187, %dma_wait3A_2202, %dma_wait3A_2203, %dma_wait3A_2204, %dma_wait3A_2205] : memref<50x4x128x8x128xf32, #tpu.memory_space<hbm>> -> memref<1x4x128x8x128xf32, #tpu.memory_space<hbm>>
        %dma_wait3A_2207 = tpu.memref_squeeze %dma_wait3A_2206 : memref<1x4x128x8x128xf32, #tpu.memory_space<hbm>> -> memref<4x128x8x128xf32, #tpu.memory_space<hbm>>
        %dma_wait3A_2208 = arith.constant 0 : i32
        %dma_wait3A_2209 = arith.constant 0 : i32
        %dma_wait3A_2210 = arith.constant 0 : i32
        %dma_wait3A_2211 = tpu.memref_slice %dma_wait3A_2207[%dma_wait3A_2188, %dma_wait3A_2208, %dma_wait3A_2209, %dma_wait3A_2210] : memref<4x128x8x128xf32, #tpu.memory_space<hbm>> -> memref<1x128x8x128xf32, #tpu.memory_space<hbm>>
        %dma_wait3A_2212 = tpu.memref_squeeze %dma_wait3A_2211 : memref<1x128x8x128xf32, #tpu.memory_space<hbm>> -> memref<128x8x128xf32, #tpu.memory_space<hbm>>
        %dma_wait3A_2213 = arith.constant 0 : i32
        %dma_wait3A_2214 = arith.constant 0 : i32
        %dma_wait3A_2215 = tpu.memref_slice %dma_wait3A_2212[%dma_wait3A_2189, %dma_wait3A_2213, %dma_wait3A_2214] : memref<128x8x128xf32, #tpu.memory_space<hbm>> -> memref<1x8x128xf32, #tpu.memory_space<hbm>>
        %dma_wait3A_2216 = tpu.memref_squeeze %dma_wait3A_2215 : memref<1x8x128xf32, #tpu.memory_space<hbm>> -> memref<8x128xf32, #tpu.memory_space<hbm>>
        %dma_wait3A_2217 = tpu.memref_slice %arg9[%dma_wait3A_2192] : memref<4x!tpu.dma_semaphore, #tpu.memory_space<semaphore_mem>> -> memref<1x!tpu.dma_semaphore, #tpu.memory_space<semaphore_mem>>
        %dma_wait3A_2218 = tpu.memref_squeeze %dma_wait3A_2217 : memref<1x!tpu.dma_semaphore, #tpu.memory_space<semaphore_mem>> -> memref<!tpu.dma_semaphore, #tpu.memory_space<semaphore_mem>>
        %dma_wait3A_2219 = arith.constant 0 : i32
        %dma_wait3A_2220 = arith.constant 0 : i32
        %dma_wait3A_2221 = arith.constant 0 : i32
        %dma_wait3A_2222 = tpu.memref_slice %arg7[%dma_wait3A_2190, %dma_wait3A_2219, %dma_wait3A_2220, %dma_wait3A_2221] : memref<4x4x8x128xf32, #tpu.memory_space<vmem>> -> memref<1x4x8x128xf32, #tpu.memory_space<vmem>>
        %dma_wait3A_2223 = tpu.memref_squeeze %dma_wait3A_2222 : memref<1x4x8x128xf32, #tpu.memory_space<vmem>> -> memref<4x8x128xf32, #tpu.memory_space<vmem>>
        %dma_wait3A_2224 = arith.constant 0 : i32
        %dma_wait3A_2225 = arith.constant 0 : i32
        %dma_wait3A_2226 = tpu.memref_slice %dma_wait3A_2223[%dma_wait3A_2191, %dma_wait3A_2224, %dma_wait3A_2225] : memref<4x8x128xf32, #tpu.memory_space<vmem>> -> memref<1x8x128xf32, #tpu.memory_space<vmem>>
        %dma_wait3A_2227 = tpu.memref_squeeze %dma_wait3A_2226 : memref<1x8x128xf32, #tpu.memory_space<vmem>> -> memref<8x128xf32, #tpu.memory_space<vmem>>
        %dma_wait3A_2228 = arith.constant 0 : i32
        %dma_wait3A_2229 = arith.constant 0 : i32
        %dma_wait3A_2230 = arith.constant 0 : i32
        %dma_wait3A_2231 = arith.constant 0 : i32
        %dma_wait3A_2232 = tpu.memref_slice %arg4[%dma_wait3A_2187, %dma_wait3A_2228, %dma_wait3A_2229, %dma_wait3A_2230, %dma_wait3A_2231] : memref<50x4x128x8x128xf32, #tpu.memory_space<hbm>> -> memref<1x4x128x8x128xf32, #tpu.memory_space<hbm>>
        %dma_wait3A_2233 = tpu.memref_squeeze %dma_wait3A_2232 : memref<1x4x128x8x128xf32, #tpu.memory_space<hbm>> -> memref<4x128x8x128xf32, #tpu.memory_space<hbm>>
        %dma_wait3A_2234 = arith.constant 0 : i32
        %dma_wait3A_2235 = arith.constant 0 : i32
        %dma_wait3A_2236 = arith.constant 0 : i32
        %dma_wait3A_2237 = tpu.memref_slice %dma_wait3A_2233[%dma_wait3A_2188, %dma_wait3A_2234, %dma_wait3A_2235, %dma_wait3A_2236] : memref<4x128x8x128xf32, #tpu.memory_space<hbm>> -> memref<1x128x8x128xf32, #tpu.memory_space<hbm>>
        %dma_wait3A_2238 = tpu.memref_squeeze %dma_wait3A_2237 : memref<1x128x8x128xf32, #tpu.memory_space<hbm>> -> memref<128x8x128xf32, #tpu.memory_space<hbm>>
        %dma_wait3A_2239 = arith.constant 0 : i32
        %dma_wait3A_2240 = arith.constant 0 : i32
        %dma_wait3A_2241 = tpu.memref_slice %dma_wait3A_2238[%dma_wait3A_2189, %dma_wait3A_2239, %dma_wait3A_2240] : memref<128x8x128xf32, #tpu.memory_space<hbm>> -> memref<1x8x128xf32, #tpu.memory_space<hbm>>
        %dma_wait3A_2242 = tpu.memref_squeeze %dma_wait3A_2241 : memref<1x8x128xf32, #tpu.memory_space<hbm>> -> memref<8x128xf32, #tpu.memory_space<hbm>>
        tpu.wait_dma2 semaphore(%dma_wait3A_2218 : memref<!tpu.dma_semaphore, #tpu.memory_space<semaphore_mem>>) src(%dma_wait3A_2242 : memref<8x128xf32, #tpu.memory_space<hbm>>) dst(%dma_wait3A_2227 : memref<8x128xf32, #tpu.memory_space<vmem>>)
        %dma_wait3A_2243 = arith.constant 0 : i32
        %dma_wait3A_2244 = arith.constant 0 : i32
        %dma_wait3A_2245 = arith.constant 0 : i32
        %dma_wait3A_2246 = arith.constant 0 : i32
        %dma_wait3A_2247 = arith.constant 2 : i32
        %dma_wait3A_2248 = arith.constant 0 : i32
        %dma_wait3A_2249 = arith.constant 0 : i32
        %dma_wait3A_2250 = arith.constant 0 : i32
        %dma_wait3A_2251 = arith.constant 0 : i32
        %dma_wait3A_2252 = tpu.memref_slice %arg7[%dma_wait3A_2246, %dma_wait3A_2249, %dma_wait3A_2250, %dma_wait3A_2251] : memref<4x4x8x128xf32, #tpu.memory_space<vmem>> -> memref<1x4x8x128xf32, #tpu.memory_space<vmem>>
        %dma_wait3A_2253 = tpu.memref_squeeze %dma_wait3A_2252 : memref<1x4x8x128xf32, #tpu.memory_space<vmem>> -> memref<4x8x128xf32, #tpu.memory_space<vmem>>
        %dma_wait3A_2254 = arith.constant 0 : i32
        %dma_wait3A_2255 = arith.constant 0 : i32
        %dma_wait3A_2256 = tpu.memref_slice %dma_wait3A_2253[%dma_wait3A_2247, %dma_wait3A_2254, %dma_wait3A_2255] : memref<4x8x128xf32, #tpu.memory_space<vmem>> -> memref<1x8x128xf32, #tpu.memory_space<vmem>>
        %dma_wait3A_2257 = tpu.memref_squeeze %dma_wait3A_2256 : memref<1x8x128xf32, #tpu.memory_space<vmem>> -> memref<8x128xf32, #tpu.memory_space<vmem>>
        %dma_wait3A_2258 = arith.constant 0 : i32
        %dma_wait3A_2259 = arith.constant 0 : i32
        %dma_wait3A_2260 = arith.constant 0 : i32
        %dma_wait3A_2261 = arith.constant 0 : i32
        %dma_wait3A_2262 = tpu.memref_slice %arg4[%dma_wait3A_2243, %dma_wait3A_2258, %dma_wait3A_2259, %dma_wait3A_2260, %dma_wait3A_2261] : memref<50x4x128x8x128xf32, #tpu.memory_space<hbm>> -> memref<1x4x128x8x128xf32, #tpu.memory_space<hbm>>
        %dma_wait3A_2263 = tpu.memref_squeeze %dma_wait3A_2262 : memref<1x4x128x8x128xf32, #tpu.memory_space<hbm>> -> memref<4x128x8x128xf32, #tpu.memory_space<hbm>>
        %dma_wait3A_2264 = arith.constant 0 : i32
        %dma_wait3A_2265 = arith.constant 0 : i32
        %dma_wait3A_2266 = arith.constant 0 : i32
        %dma_wait3A_2267 = tpu.memref_slice %dma_wait3A_2263[%dma_wait3A_2244, %dma_wait3A_2264, %dma_wait3A_2265, %dma_wait3A_2266] : memref<4x128x8x128xf32, #tpu.memory_space<hbm>> -> memref<1x128x8x128xf32, #tpu.memory_space<hbm>>
        %dma_wait3A_2268 = tpu.memref_squeeze %dma_wait3A_2267 : memref<1x128x8x128xf32, #tpu.memory_space<hbm>> -> memref<128x8x128xf32, #tpu.memory_space<hbm>>
        %dma_wait3A_2269 = arith.constant 0 : i32
        %dma_wait3A_2270 = arith.constant 0 : i32
        %dma_wait3A_2271 = tpu.memref_slice %dma_wait3A_2268[%dma_wait3A_2245, %dma_wait3A_2269, %dma_wait3A_2270] : memref<128x8x128xf32, #tpu.memory_space<hbm>> -> memref<1x8x128xf32, #tpu.memory_space<hbm>>
        %dma_wait3A_2272 = tpu.memref_squeeze %dma_wait3A_2271 : memref<1x8x128xf32, #tpu.memory_space<hbm>> -> memref<8x128xf32, #tpu.memory_space<hbm>>
        %dma_wait3A_2273 = tpu.memref_slice %arg9[%dma_wait3A_2248] : memref<4x!tpu.dma_semaphore, #tpu.memory_space<semaphore_mem>> -> memref<1x!tpu.dma_semaphore, #tpu.memory_space<semaphore_mem>>
        %dma_wait3A_2274 = tpu.memref_squeeze %dma_wait3A_2273 : memref<1x!tpu.dma_semaphore, #tpu.memory_space<semaphore_mem>> -> memref<!tpu.dma_semaphore, #tpu.memory_space<semaphore_mem>>
        %dma_wait3A_2275 = arith.constant 0 : i32
        %dma_wait3A_2276 = arith.constant 0 : i32
        %dma_wait3A_2277 = arith.constant 0 : i32
        %dma_wait3A_2278 = tpu.memref_slice %arg7[%dma_wait3A_2246, %dma_wait3A_2275, %dma_wait3A_2276, %dma_wait3A_2277] : memref<4x4x8x128xf32, #tpu.memory_space<vmem>> -> memref<1x4x8x128xf32, #tpu.memory_space<vmem>>
        %dma_wait3A_2279 = tpu.memref_squeeze %dma_wait3A_2278 : memref<1x4x8x128xf32, #tpu.memory_space<vmem>> -> memref<4x8x128xf32, #tpu.memory_space<vmem>>
        %dma_wait3A_2280 = arith.constant 0 : i32
        %dma_wait3A_2281 = arith.constant 0 : i32
        %dma_wait3A_2282 = tpu.memref_slice %dma_wait3A_2279[%dma_wait3A_2247, %dma_wait3A_2280, %dma_wait3A_2281] : memref<4x8x128xf32, #tpu.memory_space<vmem>> -> memref<1x8x128xf32, #tpu.memory_space<vmem>>
        %dma_wait3A_2283 = tpu.memref_squeeze %dma_wait3A_2282 : memref<1x8x128xf32, #tpu.memory_space<vmem>> -> memref<8x128xf32, #tpu.memory_space<vmem>>
        %dma_wait3A_2284 = arith.constant 0 : i32
        %dma_wait3A_2285 = arith.constant 0 : i32
        %dma_wait3A_2286 = arith.constant 0 : i32
        %dma_wait3A_2287 = arith.constant 0 : i32
        %dma_wait3A_2288 = tpu.memref_slice %arg4[%dma_wait3A_2243, %dma_wait3A_2284, %dma_wait3A_2285, %dma_wait3A_2286, %dma_wait3A_2287] : memref<50x4x128x8x128xf32, #tpu.memory_space<hbm>> -> memref<1x4x128x8x128xf32, #tpu.memory_space<hbm>>
        %dma_wait3A_2289 = tpu.memref_squeeze %dma_wait3A_2288 : memref<1x4x128x8x128xf32, #tpu.memory_space<hbm>> -> memref<4x128x8x128xf32, #tpu.memory_space<hbm>>
        %dma_wait3A_2290 = arith.constant 0 : i32
        %dma_wait3A_2291 = arith.constant 0 : i32
        %dma_wait3A_2292 = arith.constant 0 : i32
        %dma_wait3A_2293 = tpu.memref_slice %dma_wait3A_2289[%dma_wait3A_2244, %dma_wait3A_2290, %dma_wait3A_2291, %dma_wait3A_2292] : memref<4x128x8x128xf32, #tpu.memory_space<hbm>> -> memref<1x128x8x128xf32, #tpu.memory_space<hbm>>
        %dma_wait3A_2294 = tpu.memref_squeeze %dma_wait3A_2293 : memref<1x128x8x128xf32, #tpu.memory_space<hbm>> -> memref<128x8x128xf32, #tpu.memory_space<hbm>>
        %dma_wait3A_2295 = arith.constant 0 : i32
        %dma_wait3A_2296 = arith.constant 0 : i32
        %dma_wait3A_2297 = tpu.memref_slice %dma_wait3A_2294[%dma_wait3A_2245, %dma_wait3A_2295, %dma_wait3A_2296] : memref<128x8x128xf32, #tpu.memory_space<hbm>> -> memref<1x8x128xf32, #tpu.memory_space<hbm>>
        %dma_wait3A_2298 = tpu.memref_squeeze %dma_wait3A_2297 : memref<1x8x128xf32, #tpu.memory_space<hbm>> -> memref<8x128xf32, #tpu.memory_space<hbm>>
        tpu.wait_dma2 semaphore(%dma_wait3A_2274 : memref<!tpu.dma_semaphore, #tpu.memory_space<semaphore_mem>>) src(%dma_wait3A_2298 : memref<8x128xf32, #tpu.memory_space<hbm>>) dst(%dma_wait3A_2283 : memref<8x128xf32, #tpu.memory_space<vmem>>)
        %dma_wait3A_2299 = arith.constant 0 : i32
        %dma_wait3A_2300 = arith.constant 0 : i32
        %dma_wait3A_2301 = arith.constant 0 : i32
        %dma_wait3A_2302 = arith.constant 0 : i32
        %dma_wait3A_2303 = arith.constant 3 : i32
        %dma_wait3A_2304 = arith.constant 0 : i32
        %dma_wait3A_2305 = arith.constant 0 : i32
        %dma_wait3A_2306 = arith.constant 0 : i32
        %dma_wait3A_2307 = arith.constant 0 : i32
        %dma_wait3A_2308 = tpu.memref_slice %arg7[%dma_wait3A_2302, %dma_wait3A_2305, %dma_wait3A_2306, %dma_wait3A_2307] : memref<4x4x8x128xf32, #tpu.memory_space<vmem>> -> memref<1x4x8x128xf32, #tpu.memory_space<vmem>>
        %dma_wait3A_2309 = tpu.memref_squeeze %dma_wait3A_2308 : memref<1x4x8x128xf32, #tpu.memory_space<vmem>> -> memref<4x8x128xf32, #tpu.memory_space<vmem>>
        %dma_wait3A_2310 = arith.constant 0 : i32
        %dma_wait3A_2311 = arith.constant 0 : i32
        %dma_wait3A_2312 = tpu.memref_slice %dma_wait3A_2309[%dma_wait3A_2303, %dma_wait3A_2310, %dma_wait3A_2311] : memref<4x8x128xf32, #tpu.memory_space<vmem>> -> memref<1x8x128xf32, #tpu.memory_space<vmem>>
        %dma_wait3A_2313 = tpu.memref_squeeze %dma_wait3A_2312 : memref<1x8x128xf32, #tpu.memory_space<vmem>> -> memref<8x128xf32, #tpu.memory_space<vmem>>
        %dma_wait3A_2314 = arith.constant 0 : i32
        %dma_wait3A_2315 = arith.constant 0 : i32
        %dma_wait3A_2316 = arith.constant 0 : i32
        %dma_wait3A_2317 = arith.constant 0 : i32
        %dma_wait3A_2318 = tpu.memref_slice %arg4[%dma_wait3A_2299, %dma_wait3A_2314, %dma_wait3A_2315, %dma_wait3A_2316, %dma_wait3A_2317] : memref<50x4x128x8x128xf32, #tpu.memory_space<hbm>> -> memref<1x4x128x8x128xf32, #tpu.memory_space<hbm>>
        %dma_wait3A_2319 = tpu.memref_squeeze %dma_wait3A_2318 : memref<1x4x128x8x128xf32, #tpu.memory_space<hbm>> -> memref<4x128x8x128xf32, #tpu.memory_space<hbm>>
        %dma_wait3A_2320 = arith.constant 0 : i32
        %dma_wait3A_2321 = arith.constant 0 : i32
        %dma_wait3A_2322 = arith.constant 0 : i32
        %dma_wait3A_2323 = tpu.memref_slice %dma_wait3A_2319[%dma_wait3A_2300, %dma_wait3A_2320, %dma_wait3A_2321, %dma_wait3A_2322] : memref<4x128x8x128xf32, #tpu.memory_space<hbm>> -> memref<1x128x8x128xf32, #tpu.memory_space<hbm>>
        %dma_wait3A_2324 = tpu.memref_squeeze %dma_wait3A_2323 : memref<1x128x8x128xf32, #tpu.memory_space<hbm>> -> memref<128x8x128xf32, #tpu.memory_space<hbm>>
        %dma_wait3A_2325 = arith.constant 0 : i32
        %dma_wait3A_2326 = arith.constant 0 : i32
        %dma_wait3A_2327 = tpu.memref_slice %dma_wait3A_2324[%dma_wait3A_2301, %dma_wait3A_2325, %dma_wait3A_2326] : memref<128x8x128xf32, #tpu.memory_space<hbm>> -> memref<1x8x128xf32, #tpu.memory_space<hbm>>
        %dma_wait3A_2328 = tpu.memref_squeeze %dma_wait3A_2327 : memref<1x8x128xf32, #tpu.memory_space<hbm>> -> memref<8x128xf32, #tpu.memory_space<hbm>>
        %dma_wait3A_2329 = tpu.memref_slice %arg9[%dma_wait3A_2304] : memref<4x!tpu.dma_semaphore, #tpu.memory_space<semaphore_mem>> -> memref<1x!tpu.dma_semaphore, #tpu.memory_space<semaphore_mem>>
        %dma_wait3A_2330 = tpu.memref_squeeze %dma_wait3A_2329 : memref<1x!tpu.dma_semaphore, #tpu.memory_space<semaphore_mem>> -> memref<!tpu.dma_semaphore, #tpu.memory_space<semaphore_mem>>
        %dma_wait3A_2331 = arith.constant 0 : i32
        %dma_wait3A_2332 = arith.constant 0 : i32
        %dma_wait3A_2333 = arith.constant 0 : i32
        %dma_wait3A_2334 = tpu.memref_slice %arg7[%dma_wait3A_2302, %dma_wait3A_2331, %dma_wait3A_2332, %dma_wait3A_2333] : memref<4x4x8x128xf32, #tpu.memory_space<vmem>> -> memref<1x4x8x128xf32, #tpu.memory_space<vmem>>
        %dma_wait3A_2335 = tpu.memref_squeeze %dma_wait3A_2334 : memref<1x4x8x128xf32, #tpu.memory_space<vmem>> -> memref<4x8x128xf32, #tpu.memory_space<vmem>>
        %dma_wait3A_2336 = arith.constant 0 : i32
        %dma_wait3A_2337 = arith.constant 0 : i32
        %dma_wait3A_2338 = tpu.memref_slice %dma_wait3A_2335[%dma_wait3A_2303, %dma_wait3A_2336, %dma_wait3A_2337] : memref<4x8x128xf32, #tpu.memory_space<vmem>> -> memref<1x8x128xf32, #tpu.memory_space<vmem>>
        %dma_wait3A_2339 = tpu.memref_squeeze %dma_wait3A_2338 : memref<1x8x128xf32, #tpu.memory_space<vmem>> -> memref<8x128xf32, #tpu.memory_space<vmem>>
        %dma_wait3A_2340 = arith.constant 0 : i32
        %dma_wait3A_2341 = arith.constant 0 : i32
        %dma_wait3A_2342 = arith.constant 0 : i32
        %dma_wait3A_2343 = arith.constant 0 : i32
        %dma_wait3A_2344 = tpu.memref_slice %arg4[%dma_wait3A_2299, %dma_wait3A_2340, %dma_wait3A_2341, %dma_wait3A_2342, %dma_wait3A_2343] : memref<50x4x128x8x128xf32, #tpu.memory_space<hbm>> -> memref<1x4x128x8x128xf32, #tpu.memory_space<hbm>>
        %dma_wait3A_2345 = tpu.memref_squeeze %dma_wait3A_2344 : memref<1x4x128x8x128xf32, #tpu.memory_space<hbm>> -> memref<4x128x8x128xf32, #tpu.memory_space<hbm>>
        %dma_wait3A_2346 = arith.constant 0 : i32
        %dma_wait3A_2347 = arith.constant 0 : i32
        %dma_wait3A_2348 = arith.constant 0 : i32
        %dma_wait3A_2349 = tpu.memref_slice %dma_wait3A_2345[%dma_wait3A_2300, %dma_wait3A_2346, %dma_wait3A_2347, %dma_wait3A_2348] : memref<4x128x8x128xf32, #tpu.memory_space<hbm>> -> memref<1x128x8x128xf32, #tpu.memory_space<hbm>>
        %dma_wait3A_2350 = tpu.memref_squeeze %dma_wait3A_2349 : memref<1x128x8x128xf32, #tpu.memory_space<hbm>> -> memref<128x8x128xf32, #tpu.memory_space<hbm>>
        %dma_wait3A_2351 = arith.constant 0 : i32
        %dma_wait3A_2352 = arith.constant 0 : i32
        %dma_wait3A_2353 = tpu.memref_slice %dma_wait3A_2350[%dma_wait3A_2301, %dma_wait3A_2351, %dma_wait3A_2352] : memref<128x8x128xf32, #tpu.memory_space<hbm>> -> memref<1x8x128xf32, #tpu.memory_space<hbm>>
        %dma_wait3A_2354 = tpu.memref_squeeze %dma_wait3A_2353 : memref<1x8x128xf32, #tpu.memory_space<hbm>> -> memref<8x128xf32, #tpu.memory_space<hbm>>
        tpu.wait_dma2 semaphore(%dma_wait3A_2330 : memref<!tpu.dma_semaphore, #tpu.memory_space<semaphore_mem>>) src(%dma_wait3A_2354 : memref<8x128xf32, #tpu.memory_space<hbm>>) dst(%dma_wait3A_2339 : memref<8x128xf32, #tpu.memory_space<vmem>>)
      } else {
      }
      %dma_start3A_1036 = arith.constant 0 : i32
      %dma_start3A_1037 = arith.constant 0 : i32
      %dma_start3A_1038 = arith.constant 0 : i32
      %dma_start3A_1039 = arith.constant 0 : i32
      %dma_start3A_1040 = arith.constant 0 : i32
      %dma_start3A_1041 = arith.constant 0 : i32
      %dma_start3A_1042 = arith.constant 0 : i32
      %dma_start3A_1043 = tpu.memref_slice %arg7[%dma_start3A_1036, %dma_start3A_1040, %dma_start3A_1041, %dma_start3A_1042] : memref<4x4x8x128xf32, #tpu.memory_space<vmem>> -> memref<1x4x8x128xf32, #tpu.memory_space<vmem>>
      %dma_start3A_1044 = tpu.memref_squeeze %dma_start3A_1043 : memref<1x4x8x128xf32, #tpu.memory_space<vmem>> -> memref<4x8x128xf32, #tpu.memory_space<vmem>>
      %dma_start3A_1045 = arith.constant 0 : i32
      %dma_start3A_1046 = arith.constant 0 : i32
      %dma_start3A_1047 = tpu.memref_slice %dma_start3A_1044[%dma_start3A_1037, %dma_start3A_1045, %dma_start3A_1046] : memref<4x8x128xf32, #tpu.memory_space<vmem>> -> memref<1x8x128xf32, #tpu.memory_space<vmem>>
      %dma_start3A_1048 = tpu.memref_squeeze %dma_start3A_1047 : memref<1x8x128xf32, #tpu.memory_space<vmem>> -> memref<8x128xf32, #tpu.memory_space<vmem>>
      %dma_start3A_1049 = arith.constant 0 : i32
      %dma_start3A_1050 = arith.constant 0 : i32
      %dma_start3A_1051 = arith.constant 0 : i32
      %dma_start3A_1052 = arith.constant 0 : i32
      %dma_start3A_1053 = tpu.memref_slice %arg4[%select_n3A, %dma_start3A_1049, %dma_start3A_1050, %dma_start3A_1051, %dma_start3A_1052] : memref<50x4x128x8x128xf32, #tpu.memory_space<hbm>> -> memref<1x4x128x8x128xf32, #tpu.memory_space<hbm>>
      %dma_start3A_1054 = tpu.memref_squeeze %dma_start3A_1053 : memref<1x4x128x8x128xf32, #tpu.memory_space<hbm>> -> memref<4x128x8x128xf32, #tpu.memory_space<hbm>>
      %dma_start3A_1055 = arith.constant 0 : i32
      %dma_start3A_1056 = arith.constant 0 : i32
      %dma_start3A_1057 = arith.constant 0 : i32
      %dma_start3A_1058 = tpu.memref_slice %dma_start3A_1054[%dma_start3A_1038, %dma_start3A_1055, %dma_start3A_1056, %dma_start3A_1057] : memref<4x128x8x128xf32, #tpu.memory_space<hbm>> -> memref<1x128x8x128xf32, #tpu.memory_space<hbm>>
      %dma_start3A_1059 = tpu.memref_squeeze %dma_start3A_1058 : memref<1x128x8x128xf32, #tpu.memory_space<hbm>> -> memref<128x8x128xf32, #tpu.memory_space<hbm>>
      %dma_start3A_1060 = arith.constant 0 : i32
      %dma_start3A_1061 = arith.constant 0 : i32
      %dma_start3A_1062 = tpu.memref_slice %dma_start3A_1059[%select_n3A_1006, %dma_start3A_1060, %dma_start3A_1061] : memref<128x8x128xf32, #tpu.memory_space<hbm>> -> memref<1x8x128xf32, #tpu.memory_space<hbm>>
      %dma_start3A_1063 = tpu.memref_squeeze %dma_start3A_1062 : memref<1x8x128xf32, #tpu.memory_space<hbm>> -> memref<8x128xf32, #tpu.memory_space<hbm>>
      %dma_start3A_1064 = tpu.memref_slice %arg9[%dma_start3A_1039] : memref<4x!tpu.dma_semaphore, #tpu.memory_space<semaphore_mem>> -> memref<1x!tpu.dma_semaphore, #tpu.memory_space<semaphore_mem>>
      %dma_start3A_1065 = tpu.memref_squeeze %dma_start3A_1064 : memref<1x!tpu.dma_semaphore, #tpu.memory_space<semaphore_mem>> -> memref<!tpu.dma_semaphore, #tpu.memory_space<semaphore_mem>>
      %dma_start3A_1066 = arith.constant 0 : i32
      %dma_start3A_1067 = arith.constant 0 : i32
      %dma_start3A_1068 = arith.constant 0 : i32
      %dma_start3A_1069 = arith.constant 0 : i32
      %dma_start3A_1070 = tpu.memref_slice %arg4[%select_n3A, %dma_start3A_1066, %dma_start3A_1067, %dma_start3A_1068, %dma_start3A_1069] : memref<50x4x128x8x128xf32, #tpu.memory_space<hbm>> -> memref<1x4x128x8x128xf32, #tpu.memory_space<hbm>>
      %dma_start3A_1071 = tpu.memref_squeeze %dma_start3A_1070 : memref<1x4x128x8x128xf32, #tpu.memory_space<hbm>> -> memref<4x128x8x128xf32, #tpu.memory_space<hbm>>
      %dma_start3A_1072 = arith.constant 0 : i32
      %dma_start3A_1073 = arith.constant 0 : i32
      %dma_start3A_1074 = arith.constant 0 : i32
      %dma_start3A_1075 = tpu.memref_slice %dma_start3A_1071[%dma_start3A_1038, %dma_start3A_1072, %dma_start3A_1073, %dma_start3A_1074] : memref<4x128x8x128xf32, #tpu.memory_space<hbm>> -> memref<1x128x8x128xf32, #tpu.memory_space<hbm>>
      %dma_start3A_1076 = tpu.memref_squeeze %dma_start3A_1075 : memref<1x128x8x128xf32, #tpu.memory_space<hbm>> -> memref<128x8x128xf32, #tpu.memory_space<hbm>>
      %dma_start3A_1077 = arith.constant 0 : i32
      %dma_start3A_1078 = arith.constant 0 : i32
      %dma_start3A_1079 = tpu.memref_slice %dma_start3A_1076[%select_n3A_1006, %dma_start3A_1077, %dma_start3A_1078] : memref<128x8x128xf32, #tpu.memory_space<hbm>> -> memref<1x8x128xf32, #tpu.memory_space<hbm>>
      %dma_start3A_1080 = tpu.memref_squeeze %dma_start3A_1079 : memref<1x8x128xf32, #tpu.memory_space<hbm>> -> memref<8x128xf32, #tpu.memory_space<hbm>>
      %dma_start3A_1081 = arith.constant 0 : i32
      %dma_start3A_1082 = arith.constant 0 : i32
      %dma_start3A_1083 = arith.constant 0 : i32
      %dma_start3A_1084 = tpu.memref_slice %arg7[%dma_start3A_1036, %dma_start3A_1081, %dma_start3A_1082, %dma_start3A_1083] : memref<4x4x8x128xf32, #tpu.memory_space<vmem>> -> memref<1x4x8x128xf32, #tpu.memory_space<vmem>>
      %dma_start3A_1085 = tpu.memref_squeeze %dma_start3A_1084 : memref<1x4x8x128xf32, #tpu.memory_space<vmem>> -> memref<4x8x128xf32, #tpu.memory_space<vmem>>
      %dma_start3A_1086 = arith.constant 0 : i32
      %dma_start3A_1087 = arith.constant 0 : i32
      %dma_start3A_1088 = tpu.memref_slice %dma_start3A_1085[%dma_start3A_1037, %dma_start3A_1086, %dma_start3A_1087] : memref<4x8x128xf32, #tpu.memory_space<vmem>> -> memref<1x8x128xf32, #tpu.memory_space<vmem>>
      %dma_start3A_1089 = tpu.memref_squeeze %dma_start3A_1088 : memref<1x8x128xf32, #tpu.memory_space<vmem>> -> memref<8x128xf32, #tpu.memory_space<vmem>>
      tpu.enqueue_dma source(%dma_start3A_1089 : memref<8x128xf32, #tpu.memory_space<vmem>>) target(%dma_start3A_1080 : memref<8x128xf32, #tpu.memory_space<hbm>>) target_semaphore(%dma_start3A_1065 : memref<!tpu.dma_semaphore, #tpu.memory_space<semaphore_mem>>)
      %dma_start3A_1090 = arith.constant 0 : i32
      %dma_start3A_1091 = arith.constant 1 : i32
      %dma_start3A_1092 = arith.constant 1 : i32
      %dma_start3A_1093 = arith.constant 0 : i32
      %dma_start3A_1094 = arith.constant 0 : i32
      %dma_start3A_1095 = arith.constant 0 : i32
      %dma_start3A_1096 = arith.constant 0 : i32
      %dma_start3A_1097 = tpu.memref_slice %arg7[%dma_start3A_1090, %dma_start3A_1094, %dma_start3A_1095, %dma_start3A_1096] : memref<4x4x8x128xf32, #tpu.memory_space<vmem>> -> memref<1x4x8x128xf32, #tpu.memory_space<vmem>>
      %dma_start3A_1098 = tpu.memref_squeeze %dma_start3A_1097 : memref<1x4x8x128xf32, #tpu.memory_space<vmem>> -> memref<4x8x128xf32, #tpu.memory_space<vmem>>
      %dma_start3A_1099 = arith.constant 0 : i32
      %dma_start3A_1100 = arith.constant 0 : i32
      %dma_start3A_1101 = tpu.memref_slice %dma_start3A_1098[%dma_start3A_1091, %dma_start3A_1099, %dma_start3A_1100] : memref<4x8x128xf32, #tpu.memory_space<vmem>> -> memref<1x8x128xf32, #tpu.memory_space<vmem>>
      %dma_start3A_1102 = tpu.memref_squeeze %dma_start3A_1101 : memref<1x8x128xf32, #tpu.memory_space<vmem>> -> memref<8x128xf32, #tpu.memory_space<vmem>>
      %dma_start3A_1103 = arith.constant 0 : i32
      %dma_start3A_1104 = arith.constant 0 : i32
      %dma_start3A_1105 = arith.constant 0 : i32
      %dma_start3A_1106 = arith.constant 0 : i32
      %dma_start3A_1107 = tpu.memref_slice %arg4[%select_n3A, %dma_start3A_1103, %dma_start3A_1104, %dma_start3A_1105, %dma_start3A_1106] : memref<50x4x128x8x128xf32, #tpu.memory_space<hbm>> -> memref<1x4x128x8x128xf32, #tpu.memory_space<hbm>>
      %dma_start3A_1108 = tpu.memref_squeeze %dma_start3A_1107 : memref<1x4x128x8x128xf32, #tpu.memory_space<hbm>> -> memref<4x128x8x128xf32, #tpu.memory_space<hbm>>
      %dma_start3A_1109 = arith.constant 0 : i32
      %dma_start3A_1110 = arith.constant 0 : i32
      %dma_start3A_1111 = arith.constant 0 : i32
      %dma_start3A_1112 = tpu.memref_slice %dma_start3A_1108[%dma_start3A_1092, %dma_start3A_1109, %dma_start3A_1110, %dma_start3A_1111] : memref<4x128x8x128xf32, #tpu.memory_space<hbm>> -> memref<1x128x8x128xf32, #tpu.memory_space<hbm>>
      %dma_start3A_1113 = tpu.memref_squeeze %dma_start3A_1112 : memref<1x128x8x128xf32, #tpu.memory_space<hbm>> -> memref<128x8x128xf32, #tpu.memory_space<hbm>>
      %dma_start3A_1114 = arith.constant 0 : i32
      %dma_start3A_1115 = arith.constant 0 : i32
      %dma_start3A_1116 = tpu.memref_slice %dma_start3A_1113[%select_n3A_1006, %dma_start3A_1114, %dma_start3A_1115] : memref<128x8x128xf32, #tpu.memory_space<hbm>> -> memref<1x8x128xf32, #tpu.memory_space<hbm>>
      %dma_start3A_1117 = tpu.memref_squeeze %dma_start3A_1116 : memref<1x8x128xf32, #tpu.memory_space<hbm>> -> memref<8x128xf32, #tpu.memory_space<hbm>>
      %dma_start3A_1118 = tpu.memref_slice %arg9[%dma_start3A_1093] : memref<4x!tpu.dma_semaphore, #tpu.memory_space<semaphore_mem>> -> memref<1x!tpu.dma_semaphore, #tpu.memory_space<semaphore_mem>>
      %dma_start3A_1119 = tpu.memref_squeeze %dma_start3A_1118 : memref<1x!tpu.dma_semaphore, #tpu.memory_space<semaphore_mem>> -> memref<!tpu.dma_semaphore, #tpu.memory_space<semaphore_mem>>
      %dma_start3A_1120 = arith.constant 0 : i32
      %dma_start3A_1121 = arith.constant 0 : i32
      %dma_start3A_1122 = arith.constant 0 : i32
      %dma_start3A_1123 = arith.constant 0 : i32
      %dma_start3A_1124 = tpu.memref_slice %arg4[%select_n3A, %dma_start3A_1120, %dma_start3A_1121, %dma_start3A_1122, %dma_start3A_1123] : memref<50x4x128x8x128xf32, #tpu.memory_space<hbm>> -> memref<1x4x128x8x128xf32, #tpu.memory_space<hbm>>
      %dma_start3A_1125 = tpu.memref_squeeze %dma_start3A_1124 : memref<1x4x128x8x128xf32, #tpu.memory_space<hbm>> -> memref<4x128x8x128xf32, #tpu.memory_space<hbm>>
      %dma_start3A_1126 = arith.constant 0 : i32
      %dma_start3A_1127 = arith.constant 0 : i32
      %dma_start3A_1128 = arith.constant 0 : i32
      %dma_start3A_1129 = tpu.memref_slice %dma_start3A_1125[%dma_start3A_1092, %dma_start3A_1126, %dma_start3A_1127, %dma_start3A_1128] : memref<4x128x8x128xf32, #tpu.memory_space<hbm>> -> memref<1x128x8x128xf32, #tpu.memory_space<hbm>>
      %dma_start3A_1130 = tpu.memref_squeeze %dma_start3A_1129 : memref<1x128x8x128xf32, #tpu.memory_space<hbm>> -> memref<128x8x128xf32, #tpu.memory_space<hbm>>
      %dma_start3A_1131 = arith.constant 0 : i32
      %dma_start3A_1132 = arith.constant 0 : i32
      %dma_start3A_1133 = tpu.memref_slice %dma_start3A_1130[%select_n3A_1006, %dma_start3A_1131, %dma_start3A_1132] : memref<128x8x128xf32, #tpu.memory_space<hbm>> -> memref<1x8x128xf32, #tpu.memory_space<hbm>>
      %dma_start3A_1134 = tpu.memref_squeeze %dma_start3A_1133 : memref<1x8x128xf32, #tpu.memory_space<hbm>> -> memref<8x128xf32, #tpu.memory_space<hbm>>
      %dma_start3A_1135 = arith.constant 0 : i32
      %dma_start3A_1136 = arith.constant 0 : i32
      %dma_start3A_1137 = arith.constant 0 : i32
      %dma_start3A_1138 = tpu.memref_slice %arg7[%dma_start3A_1090, %dma_start3A_1135, %dma_start3A_1136, %dma_start3A_1137] : memref<4x4x8x128xf32, #tpu.memory_space<vmem>> -> memref<1x4x8x128xf32, #tpu.memory_space<vmem>>
      %dma_start3A_1139 = tpu.memref_squeeze %dma_start3A_1138 : memref<1x4x8x128xf32, #tpu.memory_space<vmem>> -> memref<4x8x128xf32, #tpu.memory_space<vmem>>
      %dma_start3A_1140 = arith.constant 0 : i32
      %dma_start3A_1141 = arith.constant 0 : i32
      %dma_start3A_1142 = tpu.memref_slice %dma_start3A_1139[%dma_start3A_1091, %dma_start3A_1140, %dma_start3A_1141] : memref<4x8x128xf32, #tpu.memory_space<vmem>> -> memref<1x8x128xf32, #tpu.memory_space<vmem>>
      %dma_start3A_1143 = tpu.memref_squeeze %dma_start3A_1142 : memref<1x8x128xf32, #tpu.memory_space<vmem>> -> memref<8x128xf32, #tpu.memory_space<vmem>>
      tpu.enqueue_dma source(%dma_start3A_1143 : memref<8x128xf32, #tpu.memory_space<vmem>>) target(%dma_start3A_1134 : memref<8x128xf32, #tpu.memory_space<hbm>>) target_semaphore(%dma_start3A_1119 : memref<!tpu.dma_semaphore, #tpu.memory_space<semaphore_mem>>)
      %dma_start3A_1144 = arith.constant 0 : i32
      %dma_start3A_1145 = arith.constant 2 : i32
      %dma_start3A_1146 = arith.constant 2 : i32
      %dma_start3A_1147 = arith.constant 0 : i32
      %dma_start3A_1148 = arith.constant 0 : i32
      %dma_start3A_1149 = arith.constant 0 : i32
      %dma_start3A_1150 = arith.constant 0 : i32
      %dma_start3A_1151 = tpu.memref_slice %arg7[%dma_start3A_1144, %dma_start3A_1148, %dma_start3A_1149, %dma_start3A_1150] : memref<4x4x8x128xf32, #tpu.memory_space<vmem>> -> memref<1x4x8x128xf32, #tpu.memory_space<vmem>>
      %dma_start3A_1152 = tpu.memref_squeeze %dma_start3A_1151 : memref<1x4x8x128xf32, #tpu.memory_space<vmem>> -> memref<4x8x128xf32, #tpu.memory_space<vmem>>
      %dma_start3A_1153 = arith.constant 0 : i32
      %dma_start3A_1154 = arith.constant 0 : i32
      %dma_start3A_1155 = tpu.memref_slice %dma_start3A_1152[%dma_start3A_1145, %dma_start3A_1153, %dma_start3A_1154] : memref<4x8x128xf32, #tpu.memory_space<vmem>> -> memref<1x8x128xf32, #tpu.memory_space<vmem>>
      %dma_start3A_1156 = tpu.memref_squeeze %dma_start3A_1155 : memref<1x8x128xf32, #tpu.memory_space<vmem>> -> memref<8x128xf32, #tpu.memory_space<vmem>>
      %dma_start3A_1157 = arith.constant 0 : i32
      %dma_start3A_1158 = arith.constant 0 : i32
      %dma_start3A_1159 = arith.constant 0 : i32
      %dma_start3A_1160 = arith.constant 0 : i32
      %dma_start3A_1161 = tpu.memref_slice %arg4[%select_n3A, %dma_start3A_1157, %dma_start3A_1158, %dma_start3A_1159, %dma_start3A_1160] : memref<50x4x128x8x128xf32, #tpu.memory_space<hbm>> -> memref<1x4x128x8x128xf32, #tpu.memory_space<hbm>>
      %dma_start3A_1162 = tpu.memref_squeeze %dma_start3A_1161 : memref<1x4x128x8x128xf32, #tpu.memory_space<hbm>> -> memref<4x128x8x128xf32, #tpu.memory_space<hbm>>
      %dma_start3A_1163 = arith.constant 0 : i32
      %dma_start3A_1164 = arith.constant 0 : i32
      %dma_start3A_1165 = arith.constant 0 : i32
      %dma_start3A_1166 = tpu.memref_slice %dma_start3A_1162[%dma_start3A_1146, %dma_start3A_1163, %dma_start3A_1164, %dma_start3A_1165] : memref<4x128x8x128xf32, #tpu.memory_space<hbm>> -> memref<1x128x8x128xf32, #tpu.memory_space<hbm>>
      %dma_start3A_1167 = tpu.memref_squeeze %dma_start3A_1166 : memref<1x128x8x128xf32, #tpu.memory_space<hbm>> -> memref<128x8x128xf32, #tpu.memory_space<hbm>>
      %dma_start3A_1168 = arith.constant 0 : i32
      %dma_start3A_1169 = arith.constant 0 : i32
      %dma_start3A_1170 = tpu.memref_slice %dma_start3A_1167[%select_n3A_1006, %dma_start3A_1168, %dma_start3A_1169] : memref<128x8x128xf32, #tpu.memory_space<hbm>> -> memref<1x8x128xf32, #tpu.memory_space<hbm>>
      %dma_start3A_1171 = tpu.memref_squeeze %dma_start3A_1170 : memref<1x8x128xf32, #tpu.memory_space<hbm>> -> memref<8x128xf32, #tpu.memory_space<hbm>>
      %dma_start3A_1172 = tpu.memref_slice %arg9[%dma_start3A_1147] : memref<4x!tpu.dma_semaphore, #tpu.memory_space<semaphore_mem>> -> memref<1x!tpu.dma_semaphore, #tpu.memory_space<semaphore_mem>>
      %dma_start3A_1173 = tpu.memref_squeeze %dma_start3A_1172 : memref<1x!tpu.dma_semaphore, #tpu.memory_space<semaphore_mem>> -> memref<!tpu.dma_semaphore, #tpu.memory_space<semaphore_mem>>
      %dma_start3A_1174 = arith.constant 0 : i32
      %dma_start3A_1175 = arith.constant 0 : i32
      %dma_start3A_1176 = arith.constant 0 : i32
      %dma_start3A_1177 = arith.constant 0 : i32
      %dma_start3A_1178 = tpu.memref_slice %arg4[%select_n3A, %dma_start3A_1174, %dma_start3A_1175, %dma_start3A_1176, %dma_start3A_1177] : memref<50x4x128x8x128xf32, #tpu.memory_space<hbm>> -> memref<1x4x128x8x128xf32, #tpu.memory_space<hbm>>
      %dma_start3A_1179 = tpu.memref_squeeze %dma_start3A_1178 : memref<1x4x128x8x128xf32, #tpu.memory_space<hbm>> -> memref<4x128x8x128xf32, #tpu.memory_space<hbm>>
      %dma_start3A_1180 = arith.constant 0 : i32
      %dma_start3A_1181 = arith.constant 0 : i32
      %dma_start3A_1182 = arith.constant 0 : i32
      %dma_start3A_1183 = tpu.memref_slice %dma_start3A_1179[%dma_start3A_1146, %dma_start3A_1180, %dma_start3A_1181, %dma_start3A_1182] : memref<4x128x8x128xf32, #tpu.memory_space<hbm>> -> memref<1x128x8x128xf32, #tpu.memory_space<hbm>>
      %dma_start3A_1184 = tpu.memref_squeeze %dma_start3A_1183 : memref<1x128x8x128xf32, #tpu.memory_space<hbm>> -> memref<128x8x128xf32, #tpu.memory_space<hbm>>
      %dma_start3A_1185 = arith.constant 0 : i32
      %dma_start3A_1186 = arith.constant 0 : i32
      %dma_start3A_1187 = tpu.memref_slice %dma_start3A_1184[%select_n3A_1006, %dma_start3A_1185, %dma_start3A_1186] : memref<128x8x128xf32, #tpu.memory_space<hbm>> -> memref<1x8x128xf32, #tpu.memory_space<hbm>>
      %dma_start3A_1188 = tpu.memref_squeeze %dma_start3A_1187 : memref<1x8x128xf32, #tpu.memory_space<hbm>> -> memref<8x128xf32, #tpu.memory_space<hbm>>
      %dma_start3A_1189 = arith.constant 0 : i32
      %dma_start3A_1190 = arith.constant 0 : i32
      %dma_start3A_1191 = arith.constant 0 : i32
      %dma_start3A_1192 = tpu.memref_slice %arg7[%dma_start3A_1144, %dma_start3A_1189, %dma_start3A_1190, %dma_start3A_1191] : memref<4x4x8x128xf32, #tpu.memory_space<vmem>> -> memref<1x4x8x128xf32, #tpu.memory_space<vmem>>
      %dma_start3A_1193 = tpu.memref_squeeze %dma_start3A_1192 : memref<1x4x8x128xf32, #tpu.memory_space<vmem>> -> memref<4x8x128xf32, #tpu.memory_space<vmem>>
      %dma_start3A_1194 = arith.constant 0 : i32
      %dma_start3A_1195 = arith.constant 0 : i32
      %dma_start3A_1196 = tpu.memref_slice %dma_start3A_1193[%dma_start3A_1145, %dma_start3A_1194, %dma_start3A_1195] : memref<4x8x128xf32, #tpu.memory_space<vmem>> -> memref<1x8x128xf32, #tpu.memory_space<vmem>>
      %dma_start3A_1197 = tpu.memref_squeeze %dma_start3A_1196 : memref<1x8x128xf32, #tpu.memory_space<vmem>> -> memref<8x128xf32, #tpu.memory_space<vmem>>
      tpu.enqueue_dma source(%dma_start3A_1197 : memref<8x128xf32, #tpu.memory_space<vmem>>) target(%dma_start3A_1188 : memref<8x128xf32, #tpu.memory_space<hbm>>) target_semaphore(%dma_start3A_1173 : memref<!tpu.dma_semaphore, #tpu.memory_space<semaphore_mem>>)
      %dma_start3A_1198 = arith.constant 0 : i32
      %dma_start3A_1199 = arith.constant 3 : i32
      %dma_start3A_1200 = arith.constant 3 : i32
      %dma_start3A_1201 = arith.constant 0 : i32
      %dma_start3A_1202 = arith.constant 0 : i32
      %dma_start3A_1203 = arith.constant 0 : i32
      %dma_start3A_1204 = arith.constant 0 : i32
      %dma_start3A_1205 = tpu.memref_slice %arg7[%dma_start3A_1198, %dma_start3A_1202, %dma_start3A_1203, %dma_start3A_1204] : memref<4x4x8x128xf32, #tpu.memory_space<vmem>> -> memref<1x4x8x128xf32, #tpu.memory_space<vmem>>
      %dma_start3A_1206 = tpu.memref_squeeze %dma_start3A_1205 : memref<1x4x8x128xf32, #tpu.memory_space<vmem>> -> memref<4x8x128xf32, #tpu.memory_space<vmem>>
      %dma_start3A_1207 = arith.constant 0 : i32
      %dma_start3A_1208 = arith.constant 0 : i32
      %dma_start3A_1209 = tpu.memref_slice %dma_start3A_1206[%dma_start3A_1199, %dma_start3A_1207, %dma_start3A_1208] : memref<4x8x128xf32, #tpu.memory_space<vmem>> -> memref<1x8x128xf32, #tpu.memory_space<vmem>>
      %dma_start3A_1210 = tpu.memref_squeeze %dma_start3A_1209 : memref<1x8x128xf32, #tpu.memory_space<vmem>> -> memref<8x128xf32, #tpu.memory_space<vmem>>
      %dma_start3A_1211 = arith.constant 0 : i32
      %dma_start3A_1212 = arith.constant 0 : i32
      %dma_start3A_1213 = arith.constant 0 : i32
      %dma_start3A_1214 = arith.constant 0 : i32
      %dma_start3A_1215 = tpu.memref_slice %arg4[%select_n3A, %dma_start3A_1211, %dma_start3A_1212, %dma_start3A_1213, %dma_start3A_1214] : memref<50x4x128x8x128xf32, #tpu.memory_space<hbm>> -> memref<1x4x128x8x128xf32, #tpu.memory_space<hbm>>
      %dma_start3A_1216 = tpu.memref_squeeze %dma_start3A_1215 : memref<1x4x128x8x128xf32, #tpu.memory_space<hbm>> -> memref<4x128x8x128xf32, #tpu.memory_space<hbm>>
      %dma_start3A_1217 = arith.constant 0 : i32
      %dma_start3A_1218 = arith.constant 0 : i32
      %dma_start3A_1219 = arith.constant 0 : i32
      %dma_start3A_1220 = tpu.memref_slice %dma_start3A_1216[%dma_start3A_1200, %dma_start3A_1217, %dma_start3A_1218, %dma_start3A_1219] : memref<4x128x8x128xf32, #tpu.memory_space<hbm>> -> memref<1x128x8x128xf32, #tpu.memory_space<hbm>>
      %dma_start3A_1221 = tpu.memref_squeeze %dma_start3A_1220 : memref<1x128x8x128xf32, #tpu.memory_space<hbm>> -> memref<128x8x128xf32, #tpu.memory_space<hbm>>
      %dma_start3A_1222 = arith.constant 0 : i32
      %dma_start3A_1223 = arith.constant 0 : i32
      %dma_start3A_1224 = tpu.memref_slice %dma_start3A_1221[%select_n3A_1006, %dma_start3A_1222, %dma_start3A_1223] : memref<128x8x128xf32, #tpu.memory_space<hbm>> -> memref<1x8x128xf32, #tpu.memory_space<hbm>>
      %dma_start3A_1225 = tpu.memref_squeeze %dma_start3A_1224 : memref<1x8x128xf32, #tpu.memory_space<hbm>> -> memref<8x128xf32, #tpu.memory_space<hbm>>
      %dma_start3A_1226 = tpu.memref_slice %arg9[%dma_start3A_1201] : memref<4x!tpu.dma_semaphore, #tpu.memory_space<semaphore_mem>> -> memref<1x!tpu.dma_semaphore, #tpu.memory_space<semaphore_mem>>
      %dma_start3A_1227 = tpu.memref_squeeze %dma_start3A_1226 : memref<1x!tpu.dma_semaphore, #tpu.memory_space<semaphore_mem>> -> memref<!tpu.dma_semaphore, #tpu.memory_space<semaphore_mem>>
      %dma_start3A_1228 = arith.constant 0 : i32
      %dma_start3A_1229 = arith.constant 0 : i32
      %dma_start3A_1230 = arith.constant 0 : i32
      %dma_start3A_1231 = arith.constant 0 : i32
      %dma_start3A_1232 = tpu.memref_slice %arg4[%select_n3A, %dma_start3A_1228, %dma_start3A_1229, %dma_start3A_1230, %dma_start3A_1231] : memref<50x4x128x8x128xf32, #tpu.memory_space<hbm>> -> memref<1x4x128x8x128xf32, #tpu.memory_space<hbm>>
      %dma_start3A_1233 = tpu.memref_squeeze %dma_start3A_1232 : memref<1x4x128x8x128xf32, #tpu.memory_space<hbm>> -> memref<4x128x8x128xf32, #tpu.memory_space<hbm>>
      %dma_start3A_1234 = arith.constant 0 : i32
      %dma_start3A_1235 = arith.constant 0 : i32
      %dma_start3A_1236 = arith.constant 0 : i32
      %dma_start3A_1237 = tpu.memref_slice %dma_start3A_1233[%dma_start3A_1200, %dma_start3A_1234, %dma_start3A_1235, %dma_start3A_1236] : memref<4x128x8x128xf32, #tpu.memory_space<hbm>> -> memref<1x128x8x128xf32, #tpu.memory_space<hbm>>
      %dma_start3A_1238 = tpu.memref_squeeze %dma_start3A_1237 : memref<1x128x8x128xf32, #tpu.memory_space<hbm>> -> memref<128x8x128xf32, #tpu.memory_space<hbm>>
      %dma_start3A_1239 = arith.constant 0 : i32
      %dma_start3A_1240 = arith.constant 0 : i32
      %dma_start3A_1241 = tpu.memref_slice %dma_start3A_1238[%select_n3A_1006, %dma_start3A_1239, %dma_start3A_1240] : memref<128x8x128xf32, #tpu.memory_space<hbm>> -> memref<1x8x128xf32, #tpu.memory_space<hbm>>
      %dma_start3A_1242 = tpu.memref_squeeze %dma_start3A_1241 : memref<1x8x128xf32, #tpu.memory_space<hbm>> -> memref<8x128xf32, #tpu.memory_space<hbm>>
      %dma_start3A_1243 = arith.constant 0 : i32
      %dma_start3A_1244 = arith.constant 0 : i32
      %dma_start3A_1245 = arith.constant 0 : i32
      %dma_start3A_1246 = tpu.memref_slice %arg7[%dma_start3A_1198, %dma_start3A_1243, %dma_start3A_1244, %dma_start3A_1245] : memref<4x4x8x128xf32, #tpu.memory_space<vmem>> -> memref<1x4x8x128xf32, #tpu.memory_space<vmem>>
      %dma_start3A_1247 = tpu.memref_squeeze %dma_start3A_1246 : memref<1x4x8x128xf32, #tpu.memory_space<vmem>> -> memref<4x8x128xf32, #tpu.memory_space<vmem>>
      %dma_start3A_1248 = arith.constant 0 : i32
      %dma_start3A_1249 = arith.constant 0 : i32
      %dma_start3A_1250 = tpu.memref_slice %dma_start3A_1247[%dma_start3A_1199, %dma_start3A_1248, %dma_start3A_1249] : memref<4x8x128xf32, #tpu.memory_space<vmem>> -> memref<1x8x128xf32, #tpu.memory_space<vmem>>
      %dma_start3A_1251 = tpu.memref_squeeze %dma_start3A_1250 : memref<1x8x128xf32, #tpu.memory_space<vmem>> -> memref<8x128xf32, #tpu.memory_space<vmem>>
      tpu.enqueue_dma source(%dma_start3A_1251 : memref<8x128xf32, #tpu.memory_space<vmem>>) target(%dma_start3A_1242 : memref<8x128xf32, #tpu.memory_space<hbm>>) target_semaphore(%dma_start3A_1227 : memref<!tpu.dma_semaphore, #tpu.memory_space<semaphore_mem>>)
      %mul3A_1252 = arith.constant 4 : i32
      %mul3A_1253 = arith.muli %scan3A_971, %mul3A_1252 : i32
      %add3A_1254 = arith.constant 1 : i32
      %add3A_1255 = arith.addi %mul3A_1253, %add3A_1254 : i32
      %add3A_1256 = arith.addi %mul3A_2, %add3A_1255 : i32
      %jit3A_1257 = arith.constant 128 : i32
      %div3A_1258 = arith.divsi %add3A_1256, %jit3A_1257 : i32
      %sign3A_1259 = arith.constant 0 : i32
      %sign3A_1260 = arith.cmpi sgt, %add3A_1256, %sign3A_1259 : i32
      %sign3A_1261 = arith.extui %sign3A_1260 : i1 to i32
      %sign3A_1262 = arith.constant 0 : i32
      %sign3A_1263 = arith.cmpi slt, %add3A_1256, %sign3A_1262 : i32
      %sign3A_1264 = arith.extui %sign3A_1263 : i1 to i32
      %sign3A_1265 = arith.subi %sign3A_1261, %sign3A_1264 : i32
      %sign3A_1266 = arith.constant 0 : i32
      %sign3A_1267 = arith.cmpi sgt, %jit3A_1257, %sign3A_1266 : i32
      %sign3A_1268 = arith.extui %sign3A_1267 : i1 to i32
      %sign3A_1269 = arith.constant 0 : i32
      %sign3A_1270 = arith.cmpi slt, %jit3A_1257, %sign3A_1269 : i32
      %sign3A_1271 = arith.extui %sign3A_1270 : i1 to i32
      %sign3A_1272 = arith.subi %sign3A_1268, %sign3A_1271 : i32
      %ne3A_1273 = arith.cmpi ne, %sign3A_1265, %sign3A_1272 : i32
      %rem3A_1274 = arith.remsi %add3A_1256, %jit3A_1257 : i32
      %ne3A_1275 = arith.constant 0 : i32
      %ne3A_1276 = arith.cmpi ne, %rem3A_1274, %ne3A_1275 : i32
      %and3A_1277 = arith.andi %ne3A_1273, %ne3A_1276 : i1
      %sub3A_1278 = arith.constant 1 : i32
      %sub3A_1279 = arith.subi %div3A_1258, %sub3A_1278 : i32
      %select_n3A_1280 = arith.select %and3A_1277, %sub3A_1279, %div3A_1258 : i32
      %jit3A_1281 = arith.constant 128 : i32
      %eq3A_1282 = arith.constant 0 : i32
      %eq3A_1283 = arith.cmpi eq, %jit3A_1281, %eq3A_1282 : i32
      %jit3A_1284 = arith.constant 1 : i32
      %select_n3A_1285 = arith.select %eq3A_1283, %jit3A_1284, %jit3A_1281 : i32
      %rem3A_1286 = arith.remsi %add3A_1256, %select_n3A_1285 : i32
      %ne3A_1287 = arith.constant 0 : i32
      %ne3A_1288 = arith.cmpi ne, %rem3A_1286, %ne3A_1287 : i32
      %lt3A_1289 = arith.constant 0 : i32
      %lt3A_1290 = arith.cmpi slt, %rem3A_1286, %lt3A_1289 : i32
      %lt3A_1291 = arith.constant 0 : i32
      %lt3A_1292 = arith.cmpi slt, %select_n3A_1285, %lt3A_1291 : i32
      %ne3A_1293 = arith.xori %lt3A_1290, %lt3A_1292 : i1
      %and3A_1294 = arith.andi %ne3A_1293, %ne3A_1288 : i1
      %add3A_1295 = arith.addi %rem3A_1286, %select_n3A_1285 : i32
      %select_n3A_1296 = arith.select %and3A_1294, %add3A_1295, %rem3A_1286 : i32
      %add3A_1297 = arith.constant 4 : i32
      %add3A_1298 = arith.addi %add3A_1255, %add3A_1297 : i32
      %sub3A_1299 = arith.constant 1 : i32
      %sub3A_1300 = arith.subi %add3A_1298, %sub3A_1299 : i32
      %lt3A_1301 = arith.constant 200 : i32
      %lt3A_1302 = arith.cmpi slt, %sub3A_1300, %lt3A_1301 : i32
      %convert_element_type3A_1303 = arith.extui %lt3A_1302 : i1 to i32
      %cond3A_1304 = arith.constant 0 : i32
      %cond3A_1305 = arith.cmpi ne, %convert_element_type3A_1303, %cond3A_1304 : i32
      scf.if %cond3A_1305 {
        %add3A_2131 = arith.constant 4 : i32
        %add3A_2132 = arith.addi %add3A_1255, %add3A_2131 : i32
        %sub3A_2133 = arith.constant 1 : i32
        %sub3A_2134 = arith.subi %add3A_2132, %sub3A_2133 : i32
        %dma_start3A_2135 = arith.constant 0 : i32
        %dma_start3A_2136 = arith.constant 0 : i32
        %dma_start3A_2137 = arith.constant 0 : i32
        %dma_start3A_2138 = arith.constant 0 : i32
        %dma_start3A_2139 = tpu.memref_slice %arg6[%dma_start3A_2135, %dma_start3A_2137, %dma_start3A_2138] : memref<4x128x32xf32, #tpu.memory_space<vmem>> -> memref<1x128x32xf32, #tpu.memory_space<vmem>>
        %dma_start3A_2140 = tpu.memref_squeeze %dma_start3A_2139 : memref<1x128x32xf32, #tpu.memory_space<vmem>> -> memref<128x32xf32, #tpu.memory_space<vmem>>
        %dma_start3A_2141 = arith.constant 0 : i32
        %dma_start3A_2142 = tpu.memref_slice %arg5[%sub3A_2134, %dma_start3A_2141] : memref<200x128xi32, #tpu.memory_space<vmem>> -> memref<1x128xi32, #tpu.memory_space<vmem>>
        %dma_start3A_2143 = tpu.memref_squeeze %dma_start3A_2142 : memref<1x128xi32, #tpu.memory_space<vmem>> -> memref<128xi32, #tpu.memory_space<vmem>>
        %dma_start3A_2144 = arith.constant 0 : i32
        %dma_start3A_2145 = arith.constant 0 : i32
        %dma_start3A_2146 = tpu.memref_slice %arg3[%dma_start3A_2144, %dma_start3A_2145] : memref<1000000x32xf32, #tpu.memory_space<hbm>> -> memref<1000000x32xf32, #tpu.memory_space<hbm>>
        %dma_start3A_2147 = tpu.memref_slice %arg8[%dma_start3A_2136] : memref<4x!tpu.dma_semaphore, #tpu.memory_space<semaphore_mem>> -> memref<1x!tpu.dma_semaphore, #tpu.memory_space<semaphore_mem>>
        %dma_start3A_2148 = tpu.memref_squeeze %dma_start3A_2147 : memref<1x!tpu.dma_semaphore, #tpu.memory_space<semaphore_mem>> -> memref<!tpu.dma_semaphore, #tpu.memory_space<semaphore_mem>>
        tpu.enqueue_indirect_dma source(%dma_start3A_2146 : memref<1000000x32xf32, #tpu.memory_space<hbm>>) target(%dma_start3A_2140 : memref<128x32xf32, #tpu.memory_space<vmem>>) offsets(%dma_start3A_2143 : memref<128xi32, #tpu.memory_space<vmem>>) semaphore(%dma_start3A_2148 : memref<!tpu.dma_semaphore, #tpu.memory_space<semaphore_mem>>)
      } else {
      }
      %dma_wait3A_1306 = arith.constant 1 : i32
      %dma_wait3A_1307 = arith.constant 1 : i32
      %dma_wait3A_1308 = arith.constant 0 : i32
      %dma_wait3A_1309 = arith.constant 0 : i32
      %dma_wait3A_1310 = tpu.memref_slice %arg6[%dma_wait3A_1306, %dma_wait3A_1308, %dma_wait3A_1309] : memref<4x128x32xf32, #tpu.memory_space<vmem>> -> memref<1x128x32xf32, #tpu.memory_space<vmem>>
      %dma_wait3A_1311 = tpu.memref_squeeze %dma_wait3A_1310 : memref<1x128x32xf32, #tpu.memory_space<vmem>> -> memref<128x32xf32, #tpu.memory_space<vmem>>
      %dma_wait3A_1312 = arith.constant 0 : i32
      %dma_wait3A_1313 = arith.constant 0 : i32
      %dma_wait3A_1314 = tpu.memref_slice %arg3[%dma_wait3A_1312, %dma_wait3A_1313] : memref<1000000x32xf32, #tpu.memory_space<hbm>> -> memref<128x32xf32, #tpu.memory_space<hbm>>
      %dma_wait3A_1315 = tpu.memref_slice %arg8[%dma_wait3A_1307] : memref<4x!tpu.dma_semaphore, #tpu.memory_space<semaphore_mem>> -> memref<1x!tpu.dma_semaphore, #tpu.memory_space<semaphore_mem>>
      %dma_wait3A_1316 = tpu.memref_squeeze %dma_wait3A_1315 : memref<1x!tpu.dma_semaphore, #tpu.memory_space<semaphore_mem>> -> memref<!tpu.dma_semaphore, #tpu.memory_space<semaphore_mem>>
      %dma_wait3A_1317 = arith.constant 0 : i32
      %dma_wait3A_1318 = arith.constant 0 : i32
      %dma_wait3A_1319 = tpu.memref_slice %arg6[%dma_wait3A_1306, %dma_wait3A_1317, %dma_wait3A_1318] : memref<4x128x32xf32, #tpu.memory_space<vmem>> -> memref<1x128x32xf32, #tpu.memory_space<vmem>>
      %dma_wait3A_1320 = tpu.memref_squeeze %dma_wait3A_1319 : memref<1x128x32xf32, #tpu.memory_space<vmem>> -> memref<128x32xf32, #tpu.memory_space<vmem>>
      %dma_wait3A_1321 = arith.constant 0 : i32
      %dma_wait3A_1322 = arith.constant 0 : i32
      %dma_wait3A_1323 = tpu.memref_slice %arg3[%dma_wait3A_1321, %dma_wait3A_1322] : memref<1000000x32xf32, #tpu.memory_space<hbm>> -> memref<128x32xf32, #tpu.memory_space<hbm>>
      tpu.wait_dma2 semaphore(%dma_wait3A_1316 : memref<!tpu.dma_semaphore, #tpu.memory_space<semaphore_mem>>) src(%dma_wait3A_1323 : memref<128x32xf32, #tpu.memory_space<hbm>>) dst(%dma_wait3A_1320 : memref<128x32xf32, #tpu.memory_space<vmem>>)
      %ge3A_1324 = arith.constant 4 : i32
      %ge3A_1325 = arith.cmpi sge, %add3A_1255, %ge3A_1324 : i32
      %convert_element_type3A_1326 = arith.extui %ge3A_1325 : i1 to i32
      %cond3A_1327 = arith.constant 0 : i32
      %cond3A_1328 = arith.cmpi ne, %convert_element_type3A_1326, %cond3A_1327 : i32
      scf.if %cond3A_1328 {
        %dma_wait3A_2131 = arith.constant 0 : i32
        %dma_wait3A_2132 = arith.constant 0 : i32
        %dma_wait3A_2133 = arith.constant 0 : i32
        %dma_wait3A_2134 = arith.constant 1 : i32
        %dma_wait3A_2135 = arith.constant 0 : i32
        %dma_wait3A_2136 = arith.constant 1 : i32
        %dma_wait3A_2137 = arith.constant 0 : i32
        %dma_wait3A_2138 = arith.constant 0 : i32
        %dma_wait3A_2139 = arith.constant 0 : i32
        %dma_wait3A_2140 = tpu.memref_slice %arg7[%dma_wait3A_2134, %dma_wait3A_2137, %dma_wait3A_2138, %dma_wait3A_2139] : memref<4x4x8x128xf32, #tpu.memory_space<vmem>> -> memref<1x4x8x128xf32, #tpu.memory_space<vmem>>
        %dma_wait3A_2141 = tpu.memref_squeeze %dma_wait3A_2140 : memref<1x4x8x128xf32, #tpu.memory_space<vmem>> -> memref<4x8x128xf32, #tpu.memory_space<vmem>>
        %dma_wait3A_2142 = arith.constant 0 : i32
        %dma_wait3A_2143 = arith.constant 0 : i32
        %dma_wait3A_2144 = tpu.memref_slice %dma_wait3A_2141[%dma_wait3A_2135, %dma_wait3A_2142, %dma_wait3A_2143] : memref<4x8x128xf32, #tpu.memory_space<vmem>> -> memref<1x8x128xf32, #tpu.memory_space<vmem>>
        %dma_wait3A_2145 = tpu.memref_squeeze %dma_wait3A_2144 : memref<1x8x128xf32, #tpu.memory_space<vmem>> -> memref<8x128xf32, #tpu.memory_space<vmem>>
        %dma_wait3A_2146 = arith.constant 0 : i32
        %dma_wait3A_2147 = arith.constant 0 : i32
        %dma_wait3A_2148 = arith.constant 0 : i32
        %dma_wait3A_2149 = arith.constant 0 : i32
        %dma_wait3A_2150 = tpu.memref_slice %arg4[%dma_wait3A_2131, %dma_wait3A_2146, %dma_wait3A_2147, %dma_wait3A_2148, %dma_wait3A_2149] : memref<50x4x128x8x128xf32, #tpu.memory_space<hbm>> -> memref<1x4x128x8x128xf32, #tpu.memory_space<hbm>>
        %dma_wait3A_2151 = tpu.memref_squeeze %dma_wait3A_2150 : memref<1x4x128x8x128xf32, #tpu.memory_space<hbm>> -> memref<4x128x8x128xf32, #tpu.memory_space<hbm>>
        %dma_wait3A_2152 = arith.constant 0 : i32
        %dma_wait3A_2153 = arith.constant 0 : i32
        %dma_wait3A_2154 = arith.constant 0 : i32
        %dma_wait3A_2155 = tpu.memref_slice %dma_wait3A_2151[%dma_wait3A_2132, %dma_wait3A_2152, %dma_wait3A_2153, %dma_wait3A_2154] : memref<4x128x8x128xf32, #tpu.memory_space<hbm>> -> memref<1x128x8x128xf32, #tpu.memory_space<hbm>>
        %dma_wait3A_2156 = tpu.memref_squeeze %dma_wait3A_2155 : memref<1x128x8x128xf32, #tpu.memory_space<hbm>> -> memref<128x8x128xf32, #tpu.memory_space<hbm>>
        %dma_wait3A_2157 = arith.constant 0 : i32
        %dma_wait3A_2158 = arith.constant 0 : i32
        %dma_wait3A_2159 = tpu.memref_slice %dma_wait3A_2156[%dma_wait3A_2133, %dma_wait3A_2157, %dma_wait3A_2158] : memref<128x8x128xf32, #tpu.memory_space<hbm>> -> memref<1x8x128xf32, #tpu.memory_space<hbm>>
        %dma_wait3A_2160 = tpu.memref_squeeze %dma_wait3A_2159 : memref<1x8x128xf32, #tpu.memory_space<hbm>> -> memref<8x128xf32, #tpu.memory_space<hbm>>
        %dma_wait3A_2161 = tpu.memref_slice %arg9[%dma_wait3A_2136] : memref<4x!tpu.dma_semaphore, #tpu.memory_space<semaphore_mem>> -> memref<1x!tpu.dma_semaphore, #tpu.memory_space<semaphore_mem>>
        %dma_wait3A_2162 = tpu.memref_squeeze %dma_wait3A_2161 : memref<1x!tpu.dma_semaphore, #tpu.memory_space<semaphore_mem>> -> memref<!tpu.dma_semaphore, #tpu.memory_space<semaphore_mem>>
        %dma_wait3A_2163 = arith.constant 0 : i32
        %dma_wait3A_2164 = arith.constant 0 : i32
        %dma_wait3A_2165 = arith.constant 0 : i32
        %dma_wait3A_2166 = tpu.memref_slice %arg7[%dma_wait3A_2134, %dma_wait3A_2163, %dma_wait3A_2164, %dma_wait3A_2165] : memref<4x4x8x128xf32, #tpu.memory_space<vmem>> -> memref<1x4x8x128xf32, #tpu.memory_space<vmem>>
        %dma_wait3A_2167 = tpu.memref_squeeze %dma_wait3A_2166 : memref<1x4x8x128xf32, #tpu.memory_space<vmem>> -> memref<4x8x128xf32, #tpu.memory_space<vmem>>
        %dma_wait3A_2168 = arith.constant 0 : i32
        %dma_wait3A_2169 = arith.constant 0 : i32
        %dma_wait3A_2170 = tpu.memref_slice %dma_wait3A_2167[%dma_wait3A_2135, %dma_wait3A_2168, %dma_wait3A_2169] : memref<4x8x128xf32, #tpu.memory_space<vmem>> -> memref<1x8x128xf32, #tpu.memory_space<vmem>>
        %dma_wait3A_2171 = tpu.memref_squeeze %dma_wait3A_2170 : memref<1x8x128xf32, #tpu.memory_space<vmem>> -> memref<8x128xf32, #tpu.memory_space<vmem>>
        %dma_wait3A_2172 = arith.constant 0 : i32
        %dma_wait3A_2173 = arith.constant 0 : i32
        %dma_wait3A_2174 = arith.constant 0 : i32
        %dma_wait3A_2175 = arith.constant 0 : i32
        %dma_wait3A_2176 = tpu.memref_slice %arg4[%dma_wait3A_2131, %dma_wait3A_2172, %dma_wait3A_2173, %dma_wait3A_2174, %dma_wait3A_2175] : memref<50x4x128x8x128xf32, #tpu.memory_space<hbm>> -> memref<1x4x128x8x128xf32, #tpu.memory_space<hbm>>
        %dma_wait3A_2177 = tpu.memref_squeeze %dma_wait3A_2176 : memref<1x4x128x8x128xf32, #tpu.memory_space<hbm>> -> memref<4x128x8x128xf32, #tpu.memory_space<hbm>>
        %dma_wait3A_2178 = arith.constant 0 : i32
        %dma_wait3A_2179 = arith.constant 0 : i32
        %dma_wait3A_2180 = arith.constant 0 : i32
        %dma_wait3A_2181 = tpu.memref_slice %dma_wait3A_2177[%dma_wait3A_2132, %dma_wait3A_2178, %dma_wait3A_2179, %dma_wait3A_2180] : memref<4x128x8x128xf32, #tpu.memory_space<hbm>> -> memref<1x128x8x128xf32, #tpu.memory_space<hbm>>
        %dma_wait3A_2182 = tpu.memref_squeeze %dma_wait3A_2181 : memref<1x128x8x128xf32, #tpu.memory_space<hbm>> -> memref<128x8x128xf32, #tpu.memory_space<hbm>>
        %dma_wait3A_2183 = arith.constant 0 : i32
        %dma_wait3A_2184 = arith.constant 0 : i32
        %dma_wait3A_2185 = tpu.memref_slice %dma_wait3A_2182[%dma_wait3A_2133, %dma_wait3A_2183, %dma_wait3A_2184] : memref<128x8x128xf32, #tpu.memory_space<hbm>> -> memref<1x8x128xf32, #tpu.memory_space<hbm>>
        %dma_wait3A_2186 = tpu.memref_squeeze %dma_wait3A_2185 : memref<1x8x128xf32, #tpu.memory_space<hbm>> -> memref<8x128xf32, #tpu.memory_space<hbm>>
        tpu.wait_dma2 semaphore(%dma_wait3A_2162 : memref<!tpu.dma_semaphore, #tpu.memory_space<semaphore_mem>>) src(%dma_wait3A_2186 : memref<8x128xf32, #tpu.memory_space<hbm>>) dst(%dma_wait3A_2171 : memref<8x128xf32, #tpu.memory_space<vmem>>)
        %dma_wait3A_2187 = arith.constant 0 : i32
        %dma_wait3A_2188 = arith.constant 0 : i32
        %dma_wait3A_2189 = arith.constant 0 : i32
        %dma_wait3A_2190 = arith.constant 1 : i32
        %dma_wait3A_2191 = arith.constant 1 : i32
        %dma_wait3A_2192 = arith.constant 1 : i32
        %dma_wait3A_2193 = arith.constant 0 : i32
        %dma_wait3A_2194 = arith.constant 0 : i32
        %dma_wait3A_2195 = arith.constant 0 : i32
        %dma_wait3A_2196 = tpu.memref_slice %arg7[%dma_wait3A_2190, %dma_wait3A_2193, %dma_wait3A_2194, %dma_wait3A_2195] : memref<4x4x8x128xf32, #tpu.memory_space<vmem>> -> memref<1x4x8x128xf32, #tpu.memory_space<vmem>>
        %dma_wait3A_2197 = tpu.memref_squeeze %dma_wait3A_2196 : memref<1x4x8x128xf32, #tpu.memory_space<vmem>> -> memref<4x8x128xf32, #tpu.memory_space<vmem>>
        %dma_wait3A_2198 = arith.constant 0 : i32
        %dma_wait3A_2199 = arith.constant 0 : i32
        %dma_wait3A_2200 = tpu.memref_slice %dma_wait3A_2197[%dma_wait3A_2191, %dma_wait3A_2198, %dma_wait3A_2199] : memref<4x8x128xf32, #tpu.memory_space<vmem>> -> memref<1x8x128xf32, #tpu.memory_space<vmem>>
        %dma_wait3A_2201 = tpu.memref_squeeze %dma_wait3A_2200 : memref<1x8x128xf32, #tpu.memory_space<vmem>> -> memref<8x128xf32, #tpu.memory_space<vmem>>
        %dma_wait3A_2202 = arith.constant 0 : i32
        %dma_wait3A_2203 = arith.constant 0 : i32
        %dma_wait3A_2204 = arith.constant 0 : i32
        %dma_wait3A_2205 = arith.constant 0 : i32
        %dma_wait3A_2206 = tpu.memref_slice %arg4[%dma_wait3A_2187, %dma_wait3A_2202, %dma_wait3A_2203, %dma_wait3A_2204, %dma_wait3A_2205] : memref<50x4x128x8x128xf32, #tpu.memory_space<hbm>> -> memref<1x4x128x8x128xf32, #tpu.memory_space<hbm>>
        %dma_wait3A_2207 = tpu.memref_squeeze %dma_wait3A_2206 : memref<1x4x128x8x128xf32, #tpu.memory_space<hbm>> -> memref<4x128x8x128xf32, #tpu.memory_space<hbm>>
        %dma_wait3A_2208 = arith.constant 0 : i32
        %dma_wait3A_2209 = arith.constant 0 : i32
        %dma_wait3A_2210 = arith.constant 0 : i32
        %dma_wait3A_2211 = tpu.memref_slice %dma_wait3A_2207[%dma_wait3A_2188, %dma_wait3A_2208, %dma_wait3A_2209, %dma_wait3A_2210] : memref<4x128x8x128xf32, #tpu.memory_space<hbm>> -> memref<1x128x8x128xf32, #tpu.memory_space<hbm>>
        %dma_wait3A_2212 = tpu.memref_squeeze %dma_wait3A_2211 : memref<1x128x8x128xf32, #tpu.memory_space<hbm>> -> memref<128x8x128xf32, #tpu.memory_space<hbm>>
        %dma_wait3A_2213 = arith.constant 0 : i32
        %dma_wait3A_2214 = arith.constant 0 : i32
        %dma_wait3A_2215 = tpu.memref_slice %dma_wait3A_2212[%dma_wait3A_2189, %dma_wait3A_2213, %dma_wait3A_2214] : memref<128x8x128xf32, #tpu.memory_space<hbm>> -> memref<1x8x128xf32, #tpu.memory_space<hbm>>
        %dma_wait3A_2216 = tpu.memref_squeeze %dma_wait3A_2215 : memref<1x8x128xf32, #tpu.memory_space<hbm>> -> memref<8x128xf32, #tpu.memory_space<hbm>>
        %dma_wait3A_2217 = tpu.memref_slice %arg9[%dma_wait3A_2192] : memref<4x!tpu.dma_semaphore, #tpu.memory_space<semaphore_mem>> -> memref<1x!tpu.dma_semaphore, #tpu.memory_space<semaphore_mem>>
        %dma_wait3A_2218 = tpu.memref_squeeze %dma_wait3A_2217 : memref<1x!tpu.dma_semaphore, #tpu.memory_space<semaphore_mem>> -> memref<!tpu.dma_semaphore, #tpu.memory_space<semaphore_mem>>
        %dma_wait3A_2219 = arith.constant 0 : i32
        %dma_wait3A_2220 = arith.constant 0 : i32
        %dma_wait3A_2221 = arith.constant 0 : i32
        %dma_wait3A_2222 = tpu.memref_slice %arg7[%dma_wait3A_2190, %dma_wait3A_2219, %dma_wait3A_2220, %dma_wait3A_2221] : memref<4x4x8x128xf32, #tpu.memory_space<vmem>> -> memref<1x4x8x128xf32, #tpu.memory_space<vmem>>
        %dma_wait3A_2223 = tpu.memref_squeeze %dma_wait3A_2222 : memref<1x4x8x128xf32, #tpu.memory_space<vmem>> -> memref<4x8x128xf32, #tpu.memory_space<vmem>>
        %dma_wait3A_2224 = arith.constant 0 : i32
        %dma_wait3A_2225 = arith.constant 0 : i32
        %dma_wait3A_2226 = tpu.memref_slice %dma_wait3A_2223[%dma_wait3A_2191, %dma_wait3A_2224, %dma_wait3A_2225] : memref<4x8x128xf32, #tpu.memory_space<vmem>> -> memref<1x8x128xf32, #tpu.memory_space<vmem>>
        %dma_wait3A_2227 = tpu.memref_squeeze %dma_wait3A_2226 : memref<1x8x128xf32, #tpu.memory_space<vmem>> -> memref<8x128xf32, #tpu.memory_space<vmem>>
        %dma_wait3A_2228 = arith.constant 0 : i32
        %dma_wait3A_2229 = arith.constant 0 : i32
        %dma_wait3A_2230 = arith.constant 0 : i32
        %dma_wait3A_2231 = arith.constant 0 : i32
        %dma_wait3A_2232 = tpu.memref_slice %arg4[%dma_wait3A_2187, %dma_wait3A_2228, %dma_wait3A_2229, %dma_wait3A_2230, %dma_wait3A_2231] : memref<50x4x128x8x128xf32, #tpu.memory_space<hbm>> -> memref<1x4x128x8x128xf32, #tpu.memory_space<hbm>>
        %dma_wait3A_2233 = tpu.memref_squeeze %dma_wait3A_2232 : memref<1x4x128x8x128xf32, #tpu.memory_space<hbm>> -> memref<4x128x8x128xf32, #tpu.memory_space<hbm>>
        %dma_wait3A_2234 = arith.constant 0 : i32
        %dma_wait3A_2235 = arith.constant 0 : i32
        %dma_wait3A_2236 = arith.constant 0 : i32
        %dma_wait3A_2237 = tpu.memref_slice %dma_wait3A_2233[%dma_wait3A_2188, %dma_wait3A_2234, %dma_wait3A_2235, %dma_wait3A_2236] : memref<4x128x8x128xf32, #tpu.memory_space<hbm>> -> memref<1x128x8x128xf32, #tpu.memory_space<hbm>>
        %dma_wait3A_2238 = tpu.memref_squeeze %dma_wait3A_2237 : memref<1x128x8x128xf32, #tpu.memory_space<hbm>> -> memref<128x8x128xf32, #tpu.memory_space<hbm>>
        %dma_wait3A_2239 = arith.constant 0 : i32
        %dma_wait3A_2240 = arith.constant 0 : i32
        %dma_wait3A_2241 = tpu.memref_slice %dma_wait3A_2238[%dma_wait3A_2189, %dma_wait3A_2239, %dma_wait3A_2240] : memref<128x8x128xf32, #tpu.memory_space<hbm>> -> memref<1x8x128xf32, #tpu.memory_space<hbm>>
        %dma_wait3A_2242 = tpu.memref_squeeze %dma_wait3A_2241 : memref<1x8x128xf32, #tpu.memory_space<hbm>> -> memref<8x128xf32, #tpu.memory_space<hbm>>
        tpu.wait_dma2 semaphore(%dma_wait3A_2218 : memref<!tpu.dma_semaphore, #tpu.memory_space<semaphore_mem>>) src(%dma_wait3A_2242 : memref<8x128xf32, #tpu.memory_space<hbm>>) dst(%dma_wait3A_2227 : memref<8x128xf32, #tpu.memory_space<vmem>>)
        %dma_wait3A_2243 = arith.constant 0 : i32
        %dma_wait3A_2244 = arith.constant 0 : i32
        %dma_wait3A_2245 = arith.constant 0 : i32
        %dma_wait3A_2246 = arith.constant 1 : i32
        %dma_wait3A_2247 = arith.constant 2 : i32
        %dma_wait3A_2248 = arith.constant 1 : i32
        %dma_wait3A_2249 = arith.constant 0 : i32
        %dma_wait3A_2250 = arith.constant 0 : i32
        %dma_wait3A_2251 = arith.constant 0 : i32
        %dma_wait3A_2252 = tpu.memref_slice %arg7[%dma_wait3A_2246, %dma_wait3A_2249, %dma_wait3A_2250, %dma_wait3A_2251] : memref<4x4x8x128xf32, #tpu.memory_space<vmem>> -> memref<1x4x8x128xf32, #tpu.memory_space<vmem>>
        %dma_wait3A_2253 = tpu.memref_squeeze %dma_wait3A_2252 : memref<1x4x8x128xf32, #tpu.memory_space<vmem>> -> memref<4x8x128xf32, #tpu.memory_space<vmem>>
        %dma_wait3A_2254 = arith.constant 0 : i32
        %dma_wait3A_2255 = arith.constant 0 : i32
        %dma_wait3A_2256 = tpu.memref_slice %dma_wait3A_2253[%dma_wait3A_2247, %dma_wait3A_2254, %dma_wait3A_2255] : memref<4x8x128xf32, #tpu.memory_space<vmem>> -> memref<1x8x128xf32, #tpu.memory_space<vmem>>
        %dma_wait3A_2257 = tpu.memref_squeeze %dma_wait3A_2256 : memref<1x8x128xf32, #tpu.memory_space<vmem>> -> memref<8x128xf32, #tpu.memory_space<vmem>>
        %dma_wait3A_2258 = arith.constant 0 : i32
        %dma_wait3A_2259 = arith.constant 0 : i32
        %dma_wait3A_2260 = arith.constant 0 : i32
        %dma_wait3A_2261 = arith.constant 0 : i32
        %dma_wait3A_2262 = tpu.memref_slice %arg4[%dma_wait3A_2243, %dma_wait3A_2258, %dma_wait3A_2259, %dma_wait3A_2260, %dma_wait3A_2261] : memref<50x4x128x8x128xf32, #tpu.memory_space<hbm>> -> memref<1x4x128x8x128xf32, #tpu.memory_space<hbm>>
        %dma_wait3A_2263 = tpu.memref_squeeze %dma_wait3A_2262 : memref<1x4x128x8x128xf32, #tpu.memory_space<hbm>> -> memref<4x128x8x128xf32, #tpu.memory_space<hbm>>
        %dma_wait3A_2264 = arith.constant 0 : i32
        %dma_wait3A_2265 = arith.constant 0 : i32
        %dma_wait3A_2266 = arith.constant 0 : i32
        %dma_wait3A_2267 = tpu.memref_slice %dma_wait3A_2263[%dma_wait3A_2244, %dma_wait3A_2264, %dma_wait3A_2265, %dma_wait3A_2266] : memref<4x128x8x128xf32, #tpu.memory_space<hbm>> -> memref<1x128x8x128xf32, #tpu.memory_space<hbm>>
        %dma_wait3A_2268 = tpu.memref_squeeze %dma_wait3A_2267 : memref<1x128x8x128xf32, #tpu.memory_space<hbm>> -> memref<128x8x128xf32, #tpu.memory_space<hbm>>
        %dma_wait3A_2269 = arith.constant 0 : i32
        %dma_wait3A_2270 = arith.constant 0 : i32
        %dma_wait3A_2271 = tpu.memref_slice %dma_wait3A_2268[%dma_wait3A_2245, %dma_wait3A_2269, %dma_wait3A_2270] : memref<128x8x128xf32, #tpu.memory_space<hbm>> -> memref<1x8x128xf32, #tpu.memory_space<hbm>>
        %dma_wait3A_2272 = tpu.memref_squeeze %dma_wait3A_2271 : memref<1x8x128xf32, #tpu.memory_space<hbm>> -> memref<8x128xf32, #tpu.memory_space<hbm>>
        %dma_wait3A_2273 = tpu.memref_slice %arg9[%dma_wait3A_2248] : memref<4x!tpu.dma_semaphore, #tpu.memory_space<semaphore_mem>> -> memref<1x!tpu.dma_semaphore, #tpu.memory_space<semaphore_mem>>
        %dma_wait3A_2274 = tpu.memref_squeeze %dma_wait3A_2273 : memref<1x!tpu.dma_semaphore, #tpu.memory_space<semaphore_mem>> -> memref<!tpu.dma_semaphore, #tpu.memory_space<semaphore_mem>>
        %dma_wait3A_2275 = arith.constant 0 : i32
        %dma_wait3A_2276 = arith.constant 0 : i32
        %dma_wait3A_2277 = arith.constant 0 : i32
        %dma_wait3A_2278 = tpu.memref_slice %arg7[%dma_wait3A_2246, %dma_wait3A_2275, %dma_wait3A_2276, %dma_wait3A_2277] : memref<4x4x8x128xf32, #tpu.memory_space<vmem>> -> memref<1x4x8x128xf32, #tpu.memory_space<vmem>>
        %dma_wait3A_2279 = tpu.memref_squeeze %dma_wait3A_2278 : memref<1x4x8x128xf32, #tpu.memory_space<vmem>> -> memref<4x8x128xf32, #tpu.memory_space<vmem>>
        %dma_wait3A_2280 = arith.constant 0 : i32
        %dma_wait3A_2281 = arith.constant 0 : i32
        %dma_wait3A_2282 = tpu.memref_slice %dma_wait3A_2279[%dma_wait3A_2247, %dma_wait3A_2280, %dma_wait3A_2281] : memref<4x8x128xf32, #tpu.memory_space<vmem>> -> memref<1x8x128xf32, #tpu.memory_space<vmem>>
        %dma_wait3A_2283 = tpu.memref_squeeze %dma_wait3A_2282 : memref<1x8x128xf32, #tpu.memory_space<vmem>> -> memref<8x128xf32, #tpu.memory_space<vmem>>
        %dma_wait3A_2284 = arith.constant 0 : i32
        %dma_wait3A_2285 = arith.constant 0 : i32
        %dma_wait3A_2286 = arith.constant 0 : i32
        %dma_wait3A_2287 = arith.constant 0 : i32
        %dma_wait3A_2288 = tpu.memref_slice %arg4[%dma_wait3A_2243, %dma_wait3A_2284, %dma_wait3A_2285, %dma_wait3A_2286, %dma_wait3A_2287] : memref<50x4x128x8x128xf32, #tpu.memory_space<hbm>> -> memref<1x4x128x8x128xf32, #tpu.memory_space<hbm>>
        %dma_wait3A_2289 = tpu.memref_squeeze %dma_wait3A_2288 : memref<1x4x128x8x128xf32, #tpu.memory_space<hbm>> -> memref<4x128x8x128xf32, #tpu.memory_space<hbm>>
        %dma_wait3A_2290 = arith.constant 0 : i32
        %dma_wait3A_2291 = arith.constant 0 : i32
        %dma_wait3A_2292 = arith.constant 0 : i32
        %dma_wait3A_2293 = tpu.memref_slice %dma_wait3A_2289[%dma_wait3A_2244, %dma_wait3A_2290, %dma_wait3A_2291, %dma_wait3A_2292] : memref<4x128x8x128xf32, #tpu.memory_space<hbm>> -> memref<1x128x8x128xf32, #tpu.memory_space<hbm>>
        %dma_wait3A_2294 = tpu.memref_squeeze %dma_wait3A_2293 : memref<1x128x8x128xf32, #tpu.memory_space<hbm>> -> memref<128x8x128xf32, #tpu.memory_space<hbm>>
        %dma_wait3A_2295 = arith.constant 0 : i32
        %dma_wait3A_2296 = arith.constant 0 : i32
        %dma_wait3A_2297 = tpu.memref_slice %dma_wait3A_2294[%dma_wait3A_2245, %dma_wait3A_2295, %dma_wait3A_2296] : memref<128x8x128xf32, #tpu.memory_space<hbm>> -> memref<1x8x128xf32, #tpu.memory_space<hbm>>
        %dma_wait3A_2298 = tpu.memref_squeeze %dma_wait3A_2297 : memref<1x8x128xf32, #tpu.memory_space<hbm>> -> memref<8x128xf32, #tpu.memory_space<hbm>>
        tpu.wait_dma2 semaphore(%dma_wait3A_2274 : memref<!tpu.dma_semaphore, #tpu.memory_space<semaphore_mem>>) src(%dma_wait3A_2298 : memref<8x128xf32, #tpu.memory_space<hbm>>) dst(%dma_wait3A_2283 : memref<8x128xf32, #tpu.memory_space<vmem>>)
        %dma_wait3A_2299 = arith.constant 0 : i32
        %dma_wait3A_2300 = arith.constant 0 : i32
        %dma_wait3A_2301 = arith.constant 0 : i32
        %dma_wait3A_2302 = arith.constant 1 : i32
        %dma_wait3A_2303 = arith.constant 3 : i32
        %dma_wait3A_2304 = arith.constant 1 : i32
        %dma_wait3A_2305 = arith.constant 0 : i32
        %dma_wait3A_2306 = arith.constant 0 : i32
        %dma_wait3A_2307 = arith.constant 0 : i32
        %dma_wait3A_2308 = tpu.memref_slice %arg7[%dma_wait3A_2302, %dma_wait3A_2305, %dma_wait3A_2306, %dma_wait3A_2307] : memref<4x4x8x128xf32, #tpu.memory_space<vmem>> -> memref<1x4x8x128xf32, #tpu.memory_space<vmem>>
        %dma_wait3A_2309 = tpu.memref_squeeze %dma_wait3A_2308 : memref<1x4x8x128xf32, #tpu.memory_space<vmem>> -> memref<4x8x128xf32, #tpu.memory_space<vmem>>
        %dma_wait3A_2310 = arith.constant 0 : i32
        %dma_wait3A_2311 = arith.constant 0 : i32
        %dma_wait3A_2312 = tpu.memref_slice %dma_wait3A_2309[%dma_wait3A_2303, %dma_wait3A_2310, %dma_wait3A_2311] : memref<4x8x128xf32, #tpu.memory_space<vmem>> -> memref<1x8x128xf32, #tpu.memory_space<vmem>>
        %dma_wait3A_2313 = tpu.memref_squeeze %dma_wait3A_2312 : memref<1x8x128xf32, #tpu.memory_space<vmem>> -> memref<8x128xf32, #tpu.memory_space<vmem>>
        %dma_wait3A_2314 = arith.constant 0 : i32
        %dma_wait3A_2315 = arith.constant 0 : i32
        %dma_wait3A_2316 = arith.constant 0 : i32
        %dma_wait3A_2317 = arith.constant 0 : i32
        %dma_wait3A_2318 = tpu.memref_slice %arg4[%dma_wait3A_2299, %dma_wait3A_2314, %dma_wait3A_2315, %dma_wait3A_2316, %dma_wait3A_2317] : memref<50x4x128x8x128xf32, #tpu.memory_space<hbm>> -> memref<1x4x128x8x128xf32, #tpu.memory_space<hbm>>
        %dma_wait3A_2319 = tpu.memref_squeeze %dma_wait3A_2318 : memref<1x4x128x8x128xf32, #tpu.memory_space<hbm>> -> memref<4x128x8x128xf32, #tpu.memory_space<hbm>>
        %dma_wait3A_2320 = arith.constant 0 : i32
        %dma_wait3A_2321 = arith.constant 0 : i32
        %dma_wait3A_2322 = arith.constant 0 : i32
        %dma_wait3A_2323 = tpu.memref_slice %dma_wait3A_2319[%dma_wait3A_2300, %dma_wait3A_2320, %dma_wait3A_2321, %dma_wait3A_2322] : memref<4x128x8x128xf32, #tpu.memory_space<hbm>> -> memref<1x128x8x128xf32, #tpu.memory_space<hbm>>
        %dma_wait3A_2324 = tpu.memref_squeeze %dma_wait3A_2323 : memref<1x128x8x128xf32, #tpu.memory_space<hbm>> -> memref<128x8x128xf32, #tpu.memory_space<hbm>>
        %dma_wait3A_2325 = arith.constant 0 : i32
        %dma_wait3A_2326 = arith.constant 0 : i32
        %dma_wait3A_2327 = tpu.memref_slice %dma_wait3A_2324[%dma_wait3A_2301, %dma_wait3A_2325, %dma_wait3A_2326] : memref<128x8x128xf32, #tpu.memory_space<hbm>> -> memref<1x8x128xf32, #tpu.memory_space<hbm>>
        %dma_wait3A_2328 = tpu.memref_squeeze %dma_wait3A_2327 : memref<1x8x128xf32, #tpu.memory_space<hbm>> -> memref<8x128xf32, #tpu.memory_space<hbm>>
        %dma_wait3A_2329 = tpu.memref_slice %arg9[%dma_wait3A_2304] : memref<4x!tpu.dma_semaphore, #tpu.memory_space<semaphore_mem>> -> memref<1x!tpu.dma_semaphore, #tpu.memory_space<semaphore_mem>>
        %dma_wait3A_2330 = tpu.memref_squeeze %dma_wait3A_2329 : memref<1x!tpu.dma_semaphore, #tpu.memory_space<semaphore_mem>> -> memref<!tpu.dma_semaphore, #tpu.memory_space<semaphore_mem>>
        %dma_wait3A_2331 = arith.constant 0 : i32
        %dma_wait3A_2332 = arith.constant 0 : i32
        %dma_wait3A_2333 = arith.constant 0 : i32
        %dma_wait3A_2334 = tpu.memref_slice %arg7[%dma_wait3A_2302, %dma_wait3A_2331, %dma_wait3A_2332, %dma_wait3A_2333] : memref<4x4x8x128xf32, #tpu.memory_space<vmem>> -> memref<1x4x8x128xf32, #tpu.memory_space<vmem>>
        %dma_wait3A_2335 = tpu.memref_squeeze %dma_wait3A_2334 : memref<1x4x8x128xf32, #tpu.memory_space<vmem>> -> memref<4x8x128xf32, #tpu.memory_space<vmem>>
        %dma_wait3A_2336 = arith.constant 0 : i32
        %dma_wait3A_2337 = arith.constant 0 : i32
        %dma_wait3A_2338 = tpu.memref_slice %dma_wait3A_2335[%dma_wait3A_2303, %dma_wait3A_2336, %dma_wait3A_2337] : memref<4x8x128xf32, #tpu.memory_space<vmem>> -> memref<1x8x128xf32, #tpu.memory_space<vmem>>
        %dma_wait3A_2339 = tpu.memref_squeeze %dma_wait3A_2338 : memref<1x8x128xf32, #tpu.memory_space<vmem>> -> memref<8x128xf32, #tpu.memory_space<vmem>>
        %dma_wait3A_2340 = arith.constant 0 : i32
        %dma_wait3A_2341 = arith.constant 0 : i32
        %dma_wait3A_2342 = arith.constant 0 : i32
        %dma_wait3A_2343 = arith.constant 0 : i32
        %dma_wait3A_2344 = tpu.memref_slice %arg4[%dma_wait3A_2299, %dma_wait3A_2340, %dma_wait3A_2341, %dma_wait3A_2342, %dma_wait3A_2343] : memref<50x4x128x8x128xf32, #tpu.memory_space<hbm>> -> memref<1x4x128x8x128xf32, #tpu.memory_space<hbm>>
        %dma_wait3A_2345 = tpu.memref_squeeze %dma_wait3A_2344 : memref<1x4x128x8x128xf32, #tpu.memory_space<hbm>> -> memref<4x128x8x128xf32, #tpu.memory_space<hbm>>
        %dma_wait3A_2346 = arith.constant 0 : i32
        %dma_wait3A_2347 = arith.constant 0 : i32
        %dma_wait3A_2348 = arith.constant 0 : i32
        %dma_wait3A_2349 = tpu.memref_slice %dma_wait3A_2345[%dma_wait3A_2300, %dma_wait3A_2346, %dma_wait3A_2347, %dma_wait3A_2348] : memref<4x128x8x128xf32, #tpu.memory_space<hbm>> -> memref<1x128x8x128xf32, #tpu.memory_space<hbm>>
        %dma_wait3A_2350 = tpu.memref_squeeze %dma_wait3A_2349 : memref<1x128x8x128xf32, #tpu.memory_space<hbm>> -> memref<128x8x128xf32, #tpu.memory_space<hbm>>
        %dma_wait3A_2351 = arith.constant 0 : i32
        %dma_wait3A_2352 = arith.constant 0 : i32
        %dma_wait3A_2353 = tpu.memref_slice %dma_wait3A_2350[%dma_wait3A_2301, %dma_wait3A_2351, %dma_wait3A_2352] : memref<128x8x128xf32, #tpu.memory_space<hbm>> -> memref<1x8x128xf32, #tpu.memory_space<hbm>>
        %dma_wait3A_2354 = tpu.memref_squeeze %dma_wait3A_2353 : memref<1x8x128xf32, #tpu.memory_space<hbm>> -> memref<8x128xf32, #tpu.memory_space<hbm>>
        tpu.wait_dma2 semaphore(%dma_wait3A_2330 : memref<!tpu.dma_semaphore, #tpu.memory_space<semaphore_mem>>) src(%dma_wait3A_2354 : memref<8x128xf32, #tpu.memory_space<hbm>>) dst(%dma_wait3A_2339 : memref<8x128xf32, #tpu.memory_space<vmem>>)
      } else {
      }
      %dma_start3A_1329 = arith.constant 1 : i32
      %dma_start3A_1330 = arith.constant 0 : i32
      %dma_start3A_1331 = arith.constant 0 : i32
      %dma_start3A_1332 = arith.constant 1 : i32
      %dma_start3A_1333 = arith.constant 0 : i32
      %dma_start3A_1334 = arith.constant 0 : i32
      %dma_start3A_1335 = arith.constant 0 : i32
      %dma_start3A_1336 = tpu.memref_slice %arg7[%dma_start3A_1329, %dma_start3A_1333, %dma_start3A_1334, %dma_start3A_1335] : memref<4x4x8x128xf32, #tpu.memory_space<vmem>> -> memref<1x4x8x128xf32, #tpu.memory_space<vmem>>
      %dma_start3A_1337 = tpu.memref_squeeze %dma_start3A_1336 : memref<1x4x8x128xf32, #tpu.memory_space<vmem>> -> memref<4x8x128xf32, #tpu.memory_space<vmem>>
      %dma_start3A_1338 = arith.constant 0 : i32
      %dma_start3A_1339 = arith.constant 0 : i32
      %dma_start3A_1340 = tpu.memref_slice %dma_start3A_1337[%dma_start3A_1330, %dma_start3A_1338, %dma_start3A_1339] : memref<4x8x128xf32, #tpu.memory_space<vmem>> -> memref<1x8x128xf32, #tpu.memory_space<vmem>>
      %dma_start3A_1341 = tpu.memref_squeeze %dma_start3A_1340 : memref<1x8x128xf32, #tpu.memory_space<vmem>> -> memref<8x128xf32, #tpu.memory_space<vmem>>
      %dma_start3A_1342 = arith.constant 0 : i32
      %dma_start3A_1343 = arith.constant 0 : i32
      %dma_start3A_1344 = arith.constant 0 : i32
      %dma_start3A_1345 = arith.constant 0 : i32
      %dma_start3A_1346 = tpu.memref_slice %arg4[%select_n3A_1280, %dma_start3A_1342, %dma_start3A_1343, %dma_start3A_1344, %dma_start3A_1345] : memref<50x4x128x8x128xf32, #tpu.memory_space<hbm>> -> memref<1x4x128x8x128xf32, #tpu.memory_space<hbm>>
      %dma_start3A_1347 = tpu.memref_squeeze %dma_start3A_1346 : memref<1x4x128x8x128xf32, #tpu.memory_space<hbm>> -> memref<4x128x8x128xf32, #tpu.memory_space<hbm>>
      %dma_start3A_1348 = arith.constant 0 : i32
      %dma_start3A_1349 = arith.constant 0 : i32
      %dma_start3A_1350 = arith.constant 0 : i32
      %dma_start3A_1351 = tpu.memref_slice %dma_start3A_1347[%dma_start3A_1331, %dma_start3A_1348, %dma_start3A_1349, %dma_start3A_1350] : memref<4x128x8x128xf32, #tpu.memory_space<hbm>> -> memref<1x128x8x128xf32, #tpu.memory_space<hbm>>
      %dma_start3A_1352 = tpu.memref_squeeze %dma_start3A_1351 : memref<1x128x8x128xf32, #tpu.memory_space<hbm>> -> memref<128x8x128xf32, #tpu.memory_space<hbm>>
      %dma_start3A_1353 = arith.constant 0 : i32
      %dma_start3A_1354 = arith.constant 0 : i32
      %dma_start3A_1355 = tpu.memref_slice %dma_start3A_1352[%select_n3A_1296, %dma_start3A_1353, %dma_start3A_1354] : memref<128x8x128xf32, #tpu.memory_space<hbm>> -> memref<1x8x128xf32, #tpu.memory_space<hbm>>
      %dma_start3A_1356 = tpu.memref_squeeze %dma_start3A_1355 : memref<1x8x128xf32, #tpu.memory_space<hbm>> -> memref<8x128xf32, #tpu.memory_space<hbm>>
      %dma_start3A_1357 = tpu.memref_slice %arg9[%dma_start3A_1332] : memref<4x!tpu.dma_semaphore, #tpu.memory_space<semaphore_mem>> -> memref<1x!tpu.dma_semaphore, #tpu.memory_space<semaphore_mem>>
      %dma_start3A_1358 = tpu.memref_squeeze %dma_start3A_1357 : memref<1x!tpu.dma_semaphore, #tpu.memory_space<semaphore_mem>> -> memref<!tpu.dma_semaphore, #tpu.memory_space<semaphore_mem>>
      %dma_start3A_1359 = arith.constant 0 : i32
      %dma_start3A_1360 = arith.constant 0 : i32
      %dma_start3A_1361 = arith.constant 0 : i32
      %dma_start3A_1362 = arith.constant 0 : i32
      %dma_start3A_1363 = tpu.memref_slice %arg4[%select_n3A_1280, %dma_start3A_1359, %dma_start3A_1360, %dma_start3A_1361, %dma_start3A_1362] : memref<50x4x128x8x128xf32, #tpu.memory_space<hbm>> -> memref<1x4x128x8x128xf32, #tpu.memory_space<hbm>>
      %dma_start3A_1364 = tpu.memref_squeeze %dma_start3A_1363 : memref<1x4x128x8x128xf32, #tpu.memory_space<hbm>> -> memref<4x128x8x128xf32, #tpu.memory_space<hbm>>
      %dma_start3A_1365 = arith.constant 0 : i32
      %dma_start3A_1366 = arith.constant 0 : i32
      %dma_start3A_1367 = arith.constant 0 : i32
      %dma_start3A_1368 = tpu.memref_slice %dma_start3A_1364[%dma_start3A_1331, %dma_start3A_1365, %dma_start3A_1366, %dma_start3A_1367] : memref<4x128x8x128xf32, #tpu.memory_space<hbm>> -> memref<1x128x8x128xf32, #tpu.memory_space<hbm>>
      %dma_start3A_1369 = tpu.memref_squeeze %dma_start3A_1368 : memref<1x128x8x128xf32, #tpu.memory_space<hbm>> -> memref<128x8x128xf32, #tpu.memory_space<hbm>>
      %dma_start3A_1370 = arith.constant 0 : i32
      %dma_start3A_1371 = arith.constant 0 : i32
      %dma_start3A_1372 = tpu.memref_slice %dma_start3A_1369[%select_n3A_1296, %dma_start3A_1370, %dma_start3A_1371] : memref<128x8x128xf32, #tpu.memory_space<hbm>> -> memref<1x8x128xf32, #tpu.memory_space<hbm>>
      %dma_start3A_1373 = tpu.memref_squeeze %dma_start3A_1372 : memref<1x8x128xf32, #tpu.memory_space<hbm>> -> memref<8x128xf32, #tpu.memory_space<hbm>>
      %dma_start3A_1374 = arith.constant 0 : i32
      %dma_start3A_1375 = arith.constant 0 : i32
      %dma_start3A_1376 = arith.constant 0 : i32
      %dma_start3A_1377 = tpu.memref_slice %arg7[%dma_start3A_1329, %dma_start3A_1374, %dma_start3A_1375, %dma_start3A_1376] : memref<4x4x8x128xf32, #tpu.memory_space<vmem>> -> memref<1x4x8x128xf32, #tpu.memory_space<vmem>>
      %dma_start3A_1378 = tpu.memref_squeeze %dma_start3A_1377 : memref<1x4x8x128xf32, #tpu.memory_space<vmem>> -> memref<4x8x128xf32, #tpu.memory_space<vmem>>
      %dma_start3A_1379 = arith.constant 0 : i32
      %dma_start3A_1380 = arith.constant 0 : i32
      %dma_start3A_1381 = tpu.memref_slice %dma_start3A_1378[%dma_start3A_1330, %dma_start3A_1379, %dma_start3A_1380] : memref<4x8x128xf32, #tpu.memory_space<vmem>> -> memref<1x8x128xf32, #tpu.memory_space<vmem>>
      %dma_start3A_1382 = tpu.memref_squeeze %dma_start3A_1381 : memref<1x8x128xf32, #tpu.memory_space<vmem>> -> memref<8x128xf32, #tpu.memory_space<vmem>>
      tpu.enqueue_dma source(%dma_start3A_1382 : memref<8x128xf32, #tpu.memory_space<vmem>>) target(%dma_start3A_1373 : memref<8x128xf32, #tpu.memory_space<hbm>>) target_semaphore(%dma_start3A_1358 : memref<!tpu.dma_semaphore, #tpu.memory_space<semaphore_mem>>)
      %dma_start3A_1383 = arith.constant 1 : i32
      %dma_start3A_1384 = arith.constant 1 : i32
      %dma_start3A_1385 = arith.constant 1 : i32
      %dma_start3A_1386 = arith.constant 1 : i32
      %dma_start3A_1387 = arith.constant 0 : i32
      %dma_start3A_1388 = arith.constant 0 : i32
      %dma_start3A_1389 = arith.constant 0 : i32
      %dma_start3A_1390 = tpu.memref_slice %arg7[%dma_start3A_1383, %dma_start3A_1387, %dma_start3A_1388, %dma_start3A_1389] : memref<4x4x8x128xf32, #tpu.memory_space<vmem>> -> memref<1x4x8x128xf32, #tpu.memory_space<vmem>>
      %dma_start3A_1391 = tpu.memref_squeeze %dma_start3A_1390 : memref<1x4x8x128xf32, #tpu.memory_space<vmem>> -> memref<4x8x128xf32, #tpu.memory_space<vmem>>
      %dma_start3A_1392 = arith.constant 0 : i32
      %dma_start3A_1393 = arith.constant 0 : i32
      %dma_start3A_1394 = tpu.memref_slice %dma_start3A_1391[%dma_start3A_1384, %dma_start3A_1392, %dma_start3A_1393] : memref<4x8x128xf32, #tpu.memory_space<vmem>> -> memref<1x8x128xf32, #tpu.memory_space<vmem>>
      %dma_start3A_1395 = tpu.memref_squeeze %dma_start3A_1394 : memref<1x8x128xf32, #tpu.memory_space<vmem>> -> memref<8x128xf32, #tpu.memory_space<vmem>>
      %dma_start3A_1396 = arith.constant 0 : i32
      %dma_start3A_1397 = arith.constant 0 : i32
      %dma_start3A_1398 = arith.constant 0 : i32
      %dma_start3A_1399 = arith.constant 0 : i32
      %dma_start3A_1400 = tpu.memref_slice %arg4[%select_n3A_1280, %dma_start3A_1396, %dma_start3A_1397, %dma_start3A_1398, %dma_start3A_1399] : memref<50x4x128x8x128xf32, #tpu.memory_space<hbm>> -> memref<1x4x128x8x128xf32, #tpu.memory_space<hbm>>
      %dma_start3A_1401 = tpu.memref_squeeze %dma_start3A_1400 : memref<1x4x128x8x128xf32, #tpu.memory_space<hbm>> -> memref<4x128x8x128xf32, #tpu.memory_space<hbm>>
      %dma_start3A_1402 = arith.constant 0 : i32
      %dma_start3A_1403 = arith.constant 0 : i32
      %dma_start3A_1404 = arith.constant 0 : i32
      %dma_start3A_1405 = tpu.memref_slice %dma_start3A_1401[%dma_start3A_1385, %dma_start3A_1402, %dma_start3A_1403, %dma_start3A_1404] : memref<4x128x8x128xf32, #tpu.memory_space<hbm>> -> memref<1x128x8x128xf32, #tpu.memory_space<hbm>>
      %dma_start3A_1406 = tpu.memref_squeeze %dma_start3A_1405 : memref<1x128x8x128xf32, #tpu.memory_space<hbm>> -> memref<128x8x128xf32, #tpu.memory_space<hbm>>
      %dma_start3A_1407 = arith.constant 0 : i32
      %dma_start3A_1408 = arith.constant 0 : i32
      %dma_start3A_1409 = tpu.memref_slice %dma_start3A_1406[%select_n3A_1296, %dma_start3A_1407, %dma_start3A_1408] : memref<128x8x128xf32, #tpu.memory_space<hbm>> -> memref<1x8x128xf32, #tpu.memory_space<hbm>>
      %dma_start3A_1410 = tpu.memref_squeeze %dma_start3A_1409 : memref<1x8x128xf32, #tpu.memory_space<hbm>> -> memref<8x128xf32, #tpu.memory_space<hbm>>
      %dma_start3A_1411 = tpu.memref_slice %arg9[%dma_start3A_1386] : memref<4x!tpu.dma_semaphore, #tpu.memory_space<semaphore_mem>> -> memref<1x!tpu.dma_semaphore, #tpu.memory_space<semaphore_mem>>
      %dma_start3A_1412 = tpu.memref_squeeze %dma_start3A_1411 : memref<1x!tpu.dma_semaphore, #tpu.memory_space<semaphore_mem>> -> memref<!tpu.dma_semaphore, #tpu.memory_space<semaphore_mem>>
      %dma_start3A_1413 = arith.constant 0 : i32
      %dma_start3A_1414 = arith.constant 0 : i32
      %dma_start3A_1415 = arith.constant 0 : i32
      %dma_start3A_1416 = arith.constant 0 : i32
      %dma_start3A_1417 = tpu.memref_slice %arg4[%select_n3A_1280, %dma_start3A_1413, %dma_start3A_1414, %dma_start3A_1415, %dma_start3A_1416] : memref<50x4x128x8x128xf32, #tpu.memory_space<hbm>> -> memref<1x4x128x8x128xf32, #tpu.memory_space<hbm>>
      %dma_start3A_1418 = tpu.memref_squeeze %dma_start3A_1417 : memref<1x4x128x8x128xf32, #tpu.memory_space<hbm>> -> memref<4x128x8x128xf32, #tpu.memory_space<hbm>>
      %dma_start3A_1419 = arith.constant 0 : i32
      %dma_start3A_1420 = arith.constant 0 : i32
      %dma_start3A_1421 = arith.constant 0 : i32
      %dma_start3A_1422 = tpu.memref_slice %dma_start3A_1418[%dma_start3A_1385, %dma_start3A_1419, %dma_start3A_1420, %dma_start3A_1421] : memref<4x128x8x128xf32, #tpu.memory_space<hbm>> -> memref<1x128x8x128xf32, #tpu.memory_space<hbm>>
      %dma_start3A_1423 = tpu.memref_squeeze %dma_start3A_1422 : memref<1x128x8x128xf32, #tpu.memory_space<hbm>> -> memref<128x8x128xf32, #tpu.memory_space<hbm>>
      %dma_start3A_1424 = arith.constant 0 : i32
      %dma_start3A_1425 = arith.constant 0 : i32
      %dma_start3A_1426 = tpu.memref_slice %dma_start3A_1423[%select_n3A_1296, %dma_start3A_1424, %dma_start3A_1425] : memref<128x8x128xf32, #tpu.memory_space<hbm>> -> memref<1x8x128xf32, #tpu.memory_space<hbm>>
      %dma_start3A_1427 = tpu.memref_squeeze %dma_start3A_1426 : memref<1x8x128xf32, #tpu.memory_space<hbm>> -> memref<8x128xf32, #tpu.memory_space<hbm>>
      %dma_start3A_1428 = arith.constant 0 : i32
      %dma_start3A_1429 = arith.constant 0 : i32
      %dma_start3A_1430 = arith.constant 0 : i32
      %dma_start3A_1431 = tpu.memref_slice %arg7[%dma_start3A_1383, %dma_start3A_1428, %dma_start3A_1429, %dma_start3A_1430] : memref<4x4x8x128xf32, #tpu.memory_space<vmem>> -> memref<1x4x8x128xf32, #tpu.memory_space<vmem>>
      %dma_start3A_1432 = tpu.memref_squeeze %dma_start3A_1431 : memref<1x4x8x128xf32, #tpu.memory_space<vmem>> -> memref<4x8x128xf32, #tpu.memory_space<vmem>>
      %dma_start3A_1433 = arith.constant 0 : i32
      %dma_start3A_1434 = arith.constant 0 : i32
      %dma_start3A_1435 = tpu.memref_slice %dma_start3A_1432[%dma_start3A_1384, %dma_start3A_1433, %dma_start3A_1434] : memref<4x8x128xf32, #tpu.memory_space<vmem>> -> memref<1x8x128xf32, #tpu.memory_space<vmem>>
      %dma_start3A_1436 = tpu.memref_squeeze %dma_start3A_1435 : memref<1x8x128xf32, #tpu.memory_space<vmem>> -> memref<8x128xf32, #tpu.memory_space<vmem>>
      tpu.enqueue_dma source(%dma_start3A_1436 : memref<8x128xf32, #tpu.memory_space<vmem>>) target(%dma_start3A_1427 : memref<8x128xf32, #tpu.memory_space<hbm>>) target_semaphore(%dma_start3A_1412 : memref<!tpu.dma_semaphore, #tpu.memory_space<semaphore_mem>>)
      %dma_start3A_1437 = arith.constant 1 : i32
      %dma_start3A_1438 = arith.constant 2 : i32
      %dma_start3A_1439 = arith.constant 2 : i32
      %dma_start3A_1440 = arith.constant 1 : i32
      %dma_start3A_1441 = arith.constant 0 : i32
      %dma_start3A_1442 = arith.constant 0 : i32
      %dma_start3A_1443 = arith.constant 0 : i32
      %dma_start3A_1444 = tpu.memref_slice %arg7[%dma_start3A_1437, %dma_start3A_1441, %dma_start3A_1442, %dma_start3A_1443] : memref<4x4x8x128xf32, #tpu.memory_space<vmem>> -> memref<1x4x8x128xf32, #tpu.memory_space<vmem>>
      %dma_start3A_1445 = tpu.memref_squeeze %dma_start3A_1444 : memref<1x4x8x128xf32, #tpu.memory_space<vmem>> -> memref<4x8x128xf32, #tpu.memory_space<vmem>>
      %dma_start3A_1446 = arith.constant 0 : i32
      %dma_start3A_1447 = arith.constant 0 : i32
      %dma_start3A_1448 = tpu.memref_slice %dma_start3A_1445[%dma_start3A_1438, %dma_start3A_1446, %dma_start3A_1447] : memref<4x8x128xf32, #tpu.memory_space<vmem>> -> memref<1x8x128xf32, #tpu.memory_space<vmem>>
      %dma_start3A_1449 = tpu.memref_squeeze %dma_start3A_1448 : memref<1x8x128xf32, #tpu.memory_space<vmem>> -> memref<8x128xf32, #tpu.memory_space<vmem>>
      %dma_start3A_1450 = arith.constant 0 : i32
      %dma_start3A_1451 = arith.constant 0 : i32
      %dma_start3A_1452 = arith.constant 0 : i32
      %dma_start3A_1453 = arith.constant 0 : i32
      %dma_start3A_1454 = tpu.memref_slice %arg4[%select_n3A_1280, %dma_start3A_1450, %dma_start3A_1451, %dma_start3A_1452, %dma_start3A_1453] : memref<50x4x128x8x128xf32, #tpu.memory_space<hbm>> -> memref<1x4x128x8x128xf32, #tpu.memory_space<hbm>>
      %dma_start3A_1455 = tpu.memref_squeeze %dma_start3A_1454 : memref<1x4x128x8x128xf32, #tpu.memory_space<hbm>> -> memref<4x128x8x128xf32, #tpu.memory_space<hbm>>
      %dma_start3A_1456 = arith.constant 0 : i32
      %dma_start3A_1457 = arith.constant 0 : i32
      %dma_start3A_1458 = arith.constant 0 : i32
      %dma_start3A_1459 = tpu.memref_slice %dma_start3A_1455[%dma_start3A_1439, %dma_start3A_1456, %dma_start3A_1457, %dma_start3A_1458] : memref<4x128x8x128xf32, #tpu.memory_space<hbm>> -> memref<1x128x8x128xf32, #tpu.memory_space<hbm>>
      %dma_start3A_1460 = tpu.memref_squeeze %dma_start3A_1459 : memref<1x128x8x128xf32, #tpu.memory_space<hbm>> -> memref<128x8x128xf32, #tpu.memory_space<hbm>>
      %dma_start3A_1461 = arith.constant 0 : i32
      %dma_start3A_1462 = arith.constant 0 : i32
      %dma_start3A_1463 = tpu.memref_slice %dma_start3A_1460[%select_n3A_1296, %dma_start3A_1461, %dma_start3A_1462] : memref<128x8x128xf32, #tpu.memory_space<hbm>> -> memref<1x8x128xf32, #tpu.memory_space<hbm>>
      %dma_start3A_1464 = tpu.memref_squeeze %dma_start3A_1463 : memref<1x8x128xf32, #tpu.memory_space<hbm>> -> memref<8x128xf32, #tpu.memory_space<hbm>>
      %dma_start3A_1465 = tpu.memref_slice %arg9[%dma_start3A_1440] : memref<4x!tpu.dma_semaphore, #tpu.memory_space<semaphore_mem>> -> memref<1x!tpu.dma_semaphore, #tpu.memory_space<semaphore_mem>>
      %dma_start3A_1466 = tpu.memref_squeeze %dma_start3A_1465 : memref<1x!tpu.dma_semaphore, #tpu.memory_space<semaphore_mem>> -> memref<!tpu.dma_semaphore, #tpu.memory_space<semaphore_mem>>
      %dma_start3A_1467 = arith.constant 0 : i32
      %dma_start3A_1468 = arith.constant 0 : i32
      %dma_start3A_1469 = arith.constant 0 : i32
      %dma_start3A_1470 = arith.constant 0 : i32
      %dma_start3A_1471 = tpu.memref_slice %arg4[%select_n3A_1280, %dma_start3A_1467, %dma_start3A_1468, %dma_start3A_1469, %dma_start3A_1470] : memref<50x4x128x8x128xf32, #tpu.memory_space<hbm>> -> memref<1x4x128x8x128xf32, #tpu.memory_space<hbm>>
      %dma_start3A_1472 = tpu.memref_squeeze %dma_start3A_1471 : memref<1x4x128x8x128xf32, #tpu.memory_space<hbm>> -> memref<4x128x8x128xf32, #tpu.memory_space<hbm>>
      %dma_start3A_1473 = arith.constant 0 : i32
      %dma_start3A_1474 = arith.constant 0 : i32
      %dma_start3A_1475 = arith.constant 0 : i32
      %dma_start3A_1476 = tpu.memref_slice %dma_start3A_1472[%dma_start3A_1439, %dma_start3A_1473, %dma_start3A_1474, %dma_start3A_1475] : memref<4x128x8x128xf32, #tpu.memory_space<hbm>> -> memref<1x128x8x128xf32, #tpu.memory_space<hbm>>
      %dma_start3A_1477 = tpu.memref_squeeze %dma_start3A_1476 : memref<1x128x8x128xf32, #tpu.memory_space<hbm>> -> memref<128x8x128xf32, #tpu.memory_space<hbm>>
      %dma_start3A_1478 = arith.constant 0 : i32
      %dma_start3A_1479 = arith.constant 0 : i32
      %dma_start3A_1480 = tpu.memref_slice %dma_start3A_1477[%select_n3A_1296, %dma_start3A_1478, %dma_start3A_1479] : memref<128x8x128xf32, #tpu.memory_space<hbm>> -> memref<1x8x128xf32, #tpu.memory_space<hbm>>
      %dma_start3A_1481 = tpu.memref_squeeze %dma_start3A_1480 : memref<1x8x128xf32, #tpu.memory_space<hbm>> -> memref<8x128xf32, #tpu.memory_space<hbm>>
      %dma_start3A_1482 = arith.constant 0 : i32
      %dma_start3A_1483 = arith.constant 0 : i32
      %dma_start3A_1484 = arith.constant 0 : i32
      %dma_start3A_1485 = tpu.memref_slice %arg7[%dma_start3A_1437, %dma_start3A_1482, %dma_start3A_1483, %dma_start3A_1484] : memref<4x4x8x128xf32, #tpu.memory_space<vmem>> -> memref<1x4x8x128xf32, #tpu.memory_space<vmem>>
      %dma_start3A_1486 = tpu.memref_squeeze %dma_start3A_1485 : memref<1x4x8x128xf32, #tpu.memory_space<vmem>> -> memref<4x8x128xf32, #tpu.memory_space<vmem>>
      %dma_start3A_1487 = arith.constant 0 : i32
      %dma_start3A_1488 = arith.constant 0 : i32
      %dma_start3A_1489 = tpu.memref_slice %dma_start3A_1486[%dma_start3A_1438, %dma_start3A_1487, %dma_start3A_1488] : memref<4x8x128xf32, #tpu.memory_space<vmem>> -> memref<1x8x128xf32, #tpu.memory_space<vmem>>
      %dma_start3A_1490 = tpu.memref_squeeze %dma_start3A_1489 : memref<1x8x128xf32, #tpu.memory_space<vmem>> -> memref<8x128xf32, #tpu.memory_space<vmem>>
      tpu.enqueue_dma source(%dma_start3A_1490 : memref<8x128xf32, #tpu.memory_space<vmem>>) target(%dma_start3A_1481 : memref<8x128xf32, #tpu.memory_space<hbm>>) target_semaphore(%dma_start3A_1466 : memref<!tpu.dma_semaphore, #tpu.memory_space<semaphore_mem>>)
      %dma_start3A_1491 = arith.constant 1 : i32
      %dma_start3A_1492 = arith.constant 3 : i32
      %dma_start3A_1493 = arith.constant 3 : i32
      %dma_start3A_1494 = arith.constant 1 : i32
      %dma_start3A_1495 = arith.constant 0 : i32
      %dma_start3A_1496 = arith.constant 0 : i32
      %dma_start3A_1497 = arith.constant 0 : i32
      %dma_start3A_1498 = tpu.memref_slice %arg7[%dma_start3A_1491, %dma_start3A_1495, %dma_start3A_1496, %dma_start3A_1497] : memref<4x4x8x128xf32, #tpu.memory_space<vmem>> -> memref<1x4x8x128xf32, #tpu.memory_space<vmem>>
      %dma_start3A_1499 = tpu.memref_squeeze %dma_start3A_1498 : memref<1x4x8x128xf32, #tpu.memory_space<vmem>> -> memref<4x8x128xf32, #tpu.memory_space<vmem>>
      %dma_start3A_1500 = arith.constant 0 : i32
      %dma_start3A_1501 = arith.constant 0 : i32
      %dma_start3A_1502 = tpu.memref_slice %dma_start3A_1499[%dma_start3A_1492, %dma_start3A_1500, %dma_start3A_1501] : memref<4x8x128xf32, #tpu.memory_space<vmem>> -> memref<1x8x128xf32, #tpu.memory_space<vmem>>
      %dma_start3A_1503 = tpu.memref_squeeze %dma_start3A_1502 : memref<1x8x128xf32, #tpu.memory_space<vmem>> -> memref<8x128xf32, #tpu.memory_space<vmem>>
      %dma_start3A_1504 = arith.constant 0 : i32
      %dma_start3A_1505 = arith.constant 0 : i32
      %dma_start3A_1506 = arith.constant 0 : i32
      %dma_start3A_1507 = arith.constant 0 : i32
      %dma_start3A_1508 = tpu.memref_slice %arg4[%select_n3A_1280, %dma_start3A_1504, %dma_start3A_1505, %dma_start3A_1506, %dma_start3A_1507] : memref<50x4x128x8x128xf32, #tpu.memory_space<hbm>> -> memref<1x4x128x8x128xf32, #tpu.memory_space<hbm>>
      %dma_start3A_1509 = tpu.memref_squeeze %dma_start3A_1508 : memref<1x4x128x8x128xf32, #tpu.memory_space<hbm>> -> memref<4x128x8x128xf32, #tpu.memory_space<hbm>>
      %dma_start3A_1510 = arith.constant 0 : i32
      %dma_start3A_1511 = arith.constant 0 : i32
      %dma_start3A_1512 = arith.constant 0 : i32
      %dma_start3A_1513 = tpu.memref_slice %dma_start3A_1509[%dma_start3A_1493, %dma_start3A_1510, %dma_start3A_1511, %dma_start3A_1512] : memref<4x128x8x128xf32, #tpu.memory_space<hbm>> -> memref<1x128x8x128xf32, #tpu.memory_space<hbm>>
      %dma_start3A_1514 = tpu.memref_squeeze %dma_start3A_1513 : memref<1x128x8x128xf32, #tpu.memory_space<hbm>> -> memref<128x8x128xf32, #tpu.memory_space<hbm>>
      %dma_start3A_1515 = arith.constant 0 : i32
      %dma_start3A_1516 = arith.constant 0 : i32
      %dma_start3A_1517 = tpu.memref_slice %dma_start3A_1514[%select_n3A_1296, %dma_start3A_1515, %dma_start3A_1516] : memref<128x8x128xf32, #tpu.memory_space<hbm>> -> memref<1x8x128xf32, #tpu.memory_space<hbm>>
      %dma_start3A_1518 = tpu.memref_squeeze %dma_start3A_1517 : memref<1x8x128xf32, #tpu.memory_space<hbm>> -> memref<8x128xf32, #tpu.memory_space<hbm>>
      %dma_start3A_1519 = tpu.memref_slice %arg9[%dma_start3A_1494] : memref<4x!tpu.dma_semaphore, #tpu.memory_space<semaphore_mem>> -> memref<1x!tpu.dma_semaphore, #tpu.memory_space<semaphore_mem>>
      %dma_start3A_1520 = tpu.memref_squeeze %dma_start3A_1519 : memref<1x!tpu.dma_semaphore, #tpu.memory_space<semaphore_mem>> -> memref<!tpu.dma_semaphore, #tpu.memory_space<semaphore_mem>>
      %dma_start3A_1521 = arith.constant 0 : i32
      %dma_start3A_1522 = arith.constant 0 : i32
      %dma_start3A_1523 = arith.constant 0 : i32
      %dma_start3A_1524 = arith.constant 0 : i32
      %dma_start3A_1525 = tpu.memref_slice %arg4[%select_n3A_1280, %dma_start3A_1521, %dma_start3A_1522, %dma_start3A_1523, %dma_start3A_1524] : memref<50x4x128x8x128xf32, #tpu.memory_space<hbm>> -> memref<1x4x128x8x128xf32, #tpu.memory_space<hbm>>
      %dma_start3A_1526 = tpu.memref_squeeze %dma_start3A_1525 : memref<1x4x128x8x128xf32, #tpu.memory_space<hbm>> -> memref<4x128x8x128xf32, #tpu.memory_space<hbm>>
      %dma_start3A_1527 = arith.constant 0 : i32
      %dma_start3A_1528 = arith.constant 0 : i32
      %dma_start3A_1529 = arith.constant 0 : i32
      %dma_start3A_1530 = tpu.memref_slice %dma_start3A_1526[%dma_start3A_1493, %dma_start3A_1527, %dma_start3A_1528, %dma_start3A_1529] : memref<4x128x8x128xf32, #tpu.memory_space<hbm>> -> memref<1x128x8x128xf32, #tpu.memory_space<hbm>>
      %dma_start3A_1531 = tpu.memref_squeeze %dma_start3A_1530 : memref<1x128x8x128xf32, #tpu.memory_space<hbm>> -> memref<128x8x128xf32, #tpu.memory_space<hbm>>
      %dma_start3A_1532 = arith.constant 0 : i32
      %dma_start3A_1533 = arith.constant 0 : i32
      %dma_start3A_1534 = tpu.memref_slice %dma_start3A_1531[%select_n3A_1296, %dma_start3A_1532, %dma_start3A_1533] : memref<128x8x128xf32, #tpu.memory_space<hbm>> -> memref<1x8x128xf32, #tpu.memory_space<hbm>>
      %dma_start3A_1535 = tpu.memref_squeeze %dma_start3A_1534 : memref<1x8x128xf32, #tpu.memory_space<hbm>> -> memref<8x128xf32, #tpu.memory_space<hbm>>
      %dma_start3A_1536 = arith.constant 0 : i32
      %dma_start3A_1537 = arith.constant 0 : i32
      %dma_start3A_1538 = arith.constant 0 : i32
      %dma_start3A_1539 = tpu.memref_slice %arg7[%dma_start3A_1491, %dma_start3A_1536, %dma_start3A_1537, %dma_start3A_1538] : memref<4x4x8x128xf32, #tpu.memory_space<vmem>> -> memref<1x4x8x128xf32, #tpu.memory_space<vmem>>
      %dma_start3A_1540 = tpu.memref_squeeze %dma_start3A_1539 : memref<1x4x8x128xf32, #tpu.memory_space<vmem>> -> memref<4x8x128xf32, #tpu.memory_space<vmem>>
      %dma_start3A_1541 = arith.constant 0 : i32
      %dma_start3A_1542 = arith.constant 0 : i32
      %dma_start3A_1543 = tpu.memref_slice %dma_start3A_1540[%dma_start3A_1492, %dma_start3A_1541, %dma_start3A_1542] : memref<4x8x128xf32, #tpu.memory_space<vmem>> -> memref<1x8x128xf32, #tpu.memory_space<vmem>>
      %dma_start3A_1544 = tpu.memref_squeeze %dma_start3A_1543 : memref<1x8x128xf32, #tpu.memory_space<vmem>> -> memref<8x128xf32, #tpu.memory_space<vmem>>
      tpu.enqueue_dma source(%dma_start3A_1544 : memref<8x128xf32, #tpu.memory_space<vmem>>) target(%dma_start3A_1535 : memref<8x128xf32, #tpu.memory_space<hbm>>) target_semaphore(%dma_start3A_1520 : memref<!tpu.dma_semaphore, #tpu.memory_space<semaphore_mem>>)
      %mul3A_1545 = arith.constant 4 : i32
      %mul3A_1546 = arith.muli %scan3A_971, %mul3A_1545 : i32
      %add3A_1547 = arith.constant 2 : i32
      %add3A_1548 = arith.addi %mul3A_1546, %add3A_1547 : i32
      %add3A_1549 = arith.addi %mul3A_2, %add3A_1548 : i32
      %jit3A_1550 = arith.constant 128 : i32
      %div3A_1551 = arith.divsi %add3A_1549, %jit3A_1550 : i32
      %sign3A_1552 = arith.constant 0 : i32
      %sign3A_1553 = arith.cmpi sgt, %add3A_1549, %sign3A_1552 : i32
      %sign3A_1554 = arith.extui %sign3A_1553 : i1 to i32
      %sign3A_1555 = arith.constant 0 : i32
      %sign3A_1556 = arith.cmpi slt, %add3A_1549, %sign3A_1555 : i32
      %sign3A_1557 = arith.extui %sign3A_1556 : i1 to i32
      %sign3A_1558 = arith.subi %sign3A_1554, %sign3A_1557 : i32
      %sign3A_1559 = arith.constant 0 : i32
      %sign3A_1560 = arith.cmpi sgt, %jit3A_1550, %sign3A_1559 : i32
      %sign3A_1561 = arith.extui %sign3A_1560 : i1 to i32
      %sign3A_1562 = arith.constant 0 : i32
      %sign3A_1563 = arith.cmpi slt, %jit3A_1550, %sign3A_1562 : i32
      %sign3A_1564 = arith.extui %sign3A_1563 : i1 to i32
      %sign3A_1565 = arith.subi %sign3A_1561, %sign3A_1564 : i32
      %ne3A_1566 = arith.cmpi ne, %sign3A_1558, %sign3A_1565 : i32
      %rem3A_1567 = arith.remsi %add3A_1549, %jit3A_1550 : i32
      %ne3A_1568 = arith.constant 0 : i32
      %ne3A_1569 = arith.cmpi ne, %rem3A_1567, %ne3A_1568 : i32
      %and3A_1570 = arith.andi %ne3A_1566, %ne3A_1569 : i1
      %sub3A_1571 = arith.constant 1 : i32
      %sub3A_1572 = arith.subi %div3A_1551, %sub3A_1571 : i32
      %select_n3A_1573 = arith.select %and3A_1570, %sub3A_1572, %div3A_1551 : i32
      %jit3A_1574 = arith.constant 128 : i32
      %eq3A_1575 = arith.constant 0 : i32
      %eq3A_1576 = arith.cmpi eq, %jit3A_1574, %eq3A_1575 : i32
      %jit3A_1577 = arith.constant 1 : i32
      %select_n3A_1578 = arith.select %eq3A_1576, %jit3A_1577, %jit3A_1574 : i32
      %rem3A_1579 = arith.remsi %add3A_1549, %select_n3A_1578 : i32
      %ne3A_1580 = arith.constant 0 : i32
      %ne3A_1581 = arith.cmpi ne, %rem3A_1579, %ne3A_1580 : i32
      %lt3A_1582 = arith.constant 0 : i32
      %lt3A_1583 = arith.cmpi slt, %rem3A_1579, %lt3A_1582 : i32
      %lt3A_1584 = arith.constant 0 : i32
      %lt3A_1585 = arith.cmpi slt, %select_n3A_1578, %lt3A_1584 : i32
      %ne3A_1586 = arith.xori %lt3A_1583, %lt3A_1585 : i1
      %and3A_1587 = arith.andi %ne3A_1586, %ne3A_1581 : i1
      %add3A_1588 = arith.addi %rem3A_1579, %select_n3A_1578 : i32
      %select_n3A_1589 = arith.select %and3A_1587, %add3A_1588, %rem3A_1579 : i32
      %add3A_1590 = arith.constant 4 : i32
      %add3A_1591 = arith.addi %add3A_1548, %add3A_1590 : i32
      %sub3A_1592 = arith.constant 1 : i32
      %sub3A_1593 = arith.subi %add3A_1591, %sub3A_1592 : i32
      %lt3A_1594 = arith.constant 200 : i32
      %lt3A_1595 = arith.cmpi slt, %sub3A_1593, %lt3A_1594 : i32
      %convert_element_type3A_1596 = arith.extui %lt3A_1595 : i1 to i32
      %cond3A_1597 = arith.constant 0 : i32
      %cond3A_1598 = arith.cmpi ne, %convert_element_type3A_1596, %cond3A_1597 : i32
      scf.if %cond3A_1598 {
        %add3A_2131 = arith.constant 4 : i32
        %add3A_2132 = arith.addi %add3A_1548, %add3A_2131 : i32
        %sub3A_2133 = arith.constant 1 : i32
        %sub3A_2134 = arith.subi %add3A_2132, %sub3A_2133 : i32
        %dma_start3A_2135 = arith.constant 1 : i32
        %dma_start3A_2136 = arith.constant 1 : i32
        %dma_start3A_2137 = arith.constant 0 : i32
        %dma_start3A_2138 = arith.constant 0 : i32
        %dma_start3A_2139 = tpu.memref_slice %arg6[%dma_start3A_2135, %dma_start3A_2137, %dma_start3A_2138] : memref<4x128x32xf32, #tpu.memory_space<vmem>> -> memref<1x128x32xf32, #tpu.memory_space<vmem>>
        %dma_start3A_2140 = tpu.memref_squeeze %dma_start3A_2139 : memref<1x128x32xf32, #tpu.memory_space<vmem>> -> memref<128x32xf32, #tpu.memory_space<vmem>>
        %dma_start3A_2141 = arith.constant 0 : i32
        %dma_start3A_2142 = tpu.memref_slice %arg5[%sub3A_2134, %dma_start3A_2141] : memref<200x128xi32, #tpu.memory_space<vmem>> -> memref<1x128xi32, #tpu.memory_space<vmem>>
        %dma_start3A_2143 = tpu.memref_squeeze %dma_start3A_2142 : memref<1x128xi32, #tpu.memory_space<vmem>> -> memref<128xi32, #tpu.memory_space<vmem>>
        %dma_start3A_2144 = arith.constant 0 : i32
        %dma_start3A_2145 = arith.constant 0 : i32
        %dma_start3A_2146 = tpu.memref_slice %arg3[%dma_start3A_2144, %dma_start3A_2145] : memref<1000000x32xf32, #tpu.memory_space<hbm>> -> memref<1000000x32xf32, #tpu.memory_space<hbm>>
        %dma_start3A_2147 = tpu.memref_slice %arg8[%dma_start3A_2136] : memref<4x!tpu.dma_semaphore, #tpu.memory_space<semaphore_mem>> -> memref<1x!tpu.dma_semaphore, #tpu.memory_space<semaphore_mem>>
        %dma_start3A_2148 = tpu.memref_squeeze %dma_start3A_2147 : memref<1x!tpu.dma_semaphore, #tpu.memory_space<semaphore_mem>> -> memref<!tpu.dma_semaphore, #tpu.memory_space<semaphore_mem>>
        tpu.enqueue_indirect_dma source(%dma_start3A_2146 : memref<1000000x32xf32, #tpu.memory_space<hbm>>) target(%dma_start3A_2140 : memref<128x32xf32, #tpu.memory_space<vmem>>) offsets(%dma_start3A_2143 : memref<128xi32, #tpu.memory_space<vmem>>) semaphore(%dma_start3A_2148 : memref<!tpu.dma_semaphore, #tpu.memory_space<semaphore_mem>>)
      } else {
      }
      %dma_wait3A_1599 = arith.constant 2 : i32
      %dma_wait3A_1600 = arith.constant 2 : i32
      %dma_wait3A_1601 = arith.constant 0 : i32
      %dma_wait3A_1602 = arith.constant 0 : i32
      %dma_wait3A_1603 = tpu.memref_slice %arg6[%dma_wait3A_1599, %dma_wait3A_1601, %dma_wait3A_1602] : memref<4x128x32xf32, #tpu.memory_space<vmem>> -> memref<1x128x32xf32, #tpu.memory_space<vmem>>
      %dma_wait3A_1604 = tpu.memref_squeeze %dma_wait3A_1603 : memref<1x128x32xf32, #tpu.memory_space<vmem>> -> memref<128x32xf32, #tpu.memory_space<vmem>>
      %dma_wait3A_1605 = arith.constant 0 : i32
      %dma_wait3A_1606 = arith.constant 0 : i32
      %dma_wait3A_1607 = tpu.memref_slice %arg3[%dma_wait3A_1605, %dma_wait3A_1606] : memref<1000000x32xf32, #tpu.memory_space<hbm>> -> memref<128x32xf32, #tpu.memory_space<hbm>>
      %dma_wait3A_1608 = tpu.memref_slice %arg8[%dma_wait3A_1600] : memref<4x!tpu.dma_semaphore, #tpu.memory_space<semaphore_mem>> -> memref<1x!tpu.dma_semaphore, #tpu.memory_space<semaphore_mem>>
      %dma_wait3A_1609 = tpu.memref_squeeze %dma_wait3A_1608 : memref<1x!tpu.dma_semaphore, #tpu.memory_space<semaphore_mem>> -> memref<!tpu.dma_semaphore, #tpu.memory_space<semaphore_mem>>
      %dma_wait3A_1610 = arith.constant 0 : i32
      %dma_wait3A_1611 = arith.constant 0 : i32
      %dma_wait3A_1612 = tpu.memref_slice %arg6[%dma_wait3A_1599, %dma_wait3A_1610, %dma_wait3A_1611] : memref<4x128x32xf32, #tpu.memory_space<vmem>> -> memref<1x128x32xf32, #tpu.memory_space<vmem>>
      %dma_wait3A_1613 = tpu.memref_squeeze %dma_wait3A_1612 : memref<1x128x32xf32, #tpu.memory_space<vmem>> -> memref<128x32xf32, #tpu.memory_space<vmem>>
      %dma_wait3A_1614 = arith.constant 0 : i32
      %dma_wait3A_1615 = arith.constant 0 : i32
      %dma_wait3A_1616 = tpu.memref_slice %arg3[%dma_wait3A_1614, %dma_wait3A_1615] : memref<1000000x32xf32, #tpu.memory_space<hbm>> -> memref<128x32xf32, #tpu.memory_space<hbm>>
      tpu.wait_dma2 semaphore(%dma_wait3A_1609 : memref<!tpu.dma_semaphore, #tpu.memory_space<semaphore_mem>>) src(%dma_wait3A_1616 : memref<128x32xf32, #tpu.memory_space<hbm>>) dst(%dma_wait3A_1613 : memref<128x32xf32, #tpu.memory_space<vmem>>)
      %ge3A_1617 = arith.constant 4 : i32
      %ge3A_1618 = arith.cmpi sge, %add3A_1548, %ge3A_1617 : i32
      %convert_element_type3A_1619 = arith.extui %ge3A_1618 : i1 to i32
      %cond3A_1620 = arith.constant 0 : i32
      %cond3A_1621 = arith.cmpi ne, %convert_element_type3A_1619, %cond3A_1620 : i32
      scf.if %cond3A_1621 {
        %dma_wait3A_2131 = arith.constant 0 : i32
        %dma_wait3A_2132 = arith.constant 0 : i32
        %dma_wait3A_2133 = arith.constant 0 : i32
        %dma_wait3A_2134 = arith.constant 2 : i32
        %dma_wait3A_2135 = arith.constant 0 : i32
        %dma_wait3A_2136 = arith.constant 2 : i32
        %dma_wait3A_2137 = arith.constant 0 : i32
        %dma_wait3A_2138 = arith.constant 0 : i32
        %dma_wait3A_2139 = arith.constant 0 : i32
        %dma_wait3A_2140 = tpu.memref_slice %arg7[%dma_wait3A_2134, %dma_wait3A_2137, %dma_wait3A_2138, %dma_wait3A_2139] : memref<4x4x8x128xf32, #tpu.memory_space<vmem>> -> memref<1x4x8x128xf32, #tpu.memory_space<vmem>>
        %dma_wait3A_2141 = tpu.memref_squeeze %dma_wait3A_2140 : memref<1x4x8x128xf32, #tpu.memory_space<vmem>> -> memref<4x8x128xf32, #tpu.memory_space<vmem>>
        %dma_wait3A_2142 = arith.constant 0 : i32
        %dma_wait3A_2143 = arith.constant 0 : i32
        %dma_wait3A_2144 = tpu.memref_slice %dma_wait3A_2141[%dma_wait3A_2135, %dma_wait3A_2142, %dma_wait3A_2143] : memref<4x8x128xf32, #tpu.memory_space<vmem>> -> memref<1x8x128xf32, #tpu.memory_space<vmem>>
        %dma_wait3A_2145 = tpu.memref_squeeze %dma_wait3A_2144 : memref<1x8x128xf32, #tpu.memory_space<vmem>> -> memref<8x128xf32, #tpu.memory_space<vmem>>
        %dma_wait3A_2146 = arith.constant 0 : i32
        %dma_wait3A_2147 = arith.constant 0 : i32
        %dma_wait3A_2148 = arith.constant 0 : i32
        %dma_wait3A_2149 = arith.constant 0 : i32
        %dma_wait3A_2150 = tpu.memref_slice %arg4[%dma_wait3A_2131, %dma_wait3A_2146, %dma_wait3A_2147, %dma_wait3A_2148, %dma_wait3A_2149] : memref<50x4x128x8x128xf32, #tpu.memory_space<hbm>> -> memref<1x4x128x8x128xf32, #tpu.memory_space<hbm>>
        %dma_wait3A_2151 = tpu.memref_squeeze %dma_wait3A_2150 : memref<1x4x128x8x128xf32, #tpu.memory_space<hbm>> -> memref<4x128x8x128xf32, #tpu.memory_space<hbm>>
        %dma_wait3A_2152 = arith.constant 0 : i32
        %dma_wait3A_2153 = arith.constant 0 : i32
        %dma_wait3A_2154 = arith.constant 0 : i32
        %dma_wait3A_2155 = tpu.memref_slice %dma_wait3A_2151[%dma_wait3A_2132, %dma_wait3A_2152, %dma_wait3A_2153, %dma_wait3A_2154] : memref<4x128x8x128xf32, #tpu.memory_space<hbm>> -> memref<1x128x8x128xf32, #tpu.memory_space<hbm>>
        %dma_wait3A_2156 = tpu.memref_squeeze %dma_wait3A_2155 : memref<1x128x8x128xf32, #tpu.memory_space<hbm>> -> memref<128x8x128xf32, #tpu.memory_space<hbm>>
        %dma_wait3A_2157 = arith.constant 0 : i32
        %dma_wait3A_2158 = arith.constant 0 : i32
        %dma_wait3A_2159 = tpu.memref_slice %dma_wait3A_2156[%dma_wait3A_2133, %dma_wait3A_2157, %dma_wait3A_2158] : memref<128x8x128xf32, #tpu.memory_space<hbm>> -> memref<1x8x128xf32, #tpu.memory_space<hbm>>
        %dma_wait3A_2160 = tpu.memref_squeeze %dma_wait3A_2159 : memref<1x8x128xf32, #tpu.memory_space<hbm>> -> memref<8x128xf32, #tpu.memory_space<hbm>>
        %dma_wait3A_2161 = tpu.memref_slice %arg9[%dma_wait3A_2136] : memref<4x!tpu.dma_semaphore, #tpu.memory_space<semaphore_mem>> -> memref<1x!tpu.dma_semaphore, #tpu.memory_space<semaphore_mem>>
        %dma_wait3A_2162 = tpu.memref_squeeze %dma_wait3A_2161 : memref<1x!tpu.dma_semaphore, #tpu.memory_space<semaphore_mem>> -> memref<!tpu.dma_semaphore, #tpu.memory_space<semaphore_mem>>
        %dma_wait3A_2163 = arith.constant 0 : i32
        %dma_wait3A_2164 = arith.constant 0 : i32
        %dma_wait3A_2165 = arith.constant 0 : i32
        %dma_wait3A_2166 = tpu.memref_slice %arg7[%dma_wait3A_2134, %dma_wait3A_2163, %dma_wait3A_2164, %dma_wait3A_2165] : memref<4x4x8x128xf32, #tpu.memory_space<vmem>> -> memref<1x4x8x128xf32, #tpu.memory_space<vmem>>
        %dma_wait3A_2167 = tpu.memref_squeeze %dma_wait3A_2166 : memref<1x4x8x128xf32, #tpu.memory_space<vmem>> -> memref<4x8x128xf32, #tpu.memory_space<vmem>>
        %dma_wait3A_2168 = arith.constant 0 : i32
        %dma_wait3A_2169 = arith.constant 0 : i32
        %dma_wait3A_2170 = tpu.memref_slice %dma_wait3A_2167[%dma_wait3A_2135, %dma_wait3A_2168, %dma_wait3A_2169] : memref<4x8x128xf32, #tpu.memory_space<vmem>> -> memref<1x8x128xf32, #tpu.memory_space<vmem>>
        %dma_wait3A_2171 = tpu.memref_squeeze %dma_wait3A_2170 : memref<1x8x128xf32, #tpu.memory_space<vmem>> -> memref<8x128xf32, #tpu.memory_space<vmem>>
        %dma_wait3A_2172 = arith.constant 0 : i32
        %dma_wait3A_2173 = arith.constant 0 : i32
        %dma_wait3A_2174 = arith.constant 0 : i32
        %dma_wait3A_2175 = arith.constant 0 : i32
        %dma_wait3A_2176 = tpu.memref_slice %arg4[%dma_wait3A_2131, %dma_wait3A_2172, %dma_wait3A_2173, %dma_wait3A_2174, %dma_wait3A_2175] : memref<50x4x128x8x128xf32, #tpu.memory_space<hbm>> -> memref<1x4x128x8x128xf32, #tpu.memory_space<hbm>>
        %dma_wait3A_2177 = tpu.memref_squeeze %dma_wait3A_2176 : memref<1x4x128x8x128xf32, #tpu.memory_space<hbm>> -> memref<4x128x8x128xf32, #tpu.memory_space<hbm>>
        %dma_wait3A_2178 = arith.constant 0 : i32
        %dma_wait3A_2179 = arith.constant 0 : i32
        %dma_wait3A_2180 = arith.constant 0 : i32
        %dma_wait3A_2181 = tpu.memref_slice %dma_wait3A_2177[%dma_wait3A_2132, %dma_wait3A_2178, %dma_wait3A_2179, %dma_wait3A_2180] : memref<4x128x8x128xf32, #tpu.memory_space<hbm>> -> memref<1x128x8x128xf32, #tpu.memory_space<hbm>>
        %dma_wait3A_2182 = tpu.memref_squeeze %dma_wait3A_2181 : memref<1x128x8x128xf32, #tpu.memory_space<hbm>> -> memref<128x8x128xf32, #tpu.memory_space<hbm>>
        %dma_wait3A_2183 = arith.constant 0 : i32
        %dma_wait3A_2184 = arith.constant 0 : i32
        %dma_wait3A_2185 = tpu.memref_slice %dma_wait3A_2182[%dma_wait3A_2133, %dma_wait3A_2183, %dma_wait3A_2184] : memref<128x8x128xf32, #tpu.memory_space<hbm>> -> memref<1x8x128xf32, #tpu.memory_space<hbm>>
        %dma_wait3A_2186 = tpu.memref_squeeze %dma_wait3A_2185 : memref<1x8x128xf32, #tpu.memory_space<hbm>> -> memref<8x128xf32, #tpu.memory_space<hbm>>
        tpu.wait_dma2 semaphore(%dma_wait3A_2162 : memref<!tpu.dma_semaphore, #tpu.memory_space<semaphore_mem>>) src(%dma_wait3A_2186 : memref<8x128xf32, #tpu.memory_space<hbm>>) dst(%dma_wait3A_2171 : memref<8x128xf32, #tpu.memory_space<vmem>>)
        %dma_wait3A_2187 = arith.constant 0 : i32
        %dma_wait3A_2188 = arith.constant 0 : i32
        %dma_wait3A_2189 = arith.constant 0 : i32
        %dma_wait3A_2190 = arith.constant 2 : i32
        %dma_wait3A_2191 = arith.constant 1 : i32
        %dma_wait3A_2192 = arith.constant 2 : i32
        %dma_wait3A_2193 = arith.constant 0 : i32
        %dma_wait3A_2194 = arith.constant 0 : i32
        %dma_wait3A_2195 = arith.constant 0 : i32
        %dma_wait3A_2196 = tpu.memref_slice %arg7[%dma_wait3A_2190, %dma_wait3A_2193, %dma_wait3A_2194, %dma_wait3A_2195] : memref<4x4x8x128xf32, #tpu.memory_space<vmem>> -> memref<1x4x8x128xf32, #tpu.memory_space<vmem>>
        %dma_wait3A_2197 = tpu.memref_squeeze %dma_wait3A_2196 : memref<1x4x8x128xf32, #tpu.memory_space<vmem>> -> memref<4x8x128xf32, #tpu.memory_space<vmem>>
        %dma_wait3A_2198 = arith.constant 0 : i32
        %dma_wait3A_2199 = arith.constant 0 : i32
        %dma_wait3A_2200 = tpu.memref_slice %dma_wait3A_2197[%dma_wait3A_2191, %dma_wait3A_2198, %dma_wait3A_2199] : memref<4x8x128xf32, #tpu.memory_space<vmem>> -> memref<1x8x128xf32, #tpu.memory_space<vmem>>
        %dma_wait3A_2201 = tpu.memref_squeeze %dma_wait3A_2200 : memref<1x8x128xf32, #tpu.memory_space<vmem>> -> memref<8x128xf32, #tpu.memory_space<vmem>>
        %dma_wait3A_2202 = arith.constant 0 : i32
        %dma_wait3A_2203 = arith.constant 0 : i32
        %dma_wait3A_2204 = arith.constant 0 : i32
        %dma_wait3A_2205 = arith.constant 0 : i32
        %dma_wait3A_2206 = tpu.memref_slice %arg4[%dma_wait3A_2187, %dma_wait3A_2202, %dma_wait3A_2203, %dma_wait3A_2204, %dma_wait3A_2205] : memref<50x4x128x8x128xf32, #tpu.memory_space<hbm>> -> memref<1x4x128x8x128xf32, #tpu.memory_space<hbm>>
        %dma_wait3A_2207 = tpu.memref_squeeze %dma_wait3A_2206 : memref<1x4x128x8x128xf32, #tpu.memory_space<hbm>> -> memref<4x128x8x128xf32, #tpu.memory_space<hbm>>
        %dma_wait3A_2208 = arith.constant 0 : i32
        %dma_wait3A_2209 = arith.constant 0 : i32
        %dma_wait3A_2210 = arith.constant 0 : i32
        %dma_wait3A_2211 = tpu.memref_slice %dma_wait3A_2207[%dma_wait3A_2188, %dma_wait3A_2208, %dma_wait3A_2209, %dma_wait3A_2210] : memref<4x128x8x128xf32, #tpu.memory_space<hbm>> -> memref<1x128x8x128xf32, #tpu.memory_space<hbm>>
        %dma_wait3A_2212 = tpu.memref_squeeze %dma_wait3A_2211 : memref<1x128x8x128xf32, #tpu.memory_space<hbm>> -> memref<128x8x128xf32, #tpu.memory_space<hbm>>
        %dma_wait3A_2213 = arith.constant 0 : i32
        %dma_wait3A_2214 = arith.constant 0 : i32
        %dma_wait3A_2215 = tpu.memref_slice %dma_wait3A_2212[%dma_wait3A_2189, %dma_wait3A_2213, %dma_wait3A_2214] : memref<128x8x128xf32, #tpu.memory_space<hbm>> -> memref<1x8x128xf32, #tpu.memory_space<hbm>>
        %dma_wait3A_2216 = tpu.memref_squeeze %dma_wait3A_2215 : memref<1x8x128xf32, #tpu.memory_space<hbm>> -> memref<8x128xf32, #tpu.memory_space<hbm>>
        %dma_wait3A_2217 = tpu.memref_slice %arg9[%dma_wait3A_2192] : memref<4x!tpu.dma_semaphore, #tpu.memory_space<semaphore_mem>> -> memref<1x!tpu.dma_semaphore, #tpu.memory_space<semaphore_mem>>
        %dma_wait3A_2218 = tpu.memref_squeeze %dma_wait3A_2217 : memref<1x!tpu.dma_semaphore, #tpu.memory_space<semaphore_mem>> -> memref<!tpu.dma_semaphore, #tpu.memory_space<semaphore_mem>>
        %dma_wait3A_2219 = arith.constant 0 : i32
        %dma_wait3A_2220 = arith.constant 0 : i32
        %dma_wait3A_2221 = arith.constant 0 : i32
        %dma_wait3A_2222 = tpu.memref_slice %arg7[%dma_wait3A_2190, %dma_wait3A_2219, %dma_wait3A_2220, %dma_wait3A_2221] : memref<4x4x8x128xf32, #tpu.memory_space<vmem>> -> memref<1x4x8x128xf32, #tpu.memory_space<vmem>>
        %dma_wait3A_2223 = tpu.memref_squeeze %dma_wait3A_2222 : memref<1x4x8x128xf32, #tpu.memory_space<vmem>> -> memref<4x8x128xf32, #tpu.memory_space<vmem>>
        %dma_wait3A_2224 = arith.constant 0 : i32
        %dma_wait3A_2225 = arith.constant 0 : i32
        %dma_wait3A_2226 = tpu.memref_slice %dma_wait3A_2223[%dma_wait3A_2191, %dma_wait3A_2224, %dma_wait3A_2225] : memref<4x8x128xf32, #tpu.memory_space<vmem>> -> memref<1x8x128xf32, #tpu.memory_space<vmem>>
        %dma_wait3A_2227 = tpu.memref_squeeze %dma_wait3A_2226 : memref<1x8x128xf32, #tpu.memory_space<vmem>> -> memref<8x128xf32, #tpu.memory_space<vmem>>
        %dma_wait3A_2228 = arith.constant 0 : i32
        %dma_wait3A_2229 = arith.constant 0 : i32
        %dma_wait3A_2230 = arith.constant 0 : i32
        %dma_wait3A_2231 = arith.constant 0 : i32
        %dma_wait3A_2232 = tpu.memref_slice %arg4[%dma_wait3A_2187, %dma_wait3A_2228, %dma_wait3A_2229, %dma_wait3A_2230, %dma_wait3A_2231] : memref<50x4x128x8x128xf32, #tpu.memory_space<hbm>> -> memref<1x4x128x8x128xf32, #tpu.memory_space<hbm>>
        %dma_wait3A_2233 = tpu.memref_squeeze %dma_wait3A_2232 : memref<1x4x128x8x128xf32, #tpu.memory_space<hbm>> -> memref<4x128x8x128xf32, #tpu.memory_space<hbm>>
        %dma_wait3A_2234 = arith.constant 0 : i32
        %dma_wait3A_2235 = arith.constant 0 : i32
        %dma_wait3A_2236 = arith.constant 0 : i32
        %dma_wait3A_2237 = tpu.memref_slice %dma_wait3A_2233[%dma_wait3A_2188, %dma_wait3A_2234, %dma_wait3A_2235, %dma_wait3A_2236] : memref<4x128x8x128xf32, #tpu.memory_space<hbm>> -> memref<1x128x8x128xf32, #tpu.memory_space<hbm>>
        %dma_wait3A_2238 = tpu.memref_squeeze %dma_wait3A_2237 : memref<1x128x8x128xf32, #tpu.memory_space<hbm>> -> memref<128x8x128xf32, #tpu.memory_space<hbm>>
        %dma_wait3A_2239 = arith.constant 0 : i32
        %dma_wait3A_2240 = arith.constant 0 : i32
        %dma_wait3A_2241 = tpu.memref_slice %dma_wait3A_2238[%dma_wait3A_2189, %dma_wait3A_2239, %dma_wait3A_2240] : memref<128x8x128xf32, #tpu.memory_space<hbm>> -> memref<1x8x128xf32, #tpu.memory_space<hbm>>
        %dma_wait3A_2242 = tpu.memref_squeeze %dma_wait3A_2241 : memref<1x8x128xf32, #tpu.memory_space<hbm>> -> memref<8x128xf32, #tpu.memory_space<hbm>>
        tpu.wait_dma2 semaphore(%dma_wait3A_2218 : memref<!tpu.dma_semaphore, #tpu.memory_space<semaphore_mem>>) src(%dma_wait3A_2242 : memref<8x128xf32, #tpu.memory_space<hbm>>) dst(%dma_wait3A_2227 : memref<8x128xf32, #tpu.memory_space<vmem>>)
        %dma_wait3A_2243 = arith.constant 0 : i32
        %dma_wait3A_2244 = arith.constant 0 : i32
        %dma_wait3A_2245 = arith.constant 0 : i32
        %dma_wait3A_2246 = arith.constant 2 : i32
        %dma_wait3A_2247 = arith.constant 2 : i32
        %dma_wait3A_2248 = arith.constant 2 : i32
        %dma_wait3A_2249 = arith.constant 0 : i32
        %dma_wait3A_2250 = arith.constant 0 : i32
        %dma_wait3A_2251 = arith.constant 0 : i32
        %dma_wait3A_2252 = tpu.memref_slice %arg7[%dma_wait3A_2246, %dma_wait3A_2249, %dma_wait3A_2250, %dma_wait3A_2251] : memref<4x4x8x128xf32, #tpu.memory_space<vmem>> -> memref<1x4x8x128xf32, #tpu.memory_space<vmem>>
        %dma_wait3A_2253 = tpu.memref_squeeze %dma_wait3A_2252 : memref<1x4x8x128xf32, #tpu.memory_space<vmem>> -> memref<4x8x128xf32, #tpu.memory_space<vmem>>
        %dma_wait3A_2254 = arith.constant 0 : i32
        %dma_wait3A_2255 = arith.constant 0 : i32
        %dma_wait3A_2256 = tpu.memref_slice %dma_wait3A_2253[%dma_wait3A_2247, %dma_wait3A_2254, %dma_wait3A_2255] : memref<4x8x128xf32, #tpu.memory_space<vmem>> -> memref<1x8x128xf32, #tpu.memory_space<vmem>>
        %dma_wait3A_2257 = tpu.memref_squeeze %dma_wait3A_2256 : memref<1x8x128xf32, #tpu.memory_space<vmem>> -> memref<8x128xf32, #tpu.memory_space<vmem>>
        %dma_wait3A_2258 = arith.constant 0 : i32
        %dma_wait3A_2259 = arith.constant 0 : i32
        %dma_wait3A_2260 = arith.constant 0 : i32
        %dma_wait3A_2261 = arith.constant 0 : i32
        %dma_wait3A_2262 = tpu.memref_slice %arg4[%dma_wait3A_2243, %dma_wait3A_2258, %dma_wait3A_2259, %dma_wait3A_2260, %dma_wait3A_2261] : memref<50x4x128x8x128xf32, #tpu.memory_space<hbm>> -> memref<1x4x128x8x128xf32, #tpu.memory_space<hbm>>
        %dma_wait3A_2263 = tpu.memref_squeeze %dma_wait3A_2262 : memref<1x4x128x8x128xf32, #tpu.memory_space<hbm>> -> memref<4x128x8x128xf32, #tpu.memory_space<hbm>>
        %dma_wait3A_2264 = arith.constant 0 : i32
        %dma_wait3A_2265 = arith.constant 0 : i32
        %dma_wait3A_2266 = arith.constant 0 : i32
        %dma_wait3A_2267 = tpu.memref_slice %dma_wait3A_2263[%dma_wait3A_2244, %dma_wait3A_2264, %dma_wait3A_2265, %dma_wait3A_2266] : memref<4x128x8x128xf32, #tpu.memory_space<hbm>> -> memref<1x128x8x128xf32, #tpu.memory_space<hbm>>
        %dma_wait3A_2268 = tpu.memref_squeeze %dma_wait3A_2267 : memref<1x128x8x128xf32, #tpu.memory_space<hbm>> -> memref<128x8x128xf32, #tpu.memory_space<hbm>>
        %dma_wait3A_2269 = arith.constant 0 : i32
        %dma_wait3A_2270 = arith.constant 0 : i32
        %dma_wait3A_2271 = tpu.memref_slice %dma_wait3A_2268[%dma_wait3A_2245, %dma_wait3A_2269, %dma_wait3A_2270] : memref<128x8x128xf32, #tpu.memory_space<hbm>> -> memref<1x8x128xf32, #tpu.memory_space<hbm>>
        %dma_wait3A_2272 = tpu.memref_squeeze %dma_wait3A_2271 : memref<1x8x128xf32, #tpu.memory_space<hbm>> -> memref<8x128xf32, #tpu.memory_space<hbm>>
        %dma_wait3A_2273 = tpu.memref_slice %arg9[%dma_wait3A_2248] : memref<4x!tpu.dma_semaphore, #tpu.memory_space<semaphore_mem>> -> memref<1x!tpu.dma_semaphore, #tpu.memory_space<semaphore_mem>>
        %dma_wait3A_2274 = tpu.memref_squeeze %dma_wait3A_2273 : memref<1x!tpu.dma_semaphore, #tpu.memory_space<semaphore_mem>> -> memref<!tpu.dma_semaphore, #tpu.memory_space<semaphore_mem>>
        %dma_wait3A_2275 = arith.constant 0 : i32
        %dma_wait3A_2276 = arith.constant 0 : i32
        %dma_wait3A_2277 = arith.constant 0 : i32
        %dma_wait3A_2278 = tpu.memref_slice %arg7[%dma_wait3A_2246, %dma_wait3A_2275, %dma_wait3A_2276, %dma_wait3A_2277] : memref<4x4x8x128xf32, #tpu.memory_space<vmem>> -> memref<1x4x8x128xf32, #tpu.memory_space<vmem>>
        %dma_wait3A_2279 = tpu.memref_squeeze %dma_wait3A_2278 : memref<1x4x8x128xf32, #tpu.memory_space<vmem>> -> memref<4x8x128xf32, #tpu.memory_space<vmem>>
        %dma_wait3A_2280 = arith.constant 0 : i32
        %dma_wait3A_2281 = arith.constant 0 : i32
        %dma_wait3A_2282 = tpu.memref_slice %dma_wait3A_2279[%dma_wait3A_2247, %dma_wait3A_2280, %dma_wait3A_2281] : memref<4x8x128xf32, #tpu.memory_space<vmem>> -> memref<1x8x128xf32, #tpu.memory_space<vmem>>
        %dma_wait3A_2283 = tpu.memref_squeeze %dma_wait3A_2282 : memref<1x8x128xf32, #tpu.memory_space<vmem>> -> memref<8x128xf32, #tpu.memory_space<vmem>>
        %dma_wait3A_2284 = arith.constant 0 : i32
        %dma_wait3A_2285 = arith.constant 0 : i32
        %dma_wait3A_2286 = arith.constant 0 : i32
        %dma_wait3A_2287 = arith.constant 0 : i32
        %dma_wait3A_2288 = tpu.memref_slice %arg4[%dma_wait3A_2243, %dma_wait3A_2284, %dma_wait3A_2285, %dma_wait3A_2286, %dma_wait3A_2287] : memref<50x4x128x8x128xf32, #tpu.memory_space<hbm>> -> memref<1x4x128x8x128xf32, #tpu.memory_space<hbm>>
        %dma_wait3A_2289 = tpu.memref_squeeze %dma_wait3A_2288 : memref<1x4x128x8x128xf32, #tpu.memory_space<hbm>> -> memref<4x128x8x128xf32, #tpu.memory_space<hbm>>
        %dma_wait3A_2290 = arith.constant 0 : i32
        %dma_wait3A_2291 = arith.constant 0 : i32
        %dma_wait3A_2292 = arith.constant 0 : i32
        %dma_wait3A_2293 = tpu.memref_slice %dma_wait3A_2289[%dma_wait3A_2244, %dma_wait3A_2290, %dma_wait3A_2291, %dma_wait3A_2292] : memref<4x128x8x128xf32, #tpu.memory_space<hbm>> -> memref<1x128x8x128xf32, #tpu.memory_space<hbm>>
        %dma_wait3A_2294 = tpu.memref_squeeze %dma_wait3A_2293 : memref<1x128x8x128xf32, #tpu.memory_space<hbm>> -> memref<128x8x128xf32, #tpu.memory_space<hbm>>
        %dma_wait3A_2295 = arith.constant 0 : i32
        %dma_wait3A_2296 = arith.constant 0 : i32
        %dma_wait3A_2297 = tpu.memref_slice %dma_wait3A_2294[%dma_wait3A_2245, %dma_wait3A_2295, %dma_wait3A_2296] : memref<128x8x128xf32, #tpu.memory_space<hbm>> -> memref<1x8x128xf32, #tpu.memory_space<hbm>>
        %dma_wait3A_2298 = tpu.memref_squeeze %dma_wait3A_2297 : memref<1x8x128xf32, #tpu.memory_space<hbm>> -> memref<8x128xf32, #tpu.memory_space<hbm>>
        tpu.wait_dma2 semaphore(%dma_wait3A_2274 : memref<!tpu.dma_semaphore, #tpu.memory_space<semaphore_mem>>) src(%dma_wait3A_2298 : memref<8x128xf32, #tpu.memory_space<hbm>>) dst(%dma_wait3A_2283 : memref<8x128xf32, #tpu.memory_space<vmem>>)
        %dma_wait3A_2299 = arith.constant 0 : i32
        %dma_wait3A_2300 = arith.constant 0 : i32
        %dma_wait3A_2301 = arith.constant 0 : i32
        %dma_wait3A_2302 = arith.constant 2 : i32
        %dma_wait3A_2303 = arith.constant 3 : i32
        %dma_wait3A_2304 = arith.constant 2 : i32
        %dma_wait3A_2305 = arith.constant 0 : i32
        %dma_wait3A_2306 = arith.constant 0 : i32
        %dma_wait3A_2307 = arith.constant 0 : i32
        %dma_wait3A_2308 = tpu.memref_slice %arg7[%dma_wait3A_2302, %dma_wait3A_2305, %dma_wait3A_2306, %dma_wait3A_2307] : memref<4x4x8x128xf32, #tpu.memory_space<vmem>> -> memref<1x4x8x128xf32, #tpu.memory_space<vmem>>
        %dma_wait3A_2309 = tpu.memref_squeeze %dma_wait3A_2308 : memref<1x4x8x128xf32, #tpu.memory_space<vmem>> -> memref<4x8x128xf32, #tpu.memory_space<vmem>>
        %dma_wait3A_2310 = arith.constant 0 : i32
        %dma_wait3A_2311 = arith.constant 0 : i32
        %dma_wait3A_2312 = tpu.memref_slice %dma_wait3A_2309[%dma_wait3A_2303, %dma_wait3A_2310, %dma_wait3A_2311] : memref<4x8x128xf32, #tpu.memory_space<vmem>> -> memref<1x8x128xf32, #tpu.memory_space<vmem>>
        %dma_wait3A_2313 = tpu.memref_squeeze %dma_wait3A_2312 : memref<1x8x128xf32, #tpu.memory_space<vmem>> -> memref<8x128xf32, #tpu.memory_space<vmem>>
        %dma_wait3A_2314 = arith.constant 0 : i32
        %dma_wait3A_2315 = arith.constant 0 : i32
        %dma_wait3A_2316 = arith.constant 0 : i32
        %dma_wait3A_2317 = arith.constant 0 : i32
        %dma_wait3A_2318 = tpu.memref_slice %arg4[%dma_wait3A_2299, %dma_wait3A_2314, %dma_wait3A_2315, %dma_wait3A_2316, %dma_wait3A_2317] : memref<50x4x128x8x128xf32, #tpu.memory_space<hbm>> -> memref<1x4x128x8x128xf32, #tpu.memory_space<hbm>>
        %dma_wait3A_2319 = tpu.memref_squeeze %dma_wait3A_2318 : memref<1x4x128x8x128xf32, #tpu.memory_space<hbm>> -> memref<4x128x8x128xf32, #tpu.memory_space<hbm>>
        %dma_wait3A_2320 = arith.constant 0 : i32
        %dma_wait3A_2321 = arith.constant 0 : i32
        %dma_wait3A_2322 = arith.constant 0 : i32
        %dma_wait3A_2323 = tpu.memref_slice %dma_wait3A_2319[%dma_wait3A_2300, %dma_wait3A_2320, %dma_wait3A_2321, %dma_wait3A_2322] : memref<4x128x8x128xf32, #tpu.memory_space<hbm>> -> memref<1x128x8x128xf32, #tpu.memory_space<hbm>>
        %dma_wait3A_2324 = tpu.memref_squeeze %dma_wait3A_2323 : memref<1x128x8x128xf32, #tpu.memory_space<hbm>> -> memref<128x8x128xf32, #tpu.memory_space<hbm>>
        %dma_wait3A_2325 = arith.constant 0 : i32
        %dma_wait3A_2326 = arith.constant 0 : i32
        %dma_wait3A_2327 = tpu.memref_slice %dma_wait3A_2324[%dma_wait3A_2301, %dma_wait3A_2325, %dma_wait3A_2326] : memref<128x8x128xf32, #tpu.memory_space<hbm>> -> memref<1x8x128xf32, #tpu.memory_space<hbm>>
        %dma_wait3A_2328 = tpu.memref_squeeze %dma_wait3A_2327 : memref<1x8x128xf32, #tpu.memory_space<hbm>> -> memref<8x128xf32, #tpu.memory_space<hbm>>
        %dma_wait3A_2329 = tpu.memref_slice %arg9[%dma_wait3A_2304] : memref<4x!tpu.dma_semaphore, #tpu.memory_space<semaphore_mem>> -> memref<1x!tpu.dma_semaphore, #tpu.memory_space<semaphore_mem>>
        %dma_wait3A_2330 = tpu.memref_squeeze %dma_wait3A_2329 : memref<1x!tpu.dma_semaphore, #tpu.memory_space<semaphore_mem>> -> memref<!tpu.dma_semaphore, #tpu.memory_space<semaphore_mem>>
        %dma_wait3A_2331 = arith.constant 0 : i32
        %dma_wait3A_2332 = arith.constant 0 : i32
        %dma_wait3A_2333 = arith.constant 0 : i32
        %dma_wait3A_2334 = tpu.memref_slice %arg7[%dma_wait3A_2302, %dma_wait3A_2331, %dma_wait3A_2332, %dma_wait3A_2333] : memref<4x4x8x128xf32, #tpu.memory_space<vmem>> -> memref<1x4x8x128xf32, #tpu.memory_space<vmem>>
        %dma_wait3A_2335 = tpu.memref_squeeze %dma_wait3A_2334 : memref<1x4x8x128xf32, #tpu.memory_space<vmem>> -> memref<4x8x128xf32, #tpu.memory_space<vmem>>
        %dma_wait3A_2336 = arith.constant 0 : i32
        %dma_wait3A_2337 = arith.constant 0 : i32
        %dma_wait3A_2338 = tpu.memref_slice %dma_wait3A_2335[%dma_wait3A_2303, %dma_wait3A_2336, %dma_wait3A_2337] : memref<4x8x128xf32, #tpu.memory_space<vmem>> -> memref<1x8x128xf32, #tpu.memory_space<vmem>>
        %dma_wait3A_2339 = tpu.memref_squeeze %dma_wait3A_2338 : memref<1x8x128xf32, #tpu.memory_space<vmem>> -> memref<8x128xf32, #tpu.memory_space<vmem>>
        %dma_wait3A_2340 = arith.constant 0 : i32
        %dma_wait3A_2341 = arith.constant 0 : i32
        %dma_wait3A_2342 = arith.constant 0 : i32
        %dma_wait3A_2343 = arith.constant 0 : i32
        %dma_wait3A_2344 = tpu.memref_slice %arg4[%dma_wait3A_2299, %dma_wait3A_2340, %dma_wait3A_2341, %dma_wait3A_2342, %dma_wait3A_2343] : memref<50x4x128x8x128xf32, #tpu.memory_space<hbm>> -> memref<1x4x128x8x128xf32, #tpu.memory_space<hbm>>
        %dma_wait3A_2345 = tpu.memref_squeeze %dma_wait3A_2344 : memref<1x4x128x8x128xf32, #tpu.memory_space<hbm>> -> memref<4x128x8x128xf32, #tpu.memory_space<hbm>>
        %dma_wait3A_2346 = arith.constant 0 : i32
        %dma_wait3A_2347 = arith.constant 0 : i32
        %dma_wait3A_2348 = arith.constant 0 : i32
        %dma_wait3A_2349 = tpu.memref_slice %dma_wait3A_2345[%dma_wait3A_2300, %dma_wait3A_2346, %dma_wait3A_2347, %dma_wait3A_2348] : memref<4x128x8x128xf32, #tpu.memory_space<hbm>> -> memref<1x128x8x128xf32, #tpu.memory_space<hbm>>
        %dma_wait3A_2350 = tpu.memref_squeeze %dma_wait3A_2349 : memref<1x128x8x128xf32, #tpu.memory_space<hbm>> -> memref<128x8x128xf32, #tpu.memory_space<hbm>>
        %dma_wait3A_2351 = arith.constant 0 : i32
        %dma_wait3A_2352 = arith.constant 0 : i32
        %dma_wait3A_2353 = tpu.memref_slice %dma_wait3A_2350[%dma_wait3A_2301, %dma_wait3A_2351, %dma_wait3A_2352] : memref<128x8x128xf32, #tpu.memory_space<hbm>> -> memref<1x8x128xf32, #tpu.memory_space<hbm>>
        %dma_wait3A_2354 = tpu.memref_squeeze %dma_wait3A_2353 : memref<1x8x128xf32, #tpu.memory_space<hbm>> -> memref<8x128xf32, #tpu.memory_space<hbm>>
        tpu.wait_dma2 semaphore(%dma_wait3A_2330 : memref<!tpu.dma_semaphore, #tpu.memory_space<semaphore_mem>>) src(%dma_wait3A_2354 : memref<8x128xf32, #tpu.memory_space<hbm>>) dst(%dma_wait3A_2339 : memref<8x128xf32, #tpu.memory_space<vmem>>)
      } else {
      }
      %dma_start3A_1622 = arith.constant 2 : i32
      %dma_start3A_1623 = arith.constant 0 : i32
      %dma_start3A_1624 = arith.constant 0 : i32
      %dma_start3A_1625 = arith.constant 2 : i32
      %dma_start3A_1626 = arith.constant 0 : i32
      %dma_start3A_1627 = arith.constant 0 : i32
      %dma_start3A_1628 = arith.constant 0 : i32
      %dma_start3A_1629 = tpu.memref_slice %arg7[%dma_start3A_1622, %dma_start3A_1626, %dma_start3A_1627, %dma_start3A_1628] : memref<4x4x8x128xf32, #tpu.memory_space<vmem>> -> memref<1x4x8x128xf32, #tpu.memory_space<vmem>>
      %dma_start3A_1630 = tpu.memref_squeeze %dma_start3A_1629 : memref<1x4x8x128xf32, #tpu.memory_space<vmem>> -> memref<4x8x128xf32, #tpu.memory_space<vmem>>
      %dma_start3A_1631 = arith.constant 0 : i32
      %dma_start3A_1632 = arith.constant 0 : i32
      %dma_start3A_1633 = tpu.memref_slice %dma_start3A_1630[%dma_start3A_1623, %dma_start3A_1631, %dma_start3A_1632] : memref<4x8x128xf32, #tpu.memory_space<vmem>> -> memref<1x8x128xf32, #tpu.memory_space<vmem>>
      %dma_start3A_1634 = tpu.memref_squeeze %dma_start3A_1633 : memref<1x8x128xf32, #tpu.memory_space<vmem>> -> memref<8x128xf32, #tpu.memory_space<vmem>>
      %dma_start3A_1635 = arith.constant 0 : i32
      %dma_start3A_1636 = arith.constant 0 : i32
      %dma_start3A_1637 = arith.constant 0 : i32
      %dma_start3A_1638 = arith.constant 0 : i32
      %dma_start3A_1639 = tpu.memref_slice %arg4[%select_n3A_1573, %dma_start3A_1635, %dma_start3A_1636, %dma_start3A_1637, %dma_start3A_1638] : memref<50x4x128x8x128xf32, #tpu.memory_space<hbm>> -> memref<1x4x128x8x128xf32, #tpu.memory_space<hbm>>
      %dma_start3A_1640 = tpu.memref_squeeze %dma_start3A_1639 : memref<1x4x128x8x128xf32, #tpu.memory_space<hbm>> -> memref<4x128x8x128xf32, #tpu.memory_space<hbm>>
      %dma_start3A_1641 = arith.constant 0 : i32
      %dma_start3A_1642 = arith.constant 0 : i32
      %dma_start3A_1643 = arith.constant 0 : i32
      %dma_start3A_1644 = tpu.memref_slice %dma_start3A_1640[%dma_start3A_1624, %dma_start3A_1641, %dma_start3A_1642, %dma_start3A_1643] : memref<4x128x8x128xf32, #tpu.memory_space<hbm>> -> memref<1x128x8x128xf32, #tpu.memory_space<hbm>>
      %dma_start3A_1645 = tpu.memref_squeeze %dma_start3A_1644 : memref<1x128x8x128xf32, #tpu.memory_space<hbm>> -> memref<128x8x128xf32, #tpu.memory_space<hbm>>
      %dma_start3A_1646 = arith.constant 0 : i32
      %dma_start3A_1647 = arith.constant 0 : i32
      %dma_start3A_1648 = tpu.memref_slice %dma_start3A_1645[%select_n3A_1589, %dma_start3A_1646, %dma_start3A_1647] : memref<128x8x128xf32, #tpu.memory_space<hbm>> -> memref<1x8x128xf32, #tpu.memory_space<hbm>>
      %dma_start3A_1649 = tpu.memref_squeeze %dma_start3A_1648 : memref<1x8x128xf32, #tpu.memory_space<hbm>> -> memref<8x128xf32, #tpu.memory_space<hbm>>
      %dma_start3A_1650 = tpu.memref_slice %arg9[%dma_start3A_1625] : memref<4x!tpu.dma_semaphore, #tpu.memory_space<semaphore_mem>> -> memref<1x!tpu.dma_semaphore, #tpu.memory_space<semaphore_mem>>
      %dma_start3A_1651 = tpu.memref_squeeze %dma_start3A_1650 : memref<1x!tpu.dma_semaphore, #tpu.memory_space<semaphore_mem>> -> memref<!tpu.dma_semaphore, #tpu.memory_space<semaphore_mem>>
      %dma_start3A_1652 = arith.constant 0 : i32
      %dma_start3A_1653 = arith.constant 0 : i32
      %dma_start3A_1654 = arith.constant 0 : i32
      %dma_start3A_1655 = arith.constant 0 : i32
      %dma_start3A_1656 = tpu.memref_slice %arg4[%select_n3A_1573, %dma_start3A_1652, %dma_start3A_1653, %dma_start3A_1654, %dma_start3A_1655] : memref<50x4x128x8x128xf32, #tpu.memory_space<hbm>> -> memref<1x4x128x8x128xf32, #tpu.memory_space<hbm>>
      %dma_start3A_1657 = tpu.memref_squeeze %dma_start3A_1656 : memref<1x4x128x8x128xf32, #tpu.memory_space<hbm>> -> memref<4x128x8x128xf32, #tpu.memory_space<hbm>>
      %dma_start3A_1658 = arith.constant 0 : i32
      %dma_start3A_1659 = arith.constant 0 : i32
      %dma_start3A_1660 = arith.constant 0 : i32
      %dma_start3A_1661 = tpu.memref_slice %dma_start3A_1657[%dma_start3A_1624, %dma_start3A_1658, %dma_start3A_1659, %dma_start3A_1660] : memref<4x128x8x128xf32, #tpu.memory_space<hbm>> -> memref<1x128x8x128xf32, #tpu.memory_space<hbm>>
      %dma_start3A_1662 = tpu.memref_squeeze %dma_start3A_1661 : memref<1x128x8x128xf32, #tpu.memory_space<hbm>> -> memref<128x8x128xf32, #tpu.memory_space<hbm>>
      %dma_start3A_1663 = arith.constant 0 : i32
      %dma_start3A_1664 = arith.constant 0 : i32
      %dma_start3A_1665 = tpu.memref_slice %dma_start3A_1662[%select_n3A_1589, %dma_start3A_1663, %dma_start3A_1664] : memref<128x8x128xf32, #tpu.memory_space<hbm>> -> memref<1x8x128xf32, #tpu.memory_space<hbm>>
      %dma_start3A_1666 = tpu.memref_squeeze %dma_start3A_1665 : memref<1x8x128xf32, #tpu.memory_space<hbm>> -> memref<8x128xf32, #tpu.memory_space<hbm>>
      %dma_start3A_1667 = arith.constant 0 : i32
      %dma_start3A_1668 = arith.constant 0 : i32
      %dma_start3A_1669 = arith.constant 0 : i32
      %dma_start3A_1670 = tpu.memref_slice %arg7[%dma_start3A_1622, %dma_start3A_1667, %dma_start3A_1668, %dma_start3A_1669] : memref<4x4x8x128xf32, #tpu.memory_space<vmem>> -> memref<1x4x8x128xf32, #tpu.memory_space<vmem>>
      %dma_start3A_1671 = tpu.memref_squeeze %dma_start3A_1670 : memref<1x4x8x128xf32, #tpu.memory_space<vmem>> -> memref<4x8x128xf32, #tpu.memory_space<vmem>>
      %dma_start3A_1672 = arith.constant 0 : i32
      %dma_start3A_1673 = arith.constant 0 : i32
      %dma_start3A_1674 = tpu.memref_slice %dma_start3A_1671[%dma_start3A_1623, %dma_start3A_1672, %dma_start3A_1673] : memref<4x8x128xf32, #tpu.memory_space<vmem>> -> memref<1x8x128xf32, #tpu.memory_space<vmem>>
      %dma_start3A_1675 = tpu.memref_squeeze %dma_start3A_1674 : memref<1x8x128xf32, #tpu.memory_space<vmem>> -> memref<8x128xf32, #tpu.memory_space<vmem>>
      tpu.enqueue_dma source(%dma_start3A_1675 : memref<8x128xf32, #tpu.memory_space<vmem>>) target(%dma_start3A_1666 : memref<8x128xf32, #tpu.memory_space<hbm>>) target_semaphore(%dma_start3A_1651 : memref<!tpu.dma_semaphore, #tpu.memory_space<semaphore_mem>>)
      %dma_start3A_1676 = arith.constant 2 : i32
      %dma_start3A_1677 = arith.constant 1 : i32
      %dma_start3A_1678 = arith.constant 1 : i32
      %dma_start3A_1679 = arith.constant 2 : i32
      %dma_start3A_1680 = arith.constant 0 : i32
      %dma_start3A_1681 = arith.constant 0 : i32
      %dma_start3A_1682 = arith.constant 0 : i32
      %dma_start3A_1683 = tpu.memref_slice %arg7[%dma_start3A_1676, %dma_start3A_1680, %dma_start3A_1681, %dma_start3A_1682] : memref<4x4x8x128xf32, #tpu.memory_space<vmem>> -> memref<1x4x8x128xf32, #tpu.memory_space<vmem>>
      %dma_start3A_1684 = tpu.memref_squeeze %dma_start3A_1683 : memref<1x4x8x128xf32, #tpu.memory_space<vmem>> -> memref<4x8x128xf32, #tpu.memory_space<vmem>>
      %dma_start3A_1685 = arith.constant 0 : i32
      %dma_start3A_1686 = arith.constant 0 : i32
      %dma_start3A_1687 = tpu.memref_slice %dma_start3A_1684[%dma_start3A_1677, %dma_start3A_1685, %dma_start3A_1686] : memref<4x8x128xf32, #tpu.memory_space<vmem>> -> memref<1x8x128xf32, #tpu.memory_space<vmem>>
      %dma_start3A_1688 = tpu.memref_squeeze %dma_start3A_1687 : memref<1x8x128xf32, #tpu.memory_space<vmem>> -> memref<8x128xf32, #tpu.memory_space<vmem>>
      %dma_start3A_1689 = arith.constant 0 : i32
      %dma_start3A_1690 = arith.constant 0 : i32
      %dma_start3A_1691 = arith.constant 0 : i32
      %dma_start3A_1692 = arith.constant 0 : i32
      %dma_start3A_1693 = tpu.memref_slice %arg4[%select_n3A_1573, %dma_start3A_1689, %dma_start3A_1690, %dma_start3A_1691, %dma_start3A_1692] : memref<50x4x128x8x128xf32, #tpu.memory_space<hbm>> -> memref<1x4x128x8x128xf32, #tpu.memory_space<hbm>>
      %dma_start3A_1694 = tpu.memref_squeeze %dma_start3A_1693 : memref<1x4x128x8x128xf32, #tpu.memory_space<hbm>> -> memref<4x128x8x128xf32, #tpu.memory_space<hbm>>
      %dma_start3A_1695 = arith.constant 0 : i32
      %dma_start3A_1696 = arith.constant 0 : i32
      %dma_start3A_1697 = arith.constant 0 : i32
      %dma_start3A_1698 = tpu.memref_slice %dma_start3A_1694[%dma_start3A_1678, %dma_start3A_1695, %dma_start3A_1696, %dma_start3A_1697] : memref<4x128x8x128xf32, #tpu.memory_space<hbm>> -> memref<1x128x8x128xf32, #tpu.memory_space<hbm>>
      %dma_start3A_1699 = tpu.memref_squeeze %dma_start3A_1698 : memref<1x128x8x128xf32, #tpu.memory_space<hbm>> -> memref<128x8x128xf32, #tpu.memory_space<hbm>>
      %dma_start3A_1700 = arith.constant 0 : i32
      %dma_start3A_1701 = arith.constant 0 : i32
      %dma_start3A_1702 = tpu.memref_slice %dma_start3A_1699[%select_n3A_1589, %dma_start3A_1700, %dma_start3A_1701] : memref<128x8x128xf32, #tpu.memory_space<hbm>> -> memref<1x8x128xf32, #tpu.memory_space<hbm>>
      %dma_start3A_1703 = tpu.memref_squeeze %dma_start3A_1702 : memref<1x8x128xf32, #tpu.memory_space<hbm>> -> memref<8x128xf32, #tpu.memory_space<hbm>>
      %dma_start3A_1704 = tpu.memref_slice %arg9[%dma_start3A_1679] : memref<4x!tpu.dma_semaphore, #tpu.memory_space<semaphore_mem>> -> memref<1x!tpu.dma_semaphore, #tpu.memory_space<semaphore_mem>>
      %dma_start3A_1705 = tpu.memref_squeeze %dma_start3A_1704 : memref<1x!tpu.dma_semaphore, #tpu.memory_space<semaphore_mem>> -> memref<!tpu.dma_semaphore, #tpu.memory_space<semaphore_mem>>
      %dma_start3A_1706 = arith.constant 0 : i32
      %dma_start3A_1707 = arith.constant 0 : i32
      %dma_start3A_1708 = arith.constant 0 : i32
      %dma_start3A_1709 = arith.constant 0 : i32
      %dma_start3A_1710 = tpu.memref_slice %arg4[%select_n3A_1573, %dma_start3A_1706, %dma_start3A_1707, %dma_start3A_1708, %dma_start3A_1709] : memref<50x4x128x8x128xf32, #tpu.memory_space<hbm>> -> memref<1x4x128x8x128xf32, #tpu.memory_space<hbm>>
      %dma_start3A_1711 = tpu.memref_squeeze %dma_start3A_1710 : memref<1x4x128x8x128xf32, #tpu.memory_space<hbm>> -> memref<4x128x8x128xf32, #tpu.memory_space<hbm>>
      %dma_start3A_1712 = arith.constant 0 : i32
      %dma_start3A_1713 = arith.constant 0 : i32
      %dma_start3A_1714 = arith.constant 0 : i32
      %dma_start3A_1715 = tpu.memref_slice %dma_start3A_1711[%dma_start3A_1678, %dma_start3A_1712, %dma_start3A_1713, %dma_start3A_1714] : memref<4x128x8x128xf32, #tpu.memory_space<hbm>> -> memref<1x128x8x128xf32, #tpu.memory_space<hbm>>
      %dma_start3A_1716 = tpu.memref_squeeze %dma_start3A_1715 : memref<1x128x8x128xf32, #tpu.memory_space<hbm>> -> memref<128x8x128xf32, #tpu.memory_space<hbm>>
      %dma_start3A_1717 = arith.constant 0 : i32
      %dma_start3A_1718 = arith.constant 0 : i32
      %dma_start3A_1719 = tpu.memref_slice %dma_start3A_1716[%select_n3A_1589, %dma_start3A_1717, %dma_start3A_1718] : memref<128x8x128xf32, #tpu.memory_space<hbm>> -> memref<1x8x128xf32, #tpu.memory_space<hbm>>
      %dma_start3A_1720 = tpu.memref_squeeze %dma_start3A_1719 : memref<1x8x128xf32, #tpu.memory_space<hbm>> -> memref<8x128xf32, #tpu.memory_space<hbm>>
      %dma_start3A_1721 = arith.constant 0 : i32
      %dma_start3A_1722 = arith.constant 0 : i32
      %dma_start3A_1723 = arith.constant 0 : i32
      %dma_start3A_1724 = tpu.memref_slice %arg7[%dma_start3A_1676, %dma_start3A_1721, %dma_start3A_1722, %dma_start3A_1723] : memref<4x4x8x128xf32, #tpu.memory_space<vmem>> -> memref<1x4x8x128xf32, #tpu.memory_space<vmem>>
      %dma_start3A_1725 = tpu.memref_squeeze %dma_start3A_1724 : memref<1x4x8x128xf32, #tpu.memory_space<vmem>> -> memref<4x8x128xf32, #tpu.memory_space<vmem>>
      %dma_start3A_1726 = arith.constant 0 : i32
      %dma_start3A_1727 = arith.constant 0 : i32
      %dma_start3A_1728 = tpu.memref_slice %dma_start3A_1725[%dma_start3A_1677, %dma_start3A_1726, %dma_start3A_1727] : memref<4x8x128xf32, #tpu.memory_space<vmem>> -> memref<1x8x128xf32, #tpu.memory_space<vmem>>
      %dma_start3A_1729 = tpu.memref_squeeze %dma_start3A_1728 : memref<1x8x128xf32, #tpu.memory_space<vmem>> -> memref<8x128xf32, #tpu.memory_space<vmem>>
      tpu.enqueue_dma source(%dma_start3A_1729 : memref<8x128xf32, #tpu.memory_space<vmem>>) target(%dma_start3A_1720 : memref<8x128xf32, #tpu.memory_space<hbm>>) target_semaphore(%dma_start3A_1705 : memref<!tpu.dma_semaphore, #tpu.memory_space<semaphore_mem>>)
      %dma_start3A_1730 = arith.constant 2 : i32
      %dma_start3A_1731 = arith.constant 2 : i32
      %dma_start3A_1732 = arith.constant 2 : i32
      %dma_start3A_1733 = arith.constant 2 : i32
      %dma_start3A_1734 = arith.constant 0 : i32
      %dma_start3A_1735 = arith.constant 0 : i32
      %dma_start3A_1736 = arith.constant 0 : i32
      %dma_start3A_1737 = tpu.memref_slice %arg7[%dma_start3A_1730, %dma_start3A_1734, %dma_start3A_1735, %dma_start3A_1736] : memref<4x4x8x128xf32, #tpu.memory_space<vmem>> -> memref<1x4x8x128xf32, #tpu.memory_space<vmem>>
      %dma_start3A_1738 = tpu.memref_squeeze %dma_start3A_1737 : memref<1x4x8x128xf32, #tpu.memory_space<vmem>> -> memref<4x8x128xf32, #tpu.memory_space<vmem>>
      %dma_start3A_1739 = arith.constant 0 : i32
      %dma_start3A_1740 = arith.constant 0 : i32
      %dma_start3A_1741 = tpu.memref_slice %dma_start3A_1738[%dma_start3A_1731, %dma_start3A_1739, %dma_start3A_1740] : memref<4x8x128xf32, #tpu.memory_space<vmem>> -> memref<1x8x128xf32, #tpu.memory_space<vmem>>
      %dma_start3A_1742 = tpu.memref_squeeze %dma_start3A_1741 : memref<1x8x128xf32, #tpu.memory_space<vmem>> -> memref<8x128xf32, #tpu.memory_space<vmem>>
      %dma_start3A_1743 = arith.constant 0 : i32
      %dma_start3A_1744 = arith.constant 0 : i32
      %dma_start3A_1745 = arith.constant 0 : i32
      %dma_start3A_1746 = arith.constant 0 : i32
      %dma_start3A_1747 = tpu.memref_slice %arg4[%select_n3A_1573, %dma_start3A_1743, %dma_start3A_1744, %dma_start3A_1745, %dma_start3A_1746] : memref<50x4x128x8x128xf32, #tpu.memory_space<hbm>> -> memref<1x4x128x8x128xf32, #tpu.memory_space<hbm>>
      %dma_start3A_1748 = tpu.memref_squeeze %dma_start3A_1747 : memref<1x4x128x8x128xf32, #tpu.memory_space<hbm>> -> memref<4x128x8x128xf32, #tpu.memory_space<hbm>>
      %dma_start3A_1749 = arith.constant 0 : i32
      %dma_start3A_1750 = arith.constant 0 : i32
      %dma_start3A_1751 = arith.constant 0 : i32
      %dma_start3A_1752 = tpu.memref_slice %dma_start3A_1748[%dma_start3A_1732, %dma_start3A_1749, %dma_start3A_1750, %dma_start3A_1751] : memref<4x128x8x128xf32, #tpu.memory_space<hbm>> -> memref<1x128x8x128xf32, #tpu.memory_space<hbm>>
      %dma_start3A_1753 = tpu.memref_squeeze %dma_start3A_1752 : memref<1x128x8x128xf32, #tpu.memory_space<hbm>> -> memref<128x8x128xf32, #tpu.memory_space<hbm>>
      %dma_start3A_1754 = arith.constant 0 : i32
      %dma_start3A_1755 = arith.constant 0 : i32
      %dma_start3A_1756 = tpu.memref_slice %dma_start3A_1753[%select_n3A_1589, %dma_start3A_1754, %dma_start3A_1755] : memref<128x8x128xf32, #tpu.memory_space<hbm>> -> memref<1x8x128xf32, #tpu.memory_space<hbm>>
      %dma_start3A_1757 = tpu.memref_squeeze %dma_start3A_1756 : memref<1x8x128xf32, #tpu.memory_space<hbm>> -> memref<8x128xf32, #tpu.memory_space<hbm>>
      %dma_start3A_1758 = tpu.memref_slice %arg9[%dma_start3A_1733] : memref<4x!tpu.dma_semaphore, #tpu.memory_space<semaphore_mem>> -> memref<1x!tpu.dma_semaphore, #tpu.memory_space<semaphore_mem>>
      %dma_start3A_1759 = tpu.memref_squeeze %dma_start3A_1758 : memref<1x!tpu.dma_semaphore, #tpu.memory_space<semaphore_mem>> -> memref<!tpu.dma_semaphore, #tpu.memory_space<semaphore_mem>>
      %dma_start3A_1760 = arith.constant 0 : i32
      %dma_start3A_1761 = arith.constant 0 : i32
      %dma_start3A_1762 = arith.constant 0 : i32
      %dma_start3A_1763 = arith.constant 0 : i32
      %dma_start3A_1764 = tpu.memref_slice %arg4[%select_n3A_1573, %dma_start3A_1760, %dma_start3A_1761, %dma_start3A_1762, %dma_start3A_1763] : memref<50x4x128x8x128xf32, #tpu.memory_space<hbm>> -> memref<1x4x128x8x128xf32, #tpu.memory_space<hbm>>
      %dma_start3A_1765 = tpu.memref_squeeze %dma_start3A_1764 : memref<1x4x128x8x128xf32, #tpu.memory_space<hbm>> -> memref<4x128x8x128xf32, #tpu.memory_space<hbm>>
      %dma_start3A_1766 = arith.constant 0 : i32
      %dma_start3A_1767 = arith.constant 0 : i32
      %dma_start3A_1768 = arith.constant 0 : i32
      %dma_start3A_1769 = tpu.memref_slice %dma_start3A_1765[%dma_start3A_1732, %dma_start3A_1766, %dma_start3A_1767, %dma_start3A_1768] : memref<4x128x8x128xf32, #tpu.memory_space<hbm>> -> memref<1x128x8x128xf32, #tpu.memory_space<hbm>>
      %dma_start3A_1770 = tpu.memref_squeeze %dma_start3A_1769 : memref<1x128x8x128xf32, #tpu.memory_space<hbm>> -> memref<128x8x128xf32, #tpu.memory_space<hbm>>
      %dma_start3A_1771 = arith.constant 0 : i32
      %dma_start3A_1772 = arith.constant 0 : i32
      %dma_start3A_1773 = tpu.memref_slice %dma_start3A_1770[%select_n3A_1589, %dma_start3A_1771, %dma_start3A_1772] : memref<128x8x128xf32, #tpu.memory_space<hbm>> -> memref<1x8x128xf32, #tpu.memory_space<hbm>>
      %dma_start3A_1774 = tpu.memref_squeeze %dma_start3A_1773 : memref<1x8x128xf32, #tpu.memory_space<hbm>> -> memref<8x128xf32, #tpu.memory_space<hbm>>
      %dma_start3A_1775 = arith.constant 0 : i32
      %dma_start3A_1776 = arith.constant 0 : i32
      %dma_start3A_1777 = arith.constant 0 : i32
      %dma_start3A_1778 = tpu.memref_slice %arg7[%dma_start3A_1730, %dma_start3A_1775, %dma_start3A_1776, %dma_start3A_1777] : memref<4x4x8x128xf32, #tpu.memory_space<vmem>> -> memref<1x4x8x128xf32, #tpu.memory_space<vmem>>
      %dma_start3A_1779 = tpu.memref_squeeze %dma_start3A_1778 : memref<1x4x8x128xf32, #tpu.memory_space<vmem>> -> memref<4x8x128xf32, #tpu.memory_space<vmem>>
      %dma_start3A_1780 = arith.constant 0 : i32
      %dma_start3A_1781 = arith.constant 0 : i32
      %dma_start3A_1782 = tpu.memref_slice %dma_start3A_1779[%dma_start3A_1731, %dma_start3A_1780, %dma_start3A_1781] : memref<4x8x128xf32, #tpu.memory_space<vmem>> -> memref<1x8x128xf32, #tpu.memory_space<vmem>>
      %dma_start3A_1783 = tpu.memref_squeeze %dma_start3A_1782 : memref<1x8x128xf32, #tpu.memory_space<vmem>> -> memref<8x128xf32, #tpu.memory_space<vmem>>
      tpu.enqueue_dma source(%dma_start3A_1783 : memref<8x128xf32, #tpu.memory_space<vmem>>) target(%dma_start3A_1774 : memref<8x128xf32, #tpu.memory_space<hbm>>) target_semaphore(%dma_start3A_1759 : memref<!tpu.dma_semaphore, #tpu.memory_space<semaphore_mem>>)
      %dma_start3A_1784 = arith.constant 2 : i32
      %dma_start3A_1785 = arith.constant 3 : i32
      %dma_start3A_1786 = arith.constant 3 : i32
      %dma_start3A_1787 = arith.constant 2 : i32
      %dma_start3A_1788 = arith.constant 0 : i32
      %dma_start3A_1789 = arith.constant 0 : i32
      %dma_start3A_1790 = arith.constant 0 : i32
      %dma_start3A_1791 = tpu.memref_slice %arg7[%dma_start3A_1784, %dma_start3A_1788, %dma_start3A_1789, %dma_start3A_1790] : memref<4x4x8x128xf32, #tpu.memory_space<vmem>> -> memref<1x4x8x128xf32, #tpu.memory_space<vmem>>
      %dma_start3A_1792 = tpu.memref_squeeze %dma_start3A_1791 : memref<1x4x8x128xf32, #tpu.memory_space<vmem>> -> memref<4x8x128xf32, #tpu.memory_space<vmem>>
      %dma_start3A_1793 = arith.constant 0 : i32
      %dma_start3A_1794 = arith.constant 0 : i32
      %dma_start3A_1795 = tpu.memref_slice %dma_start3A_1792[%dma_start3A_1785, %dma_start3A_1793, %dma_start3A_1794] : memref<4x8x128xf32, #tpu.memory_space<vmem>> -> memref<1x8x128xf32, #tpu.memory_space<vmem>>
      %dma_start3A_1796 = tpu.memref_squeeze %dma_start3A_1795 : memref<1x8x128xf32, #tpu.memory_space<vmem>> -> memref<8x128xf32, #tpu.memory_space<vmem>>
      %dma_start3A_1797 = arith.constant 0 : i32
      %dma_start3A_1798 = arith.constant 0 : i32
      %dma_start3A_1799 = arith.constant 0 : i32
      %dma_start3A_1800 = arith.constant 0 : i32
      %dma_start3A_1801 = tpu.memref_slice %arg4[%select_n3A_1573, %dma_start3A_1797, %dma_start3A_1798, %dma_start3A_1799, %dma_start3A_1800] : memref<50x4x128x8x128xf32, #tpu.memory_space<hbm>> -> memref<1x4x128x8x128xf32, #tpu.memory_space<hbm>>
      %dma_start3A_1802 = tpu.memref_squeeze %dma_start3A_1801 : memref<1x4x128x8x128xf32, #tpu.memory_space<hbm>> -> memref<4x128x8x128xf32, #tpu.memory_space<hbm>>
      %dma_start3A_1803 = arith.constant 0 : i32
      %dma_start3A_1804 = arith.constant 0 : i32
      %dma_start3A_1805 = arith.constant 0 : i32
      %dma_start3A_1806 = tpu.memref_slice %dma_start3A_1802[%dma_start3A_1786, %dma_start3A_1803, %dma_start3A_1804, %dma_start3A_1805] : memref<4x128x8x128xf32, #tpu.memory_space<hbm>> -> memref<1x128x8x128xf32, #tpu.memory_space<hbm>>
      %dma_start3A_1807 = tpu.memref_squeeze %dma_start3A_1806 : memref<1x128x8x128xf32, #tpu.memory_space<hbm>> -> memref<128x8x128xf32, #tpu.memory_space<hbm>>
      %dma_start3A_1808 = arith.constant 0 : i32
      %dma_start3A_1809 = arith.constant 0 : i32
      %dma_start3A_1810 = tpu.memref_slice %dma_start3A_1807[%select_n3A_1589, %dma_start3A_1808, %dma_start3A_1809] : memref<128x8x128xf32, #tpu.memory_space<hbm>> -> memref<1x8x128xf32, #tpu.memory_space<hbm>>
      %dma_start3A_1811 = tpu.memref_squeeze %dma_start3A_1810 : memref<1x8x128xf32, #tpu.memory_space<hbm>> -> memref<8x128xf32, #tpu.memory_space<hbm>>
      %dma_start3A_1812 = tpu.memref_slice %arg9[%dma_start3A_1787] : memref<4x!tpu.dma_semaphore, #tpu.memory_space<semaphore_mem>> -> memref<1x!tpu.dma_semaphore, #tpu.memory_space<semaphore_mem>>
      %dma_start3A_1813 = tpu.memref_squeeze %dma_start3A_1812 : memref<1x!tpu.dma_semaphore, #tpu.memory_space<semaphore_mem>> -> memref<!tpu.dma_semaphore, #tpu.memory_space<semaphore_mem>>
      %dma_start3A_1814 = arith.constant 0 : i32
      %dma_start3A_1815 = arith.constant 0 : i32
      %dma_start3A_1816 = arith.constant 0 : i32
      %dma_start3A_1817 = arith.constant 0 : i32
      %dma_start3A_1818 = tpu.memref_slice %arg4[%select_n3A_1573, %dma_start3A_1814, %dma_start3A_1815, %dma_start3A_1816, %dma_start3A_1817] : memref<50x4x128x8x128xf32, #tpu.memory_space<hbm>> -> memref<1x4x128x8x128xf32, #tpu.memory_space<hbm>>
      %dma_start3A_1819 = tpu.memref_squeeze %dma_start3A_1818 : memref<1x4x128x8x128xf32, #tpu.memory_space<hbm>> -> memref<4x128x8x128xf32, #tpu.memory_space<hbm>>
      %dma_start3A_1820 = arith.constant 0 : i32
      %dma_start3A_1821 = arith.constant 0 : i32
      %dma_start3A_1822 = arith.constant 0 : i32
      %dma_start3A_1823 = tpu.memref_slice %dma_start3A_1819[%dma_start3A_1786, %dma_start3A_1820, %dma_start3A_1821, %dma_start3A_1822] : memref<4x128x8x128xf32, #tpu.memory_space<hbm>> -> memref<1x128x8x128xf32, #tpu.memory_space<hbm>>
      %dma_start3A_1824 = tpu.memref_squeeze %dma_start3A_1823 : memref<1x128x8x128xf32, #tpu.memory_space<hbm>> -> memref<128x8x128xf32, #tpu.memory_space<hbm>>
      %dma_start3A_1825 = arith.constant 0 : i32
      %dma_start3A_1826 = arith.constant 0 : i32
      %dma_start3A_1827 = tpu.memref_slice %dma_start3A_1824[%select_n3A_1589, %dma_start3A_1825, %dma_start3A_1826] : memref<128x8x128xf32, #tpu.memory_space<hbm>> -> memref<1x8x128xf32, #tpu.memory_space<hbm>>
      %dma_start3A_1828 = tpu.memref_squeeze %dma_start3A_1827 : memref<1x8x128xf32, #tpu.memory_space<hbm>> -> memref<8x128xf32, #tpu.memory_space<hbm>>
      %dma_start3A_1829 = arith.constant 0 : i32
      %dma_start3A_1830 = arith.constant 0 : i32
      %dma_start3A_1831 = arith.constant 0 : i32
      %dma_start3A_1832 = tpu.memref_slice %arg7[%dma_start3A_1784, %dma_start3A_1829, %dma_start3A_1830, %dma_start3A_1831] : memref<4x4x8x128xf32, #tpu.memory_space<vmem>> -> memref<1x4x8x128xf32, #tpu.memory_space<vmem>>
      %dma_start3A_1833 = tpu.memref_squeeze %dma_start3A_1832 : memref<1x4x8x128xf32, #tpu.memory_space<vmem>> -> memref<4x8x128xf32, #tpu.memory_space<vmem>>
      %dma_start3A_1834 = arith.constant 0 : i32
      %dma_start3A_1835 = arith.constant 0 : i32
      %dma_start3A_1836 = tpu.memref_slice %dma_start3A_1833[%dma_start3A_1785, %dma_start3A_1834, %dma_start3A_1835] : memref<4x8x128xf32, #tpu.memory_space<vmem>> -> memref<1x8x128xf32, #tpu.memory_space<vmem>>
      %dma_start3A_1837 = tpu.memref_squeeze %dma_start3A_1836 : memref<1x8x128xf32, #tpu.memory_space<vmem>> -> memref<8x128xf32, #tpu.memory_space<vmem>>
      tpu.enqueue_dma source(%dma_start3A_1837 : memref<8x128xf32, #tpu.memory_space<vmem>>) target(%dma_start3A_1828 : memref<8x128xf32, #tpu.memory_space<hbm>>) target_semaphore(%dma_start3A_1813 : memref<!tpu.dma_semaphore, #tpu.memory_space<semaphore_mem>>)
      %mul3A_1838 = arith.constant 4 : i32
      %mul3A_1839 = arith.muli %scan3A_971, %mul3A_1838 : i32
      %add3A_1840 = arith.constant 3 : i32
      %add3A_1841 = arith.addi %mul3A_1839, %add3A_1840 : i32
      %add3A_1842 = arith.addi %mul3A_2, %add3A_1841 : i32
      %jit3A_1843 = arith.constant 128 : i32
      %div3A_1844 = arith.divsi %add3A_1842, %jit3A_1843 : i32
      %sign3A_1845 = arith.constant 0 : i32
      %sign3A_1846 = arith.cmpi sgt, %add3A_1842, %sign3A_1845 : i32
      %sign3A_1847 = arith.extui %sign3A_1846 : i1 to i32
      %sign3A_1848 = arith.constant 0 : i32
      %sign3A_1849 = arith.cmpi slt, %add3A_1842, %sign3A_1848 : i32
      %sign3A_1850 = arith.extui %sign3A_1849 : i1 to i32
      %sign3A_1851 = arith.subi %sign3A_1847, %sign3A_1850 : i32
      %sign3A_1852 = arith.constant 0 : i32
      %sign3A_1853 = arith.cmpi sgt, %jit3A_1843, %sign3A_1852 : i32
      %sign3A_1854 = arith.extui %sign3A_1853 : i1 to i32
      %sign3A_1855 = arith.constant 0 : i32
      %sign3A_1856 = arith.cmpi slt, %jit3A_1843, %sign3A_1855 : i32
      %sign3A_1857 = arith.extui %sign3A_1856 : i1 to i32
      %sign3A_1858 = arith.subi %sign3A_1854, %sign3A_1857 : i32
      %ne3A_1859 = arith.cmpi ne, %sign3A_1851, %sign3A_1858 : i32
      %rem3A_1860 = arith.remsi %add3A_1842, %jit3A_1843 : i32
      %ne3A_1861 = arith.constant 0 : i32
      %ne3A_1862 = arith.cmpi ne, %rem3A_1860, %ne3A_1861 : i32
      %and3A_1863 = arith.andi %ne3A_1859, %ne3A_1862 : i1
      %sub3A_1864 = arith.constant 1 : i32
      %sub3A_1865 = arith.subi %div3A_1844, %sub3A_1864 : i32
      %select_n3A_1866 = arith.select %and3A_1863, %sub3A_1865, %div3A_1844 : i32
      %jit3A_1867 = arith.constant 128 : i32
      %eq3A_1868 = arith.constant 0 : i32
      %eq3A_1869 = arith.cmpi eq, %jit3A_1867, %eq3A_1868 : i32
      %jit3A_1870 = arith.constant 1 : i32
      %select_n3A_1871 = arith.select %eq3A_1869, %jit3A_1870, %jit3A_1867 : i32
      %rem3A_1872 = arith.remsi %add3A_1842, %select_n3A_1871 : i32
      %ne3A_1873 = arith.constant 0 : i32
      %ne3A_1874 = arith.cmpi ne, %rem3A_1872, %ne3A_1873 : i32
      %lt3A_1875 = arith.constant 0 : i32
      %lt3A_1876 = arith.cmpi slt, %rem3A_1872, %lt3A_1875 : i32
      %lt3A_1877 = arith.constant 0 : i32
      %lt3A_1878 = arith.cmpi slt, %select_n3A_1871, %lt3A_1877 : i32
      %ne3A_1879 = arith.xori %lt3A_1876, %lt3A_1878 : i1
      %and3A_1880 = arith.andi %ne3A_1879, %ne3A_1874 : i1
      %add3A_1881 = arith.addi %rem3A_1872, %select_n3A_1871 : i32
      %select_n3A_1882 = arith.select %and3A_1880, %add3A_1881, %rem3A_1872 : i32
      %add3A_1883 = arith.constant 4 : i32
      %add3A_1884 = arith.addi %add3A_1841, %add3A_1883 : i32
      %sub3A_1885 = arith.constant 1 : i32
      %sub3A_1886 = arith.subi %add3A_1884, %sub3A_1885 : i32
      %lt3A_1887 = arith.constant 200 : i32
      %lt3A_1888 = arith.cmpi slt, %sub3A_1886, %lt3A_1887 : i32
      %convert_element_type3A_1889 = arith.extui %lt3A_1888 : i1 to i32
      %cond3A_1890 = arith.constant 0 : i32
      %cond3A_1891 = arith.cmpi ne, %convert_element_type3A_1889, %cond3A_1890 : i32
      scf.if %cond3A_1891 {
        %add3A_2131 = arith.constant 4 : i32
        %add3A_2132 = arith.addi %add3A_1841, %add3A_2131 : i32
        %sub3A_2133 = arith.constant 1 : i32
        %sub3A_2134 = arith.subi %add3A_2132, %sub3A_2133 : i32
        %dma_start3A_2135 = arith.constant 2 : i32
        %dma_start3A_2136 = arith.constant 2 : i32
        %dma_start3A_2137 = arith.constant 0 : i32
        %dma_start3A_2138 = arith.constant 0 : i32
        %dma_start3A_2139 = tpu.memref_slice %arg6[%dma_start3A_2135, %dma_start3A_2137, %dma_start3A_2138] : memref<4x128x32xf32, #tpu.memory_space<vmem>> -> memref<1x128x32xf32, #tpu.memory_space<vmem>>
        %dma_start3A_2140 = tpu.memref_squeeze %dma_start3A_2139 : memref<1x128x32xf32, #tpu.memory_space<vmem>> -> memref<128x32xf32, #tpu.memory_space<vmem>>
        %dma_start3A_2141 = arith.constant 0 : i32
        %dma_start3A_2142 = tpu.memref_slice %arg5[%sub3A_2134, %dma_start3A_2141] : memref<200x128xi32, #tpu.memory_space<vmem>> -> memref<1x128xi32, #tpu.memory_space<vmem>>
        %dma_start3A_2143 = tpu.memref_squeeze %dma_start3A_2142 : memref<1x128xi32, #tpu.memory_space<vmem>> -> memref<128xi32, #tpu.memory_space<vmem>>
        %dma_start3A_2144 = arith.constant 0 : i32
        %dma_start3A_2145 = arith.constant 0 : i32
        %dma_start3A_2146 = tpu.memref_slice %arg3[%dma_start3A_2144, %dma_start3A_2145] : memref<1000000x32xf32, #tpu.memory_space<hbm>> -> memref<1000000x32xf32, #tpu.memory_space<hbm>>
        %dma_start3A_2147 = tpu.memref_slice %arg8[%dma_start3A_2136] : memref<4x!tpu.dma_semaphore, #tpu.memory_space<semaphore_mem>> -> memref<1x!tpu.dma_semaphore, #tpu.memory_space<semaphore_mem>>
        %dma_start3A_2148 = tpu.memref_squeeze %dma_start3A_2147 : memref<1x!tpu.dma_semaphore, #tpu.memory_space<semaphore_mem>> -> memref<!tpu.dma_semaphore, #tpu.memory_space<semaphore_mem>>
        tpu.enqueue_indirect_dma source(%dma_start3A_2146 : memref<1000000x32xf32, #tpu.memory_space<hbm>>) target(%dma_start3A_2140 : memref<128x32xf32, #tpu.memory_space<vmem>>) offsets(%dma_start3A_2143 : memref<128xi32, #tpu.memory_space<vmem>>) semaphore(%dma_start3A_2148 : memref<!tpu.dma_semaphore, #tpu.memory_space<semaphore_mem>>)
      } else {
      }
      %dma_wait3A_1892 = arith.constant 3 : i32
      %dma_wait3A_1893 = arith.constant 3 : i32
      %dma_wait3A_1894 = arith.constant 0 : i32
      %dma_wait3A_1895 = arith.constant 0 : i32
      %dma_wait3A_1896 = tpu.memref_slice %arg6[%dma_wait3A_1892, %dma_wait3A_1894, %dma_wait3A_1895] : memref<4x128x32xf32, #tpu.memory_space<vmem>> -> memref<1x128x32xf32, #tpu.memory_space<vmem>>
      %dma_wait3A_1897 = tpu.memref_squeeze %dma_wait3A_1896 : memref<1x128x32xf32, #tpu.memory_space<vmem>> -> memref<128x32xf32, #tpu.memory_space<vmem>>
      %dma_wait3A_1898 = arith.constant 0 : i32
      %dma_wait3A_1899 = arith.constant 0 : i32
      %dma_wait3A_1900 = tpu.memref_slice %arg3[%dma_wait3A_1898, %dma_wait3A_1899] : memref<1000000x32xf32, #tpu.memory_space<hbm>> -> memref<128x32xf32, #tpu.memory_space<hbm>>
      %dma_wait3A_1901 = tpu.memref_slice %arg8[%dma_wait3A_1893] : memref<4x!tpu.dma_semaphore, #tpu.memory_space<semaphore_mem>> -> memref<1x!tpu.dma_semaphore, #tpu.memory_space<semaphore_mem>>
      %dma_wait3A_1902 = tpu.memref_squeeze %dma_wait3A_1901 : memref<1x!tpu.dma_semaphore, #tpu.memory_space<semaphore_mem>> -> memref<!tpu.dma_semaphore, #tpu.memory_space<semaphore_mem>>
      %dma_wait3A_1903 = arith.constant 0 : i32
      %dma_wait3A_1904 = arith.constant 0 : i32
      %dma_wait3A_1905 = tpu.memref_slice %arg6[%dma_wait3A_1892, %dma_wait3A_1903, %dma_wait3A_1904] : memref<4x128x32xf32, #tpu.memory_space<vmem>> -> memref<1x128x32xf32, #tpu.memory_space<vmem>>
      %dma_wait3A_1906 = tpu.memref_squeeze %dma_wait3A_1905 : memref<1x128x32xf32, #tpu.memory_space<vmem>> -> memref<128x32xf32, #tpu.memory_space<vmem>>
      %dma_wait3A_1907 = arith.constant 0 : i32
      %dma_wait3A_1908 = arith.constant 0 : i32
      %dma_wait3A_1909 = tpu.memref_slice %arg3[%dma_wait3A_1907, %dma_wait3A_1908] : memref<1000000x32xf32, #tpu.memory_space<hbm>> -> memref<128x32xf32, #tpu.memory_space<hbm>>
      tpu.wait_dma2 semaphore(%dma_wait3A_1902 : memref<!tpu.dma_semaphore, #tpu.memory_space<semaphore_mem>>) src(%dma_wait3A_1909 : memref<128x32xf32, #tpu.memory_space<hbm>>) dst(%dma_wait3A_1906 : memref<128x32xf32, #tpu.memory_space<vmem>>)
      %ge3A_1910 = arith.constant 4 : i32
      %ge3A_1911 = arith.cmpi sge, %add3A_1841, %ge3A_1910 : i32
      %convert_element_type3A_1912 = arith.extui %ge3A_1911 : i1 to i32
      %cond3A_1913 = arith.constant 0 : i32
      %cond3A_1914 = arith.cmpi ne, %convert_element_type3A_1912, %cond3A_1913 : i32
      scf.if %cond3A_1914 {
        %dma_wait3A_2131 = arith.constant 0 : i32
        %dma_wait3A_2132 = arith.constant 0 : i32
        %dma_wait3A_2133 = arith.constant 0 : i32
        %dma_wait3A_2134 = arith.constant 3 : i32
        %dma_wait3A_2135 = arith.constant 0 : i32
        %dma_wait3A_2136 = arith.constant 3 : i32
        %dma_wait3A_2137 = arith.constant 0 : i32
        %dma_wait3A_2138 = arith.constant 0 : i32
        %dma_wait3A_2139 = arith.constant 0 : i32
        %dma_wait3A_2140 = tpu.memref_slice %arg7[%dma_wait3A_2134, %dma_wait3A_2137, %dma_wait3A_2138, %dma_wait3A_2139] : memref<4x4x8x128xf32, #tpu.memory_space<vmem>> -> memref<1x4x8x128xf32, #tpu.memory_space<vmem>>
        %dma_wait3A_2141 = tpu.memref_squeeze %dma_wait3A_2140 : memref<1x4x8x128xf32, #tpu.memory_space<vmem>> -> memref<4x8x128xf32, #tpu.memory_space<vmem>>
        %dma_wait3A_2142 = arith.constant 0 : i32
        %dma_wait3A_2143 = arith.constant 0 : i32
        %dma_wait3A_2144 = tpu.memref_slice %dma_wait3A_2141[%dma_wait3A_2135, %dma_wait3A_2142, %dma_wait3A_2143] : memref<4x8x128xf32, #tpu.memory_space<vmem>> -> memref<1x8x128xf32, #tpu.memory_space<vmem>>
        %dma_wait3A_2145 = tpu.memref_squeeze %dma_wait3A_2144 : memref<1x8x128xf32, #tpu.memory_space<vmem>> -> memref<8x128xf32, #tpu.memory_space<vmem>>
        %dma_wait3A_2146 = arith.constant 0 : i32
        %dma_wait3A_2147 = arith.constant 0 : i32
        %dma_wait3A_2148 = arith.constant 0 : i32
        %dma_wait3A_2149 = arith.constant 0 : i32
        %dma_wait3A_2150 = tpu.memref_slice %arg4[%dma_wait3A_2131, %dma_wait3A_2146, %dma_wait3A_2147, %dma_wait3A_2148, %dma_wait3A_2149] : memref<50x4x128x8x128xf32, #tpu.memory_space<hbm>> -> memref<1x4x128x8x128xf32, #tpu.memory_space<hbm>>
        %dma_wait3A_2151 = tpu.memref_squeeze %dma_wait3A_2150 : memref<1x4x128x8x128xf32, #tpu.memory_space<hbm>> -> memref<4x128x8x128xf32, #tpu.memory_space<hbm>>
        %dma_wait3A_2152 = arith.constant 0 : i32
        %dma_wait3A_2153 = arith.constant 0 : i32
        %dma_wait3A_2154 = arith.constant 0 : i32
        %dma_wait3A_2155 = tpu.memref_slice %dma_wait3A_2151[%dma_wait3A_2132, %dma_wait3A_2152, %dma_wait3A_2153, %dma_wait3A_2154] : memref<4x128x8x128xf32, #tpu.memory_space<hbm>> -> memref<1x128x8x128xf32, #tpu.memory_space<hbm>>
        %dma_wait3A_2156 = tpu.memref_squeeze %dma_wait3A_2155 : memref<1x128x8x128xf32, #tpu.memory_space<hbm>> -> memref<128x8x128xf32, #tpu.memory_space<hbm>>
        %dma_wait3A_2157 = arith.constant 0 : i32
        %dma_wait3A_2158 = arith.constant 0 : i32
        %dma_wait3A_2159 = tpu.memref_slice %dma_wait3A_2156[%dma_wait3A_2133, %dma_wait3A_2157, %dma_wait3A_2158] : memref<128x8x128xf32, #tpu.memory_space<hbm>> -> memref<1x8x128xf32, #tpu.memory_space<hbm>>
        %dma_wait3A_2160 = tpu.memref_squeeze %dma_wait3A_2159 : memref<1x8x128xf32, #tpu.memory_space<hbm>> -> memref<8x128xf32, #tpu.memory_space<hbm>>
        %dma_wait3A_2161 = tpu.memref_slice %arg9[%dma_wait3A_2136] : memref<4x!tpu.dma_semaphore, #tpu.memory_space<semaphore_mem>> -> memref<1x!tpu.dma_semaphore, #tpu.memory_space<semaphore_mem>>
        %dma_wait3A_2162 = tpu.memref_squeeze %dma_wait3A_2161 : memref<1x!tpu.dma_semaphore, #tpu.memory_space<semaphore_mem>> -> memref<!tpu.dma_semaphore, #tpu.memory_space<semaphore_mem>>
        %dma_wait3A_2163 = arith.constant 0 : i32
        %dma_wait3A_2164 = arith.constant 0 : i32
        %dma_wait3A_2165 = arith.constant 0 : i32
        %dma_wait3A_2166 = tpu.memref_slice %arg7[%dma_wait3A_2134, %dma_wait3A_2163, %dma_wait3A_2164, %dma_wait3A_2165] : memref<4x4x8x128xf32, #tpu.memory_space<vmem>> -> memref<1x4x8x128xf32, #tpu.memory_space<vmem>>
        %dma_wait3A_2167 = tpu.memref_squeeze %dma_wait3A_2166 : memref<1x4x8x128xf32, #tpu.memory_space<vmem>> -> memref<4x8x128xf32, #tpu.memory_space<vmem>>
        %dma_wait3A_2168 = arith.constant 0 : i32
        %dma_wait3A_2169 = arith.constant 0 : i32
        %dma_wait3A_2170 = tpu.memref_slice %dma_wait3A_2167[%dma_wait3A_2135, %dma_wait3A_2168, %dma_wait3A_2169] : memref<4x8x128xf32, #tpu.memory_space<vmem>> -> memref<1x8x128xf32, #tpu.memory_space<vmem>>
        %dma_wait3A_2171 = tpu.memref_squeeze %dma_wait3A_2170 : memref<1x8x128xf32, #tpu.memory_space<vmem>> -> memref<8x128xf32, #tpu.memory_space<vmem>>
        %dma_wait3A_2172 = arith.constant 0 : i32
        %dma_wait3A_2173 = arith.constant 0 : i32
        %dma_wait3A_2174 = arith.constant 0 : i32
        %dma_wait3A_2175 = arith.constant 0 : i32
        %dma_wait3A_2176 = tpu.memref_slice %arg4[%dma_wait3A_2131, %dma_wait3A_2172, %dma_wait3A_2173, %dma_wait3A_2174, %dma_wait3A_2175] : memref<50x4x128x8x128xf32, #tpu.memory_space<hbm>> -> memref<1x4x128x8x128xf32, #tpu.memory_space<hbm>>
        %dma_wait3A_2177 = tpu.memref_squeeze %dma_wait3A_2176 : memref<1x4x128x8x128xf32, #tpu.memory_space<hbm>> -> memref<4x128x8x128xf32, #tpu.memory_space<hbm>>
        %dma_wait3A_2178 = arith.constant 0 : i32
        %dma_wait3A_2179 = arith.constant 0 : i32
        %dma_wait3A_2180 = arith.constant 0 : i32
        %dma_wait3A_2181 = tpu.memref_slice %dma_wait3A_2177[%dma_wait3A_2132, %dma_wait3A_2178, %dma_wait3A_2179, %dma_wait3A_2180] : memref<4x128x8x128xf32, #tpu.memory_space<hbm>> -> memref<1x128x8x128xf32, #tpu.memory_space<hbm>>
        %dma_wait3A_2182 = tpu.memref_squeeze %dma_wait3A_2181 : memref<1x128x8x128xf32, #tpu.memory_space<hbm>> -> memref<128x8x128xf32, #tpu.memory_space<hbm>>
        %dma_wait3A_2183 = arith.constant 0 : i32
        %dma_wait3A_2184 = arith.constant 0 : i32
        %dma_wait3A_2185 = tpu.memref_slice %dma_wait3A_2182[%dma_wait3A_2133, %dma_wait3A_2183, %dma_wait3A_2184] : memref<128x8x128xf32, #tpu.memory_space<hbm>> -> memref<1x8x128xf32, #tpu.memory_space<hbm>>
        %dma_wait3A_2186 = tpu.memref_squeeze %dma_wait3A_2185 : memref<1x8x128xf32, #tpu.memory_space<hbm>> -> memref<8x128xf32, #tpu.memory_space<hbm>>
        tpu.wait_dma2 semaphore(%dma_wait3A_2162 : memref<!tpu.dma_semaphore, #tpu.memory_space<semaphore_mem>>) src(%dma_wait3A_2186 : memref<8x128xf32, #tpu.memory_space<hbm>>) dst(%dma_wait3A_2171 : memref<8x128xf32, #tpu.memory_space<vmem>>)
        %dma_wait3A_2187 = arith.constant 0 : i32
        %dma_wait3A_2188 = arith.constant 0 : i32
        %dma_wait3A_2189 = arith.constant 0 : i32
        %dma_wait3A_2190 = arith.constant 3 : i32
        %dma_wait3A_2191 = arith.constant 1 : i32
        %dma_wait3A_2192 = arith.constant 3 : i32
        %dma_wait3A_2193 = arith.constant 0 : i32
        %dma_wait3A_2194 = arith.constant 0 : i32
        %dma_wait3A_2195 = arith.constant 0 : i32
        %dma_wait3A_2196 = tpu.memref_slice %arg7[%dma_wait3A_2190, %dma_wait3A_2193, %dma_wait3A_2194, %dma_wait3A_2195] : memref<4x4x8x128xf32, #tpu.memory_space<vmem>> -> memref<1x4x8x128xf32, #tpu.memory_space<vmem>>
        %dma_wait3A_2197 = tpu.memref_squeeze %dma_wait3A_2196 : memref<1x4x8x128xf32, #tpu.memory_space<vmem>> -> memref<4x8x128xf32, #tpu.memory_space<vmem>>
        %dma_wait3A_2198 = arith.constant 0 : i32
        %dma_wait3A_2199 = arith.constant 0 : i32
        %dma_wait3A_2200 = tpu.memref_slice %dma_wait3A_2197[%dma_wait3A_2191, %dma_wait3A_2198, %dma_wait3A_2199] : memref<4x8x128xf32, #tpu.memory_space<vmem>> -> memref<1x8x128xf32, #tpu.memory_space<vmem>>
        %dma_wait3A_2201 = tpu.memref_squeeze %dma_wait3A_2200 : memref<1x8x128xf32, #tpu.memory_space<vmem>> -> memref<8x128xf32, #tpu.memory_space<vmem>>
        %dma_wait3A_2202 = arith.constant 0 : i32
        %dma_wait3A_2203 = arith.constant 0 : i32
        %dma_wait3A_2204 = arith.constant 0 : i32
        %dma_wait3A_2205 = arith.constant 0 : i32
        %dma_wait3A_2206 = tpu.memref_slice %arg4[%dma_wait3A_2187, %dma_wait3A_2202, %dma_wait3A_2203, %dma_wait3A_2204, %dma_wait3A_2205] : memref<50x4x128x8x128xf32, #tpu.memory_space<hbm>> -> memref<1x4x128x8x128xf32, #tpu.memory_space<hbm>>
        %dma_wait3A_2207 = tpu.memref_squeeze %dma_wait3A_2206 : memref<1x4x128x8x128xf32, #tpu.memory_space<hbm>> -> memref<4x128x8x128xf32, #tpu.memory_space<hbm>>
        %dma_wait3A_2208 = arith.constant 0 : i32
        %dma_wait3A_2209 = arith.constant 0 : i32
        %dma_wait3A_2210 = arith.constant 0 : i32
        %dma_wait3A_2211 = tpu.memref_slice %dma_wait3A_2207[%dma_wait3A_2188, %dma_wait3A_2208, %dma_wait3A_2209, %dma_wait3A_2210] : memref<4x128x8x128xf32, #tpu.memory_space<hbm>> -> memref<1x128x8x128xf32, #tpu.memory_space<hbm>>
        %dma_wait3A_2212 = tpu.memref_squeeze %dma_wait3A_2211 : memref<1x128x8x128xf32, #tpu.memory_space<hbm>> -> memref<128x8x128xf32, #tpu.memory_space<hbm>>
        %dma_wait3A_2213 = arith.constant 0 : i32
        %dma_wait3A_2214 = arith.constant 0 : i32
        %dma_wait3A_2215 = tpu.memref_slice %dma_wait3A_2212[%dma_wait3A_2189, %dma_wait3A_2213, %dma_wait3A_2214] : memref<128x8x128xf32, #tpu.memory_space<hbm>> -> memref<1x8x128xf32, #tpu.memory_space<hbm>>
        %dma_wait3A_2216 = tpu.memref_squeeze %dma_wait3A_2215 : memref<1x8x128xf32, #tpu.memory_space<hbm>> -> memref<8x128xf32, #tpu.memory_space<hbm>>
        %dma_wait3A_2217 = tpu.memref_slice %arg9[%dma_wait3A_2192] : memref<4x!tpu.dma_semaphore, #tpu.memory_space<semaphore_mem>> -> memref<1x!tpu.dma_semaphore, #tpu.memory_space<semaphore_mem>>
        %dma_wait3A_2218 = tpu.memref_squeeze %dma_wait3A_2217 : memref<1x!tpu.dma_semaphore, #tpu.memory_space<semaphore_mem>> -> memref<!tpu.dma_semaphore, #tpu.memory_space<semaphore_mem>>
        %dma_wait3A_2219 = arith.constant 0 : i32
        %dma_wait3A_2220 = arith.constant 0 : i32
        %dma_wait3A_2221 = arith.constant 0 : i32
        %dma_wait3A_2222 = tpu.memref_slice %arg7[%dma_wait3A_2190, %dma_wait3A_2219, %dma_wait3A_2220, %dma_wait3A_2221] : memref<4x4x8x128xf32, #tpu.memory_space<vmem>> -> memref<1x4x8x128xf32, #tpu.memory_space<vmem>>
        %dma_wait3A_2223 = tpu.memref_squeeze %dma_wait3A_2222 : memref<1x4x8x128xf32, #tpu.memory_space<vmem>> -> memref<4x8x128xf32, #tpu.memory_space<vmem>>
        %dma_wait3A_2224 = arith.constant 0 : i32
        %dma_wait3A_2225 = arith.constant 0 : i32
        %dma_wait3A_2226 = tpu.memref_slice %dma_wait3A_2223[%dma_wait3A_2191, %dma_wait3A_2224, %dma_wait3A_2225] : memref<4x8x128xf32, #tpu.memory_space<vmem>> -> memref<1x8x128xf32, #tpu.memory_space<vmem>>
        %dma_wait3A_2227 = tpu.memref_squeeze %dma_wait3A_2226 : memref<1x8x128xf32, #tpu.memory_space<vmem>> -> memref<8x128xf32, #tpu.memory_space<vmem>>
        %dma_wait3A_2228 = arith.constant 0 : i32
        %dma_wait3A_2229 = arith.constant 0 : i32
        %dma_wait3A_2230 = arith.constant 0 : i32
        %dma_wait3A_2231 = arith.constant 0 : i32
        %dma_wait3A_2232 = tpu.memref_slice %arg4[%dma_wait3A_2187, %dma_wait3A_2228, %dma_wait3A_2229, %dma_wait3A_2230, %dma_wait3A_2231] : memref<50x4x128x8x128xf32, #tpu.memory_space<hbm>> -> memref<1x4x128x8x128xf32, #tpu.memory_space<hbm>>
        %dma_wait3A_2233 = tpu.memref_squeeze %dma_wait3A_2232 : memref<1x4x128x8x128xf32, #tpu.memory_space<hbm>> -> memref<4x128x8x128xf32, #tpu.memory_space<hbm>>
        %dma_wait3A_2234 = arith.constant 0 : i32
        %dma_wait3A_2235 = arith.constant 0 : i32
        %dma_wait3A_2236 = arith.constant 0 : i32
        %dma_wait3A_2237 = tpu.memref_slice %dma_wait3A_2233[%dma_wait3A_2188, %dma_wait3A_2234, %dma_wait3A_2235, %dma_wait3A_2236] : memref<4x128x8x128xf32, #tpu.memory_space<hbm>> -> memref<1x128x8x128xf32, #tpu.memory_space<hbm>>
        %dma_wait3A_2238 = tpu.memref_squeeze %dma_wait3A_2237 : memref<1x128x8x128xf32, #tpu.memory_space<hbm>> -> memref<128x8x128xf32, #tpu.memory_space<hbm>>
        %dma_wait3A_2239 = arith.constant 0 : i32
        %dma_wait3A_2240 = arith.constant 0 : i32
        %dma_wait3A_2241 = tpu.memref_slice %dma_wait3A_2238[%dma_wait3A_2189, %dma_wait3A_2239, %dma_wait3A_2240] : memref<128x8x128xf32, #tpu.memory_space<hbm>> -> memref<1x8x128xf32, #tpu.memory_space<hbm>>
        %dma_wait3A_2242 = tpu.memref_squeeze %dma_wait3A_2241 : memref<1x8x128xf32, #tpu.memory_space<hbm>> -> memref<8x128xf32, #tpu.memory_space<hbm>>
        tpu.wait_dma2 semaphore(%dma_wait3A_2218 : memref<!tpu.dma_semaphore, #tpu.memory_space<semaphore_mem>>) src(%dma_wait3A_2242 : memref<8x128xf32, #tpu.memory_space<hbm>>) dst(%dma_wait3A_2227 : memref<8x128xf32, #tpu.memory_space<vmem>>)
        %dma_wait3A_2243 = arith.constant 0 : i32
        %dma_wait3A_2244 = arith.constant 0 : i32
        %dma_wait3A_2245 = arith.constant 0 : i32
        %dma_wait3A_2246 = arith.constant 3 : i32
        %dma_wait3A_2247 = arith.constant 2 : i32
        %dma_wait3A_2248 = arith.constant 3 : i32
        %dma_wait3A_2249 = arith.constant 0 : i32
        %dma_wait3A_2250 = arith.constant 0 : i32
        %dma_wait3A_2251 = arith.constant 0 : i32
        %dma_wait3A_2252 = tpu.memref_slice %arg7[%dma_wait3A_2246, %dma_wait3A_2249, %dma_wait3A_2250, %dma_wait3A_2251] : memref<4x4x8x128xf32, #tpu.memory_space<vmem>> -> memref<1x4x8x128xf32, #tpu.memory_space<vmem>>
        %dma_wait3A_2253 = tpu.memref_squeeze %dma_wait3A_2252 : memref<1x4x8x128xf32, #tpu.memory_space<vmem>> -> memref<4x8x128xf32, #tpu.memory_space<vmem>>
        %dma_wait3A_2254 = arith.constant 0 : i32
        %dma_wait3A_2255 = arith.constant 0 : i32
        %dma_wait3A_2256 = tpu.memref_slice %dma_wait3A_2253[%dma_wait3A_2247, %dma_wait3A_2254, %dma_wait3A_2255] : memref<4x8x128xf32, #tpu.memory_space<vmem>> -> memref<1x8x128xf32, #tpu.memory_space<vmem>>
        %dma_wait3A_2257 = tpu.memref_squeeze %dma_wait3A_2256 : memref<1x8x128xf32, #tpu.memory_space<vmem>> -> memref<8x128xf32, #tpu.memory_space<vmem>>
        %dma_wait3A_2258 = arith.constant 0 : i32
        %dma_wait3A_2259 = arith.constant 0 : i32
        %dma_wait3A_2260 = arith.constant 0 : i32
        %dma_wait3A_2261 = arith.constant 0 : i32
        %dma_wait3A_2262 = tpu.memref_slice %arg4[%dma_wait3A_2243, %dma_wait3A_2258, %dma_wait3A_2259, %dma_wait3A_2260, %dma_wait3A_2261] : memref<50x4x128x8x128xf32, #tpu.memory_space<hbm>> -> memref<1x4x128x8x128xf32, #tpu.memory_space<hbm>>
        %dma_wait3A_2263 = tpu.memref_squeeze %dma_wait3A_2262 : memref<1x4x128x8x128xf32, #tpu.memory_space<hbm>> -> memref<4x128x8x128xf32, #tpu.memory_space<hbm>>
        %dma_wait3A_2264 = arith.constant 0 : i32
        %dma_wait3A_2265 = arith.constant 0 : i32
        %dma_wait3A_2266 = arith.constant 0 : i32
        %dma_wait3A_2267 = tpu.memref_slice %dma_wait3A_2263[%dma_wait3A_2244, %dma_wait3A_2264, %dma_wait3A_2265, %dma_wait3A_2266] : memref<4x128x8x128xf32, #tpu.memory_space<hbm>> -> memref<1x128x8x128xf32, #tpu.memory_space<hbm>>
        %dma_wait3A_2268 = tpu.memref_squeeze %dma_wait3A_2267 : memref<1x128x8x128xf32, #tpu.memory_space<hbm>> -> memref<128x8x128xf32, #tpu.memory_space<hbm>>
        %dma_wait3A_2269 = arith.constant 0 : i32
        %dma_wait3A_2270 = arith.constant 0 : i32
        %dma_wait3A_2271 = tpu.memref_slice %dma_wait3A_2268[%dma_wait3A_2245, %dma_wait3A_2269, %dma_wait3A_2270] : memref<128x8x128xf32, #tpu.memory_space<hbm>> -> memref<1x8x128xf32, #tpu.memory_space<hbm>>
        %dma_wait3A_2272 = tpu.memref_squeeze %dma_wait3A_2271 : memref<1x8x128xf32, #tpu.memory_space<hbm>> -> memref<8x128xf32, #tpu.memory_space<hbm>>
        %dma_wait3A_2273 = tpu.memref_slice %arg9[%dma_wait3A_2248] : memref<4x!tpu.dma_semaphore, #tpu.memory_space<semaphore_mem>> -> memref<1x!tpu.dma_semaphore, #tpu.memory_space<semaphore_mem>>
        %dma_wait3A_2274 = tpu.memref_squeeze %dma_wait3A_2273 : memref<1x!tpu.dma_semaphore, #tpu.memory_space<semaphore_mem>> -> memref<!tpu.dma_semaphore, #tpu.memory_space<semaphore_mem>>
        %dma_wait3A_2275 = arith.constant 0 : i32
        %dma_wait3A_2276 = arith.constant 0 : i32
        %dma_wait3A_2277 = arith.constant 0 : i32
        %dma_wait3A_2278 = tpu.memref_slice %arg7[%dma_wait3A_2246, %dma_wait3A_2275, %dma_wait3A_2276, %dma_wait3A_2277] : memref<4x4x8x128xf32, #tpu.memory_space<vmem>> -> memref<1x4x8x128xf32, #tpu.memory_space<vmem>>
        %dma_wait3A_2279 = tpu.memref_squeeze %dma_wait3A_2278 : memref<1x4x8x128xf32, #tpu.memory_space<vmem>> -> memref<4x8x128xf32, #tpu.memory_space<vmem>>
        %dma_wait3A_2280 = arith.constant 0 : i32
        %dma_wait3A_2281 = arith.constant 0 : i32
        %dma_wait3A_2282 = tpu.memref_slice %dma_wait3A_2279[%dma_wait3A_2247, %dma_wait3A_2280, %dma_wait3A_2281] : memref<4x8x128xf32, #tpu.memory_space<vmem>> -> memref<1x8x128xf32, #tpu.memory_space<vmem>>
        %dma_wait3A_2283 = tpu.memref_squeeze %dma_wait3A_2282 : memref<1x8x128xf32, #tpu.memory_space<vmem>> -> memref<8x128xf32, #tpu.memory_space<vmem>>
        %dma_wait3A_2284 = arith.constant 0 : i32
        %dma_wait3A_2285 = arith.constant 0 : i32
        %dma_wait3A_2286 = arith.constant 0 : i32
        %dma_wait3A_2287 = arith.constant 0 : i32
        %dma_wait3A_2288 = tpu.memref_slice %arg4[%dma_wait3A_2243, %dma_wait3A_2284, %dma_wait3A_2285, %dma_wait3A_2286, %dma_wait3A_2287] : memref<50x4x128x8x128xf32, #tpu.memory_space<hbm>> -> memref<1x4x128x8x128xf32, #tpu.memory_space<hbm>>
        %dma_wait3A_2289 = tpu.memref_squeeze %dma_wait3A_2288 : memref<1x4x128x8x128xf32, #tpu.memory_space<hbm>> -> memref<4x128x8x128xf32, #tpu.memory_space<hbm>>
        %dma_wait3A_2290 = arith.constant 0 : i32
        %dma_wait3A_2291 = arith.constant 0 : i32
        %dma_wait3A_2292 = arith.constant 0 : i32
        %dma_wait3A_2293 = tpu.memref_slice %dma_wait3A_2289[%dma_wait3A_2244, %dma_wait3A_2290, %dma_wait3A_2291, %dma_wait3A_2292] : memref<4x128x8x128xf32, #tpu.memory_space<hbm>> -> memref<1x128x8x128xf32, #tpu.memory_space<hbm>>
        %dma_wait3A_2294 = tpu.memref_squeeze %dma_wait3A_2293 : memref<1x128x8x128xf32, #tpu.memory_space<hbm>> -> memref<128x8x128xf32, #tpu.memory_space<hbm>>
        %dma_wait3A_2295 = arith.constant 0 : i32
        %dma_wait3A_2296 = arith.constant 0 : i32
        %dma_wait3A_2297 = tpu.memref_slice %dma_wait3A_2294[%dma_wait3A_2245, %dma_wait3A_2295, %dma_wait3A_2296] : memref<128x8x128xf32, #tpu.memory_space<hbm>> -> memref<1x8x128xf32, #tpu.memory_space<hbm>>
        %dma_wait3A_2298 = tpu.memref_squeeze %dma_wait3A_2297 : memref<1x8x128xf32, #tpu.memory_space<hbm>> -> memref<8x128xf32, #tpu.memory_space<hbm>>
        tpu.wait_dma2 semaphore(%dma_wait3A_2274 : memref<!tpu.dma_semaphore, #tpu.memory_space<semaphore_mem>>) src(%dma_wait3A_2298 : memref<8x128xf32, #tpu.memory_space<hbm>>) dst(%dma_wait3A_2283 : memref<8x128xf32, #tpu.memory_space<vmem>>)
        %dma_wait3A_2299 = arith.constant 0 : i32
        %dma_wait3A_2300 = arith.constant 0 : i32
        %dma_wait3A_2301 = arith.constant 0 : i32
        %dma_wait3A_2302 = arith.constant 3 : i32
        %dma_wait3A_2303 = arith.constant 3 : i32
        %dma_wait3A_2304 = arith.constant 3 : i32
        %dma_wait3A_2305 = arith.constant 0 : i32
        %dma_wait3A_2306 = arith.constant 0 : i32
        %dma_wait3A_2307 = arith.constant 0 : i32
        %dma_wait3A_2308 = tpu.memref_slice %arg7[%dma_wait3A_2302, %dma_wait3A_2305, %dma_wait3A_2306, %dma_wait3A_2307] : memref<4x4x8x128xf32, #tpu.memory_space<vmem>> -> memref<1x4x8x128xf32, #tpu.memory_space<vmem>>
        %dma_wait3A_2309 = tpu.memref_squeeze %dma_wait3A_2308 : memref<1x4x8x128xf32, #tpu.memory_space<vmem>> -> memref<4x8x128xf32, #tpu.memory_space<vmem>>
        %dma_wait3A_2310 = arith.constant 0 : i32
        %dma_wait3A_2311 = arith.constant 0 : i32
        %dma_wait3A_2312 = tpu.memref_slice %dma_wait3A_2309[%dma_wait3A_2303, %dma_wait3A_2310, %dma_wait3A_2311] : memref<4x8x128xf32, #tpu.memory_space<vmem>> -> memref<1x8x128xf32, #tpu.memory_space<vmem>>
        %dma_wait3A_2313 = tpu.memref_squeeze %dma_wait3A_2312 : memref<1x8x128xf32, #tpu.memory_space<vmem>> -> memref<8x128xf32, #tpu.memory_space<vmem>>
        %dma_wait3A_2314 = arith.constant 0 : i32
        %dma_wait3A_2315 = arith.constant 0 : i32
        %dma_wait3A_2316 = arith.constant 0 : i32
        %dma_wait3A_2317 = arith.constant 0 : i32
        %dma_wait3A_2318 = tpu.memref_slice %arg4[%dma_wait3A_2299, %dma_wait3A_2314, %dma_wait3A_2315, %dma_wait3A_2316, %dma_wait3A_2317] : memref<50x4x128x8x128xf32, #tpu.memory_space<hbm>> -> memref<1x4x128x8x128xf32, #tpu.memory_space<hbm>>
        %dma_wait3A_2319 = tpu.memref_squeeze %dma_wait3A_2318 : memref<1x4x128x8x128xf32, #tpu.memory_space<hbm>> -> memref<4x128x8x128xf32, #tpu.memory_space<hbm>>
        %dma_wait3A_2320 = arith.constant 0 : i32
        %dma_wait3A_2321 = arith.constant 0 : i32
        %dma_wait3A_2322 = arith.constant 0 : i32
        %dma_wait3A_2323 = tpu.memref_slice %dma_wait3A_2319[%dma_wait3A_2300, %dma_wait3A_2320, %dma_wait3A_2321, %dma_wait3A_2322] : memref<4x128x8x128xf32, #tpu.memory_space<hbm>> -> memref<1x128x8x128xf32, #tpu.memory_space<hbm>>
        %dma_wait3A_2324 = tpu.memref_squeeze %dma_wait3A_2323 : memref<1x128x8x128xf32, #tpu.memory_space<hbm>> -> memref<128x8x128xf32, #tpu.memory_space<hbm>>
        %dma_wait3A_2325 = arith.constant 0 : i32
        %dma_wait3A_2326 = arith.constant 0 : i32
        %dma_wait3A_2327 = tpu.memref_slice %dma_wait3A_2324[%dma_wait3A_2301, %dma_wait3A_2325, %dma_wait3A_2326] : memref<128x8x128xf32, #tpu.memory_space<hbm>> -> memref<1x8x128xf32, #tpu.memory_space<hbm>>
        %dma_wait3A_2328 = tpu.memref_squeeze %dma_wait3A_2327 : memref<1x8x128xf32, #tpu.memory_space<hbm>> -> memref<8x128xf32, #tpu.memory_space<hbm>>
        %dma_wait3A_2329 = tpu.memref_slice %arg9[%dma_wait3A_2304] : memref<4x!tpu.dma_semaphore, #tpu.memory_space<semaphore_mem>> -> memref<1x!tpu.dma_semaphore, #tpu.memory_space<semaphore_mem>>
        %dma_wait3A_2330 = tpu.memref_squeeze %dma_wait3A_2329 : memref<1x!tpu.dma_semaphore, #tpu.memory_space<semaphore_mem>> -> memref<!tpu.dma_semaphore, #tpu.memory_space<semaphore_mem>>
        %dma_wait3A_2331 = arith.constant 0 : i32
        %dma_wait3A_2332 = arith.constant 0 : i32
        %dma_wait3A_2333 = arith.constant 0 : i32
        %dma_wait3A_2334 = tpu.memref_slice %arg7[%dma_wait3A_2302, %dma_wait3A_2331, %dma_wait3A_2332, %dma_wait3A_2333] : memref<4x4x8x128xf32, #tpu.memory_space<vmem>> -> memref<1x4x8x128xf32, #tpu.memory_space<vmem>>
        %dma_wait3A_2335 = tpu.memref_squeeze %dma_wait3A_2334 : memref<1x4x8x128xf32, #tpu.memory_space<vmem>> -> memref<4x8x128xf32, #tpu.memory_space<vmem>>
        %dma_wait3A_2336 = arith.constant 0 : i32
        %dma_wait3A_2337 = arith.constant 0 : i32
        %dma_wait3A_2338 = tpu.memref_slice %dma_wait3A_2335[%dma_wait3A_2303, %dma_wait3A_2336, %dma_wait3A_2337] : memref<4x8x128xf32, #tpu.memory_space<vmem>> -> memref<1x8x128xf32, #tpu.memory_space<vmem>>
        %dma_wait3A_2339 = tpu.memref_squeeze %dma_wait3A_2338 : memref<1x8x128xf32, #tpu.memory_space<vmem>> -> memref<8x128xf32, #tpu.memory_space<vmem>>
        %dma_wait3A_2340 = arith.constant 0 : i32
        %dma_wait3A_2341 = arith.constant 0 : i32
        %dma_wait3A_2342 = arith.constant 0 : i32
        %dma_wait3A_2343 = arith.constant 0 : i32
        %dma_wait3A_2344 = tpu.memref_slice %arg4[%dma_wait3A_2299, %dma_wait3A_2340, %dma_wait3A_2341, %dma_wait3A_2342, %dma_wait3A_2343] : memref<50x4x128x8x128xf32, #tpu.memory_space<hbm>> -> memref<1x4x128x8x128xf32, #tpu.memory_space<hbm>>
        %dma_wait3A_2345 = tpu.memref_squeeze %dma_wait3A_2344 : memref<1x4x128x8x128xf32, #tpu.memory_space<hbm>> -> memref<4x128x8x128xf32, #tpu.memory_space<hbm>>
        %dma_wait3A_2346 = arith.constant 0 : i32
        %dma_wait3A_2347 = arith.constant 0 : i32
        %dma_wait3A_2348 = arith.constant 0 : i32
        %dma_wait3A_2349 = tpu.memref_slice %dma_wait3A_2345[%dma_wait3A_2300, %dma_wait3A_2346, %dma_wait3A_2347, %dma_wait3A_2348] : memref<4x128x8x128xf32, #tpu.memory_space<hbm>> -> memref<1x128x8x128xf32, #tpu.memory_space<hbm>>
        %dma_wait3A_2350 = tpu.memref_squeeze %dma_wait3A_2349 : memref<1x128x8x128xf32, #tpu.memory_space<hbm>> -> memref<128x8x128xf32, #tpu.memory_space<hbm>>
        %dma_wait3A_2351 = arith.constant 0 : i32
        %dma_wait3A_2352 = arith.constant 0 : i32
        %dma_wait3A_2353 = tpu.memref_slice %dma_wait3A_2350[%dma_wait3A_2301, %dma_wait3A_2351, %dma_wait3A_2352] : memref<128x8x128xf32, #tpu.memory_space<hbm>> -> memref<1x8x128xf32, #tpu.memory_space<hbm>>
        %dma_wait3A_2354 = tpu.memref_squeeze %dma_wait3A_2353 : memref<1x8x128xf32, #tpu.memory_space<hbm>> -> memref<8x128xf32, #tpu.memory_space<hbm>>
        tpu.wait_dma2 semaphore(%dma_wait3A_2330 : memref<!tpu.dma_semaphore, #tpu.memory_space<semaphore_mem>>) src(%dma_wait3A_2354 : memref<8x128xf32, #tpu.memory_space<hbm>>) dst(%dma_wait3A_2339 : memref<8x128xf32, #tpu.memory_space<vmem>>)
      } else {
      }
      %dma_start3A_1915 = arith.constant 3 : i32
      %dma_start3A_1916 = arith.constant 0 : i32
      %dma_start3A_1917 = arith.constant 0 : i32
      %dma_start3A_1918 = arith.constant 3 : i32
      %dma_start3A_1919 = arith.constant 0 : i32
      %dma_start3A_1920 = arith.constant 0 : i32
      %dma_start3A_1921 = arith.constant 0 : i32
      %dma_start3A_1922 = tpu.memref_slice %arg7[%dma_start3A_1915, %dma_start3A_1919, %dma_start3A_1920, %dma_start3A_1921] : memref<4x4x8x128xf32, #tpu.memory_space<vmem>> -> memref<1x4x8x128xf32, #tpu.memory_space<vmem>>
      %dma_start3A_1923 = tpu.memref_squeeze %dma_start3A_1922 : memref<1x4x8x128xf32, #tpu.memory_space<vmem>> -> memref<4x8x128xf32, #tpu.memory_space<vmem>>
      %dma_start3A_1924 = arith.constant 0 : i32
      %dma_start3A_1925 = arith.constant 0 : i32
      %dma_start3A_1926 = tpu.memref_slice %dma_start3A_1923[%dma_start3A_1916, %dma_start3A_1924, %dma_start3A_1925] : memref<4x8x128xf32, #tpu.memory_space<vmem>> -> memref<1x8x128xf32, #tpu.memory_space<vmem>>
      %dma_start3A_1927 = tpu.memref_squeeze %dma_start3A_1926 : memref<1x8x128xf32, #tpu.memory_space<vmem>> -> memref<8x128xf32, #tpu.memory_space<vmem>>
      %dma_start3A_1928 = arith.constant 0 : i32
      %dma_start3A_1929 = arith.constant 0 : i32
      %dma_start3A_1930 = arith.constant 0 : i32
      %dma_start3A_1931 = arith.constant 0 : i32
      %dma_start3A_1932 = tpu.memref_slice %arg4[%select_n3A_1866, %dma_start3A_1928, %dma_start3A_1929, %dma_start3A_1930, %dma_start3A_1931] : memref<50x4x128x8x128xf32, #tpu.memory_space<hbm>> -> memref<1x4x128x8x128xf32, #tpu.memory_space<hbm>>
      %dma_start3A_1933 = tpu.memref_squeeze %dma_start3A_1932 : memref<1x4x128x8x128xf32, #tpu.memory_space<hbm>> -> memref<4x128x8x128xf32, #tpu.memory_space<hbm>>
      %dma_start3A_1934 = arith.constant 0 : i32
      %dma_start3A_1935 = arith.constant 0 : i32
      %dma_start3A_1936 = arith.constant 0 : i32
      %dma_start3A_1937 = tpu.memref_slice %dma_start3A_1933[%dma_start3A_1917, %dma_start3A_1934, %dma_start3A_1935, %dma_start3A_1936] : memref<4x128x8x128xf32, #tpu.memory_space<hbm>> -> memref<1x128x8x128xf32, #tpu.memory_space<hbm>>
      %dma_start3A_1938 = tpu.memref_squeeze %dma_start3A_1937 : memref<1x128x8x128xf32, #tpu.memory_space<hbm>> -> memref<128x8x128xf32, #tpu.memory_space<hbm>>
      %dma_start3A_1939 = arith.constant 0 : i32
      %dma_start3A_1940 = arith.constant 0 : i32
      %dma_start3A_1941 = tpu.memref_slice %dma_start3A_1938[%select_n3A_1882, %dma_start3A_1939, %dma_start3A_1940] : memref<128x8x128xf32, #tpu.memory_space<hbm>> -> memref<1x8x128xf32, #tpu.memory_space<hbm>>
      %dma_start3A_1942 = tpu.memref_squeeze %dma_start3A_1941 : memref<1x8x128xf32, #tpu.memory_space<hbm>> -> memref<8x128xf32, #tpu.memory_space<hbm>>
      %dma_start3A_1943 = tpu.memref_slice %arg9[%dma_start3A_1918] : memref<4x!tpu.dma_semaphore, #tpu.memory_space<semaphore_mem>> -> memref<1x!tpu.dma_semaphore, #tpu.memory_space<semaphore_mem>>
      %dma_start3A_1944 = tpu.memref_squeeze %dma_start3A_1943 : memref<1x!tpu.dma_semaphore, #tpu.memory_space<semaphore_mem>> -> memref<!tpu.dma_semaphore, #tpu.memory_space<semaphore_mem>>
      %dma_start3A_1945 = arith.constant 0 : i32
      %dma_start3A_1946 = arith.constant 0 : i32
      %dma_start3A_1947 = arith.constant 0 : i32
      %dma_start3A_1948 = arith.constant 0 : i32
      %dma_start3A_1949 = tpu.memref_slice %arg4[%select_n3A_1866, %dma_start3A_1945, %dma_start3A_1946, %dma_start3A_1947, %dma_start3A_1948] : memref<50x4x128x8x128xf32, #tpu.memory_space<hbm>> -> memref<1x4x128x8x128xf32, #tpu.memory_space<hbm>>
      %dma_start3A_1950 = tpu.memref_squeeze %dma_start3A_1949 : memref<1x4x128x8x128xf32, #tpu.memory_space<hbm>> -> memref<4x128x8x128xf32, #tpu.memory_space<hbm>>
      %dma_start3A_1951 = arith.constant 0 : i32
      %dma_start3A_1952 = arith.constant 0 : i32
      %dma_start3A_1953 = arith.constant 0 : i32
      %dma_start3A_1954 = tpu.memref_slice %dma_start3A_1950[%dma_start3A_1917, %dma_start3A_1951, %dma_start3A_1952, %dma_start3A_1953] : memref<4x128x8x128xf32, #tpu.memory_space<hbm>> -> memref<1x128x8x128xf32, #tpu.memory_space<hbm>>
      %dma_start3A_1955 = tpu.memref_squeeze %dma_start3A_1954 : memref<1x128x8x128xf32, #tpu.memory_space<hbm>> -> memref<128x8x128xf32, #tpu.memory_space<hbm>>
      %dma_start3A_1956 = arith.constant 0 : i32
      %dma_start3A_1957 = arith.constant 0 : i32
      %dma_start3A_1958 = tpu.memref_slice %dma_start3A_1955[%select_n3A_1882, %dma_start3A_1956, %dma_start3A_1957] : memref<128x8x128xf32, #tpu.memory_space<hbm>> -> memref<1x8x128xf32, #tpu.memory_space<hbm>>
      %dma_start3A_1959 = tpu.memref_squeeze %dma_start3A_1958 : memref<1x8x128xf32, #tpu.memory_space<hbm>> -> memref<8x128xf32, #tpu.memory_space<hbm>>
      %dma_start3A_1960 = arith.constant 0 : i32
      %dma_start3A_1961 = arith.constant 0 : i32
      %dma_start3A_1962 = arith.constant 0 : i32
      %dma_start3A_1963 = tpu.memref_slice %arg7[%dma_start3A_1915, %dma_start3A_1960, %dma_start3A_1961, %dma_start3A_1962] : memref<4x4x8x128xf32, #tpu.memory_space<vmem>> -> memref<1x4x8x128xf32, #tpu.memory_space<vmem>>
      %dma_start3A_1964 = tpu.memref_squeeze %dma_start3A_1963 : memref<1x4x8x128xf32, #tpu.memory_space<vmem>> -> memref<4x8x128xf32, #tpu.memory_space<vmem>>
      %dma_start3A_1965 = arith.constant 0 : i32
      %dma_start3A_1966 = arith.constant 0 : i32
      %dma_start3A_1967 = tpu.memref_slice %dma_start3A_1964[%dma_start3A_1916, %dma_start3A_1965, %dma_start3A_1966] : memref<4x8x128xf32, #tpu.memory_space<vmem>> -> memref<1x8x128xf32, #tpu.memory_space<vmem>>
      %dma_start3A_1968 = tpu.memref_squeeze %dma_start3A_1967 : memref<1x8x128xf32, #tpu.memory_space<vmem>> -> memref<8x128xf32, #tpu.memory_space<vmem>>
      tpu.enqueue_dma source(%dma_start3A_1968 : memref<8x128xf32, #tpu.memory_space<vmem>>) target(%dma_start3A_1959 : memref<8x128xf32, #tpu.memory_space<hbm>>) target_semaphore(%dma_start3A_1944 : memref<!tpu.dma_semaphore, #tpu.memory_space<semaphore_mem>>)
      %dma_start3A_1969 = arith.constant 3 : i32
      %dma_start3A_1970 = arith.constant 1 : i32
      %dma_start3A_1971 = arith.constant 1 : i32
      %dma_start3A_1972 = arith.constant 3 : i32
      %dma_start3A_1973 = arith.constant 0 : i32
      %dma_start3A_1974 = arith.constant 0 : i32
      %dma_start3A_1975 = arith.constant 0 : i32
      %dma_start3A_1976 = tpu.memref_slice %arg7[%dma_start3A_1969, %dma_start3A_1973, %dma_start3A_1974, %dma_start3A_1975] : memref<4x4x8x128xf32, #tpu.memory_space<vmem>> -> memref<1x4x8x128xf32, #tpu.memory_space<vmem>>
      %dma_start3A_1977 = tpu.memref_squeeze %dma_start3A_1976 : memref<1x4x8x128xf32, #tpu.memory_space<vmem>> -> memref<4x8x128xf32, #tpu.memory_space<vmem>>
      %dma_start3A_1978 = arith.constant 0 : i32
      %dma_start3A_1979 = arith.constant 0 : i32
      %dma_start3A_1980 = tpu.memref_slice %dma_start3A_1977[%dma_start3A_1970, %dma_start3A_1978, %dma_start3A_1979] : memref<4x8x128xf32, #tpu.memory_space<vmem>> -> memref<1x8x128xf32, #tpu.memory_space<vmem>>
      %dma_start3A_1981 = tpu.memref_squeeze %dma_start3A_1980 : memref<1x8x128xf32, #tpu.memory_space<vmem>> -> memref<8x128xf32, #tpu.memory_space<vmem>>
      %dma_start3A_1982 = arith.constant 0 : i32
      %dma_start3A_1983 = arith.constant 0 : i32
      %dma_start3A_1984 = arith.constant 0 : i32
      %dma_start3A_1985 = arith.constant 0 : i32
      %dma_start3A_1986 = tpu.memref_slice %arg4[%select_n3A_1866, %dma_start3A_1982, %dma_start3A_1983, %dma_start3A_1984, %dma_start3A_1985] : memref<50x4x128x8x128xf32, #tpu.memory_space<hbm>> -> memref<1x4x128x8x128xf32, #tpu.memory_space<hbm>>
      %dma_start3A_1987 = tpu.memref_squeeze %dma_start3A_1986 : memref<1x4x128x8x128xf32, #tpu.memory_space<hbm>> -> memref<4x128x8x128xf32, #tpu.memory_space<hbm>>
      %dma_start3A_1988 = arith.constant 0 : i32
      %dma_start3A_1989 = arith.constant 0 : i32
      %dma_start3A_1990 = arith.constant 0 : i32
      %dma_start3A_1991 = tpu.memref_slice %dma_start3A_1987[%dma_start3A_1971, %dma_start3A_1988, %dma_start3A_1989, %dma_start3A_1990] : memref<4x128x8x128xf32, #tpu.memory_space<hbm>> -> memref<1x128x8x128xf32, #tpu.memory_space<hbm>>
      %dma_start3A_1992 = tpu.memref_squeeze %dma_start3A_1991 : memref<1x128x8x128xf32, #tpu.memory_space<hbm>> -> memref<128x8x128xf32, #tpu.memory_space<hbm>>
      %dma_start3A_1993 = arith.constant 0 : i32
      %dma_start3A_1994 = arith.constant 0 : i32
      %dma_start3A_1995 = tpu.memref_slice %dma_start3A_1992[%select_n3A_1882, %dma_start3A_1993, %dma_start3A_1994] : memref<128x8x128xf32, #tpu.memory_space<hbm>> -> memref<1x8x128xf32, #tpu.memory_space<hbm>>
      %dma_start3A_1996 = tpu.memref_squeeze %dma_start3A_1995 : memref<1x8x128xf32, #tpu.memory_space<hbm>> -> memref<8x128xf32, #tpu.memory_space<hbm>>
      %dma_start3A_1997 = tpu.memref_slice %arg9[%dma_start3A_1972] : memref<4x!tpu.dma_semaphore, #tpu.memory_space<semaphore_mem>> -> memref<1x!tpu.dma_semaphore, #tpu.memory_space<semaphore_mem>>
      %dma_start3A_1998 = tpu.memref_squeeze %dma_start3A_1997 : memref<1x!tpu.dma_semaphore, #tpu.memory_space<semaphore_mem>> -> memref<!tpu.dma_semaphore, #tpu.memory_space<semaphore_mem>>
      %dma_start3A_1999 = arith.constant 0 : i32
      %dma_start3A_2000 = arith.constant 0 : i32
      %dma_start3A_2001 = arith.constant 0 : i32
      %dma_start3A_2002 = arith.constant 0 : i32
      %dma_start3A_2003 = tpu.memref_slice %arg4[%select_n3A_1866, %dma_start3A_1999, %dma_start3A_2000, %dma_start3A_2001, %dma_start3A_2002] : memref<50x4x128x8x128xf32, #tpu.memory_space<hbm>> -> memref<1x4x128x8x128xf32, #tpu.memory_space<hbm>>
      %dma_start3A_2004 = tpu.memref_squeeze %dma_start3A_2003 : memref<1x4x128x8x128xf32, #tpu.memory_space<hbm>> -> memref<4x128x8x128xf32, #tpu.memory_space<hbm>>
      %dma_start3A_2005 = arith.constant 0 : i32
      %dma_start3A_2006 = arith.constant 0 : i32
      %dma_start3A_2007 = arith.constant 0 : i32
      %dma_start3A_2008 = tpu.memref_slice %dma_start3A_2004[%dma_start3A_1971, %dma_start3A_2005, %dma_start3A_2006, %dma_start3A_2007] : memref<4x128x8x128xf32, #tpu.memory_space<hbm>> -> memref<1x128x8x128xf32, #tpu.memory_space<hbm>>
      %dma_start3A_2009 = tpu.memref_squeeze %dma_start3A_2008 : memref<1x128x8x128xf32, #tpu.memory_space<hbm>> -> memref<128x8x128xf32, #tpu.memory_space<hbm>>
      %dma_start3A_2010 = arith.constant 0 : i32
      %dma_start3A_2011 = arith.constant 0 : i32
      %dma_start3A_2012 = tpu.memref_slice %dma_start3A_2009[%select_n3A_1882, %dma_start3A_2010, %dma_start3A_2011] : memref<128x8x128xf32, #tpu.memory_space<hbm>> -> memref<1x8x128xf32, #tpu.memory_space<hbm>>
      %dma_start3A_2013 = tpu.memref_squeeze %dma_start3A_2012 : memref<1x8x128xf32, #tpu.memory_space<hbm>> -> memref<8x128xf32, #tpu.memory_space<hbm>>
      %dma_start3A_2014 = arith.constant 0 : i32
      %dma_start3A_2015 = arith.constant 0 : i32
      %dma_start3A_2016 = arith.constant 0 : i32
      %dma_start3A_2017 = tpu.memref_slice %arg7[%dma_start3A_1969, %dma_start3A_2014, %dma_start3A_2015, %dma_start3A_2016] : memref<4x4x8x128xf32, #tpu.memory_space<vmem>> -> memref<1x4x8x128xf32, #tpu.memory_space<vmem>>
      %dma_start3A_2018 = tpu.memref_squeeze %dma_start3A_2017 : memref<1x4x8x128xf32, #tpu.memory_space<vmem>> -> memref<4x8x128xf32, #tpu.memory_space<vmem>>
      %dma_start3A_2019 = arith.constant 0 : i32
      %dma_start3A_2020 = arith.constant 0 : i32
      %dma_start3A_2021 = tpu.memref_slice %dma_start3A_2018[%dma_start3A_1970, %dma_start3A_2019, %dma_start3A_2020] : memref<4x8x128xf32, #tpu.memory_space<vmem>> -> memref<1x8x128xf32, #tpu.memory_space<vmem>>
      %dma_start3A_2022 = tpu.memref_squeeze %dma_start3A_2021 : memref<1x8x128xf32, #tpu.memory_space<vmem>> -> memref<8x128xf32, #tpu.memory_space<vmem>>
      tpu.enqueue_dma source(%dma_start3A_2022 : memref<8x128xf32, #tpu.memory_space<vmem>>) target(%dma_start3A_2013 : memref<8x128xf32, #tpu.memory_space<hbm>>) target_semaphore(%dma_start3A_1998 : memref<!tpu.dma_semaphore, #tpu.memory_space<semaphore_mem>>)
      %dma_start3A_2023 = arith.constant 3 : i32
      %dma_start3A_2024 = arith.constant 2 : i32
      %dma_start3A_2025 = arith.constant 2 : i32
      %dma_start3A_2026 = arith.constant 3 : i32
      %dma_start3A_2027 = arith.constant 0 : i32
      %dma_start3A_2028 = arith.constant 0 : i32
      %dma_start3A_2029 = arith.constant 0 : i32
      %dma_start3A_2030 = tpu.memref_slice %arg7[%dma_start3A_2023, %dma_start3A_2027, %dma_start3A_2028, %dma_start3A_2029] : memref<4x4x8x128xf32, #tpu.memory_space<vmem>> -> memref<1x4x8x128xf32, #tpu.memory_space<vmem>>
      %dma_start3A_2031 = tpu.memref_squeeze %dma_start3A_2030 : memref<1x4x8x128xf32, #tpu.memory_space<vmem>> -> memref<4x8x128xf32, #tpu.memory_space<vmem>>
      %dma_start3A_2032 = arith.constant 0 : i32
      %dma_start3A_2033 = arith.constant 0 : i32
      %dma_start3A_2034 = tpu.memref_slice %dma_start3A_2031[%dma_start3A_2024, %dma_start3A_2032, %dma_start3A_2033] : memref<4x8x128xf32, #tpu.memory_space<vmem>> -> memref<1x8x128xf32, #tpu.memory_space<vmem>>
      %dma_start3A_2035 = tpu.memref_squeeze %dma_start3A_2034 : memref<1x8x128xf32, #tpu.memory_space<vmem>> -> memref<8x128xf32, #tpu.memory_space<vmem>>
      %dma_start3A_2036 = arith.constant 0 : i32
      %dma_start3A_2037 = arith.constant 0 : i32
      %dma_start3A_2038 = arith.constant 0 : i32
      %dma_start3A_2039 = arith.constant 0 : i32
      %dma_start3A_2040 = tpu.memref_slice %arg4[%select_n3A_1866, %dma_start3A_2036, %dma_start3A_2037, %dma_start3A_2038, %dma_start3A_2039] : memref<50x4x128x8x128xf32, #tpu.memory_space<hbm>> -> memref<1x4x128x8x128xf32, #tpu.memory_space<hbm>>
      %dma_start3A_2041 = tpu.memref_squeeze %dma_start3A_2040 : memref<1x4x128x8x128xf32, #tpu.memory_space<hbm>> -> memref<4x128x8x128xf32, #tpu.memory_space<hbm>>
      %dma_start3A_2042 = arith.constant 0 : i32
      %dma_start3A_2043 = arith.constant 0 : i32
      %dma_start3A_2044 = arith.constant 0 : i32
      %dma_start3A_2045 = tpu.memref_slice %dma_start3A_2041[%dma_start3A_2025, %dma_start3A_2042, %dma_start3A_2043, %dma_start3A_2044] : memref<4x128x8x128xf32, #tpu.memory_space<hbm>> -> memref<1x128x8x128xf32, #tpu.memory_space<hbm>>
      %dma_start3A_2046 = tpu.memref_squeeze %dma_start3A_2045 : memref<1x128x8x128xf32, #tpu.memory_space<hbm>> -> memref<128x8x128xf32, #tpu.memory_space<hbm>>
      %dma_start3A_2047 = arith.constant 0 : i32
      %dma_start3A_2048 = arith.constant 0 : i32
      %dma_start3A_2049 = tpu.memref_slice %dma_start3A_2046[%select_n3A_1882, %dma_start3A_2047, %dma_start3A_2048] : memref<128x8x128xf32, #tpu.memory_space<hbm>> -> memref<1x8x128xf32, #tpu.memory_space<hbm>>
      %dma_start3A_2050 = tpu.memref_squeeze %dma_start3A_2049 : memref<1x8x128xf32, #tpu.memory_space<hbm>> -> memref<8x128xf32, #tpu.memory_space<hbm>>
      %dma_start3A_2051 = tpu.memref_slice %arg9[%dma_start3A_2026] : memref<4x!tpu.dma_semaphore, #tpu.memory_space<semaphore_mem>> -> memref<1x!tpu.dma_semaphore, #tpu.memory_space<semaphore_mem>>
      %dma_start3A_2052 = tpu.memref_squeeze %dma_start3A_2051 : memref<1x!tpu.dma_semaphore, #tpu.memory_space<semaphore_mem>> -> memref<!tpu.dma_semaphore, #tpu.memory_space<semaphore_mem>>
      %dma_start3A_2053 = arith.constant 0 : i32
      %dma_start3A_2054 = arith.constant 0 : i32
      %dma_start3A_2055 = arith.constant 0 : i32
      %dma_start3A_2056 = arith.constant 0 : i32
      %dma_start3A_2057 = tpu.memref_slice %arg4[%select_n3A_1866, %dma_start3A_2053, %dma_start3A_2054, %dma_start3A_2055, %dma_start3A_2056] : memref<50x4x128x8x128xf32, #tpu.memory_space<hbm>> -> memref<1x4x128x8x128xf32, #tpu.memory_space<hbm>>
      %dma_start3A_2058 = tpu.memref_squeeze %dma_start3A_2057 : memref<1x4x128x8x128xf32, #tpu.memory_space<hbm>> -> memref<4x128x8x128xf32, #tpu.memory_space<hbm>>
      %dma_start3A_2059 = arith.constant 0 : i32
      %dma_start3A_2060 = arith.constant 0 : i32
      %dma_start3A_2061 = arith.constant 0 : i32
      %dma_start3A_2062 = tpu.memref_slice %dma_start3A_2058[%dma_start3A_2025, %dma_start3A_2059, %dma_start3A_2060, %dma_start3A_2061] : memref<4x128x8x128xf32, #tpu.memory_space<hbm>> -> memref<1x128x8x128xf32, #tpu.memory_space<hbm>>
      %dma_start3A_2063 = tpu.memref_squeeze %dma_start3A_2062 : memref<1x128x8x128xf32, #tpu.memory_space<hbm>> -> memref<128x8x128xf32, #tpu.memory_space<hbm>>
      %dma_start3A_2064 = arith.constant 0 : i32
      %dma_start3A_2065 = arith.constant 0 : i32
      %dma_start3A_2066 = tpu.memref_slice %dma_start3A_2063[%select_n3A_1882, %dma_start3A_2064, %dma_start3A_2065] : memref<128x8x128xf32, #tpu.memory_space<hbm>> -> memref<1x8x128xf32, #tpu.memory_space<hbm>>
      %dma_start3A_2067 = tpu.memref_squeeze %dma_start3A_2066 : memref<1x8x128xf32, #tpu.memory_space<hbm>> -> memref<8x128xf32, #tpu.memory_space<hbm>>
      %dma_start3A_2068 = arith.constant 0 : i32
      %dma_start3A_2069 = arith.constant 0 : i32
      %dma_start3A_2070 = arith.constant 0 : i32
      %dma_start3A_2071 = tpu.memref_slice %arg7[%dma_start3A_2023, %dma_start3A_2068, %dma_start3A_2069, %dma_start3A_2070] : memref<4x4x8x128xf32, #tpu.memory_space<vmem>> -> memref<1x4x8x128xf32, #tpu.memory_space<vmem>>
      %dma_start3A_2072 = tpu.memref_squeeze %dma_start3A_2071 : memref<1x4x8x128xf32, #tpu.memory_space<vmem>> -> memref<4x8x128xf32, #tpu.memory_space<vmem>>
      %dma_start3A_2073 = arith.constant 0 : i32
      %dma_start3A_2074 = arith.constant 0 : i32
      %dma_start3A_2075 = tpu.memref_slice %dma_start3A_2072[%dma_start3A_2024, %dma_start3A_2073, %dma_start3A_2074] : memref<4x8x128xf32, #tpu.memory_space<vmem>> -> memref<1x8x128xf32, #tpu.memory_space<vmem>>
      %dma_start3A_2076 = tpu.memref_squeeze %dma_start3A_2075 : memref<1x8x128xf32, #tpu.memory_space<vmem>> -> memref<8x128xf32, #tpu.memory_space<vmem>>
      tpu.enqueue_dma source(%dma_start3A_2076 : memref<8x128xf32, #tpu.memory_space<vmem>>) target(%dma_start3A_2067 : memref<8x128xf32, #tpu.memory_space<hbm>>) target_semaphore(%dma_start3A_2052 : memref<!tpu.dma_semaphore, #tpu.memory_space<semaphore_mem>>)
      %dma_start3A_2077 = arith.constant 3 : i32
      %dma_start3A_2078 = arith.constant 3 : i32
      %dma_start3A_2079 = arith.constant 3 : i32
      %dma_start3A_2080 = arith.constant 3 : i32
      %dma_start3A_2081 = arith.constant 0 : i32
      %dma_start3A_2082 = arith.constant 0 : i32
      %dma_start3A_2083 = arith.constant 0 : i32
      %dma_start3A_2084 = tpu.memref_slice %arg7[%dma_start3A_2077, %dma_start3A_2081, %dma_start3A_2082, %dma_start3A_2083] : memref<4x4x8x128xf32, #tpu.memory_space<vmem>> -> memref<1x4x8x128xf32, #tpu.memory_space<vmem>>
      %dma_start3A_2085 = tpu.memref_squeeze %dma_start3A_2084 : memref<1x4x8x128xf32, #tpu.memory_space<vmem>> -> memref<4x8x128xf32, #tpu.memory_space<vmem>>
      %dma_start3A_2086 = arith.constant 0 : i32
      %dma_start3A_2087 = arith.constant 0 : i32
      %dma_start3A_2088 = tpu.memref_slice %dma_start3A_2085[%dma_start3A_2078, %dma_start3A_2086, %dma_start3A_2087] : memref<4x8x128xf32, #tpu.memory_space<vmem>> -> memref<1x8x128xf32, #tpu.memory_space<vmem>>
      %dma_start3A_2089 = tpu.memref_squeeze %dma_start3A_2088 : memref<1x8x128xf32, #tpu.memory_space<vmem>> -> memref<8x128xf32, #tpu.memory_space<vmem>>
      %dma_start3A_2090 = arith.constant 0 : i32
      %dma_start3A_2091 = arith.constant 0 : i32
      %dma_start3A_2092 = arith.constant 0 : i32
      %dma_start3A_2093 = arith.constant 0 : i32
      %dma_start3A_2094 = tpu.memref_slice %arg4[%select_n3A_1866, %dma_start3A_2090, %dma_start3A_2091, %dma_start3A_2092, %dma_start3A_2093] : memref<50x4x128x8x128xf32, #tpu.memory_space<hbm>> -> memref<1x4x128x8x128xf32, #tpu.memory_space<hbm>>
      %dma_start3A_2095 = tpu.memref_squeeze %dma_start3A_2094 : memref<1x4x128x8x128xf32, #tpu.memory_space<hbm>> -> memref<4x128x8x128xf32, #tpu.memory_space<hbm>>
      %dma_start3A_2096 = arith.constant 0 : i32
      %dma_start3A_2097 = arith.constant 0 : i32
      %dma_start3A_2098 = arith.constant 0 : i32
      %dma_start3A_2099 = tpu.memref_slice %dma_start3A_2095[%dma_start3A_2079, %dma_start3A_2096, %dma_start3A_2097, %dma_start3A_2098] : memref<4x128x8x128xf32, #tpu.memory_space<hbm>> -> memref<1x128x8x128xf32, #tpu.memory_space<hbm>>
      %dma_start3A_2100 = tpu.memref_squeeze %dma_start3A_2099 : memref<1x128x8x128xf32, #tpu.memory_space<hbm>> -> memref<128x8x128xf32, #tpu.memory_space<hbm>>
      %dma_start3A_2101 = arith.constant 0 : i32
      %dma_start3A_2102 = arith.constant 0 : i32
      %dma_start3A_2103 = tpu.memref_slice %dma_start3A_2100[%select_n3A_1882, %dma_start3A_2101, %dma_start3A_2102] : memref<128x8x128xf32, #tpu.memory_space<hbm>> -> memref<1x8x128xf32, #tpu.memory_space<hbm>>
      %dma_start3A_2104 = tpu.memref_squeeze %dma_start3A_2103 : memref<1x8x128xf32, #tpu.memory_space<hbm>> -> memref<8x128xf32, #tpu.memory_space<hbm>>
      %dma_start3A_2105 = tpu.memref_slice %arg9[%dma_start3A_2080] : memref<4x!tpu.dma_semaphore, #tpu.memory_space<semaphore_mem>> -> memref<1x!tpu.dma_semaphore, #tpu.memory_space<semaphore_mem>>
      %dma_start3A_2106 = tpu.memref_squeeze %dma_start3A_2105 : memref<1x!tpu.dma_semaphore, #tpu.memory_space<semaphore_mem>> -> memref<!tpu.dma_semaphore, #tpu.memory_space<semaphore_mem>>
      %dma_start3A_2107 = arith.constant 0 : i32
      %dma_start3A_2108 = arith.constant 0 : i32
      %dma_start3A_2109 = arith.constant 0 : i32
      %dma_start3A_2110 = arith.constant 0 : i32
      %dma_start3A_2111 = tpu.memref_slice %arg4[%select_n3A_1866, %dma_start3A_2107, %dma_start3A_2108, %dma_start3A_2109, %dma_start3A_2110] : memref<50x4x128x8x128xf32, #tpu.memory_space<hbm>> -> memref<1x4x128x8x128xf32, #tpu.memory_space<hbm>>
      %dma_start3A_2112 = tpu.memref_squeeze %dma_start3A_2111 : memref<1x4x128x8x128xf32, #tpu.memory_space<hbm>> -> memref<4x128x8x128xf32, #tpu.memory_space<hbm>>
      %dma_start3A_2113 = arith.constant 0 : i32
      %dma_start3A_2114 = arith.constant 0 : i32
      %dma_start3A_2115 = arith.constant 0 : i32
      %dma_start3A_2116 = tpu.memref_slice %dma_start3A_2112[%dma_start3A_2079, %dma_start3A_2113, %dma_start3A_2114, %dma_start3A_2115] : memref<4x128x8x128xf32, #tpu.memory_space<hbm>> -> memref<1x128x8x128xf32, #tpu.memory_space<hbm>>
      %dma_start3A_2117 = tpu.memref_squeeze %dma_start3A_2116 : memref<1x128x8x128xf32, #tpu.memory_space<hbm>> -> memref<128x8x128xf32, #tpu.memory_space<hbm>>
      %dma_start3A_2118 = arith.constant 0 : i32
      %dma_start3A_2119 = arith.constant 0 : i32
      %dma_start3A_2120 = tpu.memref_slice %dma_start3A_2117[%select_n3A_1882, %dma_start3A_2118, %dma_start3A_2119] : memref<128x8x128xf32, #tpu.memory_space<hbm>> -> memref<1x8x128xf32, #tpu.memory_space<hbm>>
      %dma_start3A_2121 = tpu.memref_squeeze %dma_start3A_2120 : memref<1x8x128xf32, #tpu.memory_space<hbm>> -> memref<8x128xf32, #tpu.memory_space<hbm>>
      %dma_start3A_2122 = arith.constant 0 : i32
      %dma_start3A_2123 = arith.constant 0 : i32
      %dma_start3A_2124 = arith.constant 0 : i32
      %dma_start3A_2125 = tpu.memref_slice %arg7[%dma_start3A_2077, %dma_start3A_2122, %dma_start3A_2123, %dma_start3A_2124] : memref<4x4x8x128xf32, #tpu.memory_space<vmem>> -> memref<1x4x8x128xf32, #tpu.memory_space<vmem>>
      %dma_start3A_2126 = tpu.memref_squeeze %dma_start3A_2125 : memref<1x4x8x128xf32, #tpu.memory_space<vmem>> -> memref<4x8x128xf32, #tpu.memory_space<vmem>>
      %dma_start3A_2127 = arith.constant 0 : i32
      %dma_start3A_2128 = arith.constant 0 : i32
      %dma_start3A_2129 = tpu.memref_slice %dma_start3A_2126[%dma_start3A_2078, %dma_start3A_2127, %dma_start3A_2128] : memref<4x8x128xf32, #tpu.memory_space<vmem>> -> memref<1x8x128xf32, #tpu.memory_space<vmem>>
      %dma_start3A_2130 = tpu.memref_squeeze %dma_start3A_2129 : memref<1x8x128xf32, #tpu.memory_space<vmem>> -> memref<8x128xf32, #tpu.memory_space<vmem>>
      tpu.enqueue_dma source(%dma_start3A_2130 : memref<8x128xf32, #tpu.memory_space<vmem>>) target(%dma_start3A_2121 : memref<8x128xf32, #tpu.memory_space<hbm>>) target_semaphore(%dma_start3A_2106 : memref<!tpu.dma_semaphore, #tpu.memory_space<semaphore_mem>>)
    }
    %scan3A_75 = arith.constant 50 : i32
    %dma_wait3A = arith.constant 0 : i32
    %dma_wait3A_76 = arith.constant 0 : i32
    %dma_wait3A_77 = arith.constant 0 : i32
    %dma_wait3A_78 = arith.constant 0 : i32
    %dma_wait3A_79 = arith.constant 0 : i32
    %dma_wait3A_80 = arith.constant 0 : i32
    %dma_wait3A_81 = arith.constant 0 : i32
    %dma_wait3A_82 = arith.constant 0 : i32
    %dma_wait3A_83 = arith.constant 0 : i32
    %dma_wait3A_84 = tpu.memref_slice %arg7[%dma_wait3A_78, %dma_wait3A_81, %dma_wait3A_82, %dma_wait3A_83] : memref<4x4x8x128xf32, #tpu.memory_space<vmem>> -> memref<1x4x8x128xf32, #tpu.memory_space<vmem>>
    %dma_wait3A_85 = tpu.memref_squeeze %dma_wait3A_84 : memref<1x4x8x128xf32, #tpu.memory_space<vmem>> -> memref<4x8x128xf32, #tpu.memory_space<vmem>>
    %dma_wait3A_86 = arith.constant 0 : i32
    %dma_wait3A_87 = arith.constant 0 : i32
    %dma_wait3A_88 = tpu.memref_slice %dma_wait3A_85[%dma_wait3A_79, %dma_wait3A_86, %dma_wait3A_87] : memref<4x8x128xf32, #tpu.memory_space<vmem>> -> memref<1x8x128xf32, #tpu.memory_space<vmem>>
    %dma_wait3A_89 = tpu.memref_squeeze %dma_wait3A_88 : memref<1x8x128xf32, #tpu.memory_space<vmem>> -> memref<8x128xf32, #tpu.memory_space<vmem>>
    %dma_wait3A_90 = arith.constant 0 : i32
    %dma_wait3A_91 = arith.constant 0 : i32
    %dma_wait3A_92 = arith.constant 0 : i32
    %dma_wait3A_93 = arith.constant 0 : i32
    %dma_wait3A_94 = tpu.memref_slice %arg4[%dma_wait3A, %dma_wait3A_90, %dma_wait3A_91, %dma_wait3A_92, %dma_wait3A_93] : memref<50x4x128x8x128xf32, #tpu.memory_space<hbm>> -> memref<1x4x128x8x128xf32, #tpu.memory_space<hbm>>
    %dma_wait3A_95 = tpu.memref_squeeze %dma_wait3A_94 : memref<1x4x128x8x128xf32, #tpu.memory_space<hbm>> -> memref<4x128x8x128xf32, #tpu.memory_space<hbm>>
    %dma_wait3A_96 = arith.constant 0 : i32
    %dma_wait3A_97 = arith.constant 0 : i32
    %dma_wait3A_98 = arith.constant 0 : i32
    %dma_wait3A_99 = tpu.memref_slice %dma_wait3A_95[%dma_wait3A_76, %dma_wait3A_96, %dma_wait3A_97, %dma_wait3A_98] : memref<4x128x8x128xf32, #tpu.memory_space<hbm>> -> memref<1x128x8x128xf32, #tpu.memory_space<hbm>>
    %dma_wait3A_100 = tpu.memref_squeeze %dma_wait3A_99 : memref<1x128x8x128xf32, #tpu.memory_space<hbm>> -> memref<128x8x128xf32, #tpu.memory_space<hbm>>
    %dma_wait3A_101 = arith.constant 0 : i32
    %dma_wait3A_102 = arith.constant 0 : i32
    %dma_wait3A_103 = tpu.memref_slice %dma_wait3A_100[%dma_wait3A_77, %dma_wait3A_101, %dma_wait3A_102] : memref<128x8x128xf32, #tpu.memory_space<hbm>> -> memref<1x8x128xf32, #tpu.memory_space<hbm>>
    %dma_wait3A_104 = tpu.memref_squeeze %dma_wait3A_103 : memref<1x8x128xf32, #tpu.memory_space<hbm>> -> memref<8x128xf32, #tpu.memory_space<hbm>>
    %dma_wait3A_105 = tpu.memref_slice %arg9[%dma_wait3A_80] : memref<4x!tpu.dma_semaphore, #tpu.memory_space<semaphore_mem>> -> memref<1x!tpu.dma_semaphore, #tpu.memory_space<semaphore_mem>>
    %dma_wait3A_106 = tpu.memref_squeeze %dma_wait3A_105 : memref<1x!tpu.dma_semaphore, #tpu.memory_space<semaphore_mem>> -> memref<!tpu.dma_semaphore, #tpu.memory_space<semaphore_mem>>
    %dma_wait3A_107 = arith.constant 0 : i32
    %dma_wait3A_108 = arith.constant 0 : i32
    %dma_wait3A_109 = arith.constant 0 : i32
    %dma_wait3A_110 = tpu.memref_slice %arg7[%dma_wait3A_78, %dma_wait3A_107, %dma_wait3A_108, %dma_wait3A_109] : memref<4x4x8x128xf32, #tpu.memory_space<vmem>> -> memref<1x4x8x128xf32, #tpu.memory_space<vmem>>
    %dma_wait3A_111 = tpu.memref_squeeze %dma_wait3A_110 : memref<1x4x8x128xf32, #tpu.memory_space<vmem>> -> memref<4x8x128xf32, #tpu.memory_space<vmem>>
    %dma_wait3A_112 = arith.constant 0 : i32
    %dma_wait3A_113 = arith.constant 0 : i32
    %dma_wait3A_114 = tpu.memref_slice %dma_wait3A_111[%dma_wait3A_79, %dma_wait3A_112, %dma_wait3A_113] : memref<4x8x128xf32, #tpu.memory_space<vmem>> -> memref<1x8x128xf32, #tpu.memory_space<vmem>>
    %dma_wait3A_115 = tpu.memref_squeeze %dma_wait3A_114 : memref<1x8x128xf32, #tpu.memory_space<vmem>> -> memref<8x128xf32, #tpu.memory_space<vmem>>
    %dma_wait3A_116 = arith.constant 0 : i32
    %dma_wait3A_117 = arith.constant 0 : i32
    %dma_wait3A_118 = arith.constant 0 : i32
    %dma_wait3A_119 = arith.constant 0 : i32
    %dma_wait3A_120 = tpu.memref_slice %arg4[%dma_wait3A, %dma_wait3A_116, %dma_wait3A_117, %dma_wait3A_118, %dma_wait3A_119] : memref<50x4x128x8x128xf32, #tpu.memory_space<hbm>> -> memref<1x4x128x8x128xf32, #tpu.memory_space<hbm>>
    %dma_wait3A_121 = tpu.memref_squeeze %dma_wait3A_120 : memref<1x4x128x8x128xf32, #tpu.memory_space<hbm>> -> memref<4x128x8x128xf32, #tpu.memory_space<hbm>>
    %dma_wait3A_122 = arith.constant 0 : i32
    %dma_wait3A_123 = arith.constant 0 : i32
    %dma_wait3A_124 = arith.constant 0 : i32
    %dma_wait3A_125 = tpu.memref_slice %dma_wait3A_121[%dma_wait3A_76, %dma_wait3A_122, %dma_wait3A_123, %dma_wait3A_124] : memref<4x128x8x128xf32, #tpu.memory_space<hbm>> -> memref<1x128x8x128xf32, #tpu.memory_space<hbm>>
    %dma_wait3A_126 = tpu.memref_squeeze %dma_wait3A_125 : memref<1x128x8x128xf32, #tpu.memory_space<hbm>> -> memref<128x8x128xf32, #tpu.memory_space<hbm>>
    %dma_wait3A_127 = arith.constant 0 : i32
    %dma_wait3A_128 = arith.constant 0 : i32
    %dma_wait3A_129 = tpu.memref_slice %dma_wait3A_126[%dma_wait3A_77, %dma_wait3A_127, %dma_wait3A_128] : memref<128x8x128xf32, #tpu.memory_space<hbm>> -> memref<1x8x128xf32, #tpu.memory_space<hbm>>
    %dma_wait3A_130 = tpu.memref_squeeze %dma_wait3A_129 : memref<1x8x128xf32, #tpu.memory_space<hbm>> -> memref<8x128xf32, #tpu.memory_space<hbm>>
    tpu.wait_dma2 semaphore(%dma_wait3A_106 : memref<!tpu.dma_semaphore, #tpu.memory_space<semaphore_mem>>) src(%dma_wait3A_130 : memref<8x128xf32, #tpu.memory_space<hbm>>) dst(%dma_wait3A_115 : memref<8x128xf32, #tpu.memory_space<vmem>>)
    %dma_wait3A_131 = arith.constant 0 : i32
    %dma_wait3A_132 = arith.constant 0 : i32
    %dma_wait3A_133 = arith.constant 0 : i32
    %dma_wait3A_134 = arith.constant 0 : i32
    %dma_wait3A_135 = arith.constant 1 : i32
    %dma_wait3A_136 = arith.constant 0 : i32
    %dma_wait3A_137 = arith.constant 0 : i32
    %dma_wait3A_138 = arith.constant 0 : i32
    %dma_wait3A_139 = arith.constant 0 : i32
    %dma_wait3A_140 = tpu.memref_slice %arg7[%dma_wait3A_134, %dma_wait3A_137, %dma_wait3A_138, %dma_wait3A_139] : memref<4x4x8x128xf32, #tpu.memory_space<vmem>> -> memref<1x4x8x128xf32, #tpu.memory_space<vmem>>
    %dma_wait3A_141 = tpu.memref_squeeze %dma_wait3A_140 : memref<1x4x8x128xf32, #tpu.memory_space<vmem>> -> memref<4x8x128xf32, #tpu.memory_space<vmem>>
    %dma_wait3A_142 = arith.constant 0 : i32
    %dma_wait3A_143 = arith.constant 0 : i32
    %dma_wait3A_144 = tpu.memref_slice %dma_wait3A_141[%dma_wait3A_135, %dma_wait3A_142, %dma_wait3A_143] : memref<4x8x128xf32, #tpu.memory_space<vmem>> -> memref<1x8x128xf32, #tpu.memory_space<vmem>>
    %dma_wait3A_145 = tpu.memref_squeeze %dma_wait3A_144 : memref<1x8x128xf32, #tpu.memory_space<vmem>> -> memref<8x128xf32, #tpu.memory_space<vmem>>
    %dma_wait3A_146 = arith.constant 0 : i32
    %dma_wait3A_147 = arith.constant 0 : i32
    %dma_wait3A_148 = arith.constant 0 : i32
    %dma_wait3A_149 = arith.constant 0 : i32
    %dma_wait3A_150 = tpu.memref_slice %arg4[%dma_wait3A_131, %dma_wait3A_146, %dma_wait3A_147, %dma_wait3A_148, %dma_wait3A_149] : memref<50x4x128x8x128xf32, #tpu.memory_space<hbm>> -> memref<1x4x128x8x128xf32, #tpu.memory_space<hbm>>
    %dma_wait3A_151 = tpu.memref_squeeze %dma_wait3A_150 : memref<1x4x128x8x128xf32, #tpu.memory_space<hbm>> -> memref<4x128x8x128xf32, #tpu.memory_space<hbm>>
    %dma_wait3A_152 = arith.constant 0 : i32
    %dma_wait3A_153 = arith.constant 0 : i32
    %dma_wait3A_154 = arith.constant 0 : i32
    %dma_wait3A_155 = tpu.memref_slice %dma_wait3A_151[%dma_wait3A_132, %dma_wait3A_152, %dma_wait3A_153, %dma_wait3A_154] : memref<4x128x8x128xf32, #tpu.memory_space<hbm>> -> memref<1x128x8x128xf32, #tpu.memory_space<hbm>>
    %dma_wait3A_156 = tpu.memref_squeeze %dma_wait3A_155 : memref<1x128x8x128xf32, #tpu.memory_space<hbm>> -> memref<128x8x128xf32, #tpu.memory_space<hbm>>
    %dma_wait3A_157 = arith.constant 0 : i32
    %dma_wait3A_158 = arith.constant 0 : i32
    %dma_wait3A_159 = tpu.memref_slice %dma_wait3A_156[%dma_wait3A_133, %dma_wait3A_157, %dma_wait3A_158] : memref<128x8x128xf32, #tpu.memory_space<hbm>> -> memref<1x8x128xf32, #tpu.memory_space<hbm>>
    %dma_wait3A_160 = tpu.memref_squeeze %dma_wait3A_159 : memref<1x8x128xf32, #tpu.memory_space<hbm>> -> memref<8x128xf32, #tpu.memory_space<hbm>>
    %dma_wait3A_161 = tpu.memref_slice %arg9[%dma_wait3A_136] : memref<4x!tpu.dma_semaphore, #tpu.memory_space<semaphore_mem>> -> memref<1x!tpu.dma_semaphore, #tpu.memory_space<semaphore_mem>>
    %dma_wait3A_162 = tpu.memref_squeeze %dma_wait3A_161 : memref<1x!tpu.dma_semaphore, #tpu.memory_space<semaphore_mem>> -> memref<!tpu.dma_semaphore, #tpu.memory_space<semaphore_mem>>
    %dma_wait3A_163 = arith.constant 0 : i32
    %dma_wait3A_164 = arith.constant 0 : i32
    %dma_wait3A_165 = arith.constant 0 : i32
    %dma_wait3A_166 = tpu.memref_slice %arg7[%dma_wait3A_134, %dma_wait3A_163, %dma_wait3A_164, %dma_wait3A_165] : memref<4x4x8x128xf32, #tpu.memory_space<vmem>> -> memref<1x4x8x128xf32, #tpu.memory_space<vmem>>
    %dma_wait3A_167 = tpu.memref_squeeze %dma_wait3A_166 : memref<1x4x8x128xf32, #tpu.memory_space<vmem>> -> memref<4x8x128xf32, #tpu.memory_space<vmem>>
    %dma_wait3A_168 = arith.constant 0 : i32
    %dma_wait3A_169 = arith.constant 0 : i32
    %dma_wait3A_170 = tpu.memref_slice %dma_wait3A_167[%dma_wait3A_135, %dma_wait3A_168, %dma_wait3A_169] : memref<4x8x128xf32, #tpu.memory_space<vmem>> -> memref<1x8x128xf32, #tpu.memory_space<vmem>>
    %dma_wait3A_171 = tpu.memref_squeeze %dma_wait3A_170 : memref<1x8x128xf32, #tpu.memory_space<vmem>> -> memref<8x128xf32, #tpu.memory_space<vmem>>
    %dma_wait3A_172 = arith.constant 0 : i32
    %dma_wait3A_173 = arith.constant 0 : i32
    %dma_wait3A_174 = arith.constant 0 : i32
    %dma_wait3A_175 = arith.constant 0 : i32
    %dma_wait3A_176 = tpu.memref_slice %arg4[%dma_wait3A_131, %dma_wait3A_172, %dma_wait3A_173, %dma_wait3A_174, %dma_wait3A_175] : memref<50x4x128x8x128xf32, #tpu.memory_space<hbm>> -> memref<1x4x128x8x128xf32, #tpu.memory_space<hbm>>
    %dma_wait3A_177 = tpu.memref_squeeze %dma_wait3A_176 : memref<1x4x128x8x128xf32, #tpu.memory_space<hbm>> -> memref<4x128x8x128xf32, #tpu.memory_space<hbm>>
    %dma_wait3A_178 = arith.constant 0 : i32
    %dma_wait3A_179 = arith.constant 0 : i32
    %dma_wait3A_180 = arith.constant 0 : i32
    %dma_wait3A_181 = tpu.memref_slice %dma_wait3A_177[%dma_wait3A_132, %dma_wait3A_178, %dma_wait3A_179, %dma_wait3A_180] : memref<4x128x8x128xf32, #tpu.memory_space<hbm>> -> memref<1x128x8x128xf32, #tpu.memory_space<hbm>>
    %dma_wait3A_182 = tpu.memref_squeeze %dma_wait3A_181 : memref<1x128x8x128xf32, #tpu.memory_space<hbm>> -> memref<128x8x128xf32, #tpu.memory_space<hbm>>
    %dma_wait3A_183 = arith.constant 0 : i32
    %dma_wait3A_184 = arith.constant 0 : i32
    %dma_wait3A_185 = tpu.memref_slice %dma_wait3A_182[%dma_wait3A_133, %dma_wait3A_183, %dma_wait3A_184] : memref<128x8x128xf32, #tpu.memory_space<hbm>> -> memref<1x8x128xf32, #tpu.memory_space<hbm>>
    %dma_wait3A_186 = tpu.memref_squeeze %dma_wait3A_185 : memref<1x8x128xf32, #tpu.memory_space<hbm>> -> memref<8x128xf32, #tpu.memory_space<hbm>>
    tpu.wait_dma2 semaphore(%dma_wait3A_162 : memref<!tpu.dma_semaphore, #tpu.memory_space<semaphore_mem>>) src(%dma_wait3A_186 : memref<8x128xf32, #tpu.memory_space<hbm>>) dst(%dma_wait3A_171 : memref<8x128xf32, #tpu.memory_space<vmem>>)
    %dma_wait3A_187 = arith.constant 0 : i32
    %dma_wait3A_188 = arith.constant 0 : i32
    %dma_wait3A_189 = arith.constant 0 : i32
    %dma_wait3A_190 = arith.constant 0 : i32
    %dma_wait3A_191 = arith.constant 2 : i32
    %dma_wait3A_192 = arith.constant 0 : i32
    %dma_wait3A_193 = arith.constant 0 : i32
    %dma_wait3A_194 = arith.constant 0 : i32
    %dma_wait3A_195 = arith.constant 0 : i32
    %dma_wait3A_196 = tpu.memref_slice %arg7[%dma_wait3A_190, %dma_wait3A_193, %dma_wait3A_194, %dma_wait3A_195] : memref<4x4x8x128xf32, #tpu.memory_space<vmem>> -> memref<1x4x8x128xf32, #tpu.memory_space<vmem>>
    %dma_wait3A_197 = tpu.memref_squeeze %dma_wait3A_196 : memref<1x4x8x128xf32, #tpu.memory_space<vmem>> -> memref<4x8x128xf32, #tpu.memory_space<vmem>>
    %dma_wait3A_198 = arith.constant 0 : i32
    %dma_wait3A_199 = arith.constant 0 : i32
    %dma_wait3A_200 = tpu.memref_slice %dma_wait3A_197[%dma_wait3A_191, %dma_wait3A_198, %dma_wait3A_199] : memref<4x8x128xf32, #tpu.memory_space<vmem>> -> memref<1x8x128xf32, #tpu.memory_space<vmem>>
    %dma_wait3A_201 = tpu.memref_squeeze %dma_wait3A_200 : memref<1x8x128xf32, #tpu.memory_space<vmem>> -> memref<8x128xf32, #tpu.memory_space<vmem>>
    %dma_wait3A_202 = arith.constant 0 : i32
    %dma_wait3A_203 = arith.constant 0 : i32
    %dma_wait3A_204 = arith.constant 0 : i32
    %dma_wait3A_205 = arith.constant 0 : i32
    %dma_wait3A_206 = tpu.memref_slice %arg4[%dma_wait3A_187, %dma_wait3A_202, %dma_wait3A_203, %dma_wait3A_204, %dma_wait3A_205] : memref<50x4x128x8x128xf32, #tpu.memory_space<hbm>> -> memref<1x4x128x8x128xf32, #tpu.memory_space<hbm>>
    %dma_wait3A_207 = tpu.memref_squeeze %dma_wait3A_206 : memref<1x4x128x8x128xf32, #tpu.memory_space<hbm>> -> memref<4x128x8x128xf32, #tpu.memory_space<hbm>>
    %dma_wait3A_208 = arith.constant 0 : i32
    %dma_wait3A_209 = arith.constant 0 : i32
    %dma_wait3A_210 = arith.constant 0 : i32
    %dma_wait3A_211 = tpu.memref_slice %dma_wait3A_207[%dma_wait3A_188, %dma_wait3A_208, %dma_wait3A_209, %dma_wait3A_210] : memref<4x128x8x128xf32, #tpu.memory_space<hbm>> -> memref<1x128x8x128xf32, #tpu.memory_space<hbm>>
    %dma_wait3A_212 = tpu.memref_squeeze %dma_wait3A_211 : memref<1x128x8x128xf32, #tpu.memory_space<hbm>> -> memref<128x8x128xf32, #tpu.memory_space<hbm>>
    %dma_wait3A_213 = arith.constant 0 : i32
    %dma_wait3A_214 = arith.constant 0 : i32
    %dma_wait3A_215 = tpu.memref_slice %dma_wait3A_212[%dma_wait3A_189, %dma_wait3A_213, %dma_wait3A_214] : memref<128x8x128xf32, #tpu.memory_space<hbm>> -> memref<1x8x128xf32, #tpu.memory_space<hbm>>
    %dma_wait3A_216 = tpu.memref_squeeze %dma_wait3A_215 : memref<1x8x128xf32, #tpu.memory_space<hbm>> -> memref<8x128xf32, #tpu.memory_space<hbm>>
    %dma_wait3A_217 = tpu.memref_slice %arg9[%dma_wait3A_192] : memref<4x!tpu.dma_semaphore, #tpu.memory_space<semaphore_mem>> -> memref<1x!tpu.dma_semaphore, #tpu.memory_space<semaphore_mem>>
    %dma_wait3A_218 = tpu.memref_squeeze %dma_wait3A_217 : memref<1x!tpu.dma_semaphore, #tpu.memory_space<semaphore_mem>> -> memref<!tpu.dma_semaphore, #tpu.memory_space<semaphore_mem>>
    %dma_wait3A_219 = arith.constant 0 : i32
    %dma_wait3A_220 = arith.constant 0 : i32
    %dma_wait3A_221 = arith.constant 0 : i32
    %dma_wait3A_222 = tpu.memref_slice %arg7[%dma_wait3A_190, %dma_wait3A_219, %dma_wait3A_220, %dma_wait3A_221] : memref<4x4x8x128xf32, #tpu.memory_space<vmem>> -> memref<1x4x8x128xf32, #tpu.memory_space<vmem>>
    %dma_wait3A_223 = tpu.memref_squeeze %dma_wait3A_222 : memref<1x4x8x128xf32, #tpu.memory_space<vmem>> -> memref<4x8x128xf32, #tpu.memory_space<vmem>>
    %dma_wait3A_224 = arith.constant 0 : i32
    %dma_wait3A_225 = arith.constant 0 : i32
    %dma_wait3A_226 = tpu.memref_slice %dma_wait3A_223[%dma_wait3A_191, %dma_wait3A_224, %dma_wait3A_225] : memref<4x8x128xf32, #tpu.memory_space<vmem>> -> memref<1x8x128xf32, #tpu.memory_space<vmem>>
    %dma_wait3A_227 = tpu.memref_squeeze %dma_wait3A_226 : memref<1x8x128xf32, #tpu.memory_space<vmem>> -> memref<8x128xf32, #tpu.memory_space<vmem>>
    %dma_wait3A_228 = arith.constant 0 : i32
    %dma_wait3A_229 = arith.constant 0 : i32
    %dma_wait3A_230 = arith.constant 0 : i32
    %dma_wait3A_231 = arith.constant 0 : i32
    %dma_wait3A_232 = tpu.memref_slice %arg4[%dma_wait3A_187, %dma_wait3A_228, %dma_wait3A_229, %dma_wait3A_230, %dma_wait3A_231] : memref<50x4x128x8x128xf32, #tpu.memory_space<hbm>> -> memref<1x4x128x8x128xf32, #tpu.memory_space<hbm>>
    %dma_wait3A_233 = tpu.memref_squeeze %dma_wait3A_232 : memref<1x4x128x8x128xf32, #tpu.memory_space<hbm>> -> memref<4x128x8x128xf32, #tpu.memory_space<hbm>>
    %dma_wait3A_234 = arith.constant 0 : i32
    %dma_wait3A_235 = arith.constant 0 : i32
    %dma_wait3A_236 = arith.constant 0 : i32
    %dma_wait3A_237 = tpu.memref_slice %dma_wait3A_233[%dma_wait3A_188, %dma_wait3A_234, %dma_wait3A_235, %dma_wait3A_236] : memref<4x128x8x128xf32, #tpu.memory_space<hbm>> -> memref<1x128x8x128xf32, #tpu.memory_space<hbm>>
    %dma_wait3A_238 = tpu.memref_squeeze %dma_wait3A_237 : memref<1x128x8x128xf32, #tpu.memory_space<hbm>> -> memref<128x8x128xf32, #tpu.memory_space<hbm>>
    %dma_wait3A_239 = arith.constant 0 : i32
    %dma_wait3A_240 = arith.constant 0 : i32
    %dma_wait3A_241 = tpu.memref_slice %dma_wait3A_238[%dma_wait3A_189, %dma_wait3A_239, %dma_wait3A_240] : memref<128x8x128xf32, #tpu.memory_space<hbm>> -> memref<1x8x128xf32, #tpu.memory_space<hbm>>
    %dma_wait3A_242 = tpu.memref_squeeze %dma_wait3A_241 : memref<1x8x128xf32, #tpu.memory_space<hbm>> -> memref<8x128xf32, #tpu.memory_space<hbm>>
    tpu.wait_dma2 semaphore(%dma_wait3A_218 : memref<!tpu.dma_semaphore, #tpu.memory_space<semaphore_mem>>) src(%dma_wait3A_242 : memref<8x128xf32, #tpu.memory_space<hbm>>) dst(%dma_wait3A_227 : memref<8x128xf32, #tpu.memory_space<vmem>>)
    %dma_wait3A_243 = arith.constant 0 : i32
    %dma_wait3A_244 = arith.constant 0 : i32
    %dma_wait3A_245 = arith.constant 0 : i32
    %dma_wait3A_246 = arith.constant 0 : i32
    %dma_wait3A_247 = arith.constant 3 : i32
    %dma_wait3A_248 = arith.constant 0 : i32
    %dma_wait3A_249 = arith.constant 0 : i32
    %dma_wait3A_250 = arith.constant 0 : i32
    %dma_wait3A_251 = arith.constant 0 : i32
    %dma_wait3A_252 = tpu.memref_slice %arg7[%dma_wait3A_246, %dma_wait3A_249, %dma_wait3A_250, %dma_wait3A_251] : memref<4x4x8x128xf32, #tpu.memory_space<vmem>> -> memref<1x4x8x128xf32, #tpu.memory_space<vmem>>
    %dma_wait3A_253 = tpu.memref_squeeze %dma_wait3A_252 : memref<1x4x8x128xf32, #tpu.memory_space<vmem>> -> memref<4x8x128xf32, #tpu.memory_space<vmem>>
    %dma_wait3A_254 = arith.constant 0 : i32
    %dma_wait3A_255 = arith.constant 0 : i32
    %dma_wait3A_256 = tpu.memref_slice %dma_wait3A_253[%dma_wait3A_247, %dma_wait3A_254, %dma_wait3A_255] : memref<4x8x128xf32, #tpu.memory_space<vmem>> -> memref<1x8x128xf32, #tpu.memory_space<vmem>>
    %dma_wait3A_257 = tpu.memref_squeeze %dma_wait3A_256 : memref<1x8x128xf32, #tpu.memory_space<vmem>> -> memref<8x128xf32, #tpu.memory_space<vmem>>
    %dma_wait3A_258 = arith.constant 0 : i32
    %dma_wait3A_259 = arith.constant 0 : i32
    %dma_wait3A_260 = arith.constant 0 : i32
    %dma_wait3A_261 = arith.constant 0 : i32
    %dma_wait3A_262 = tpu.memref_slice %arg4[%dma_wait3A_243, %dma_wait3A_258, %dma_wait3A_259, %dma_wait3A_260, %dma_wait3A_261] : memref<50x4x128x8x128xf32, #tpu.memory_space<hbm>> -> memref<1x4x128x8x128xf32, #tpu.memory_space<hbm>>
    %dma_wait3A_263 = tpu.memref_squeeze %dma_wait3A_262 : memref<1x4x128x8x128xf32, #tpu.memory_space<hbm>> -> memref<4x128x8x128xf32, #tpu.memory_space<hbm>>
    %dma_wait3A_264 = arith.constant 0 : i32
    %dma_wait3A_265 = arith.constant 0 : i32
    %dma_wait3A_266 = arith.constant 0 : i32
    %dma_wait3A_267 = tpu.memref_slice %dma_wait3A_263[%dma_wait3A_244, %dma_wait3A_264, %dma_wait3A_265, %dma_wait3A_266] : memref<4x128x8x128xf32, #tpu.memory_space<hbm>> -> memref<1x128x8x128xf32, #tpu.memory_space<hbm>>
    %dma_wait3A_268 = tpu.memref_squeeze %dma_wait3A_267 : memref<1x128x8x128xf32, #tpu.memory_space<hbm>> -> memref<128x8x128xf32, #tpu.memory_space<hbm>>
    %dma_wait3A_269 = arith.constant 0 : i32
    %dma_wait3A_270 = arith.constant 0 : i32
    %dma_wait3A_271 = tpu.memref_slice %dma_wait3A_268[%dma_wait3A_245, %dma_wait3A_269, %dma_wait3A_270] : memref<128x8x128xf32, #tpu.memory_space<hbm>> -> memref<1x8x128xf32, #tpu.memory_space<hbm>>
    %dma_wait3A_272 = tpu.memref_squeeze %dma_wait3A_271 : memref<1x8x128xf32, #tpu.memory_space<hbm>> -> memref<8x128xf32, #tpu.memory_space<hbm>>
    %dma_wait3A_273 = tpu.memref_slice %arg9[%dma_wait3A_248] : memref<4x!tpu.dma_semaphore, #tpu.memory_space<semaphore_mem>> -> memref<1x!tpu.dma_semaphore, #tpu.memory_space<semaphore_mem>>
    %dma_wait3A_274 = tpu.memref_squeeze %dma_wait3A_273 : memref<1x!tpu.dma_semaphore, #tpu.memory_space<semaphore_mem>> -> memref<!tpu.dma_semaphore, #tpu.memory_space<semaphore_mem>>
    %dma_wait3A_275 = arith.constant 0 : i32
    %dma_wait3A_276 = arith.constant 0 : i32
    %dma_wait3A_277 = arith.constant 0 : i32
    %dma_wait3A_278 = tpu.memref_slice %arg7[%dma_wait3A_246, %dma_wait3A_275, %dma_wait3A_276, %dma_wait3A_277] : memref<4x4x8x128xf32, #tpu.memory_space<vmem>> -> memref<1x4x8x128xf32, #tpu.memory_space<vmem>>
    %dma_wait3A_279 = tpu.memref_squeeze %dma_wait3A_278 : memref<1x4x8x128xf32, #tpu.memory_space<vmem>> -> memref<4x8x128xf32, #tpu.memory_space<vmem>>
    %dma_wait3A_280 = arith.constant 0 : i32
    %dma_wait3A_281 = arith.constant 0 : i32
    %dma_wait3A_282 = tpu.memref_slice %dma_wait3A_279[%dma_wait3A_247, %dma_wait3A_280, %dma_wait3A_281] : memref<4x8x128xf32, #tpu.memory_space<vmem>> -> memref<1x8x128xf32, #tpu.memory_space<vmem>>
    %dma_wait3A_283 = tpu.memref_squeeze %dma_wait3A_282 : memref<1x8x128xf32, #tpu.memory_space<vmem>> -> memref<8x128xf32, #tpu.memory_space<vmem>>
    %dma_wait3A_284 = arith.constant 0 : i32
    %dma_wait3A_285 = arith.constant 0 : i32
    %dma_wait3A_286 = arith.constant 0 : i32
    %dma_wait3A_287 = arith.constant 0 : i32
    %dma_wait3A_288 = tpu.memref_slice %arg4[%dma_wait3A_243, %dma_wait3A_284, %dma_wait3A_285, %dma_wait3A_286, %dma_wait3A_287] : memref<50x4x128x8x128xf32, #tpu.memory_space<hbm>> -> memref<1x4x128x8x128xf32, #tpu.memory_space<hbm>>
    %dma_wait3A_289 = tpu.memref_squeeze %dma_wait3A_288 : memref<1x4x128x8x128xf32, #tpu.memory_space<hbm>> -> memref<4x128x8x128xf32, #tpu.memory_space<hbm>>
    %dma_wait3A_290 = arith.constant 0 : i32
    %dma_wait3A_291 = arith.constant 0 : i32
    %dma_wait3A_292 = arith.constant 0 : i32
    %dma_wait3A_293 = tpu.memref_slice %dma_wait3A_289[%dma_wait3A_244, %dma_wait3A_290, %dma_wait3A_291, %dma_wait3A_292] : memref<4x128x8x128xf32, #tpu.memory_space<hbm>> -> memref<1x128x8x128xf32, #tpu.memory_space<hbm>>
    %dma_wait3A_294 = tpu.memref_squeeze %dma_wait3A_293 : memref<1x128x8x128xf32, #tpu.memory_space<hbm>> -> memref<128x8x128xf32, #tpu.memory_space<hbm>>
    %dma_wait3A_295 = arith.constant 0 : i32
    %dma_wait3A_296 = arith.constant 0 : i32
    %dma_wait3A_297 = tpu.memref_slice %dma_wait3A_294[%dma_wait3A_245, %dma_wait3A_295, %dma_wait3A_296] : memref<128x8x128xf32, #tpu.memory_space<hbm>> -> memref<1x8x128xf32, #tpu.memory_space<hbm>>
    %dma_wait3A_298 = tpu.memref_squeeze %dma_wait3A_297 : memref<1x8x128xf32, #tpu.memory_space<hbm>> -> memref<8x128xf32, #tpu.memory_space<hbm>>
    tpu.wait_dma2 semaphore(%dma_wait3A_274 : memref<!tpu.dma_semaphore, #tpu.memory_space<semaphore_mem>>) src(%dma_wait3A_298 : memref<8x128xf32, #tpu.memory_space<hbm>>) dst(%dma_wait3A_283 : memref<8x128xf32, #tpu.memory_space<vmem>>)
    %dma_wait3A_299 = arith.constant 0 : i32
    %dma_wait3A_300 = arith.constant 0 : i32
    %dma_wait3A_301 = arith.constant 0 : i32
    %dma_wait3A_302 = arith.constant 1 : i32
    %dma_wait3A_303 = arith.constant 0 : i32
    %dma_wait3A_304 = arith.constant 1 : i32
    %dma_wait3A_305 = arith.constant 0 : i32
    %dma_wait3A_306 = arith.constant 0 : i32
    %dma_wait3A_307 = arith.constant 0 : i32
    %dma_wait3A_308 = tpu.memref_slice %arg7[%dma_wait3A_302, %dma_wait3A_305, %dma_wait3A_306, %dma_wait3A_307] : memref<4x4x8x128xf32, #tpu.memory_space<vmem>> -> memref<1x4x8x128xf32, #tpu.memory_space<vmem>>
    %dma_wait3A_309 = tpu.memref_squeeze %dma_wait3A_308 : memref<1x4x8x128xf32, #tpu.memory_space<vmem>> -> memref<4x8x128xf32, #tpu.memory_space<vmem>>
    %dma_wait3A_310 = arith.constant 0 : i32
    %dma_wait3A_311 = arith.constant 0 : i32
    %dma_wait3A_312 = tpu.memref_slice %dma_wait3A_309[%dma_wait3A_303, %dma_wait3A_310, %dma_wait3A_311] : memref<4x8x128xf32, #tpu.memory_space<vmem>> -> memref<1x8x128xf32, #tpu.memory_space<vmem>>
    %dma_wait3A_313 = tpu.memref_squeeze %dma_wait3A_312 : memref<1x8x128xf32, #tpu.memory_space<vmem>> -> memref<8x128xf32, #tpu.memory_space<vmem>>
    %dma_wait3A_314 = arith.constant 0 : i32
    %dma_wait3A_315 = arith.constant 0 : i32
    %dma_wait3A_316 = arith.constant 0 : i32
    %dma_wait3A_317 = arith.constant 0 : i32
    %dma_wait3A_318 = tpu.memref_slice %arg4[%dma_wait3A_299, %dma_wait3A_314, %dma_wait3A_315, %dma_wait3A_316, %dma_wait3A_317] : memref<50x4x128x8x128xf32, #tpu.memory_space<hbm>> -> memref<1x4x128x8x128xf32, #tpu.memory_space<hbm>>
    %dma_wait3A_319 = tpu.memref_squeeze %dma_wait3A_318 : memref<1x4x128x8x128xf32, #tpu.memory_space<hbm>> -> memref<4x128x8x128xf32, #tpu.memory_space<hbm>>
    %dma_wait3A_320 = arith.constant 0 : i32
    %dma_wait3A_321 = arith.constant 0 : i32
    %dma_wait3A_322 = arith.constant 0 : i32
    %dma_wait3A_323 = tpu.memref_slice %dma_wait3A_319[%dma_wait3A_300, %dma_wait3A_320, %dma_wait3A_321, %dma_wait3A_322] : memref<4x128x8x128xf32, #tpu.memory_space<hbm>> -> memref<1x128x8x128xf32, #tpu.memory_space<hbm>>
    %dma_wait3A_324 = tpu.memref_squeeze %dma_wait3A_323 : memref<1x128x8x128xf32, #tpu.memory_space<hbm>> -> memref<128x8x128xf32, #tpu.memory_space<hbm>>
    %dma_wait3A_325 = arith.constant 0 : i32
    %dma_wait3A_326 = arith.constant 0 : i32
    %dma_wait3A_327 = tpu.memref_slice %dma_wait3A_324[%dma_wait3A_301, %dma_wait3A_325, %dma_wait3A_326] : memref<128x8x128xf32, #tpu.memory_space<hbm>> -> memref<1x8x128xf32, #tpu.memory_space<hbm>>
    %dma_wait3A_328 = tpu.memref_squeeze %dma_wait3A_327 : memref<1x8x128xf32, #tpu.memory_space<hbm>> -> memref<8x128xf32, #tpu.memory_space<hbm>>
    %dma_wait3A_329 = tpu.memref_slice %arg9[%dma_wait3A_304] : memref<4x!tpu.dma_semaphore, #tpu.memory_space<semaphore_mem>> -> memref<1x!tpu.dma_semaphore, #tpu.memory_space<semaphore_mem>>
    %dma_wait3A_330 = tpu.memref_squeeze %dma_wait3A_329 : memref<1x!tpu.dma_semaphore, #tpu.memory_space<semaphore_mem>> -> memref<!tpu.dma_semaphore, #tpu.memory_space<semaphore_mem>>
    %dma_wait3A_331 = arith.constant 0 : i32
    %dma_wait3A_332 = arith.constant 0 : i32
    %dma_wait3A_333 = arith.constant 0 : i32
    %dma_wait3A_334 = tpu.memref_slice %arg7[%dma_wait3A_302, %dma_wait3A_331, %dma_wait3A_332, %dma_wait3A_333] : memref<4x4x8x128xf32, #tpu.memory_space<vmem>> -> memref<1x4x8x128xf32, #tpu.memory_space<vmem>>
    %dma_wait3A_335 = tpu.memref_squeeze %dma_wait3A_334 : memref<1x4x8x128xf32, #tpu.memory_space<vmem>> -> memref<4x8x128xf32, #tpu.memory_space<vmem>>
    %dma_wait3A_336 = arith.constant 0 : i32
    %dma_wait3A_337 = arith.constant 0 : i32
    %dma_wait3A_338 = tpu.memref_slice %dma_wait3A_335[%dma_wait3A_303, %dma_wait3A_336, %dma_wait3A_337] : memref<4x8x128xf32, #tpu.memory_space<vmem>> -> memref<1x8x128xf32, #tpu.memory_space<vmem>>
    %dma_wait3A_339 = tpu.memref_squeeze %dma_wait3A_338 : memref<1x8x128xf32, #tpu.memory_space<vmem>> -> memref<8x128xf32, #tpu.memory_space<vmem>>
    %dma_wait3A_340 = arith.constant 0 : i32
    %dma_wait3A_341 = arith.constant 0 : i32
    %dma_wait3A_342 = arith.constant 0 : i32
    %dma_wait3A_343 = arith.constant 0 : i32
    %dma_wait3A_344 = tpu.memref_slice %arg4[%dma_wait3A_299, %dma_wait3A_340, %dma_wait3A_341, %dma_wait3A_342, %dma_wait3A_343] : memref<50x4x128x8x128xf32, #tpu.memory_space<hbm>> -> memref<1x4x128x8x128xf32, #tpu.memory_space<hbm>>
    %dma_wait3A_345 = tpu.memref_squeeze %dma_wait3A_344 : memref<1x4x128x8x128xf32, #tpu.memory_space<hbm>> -> memref<4x128x8x128xf32, #tpu.memory_space<hbm>>
    %dma_wait3A_346 = arith.constant 0 : i32
    %dma_wait3A_347 = arith.constant 0 : i32
    %dma_wait3A_348 = arith.constant 0 : i32
    %dma_wait3A_349 = tpu.memref_slice %dma_wait3A_345[%dma_wait3A_300, %dma_wait3A_346, %dma_wait3A_347, %dma_wait3A_348] : memref<4x128x8x128xf32, #tpu.memory_space<hbm>> -> memref<1x128x8x128xf32, #tpu.memory_space<hbm>>
    %dma_wait3A_350 = tpu.memref_squeeze %dma_wait3A_349 : memref<1x128x8x128xf32, #tpu.memory_space<hbm>> -> memref<128x8x128xf32, #tpu.memory_space<hbm>>
    %dma_wait3A_351 = arith.constant 0 : i32
    %dma_wait3A_352 = arith.constant 0 : i32
    %dma_wait3A_353 = tpu.memref_slice %dma_wait3A_350[%dma_wait3A_301, %dma_wait3A_351, %dma_wait3A_352] : memref<128x8x128xf32, #tpu.memory_space<hbm>> -> memref<1x8x128xf32, #tpu.memory_space<hbm>>
    %dma_wait3A_354 = tpu.memref_squeeze %dma_wait3A_353 : memref<1x8x128xf32, #tpu.memory_space<hbm>> -> memref<8x128xf32, #tpu.memory_space<hbm>>
    tpu.wait_dma2 semaphore(%dma_wait3A_330 : memref<!tpu.dma_semaphore, #tpu.memory_space<semaphore_mem>>) src(%dma_wait3A_354 : memref<8x128xf32, #tpu.memory_space<hbm>>) dst(%dma_wait3A_339 : memref<8x128xf32, #tpu.memory_space<vmem>>)
    %dma_wait3A_355 = arith.constant 0 : i32
    %dma_wait3A_356 = arith.constant 0 : i32
    %dma_wait3A_357 = arith.constant 0 : i32
    %dma_wait3A_358 = arith.constant 1 : i32
    %dma_wait3A_359 = arith.constant 1 : i32
    %dma_wait3A_360 = arith.constant 1 : i32
    %dma_wait3A_361 = arith.constant 0 : i32
    %dma_wait3A_362 = arith.constant 0 : i32
    %dma_wait3A_363 = arith.constant 0 : i32
    %dma_wait3A_364 = tpu.memref_slice %arg7[%dma_wait3A_358, %dma_wait3A_361, %dma_wait3A_362, %dma_wait3A_363] : memref<4x4x8x128xf32, #tpu.memory_space<vmem>> -> memref<1x4x8x128xf32, #tpu.memory_space<vmem>>
    %dma_wait3A_365 = tpu.memref_squeeze %dma_wait3A_364 : memref<1x4x8x128xf32, #tpu.memory_space<vmem>> -> memref<4x8x128xf32, #tpu.memory_space<vmem>>
    %dma_wait3A_366 = arith.constant 0 : i32
    %dma_wait3A_367 = arith.constant 0 : i32
    %dma_wait3A_368 = tpu.memref_slice %dma_wait3A_365[%dma_wait3A_359, %dma_wait3A_366, %dma_wait3A_367] : memref<4x8x128xf32, #tpu.memory_space<vmem>> -> memref<1x8x128xf32, #tpu.memory_space<vmem>>
    %dma_wait3A_369 = tpu.memref_squeeze %dma_wait3A_368 : memref<1x8x128xf32, #tpu.memory_space<vmem>> -> memref<8x128xf32, #tpu.memory_space<vmem>>
    %dma_wait3A_370 = arith.constant 0 : i32
    %dma_wait3A_371 = arith.constant 0 : i32
    %dma_wait3A_372 = arith.constant 0 : i32
    %dma_wait3A_373 = arith.constant 0 : i32
    %dma_wait3A_374 = tpu.memref_slice %arg4[%dma_wait3A_355, %dma_wait3A_370, %dma_wait3A_371, %dma_wait3A_372, %dma_wait3A_373] : memref<50x4x128x8x128xf32, #tpu.memory_space<hbm>> -> memref<1x4x128x8x128xf32, #tpu.memory_space<hbm>>
    %dma_wait3A_375 = tpu.memref_squeeze %dma_wait3A_374 : memref<1x4x128x8x128xf32, #tpu.memory_space<hbm>> -> memref<4x128x8x128xf32, #tpu.memory_space<hbm>>
    %dma_wait3A_376 = arith.constant 0 : i32
    %dma_wait3A_377 = arith.constant 0 : i32
    %dma_wait3A_378 = arith.constant 0 : i32
    %dma_wait3A_379 = tpu.memref_slice %dma_wait3A_375[%dma_wait3A_356, %dma_wait3A_376, %dma_wait3A_377, %dma_wait3A_378] : memref<4x128x8x128xf32, #tpu.memory_space<hbm>> -> memref<1x128x8x128xf32, #tpu.memory_space<hbm>>
    %dma_wait3A_380 = tpu.memref_squeeze %dma_wait3A_379 : memref<1x128x8x128xf32, #tpu.memory_space<hbm>> -> memref<128x8x128xf32, #tpu.memory_space<hbm>>
    %dma_wait3A_381 = arith.constant 0 : i32
    %dma_wait3A_382 = arith.constant 0 : i32
    %dma_wait3A_383 = tpu.memref_slice %dma_wait3A_380[%dma_wait3A_357, %dma_wait3A_381, %dma_wait3A_382] : memref<128x8x128xf32, #tpu.memory_space<hbm>> -> memref<1x8x128xf32, #tpu.memory_space<hbm>>
    %dma_wait3A_384 = tpu.memref_squeeze %dma_wait3A_383 : memref<1x8x128xf32, #tpu.memory_space<hbm>> -> memref<8x128xf32, #tpu.memory_space<hbm>>
    %dma_wait3A_385 = tpu.memref_slice %arg9[%dma_wait3A_360] : memref<4x!tpu.dma_semaphore, #tpu.memory_space<semaphore_mem>> -> memref<1x!tpu.dma_semaphore, #tpu.memory_space<semaphore_mem>>
    %dma_wait3A_386 = tpu.memref_squeeze %dma_wait3A_385 : memref<1x!tpu.dma_semaphore, #tpu.memory_space<semaphore_mem>> -> memref<!tpu.dma_semaphore, #tpu.memory_space<semaphore_mem>>
    %dma_wait3A_387 = arith.constant 0 : i32
    %dma_wait3A_388 = arith.constant 0 : i32
    %dma_wait3A_389 = arith.constant 0 : i32
    %dma_wait3A_390 = tpu.memref_slice %arg7[%dma_wait3A_358, %dma_wait3A_387, %dma_wait3A_388, %dma_wait3A_389] : memref<4x4x8x128xf32, #tpu.memory_space<vmem>> -> memref<1x4x8x128xf32, #tpu.memory_space<vmem>>
    %dma_wait3A_391 = tpu.memref_squeeze %dma_wait3A_390 : memref<1x4x8x128xf32, #tpu.memory_space<vmem>> -> memref<4x8x128xf32, #tpu.memory_space<vmem>>
    %dma_wait3A_392 = arith.constant 0 : i32
    %dma_wait3A_393 = arith.constant 0 : i32
    %dma_wait3A_394 = tpu.memref_slice %dma_wait3A_391[%dma_wait3A_359, %dma_wait3A_392, %dma_wait3A_393] : memref<4x8x128xf32, #tpu.memory_space<vmem>> -> memref<1x8x128xf32, #tpu.memory_space<vmem>>
    %dma_wait3A_395 = tpu.memref_squeeze %dma_wait3A_394 : memref<1x8x128xf32, #tpu.memory_space<vmem>> -> memref<8x128xf32, #tpu.memory_space<vmem>>
    %dma_wait3A_396 = arith.constant 0 : i32
    %dma_wait3A_397 = arith.constant 0 : i32
    %dma_wait3A_398 = arith.constant 0 : i32
    %dma_wait3A_399 = arith.constant 0 : i32
    %dma_wait3A_400 = tpu.memref_slice %arg4[%dma_wait3A_355, %dma_wait3A_396, %dma_wait3A_397, %dma_wait3A_398, %dma_wait3A_399] : memref<50x4x128x8x128xf32, #tpu.memory_space<hbm>> -> memref<1x4x128x8x128xf32, #tpu.memory_space<hbm>>
    %dma_wait3A_401 = tpu.memref_squeeze %dma_wait3A_400 : memref<1x4x128x8x128xf32, #tpu.memory_space<hbm>> -> memref<4x128x8x128xf32, #tpu.memory_space<hbm>>
    %dma_wait3A_402 = arith.constant 0 : i32
    %dma_wait3A_403 = arith.constant 0 : i32
    %dma_wait3A_404 = arith.constant 0 : i32
    %dma_wait3A_405 = tpu.memref_slice %dma_wait3A_401[%dma_wait3A_356, %dma_wait3A_402, %dma_wait3A_403, %dma_wait3A_404] : memref<4x128x8x128xf32, #tpu.memory_space<hbm>> -> memref<1x128x8x128xf32, #tpu.memory_space<hbm>>
    %dma_wait3A_406 = tpu.memref_squeeze %dma_wait3A_405 : memref<1x128x8x128xf32, #tpu.memory_space<hbm>> -> memref<128x8x128xf32, #tpu.memory_space<hbm>>
    %dma_wait3A_407 = arith.constant 0 : i32
    %dma_wait3A_408 = arith.constant 0 : i32
    %dma_wait3A_409 = tpu.memref_slice %dma_wait3A_406[%dma_wait3A_357, %dma_wait3A_407, %dma_wait3A_408] : memref<128x8x128xf32, #tpu.memory_space<hbm>> -> memref<1x8x128xf32, #tpu.memory_space<hbm>>
    %dma_wait3A_410 = tpu.memref_squeeze %dma_wait3A_409 : memref<1x8x128xf32, #tpu.memory_space<hbm>> -> memref<8x128xf32, #tpu.memory_space<hbm>>
    tpu.wait_dma2 semaphore(%dma_wait3A_386 : memref<!tpu.dma_semaphore, #tpu.memory_space<semaphore_mem>>) src(%dma_wait3A_410 : memref<8x128xf32, #tpu.memory_space<hbm>>) dst(%dma_wait3A_395 : memref<8x128xf32, #tpu.memory_space<vmem>>)
    %dma_wait3A_411 = arith.constant 0 : i32
    %dma_wait3A_412 = arith.constant 0 : i32
    %dma_wait3A_413 = arith.constant 0 : i32
    %dma_wait3A_414 = arith.constant 1 : i32
    %dma_wait3A_415 = arith.constant 2 : i32
    %dma_wait3A_416 = arith.constant 1 : i32
    %dma_wait3A_417 = arith.constant 0 : i32
    %dma_wait3A_418 = arith.constant 0 : i32
    %dma_wait3A_419 = arith.constant 0 : i32
    %dma_wait3A_420 = tpu.memref_slice %arg7[%dma_wait3A_414, %dma_wait3A_417, %dma_wait3A_418, %dma_wait3A_419] : memref<4x4x8x128xf32, #tpu.memory_space<vmem>> -> memref<1x4x8x128xf32, #tpu.memory_space<vmem>>
    %dma_wait3A_421 = tpu.memref_squeeze %dma_wait3A_420 : memref<1x4x8x128xf32, #tpu.memory_space<vmem>> -> memref<4x8x128xf32, #tpu.memory_space<vmem>>
    %dma_wait3A_422 = arith.constant 0 : i32
    %dma_wait3A_423 = arith.constant 0 : i32
    %dma_wait3A_424 = tpu.memref_slice %dma_wait3A_421[%dma_wait3A_415, %dma_wait3A_422, %dma_wait3A_423] : memref<4x8x128xf32, #tpu.memory_space<vmem>> -> memref<1x8x128xf32, #tpu.memory_space<vmem>>
    %dma_wait3A_425 = tpu.memref_squeeze %dma_wait3A_424 : memref<1x8x128xf32, #tpu.memory_space<vmem>> -> memref<8x128xf32, #tpu.memory_space<vmem>>
    %dma_wait3A_426 = arith.constant 0 : i32
    %dma_wait3A_427 = arith.constant 0 : i32
    %dma_wait3A_428 = arith.constant 0 : i32
    %dma_wait3A_429 = arith.constant 0 : i32
    %dma_wait3A_430 = tpu.memref_slice %arg4[%dma_wait3A_411, %dma_wait3A_426, %dma_wait3A_427, %dma_wait3A_428, %dma_wait3A_429] : memref<50x4x128x8x128xf32, #tpu.memory_space<hbm>> -> memref<1x4x128x8x128xf32, #tpu.memory_space<hbm>>
    %dma_wait3A_431 = tpu.memref_squeeze %dma_wait3A_430 : memref<1x4x128x8x128xf32, #tpu.memory_space<hbm>> -> memref<4x128x8x128xf32, #tpu.memory_space<hbm>>
    %dma_wait3A_432 = arith.constant 0 : i32
    %dma_wait3A_433 = arith.constant 0 : i32
    %dma_wait3A_434 = arith.constant 0 : i32
    %dma_wait3A_435 = tpu.memref_slice %dma_wait3A_431[%dma_wait3A_412, %dma_wait3A_432, %dma_wait3A_433, %dma_wait3A_434] : memref<4x128x8x128xf32, #tpu.memory_space<hbm>> -> memref<1x128x8x128xf32, #tpu.memory_space<hbm>>
    %dma_wait3A_436 = tpu.memref_squeeze %dma_wait3A_435 : memref<1x128x8x128xf32, #tpu.memory_space<hbm>> -> memref<128x8x128xf32, #tpu.memory_space<hbm>>
    %dma_wait3A_437 = arith.constant 0 : i32
    %dma_wait3A_438 = arith.constant 0 : i32
    %dma_wait3A_439 = tpu.memref_slice %dma_wait3A_436[%dma_wait3A_413, %dma_wait3A_437, %dma_wait3A_438] : memref<128x8x128xf32, #tpu.memory_space<hbm>> -> memref<1x8x128xf32, #tpu.memory_space<hbm>>
    %dma_wait3A_440 = tpu.memref_squeeze %dma_wait3A_439 : memref<1x8x128xf32, #tpu.memory_space<hbm>> -> memref<8x128xf32, #tpu.memory_space<hbm>>
    %dma_wait3A_441 = tpu.memref_slice %arg9[%dma_wait3A_416] : memref<4x!tpu.dma_semaphore, #tpu.memory_space<semaphore_mem>> -> memref<1x!tpu.dma_semaphore, #tpu.memory_space<semaphore_mem>>
    %dma_wait3A_442 = tpu.memref_squeeze %dma_wait3A_441 : memref<1x!tpu.dma_semaphore, #tpu.memory_space<semaphore_mem>> -> memref<!tpu.dma_semaphore, #tpu.memory_space<semaphore_mem>>
    %dma_wait3A_443 = arith.constant 0 : i32
    %dma_wait3A_444 = arith.constant 0 : i32
    %dma_wait3A_445 = arith.constant 0 : i32
    %dma_wait3A_446 = tpu.memref_slice %arg7[%dma_wait3A_414, %dma_wait3A_443, %dma_wait3A_444, %dma_wait3A_445] : memref<4x4x8x128xf32, #tpu.memory_space<vmem>> -> memref<1x4x8x128xf32, #tpu.memory_space<vmem>>
    %dma_wait3A_447 = tpu.memref_squeeze %dma_wait3A_446 : memref<1x4x8x128xf32, #tpu.memory_space<vmem>> -> memref<4x8x128xf32, #tpu.memory_space<vmem>>
    %dma_wait3A_448 = arith.constant 0 : i32
    %dma_wait3A_449 = arith.constant 0 : i32
    %dma_wait3A_450 = tpu.memref_slice %dma_wait3A_447[%dma_wait3A_415, %dma_wait3A_448, %dma_wait3A_449] : memref<4x8x128xf32, #tpu.memory_space<vmem>> -> memref<1x8x128xf32, #tpu.memory_space<vmem>>
    %dma_wait3A_451 = tpu.memref_squeeze %dma_wait3A_450 : memref<1x8x128xf32, #tpu.memory_space<vmem>> -> memref<8x128xf32, #tpu.memory_space<vmem>>
    %dma_wait3A_452 = arith.constant 0 : i32
    %dma_wait3A_453 = arith.constant 0 : i32
    %dma_wait3A_454 = arith.constant 0 : i32
    %dma_wait3A_455 = arith.constant 0 : i32
    %dma_wait3A_456 = tpu.memref_slice %arg4[%dma_wait3A_411, %dma_wait3A_452, %dma_wait3A_453, %dma_wait3A_454, %dma_wait3A_455] : memref<50x4x128x8x128xf32, #tpu.memory_space<hbm>> -> memref<1x4x128x8x128xf32, #tpu.memory_space<hbm>>
    %dma_wait3A_457 = tpu.memref_squeeze %dma_wait3A_456 : memref<1x4x128x8x128xf32, #tpu.memory_space<hbm>> -> memref<4x128x8x128xf32, #tpu.memory_space<hbm>>
    %dma_wait3A_458 = arith.constant 0 : i32
    %dma_wait3A_459 = arith.constant 0 : i32
    %dma_wait3A_460 = arith.constant 0 : i32
    %dma_wait3A_461 = tpu.memref_slice %dma_wait3A_457[%dma_wait3A_412, %dma_wait3A_458, %dma_wait3A_459, %dma_wait3A_460] : memref<4x128x8x128xf32, #tpu.memory_space<hbm>> -> memref<1x128x8x128xf32, #tpu.memory_space<hbm>>
    %dma_wait3A_462 = tpu.memref_squeeze %dma_wait3A_461 : memref<1x128x8x128xf32, #tpu.memory_space<hbm>> -> memref<128x8x128xf32, #tpu.memory_space<hbm>>
    %dma_wait3A_463 = arith.constant 0 : i32
    %dma_wait3A_464 = arith.constant 0 : i32
    %dma_wait3A_465 = tpu.memref_slice %dma_wait3A_462[%dma_wait3A_413, %dma_wait3A_463, %dma_wait3A_464] : memref<128x8x128xf32, #tpu.memory_space<hbm>> -> memref<1x8x128xf32, #tpu.memory_space<hbm>>
    %dma_wait3A_466 = tpu.memref_squeeze %dma_wait3A_465 : memref<1x8x128xf32, #tpu.memory_space<hbm>> -> memref<8x128xf32, #tpu.memory_space<hbm>>
    tpu.wait_dma2 semaphore(%dma_wait3A_442 : memref<!tpu.dma_semaphore, #tpu.memory_space<semaphore_mem>>) src(%dma_wait3A_466 : memref<8x128xf32, #tpu.memory_space<hbm>>) dst(%dma_wait3A_451 : memref<8x128xf32, #tpu.memory_space<vmem>>)
    %dma_wait3A_467 = arith.constant 0 : i32
    %dma_wait3A_468 = arith.constant 0 : i32
    %dma_wait3A_469 = arith.constant 0 : i32
    %dma_wait3A_470 = arith.constant 1 : i32
    %dma_wait3A_471 = arith.constant 3 : i32
    %dma_wait3A_472 = arith.constant 1 : i32
    %dma_wait3A_473 = arith.constant 0 : i32
    %dma_wait3A_474 = arith.constant 0 : i32
    %dma_wait3A_475 = arith.constant 0 : i32
    %dma_wait3A_476 = tpu.memref_slice %arg7[%dma_wait3A_470, %dma_wait3A_473, %dma_wait3A_474, %dma_wait3A_475] : memref<4x4x8x128xf32, #tpu.memory_space<vmem>> -> memref<1x4x8x128xf32, #tpu.memory_space<vmem>>
    %dma_wait3A_477 = tpu.memref_squeeze %dma_wait3A_476 : memref<1x4x8x128xf32, #tpu.memory_space<vmem>> -> memref<4x8x128xf32, #tpu.memory_space<vmem>>
    %dma_wait3A_478 = arith.constant 0 : i32
    %dma_wait3A_479 = arith.constant 0 : i32
    %dma_wait3A_480 = tpu.memref_slice %dma_wait3A_477[%dma_wait3A_471, %dma_wait3A_478, %dma_wait3A_479] : memref<4x8x128xf32, #tpu.memory_space<vmem>> -> memref<1x8x128xf32, #tpu.memory_space<vmem>>
    %dma_wait3A_481 = tpu.memref_squeeze %dma_wait3A_480 : memref<1x8x128xf32, #tpu.memory_space<vmem>> -> memref<8x128xf32, #tpu.memory_space<vmem>>
    %dma_wait3A_482 = arith.constant 0 : i32
    %dma_wait3A_483 = arith.constant 0 : i32
    %dma_wait3A_484 = arith.constant 0 : i32
    %dma_wait3A_485 = arith.constant 0 : i32
    %dma_wait3A_486 = tpu.memref_slice %arg4[%dma_wait3A_467, %dma_wait3A_482, %dma_wait3A_483, %dma_wait3A_484, %dma_wait3A_485] : memref<50x4x128x8x128xf32, #tpu.memory_space<hbm>> -> memref<1x4x128x8x128xf32, #tpu.memory_space<hbm>>
    %dma_wait3A_487 = tpu.memref_squeeze %dma_wait3A_486 : memref<1x4x128x8x128xf32, #tpu.memory_space<hbm>> -> memref<4x128x8x128xf32, #tpu.memory_space<hbm>>
    %dma_wait3A_488 = arith.constant 0 : i32
    %dma_wait3A_489 = arith.constant 0 : i32
    %dma_wait3A_490 = arith.constant 0 : i32
    %dma_wait3A_491 = tpu.memref_slice %dma_wait3A_487[%dma_wait3A_468, %dma_wait3A_488, %dma_wait3A_489, %dma_wait3A_490] : memref<4x128x8x128xf32, #tpu.memory_space<hbm>> -> memref<1x128x8x128xf32, #tpu.memory_space<hbm>>
    %dma_wait3A_492 = tpu.memref_squeeze %dma_wait3A_491 : memref<1x128x8x128xf32, #tpu.memory_space<hbm>> -> memref<128x8x128xf32, #tpu.memory_space<hbm>>
    %dma_wait3A_493 = arith.constant 0 : i32
    %dma_wait3A_494 = arith.constant 0 : i32
    %dma_wait3A_495 = tpu.memref_slice %dma_wait3A_492[%dma_wait3A_469, %dma_wait3A_493, %dma_wait3A_494] : memref<128x8x128xf32, #tpu.memory_space<hbm>> -> memref<1x8x128xf32, #tpu.memory_space<hbm>>
    %dma_wait3A_496 = tpu.memref_squeeze %dma_wait3A_495 : memref<1x8x128xf32, #tpu.memory_space<hbm>> -> memref<8x128xf32, #tpu.memory_space<hbm>>
    %dma_wait3A_497 = tpu.memref_slice %arg9[%dma_wait3A_472] : memref<4x!tpu.dma_semaphore, #tpu.memory_space<semaphore_mem>> -> memref<1x!tpu.dma_semaphore, #tpu.memory_space<semaphore_mem>>
    %dma_wait3A_498 = tpu.memref_squeeze %dma_wait3A_497 : memref<1x!tpu.dma_semaphore, #tpu.memory_space<semaphore_mem>> -> memref<!tpu.dma_semaphore, #tpu.memory_space<semaphore_mem>>
    %dma_wait3A_499 = arith.constant 0 : i32
    %dma_wait3A_500 = arith.constant 0 : i32
    %dma_wait3A_501 = arith.constant 0 : i32
    %dma_wait3A_502 = tpu.memref_slice %arg7[%dma_wait3A_470, %dma_wait3A_499, %dma_wait3A_500, %dma_wait3A_501] : memref<4x4x8x128xf32, #tpu.memory_space<vmem>> -> memref<1x4x8x128xf32, #tpu.memory_space<vmem>>
    %dma_wait3A_503 = tpu.memref_squeeze %dma_wait3A_502 : memref<1x4x8x128xf32, #tpu.memory_space<vmem>> -> memref<4x8x128xf32, #tpu.memory_space<vmem>>
    %dma_wait3A_504 = arith.constant 0 : i32
    %dma_wait3A_505 = arith.constant 0 : i32
    %dma_wait3A_506 = tpu.memref_slice %dma_wait3A_503[%dma_wait3A_471, %dma_wait3A_504, %dma_wait3A_505] : memref<4x8x128xf32, #tpu.memory_space<vmem>> -> memref<1x8x128xf32, #tpu.memory_space<vmem>>
    %dma_wait3A_507 = tpu.memref_squeeze %dma_wait3A_506 : memref<1x8x128xf32, #tpu.memory_space<vmem>> -> memref<8x128xf32, #tpu.memory_space<vmem>>
    %dma_wait3A_508 = arith.constant 0 : i32
    %dma_wait3A_509 = arith.constant 0 : i32
    %dma_wait3A_510 = arith.constant 0 : i32
    %dma_wait3A_511 = arith.constant 0 : i32
    %dma_wait3A_512 = tpu.memref_slice %arg4[%dma_wait3A_467, %dma_wait3A_508, %dma_wait3A_509, %dma_wait3A_510, %dma_wait3A_511] : memref<50x4x128x8x128xf32, #tpu.memory_space<hbm>> -> memref<1x4x128x8x128xf32, #tpu.memory_space<hbm>>
    %dma_wait3A_513 = tpu.memref_squeeze %dma_wait3A_512 : memref<1x4x128x8x128xf32, #tpu.memory_space<hbm>> -> memref<4x128x8x128xf32, #tpu.memory_space<hbm>>
    %dma_wait3A_514 = arith.constant 0 : i32
    %dma_wait3A_515 = arith.constant 0 : i32
    %dma_wait3A_516 = arith.constant 0 : i32
    %dma_wait3A_517 = tpu.memref_slice %dma_wait3A_513[%dma_wait3A_468, %dma_wait3A_514, %dma_wait3A_515, %dma_wait3A_516] : memref<4x128x8x128xf32, #tpu.memory_space<hbm>> -> memref<1x128x8x128xf32, #tpu.memory_space<hbm>>
    %dma_wait3A_518 = tpu.memref_squeeze %dma_wait3A_517 : memref<1x128x8x128xf32, #tpu.memory_space<hbm>> -> memref<128x8x128xf32, #tpu.memory_space<hbm>>
    %dma_wait3A_519 = arith.constant 0 : i32
    %dma_wait3A_520 = arith.constant 0 : i32
    %dma_wait3A_521 = tpu.memref_slice %dma_wait3A_518[%dma_wait3A_469, %dma_wait3A_519, %dma_wait3A_520] : memref<128x8x128xf32, #tpu.memory_space<hbm>> -> memref<1x8x128xf32, #tpu.memory_space<hbm>>
    %dma_wait3A_522 = tpu.memref_squeeze %dma_wait3A_521 : memref<1x8x128xf32, #tpu.memory_space<hbm>> -> memref<8x128xf32, #tpu.memory_space<hbm>>
    tpu.wait_dma2 semaphore(%dma_wait3A_498 : memref<!tpu.dma_semaphore, #tpu.memory_space<semaphore_mem>>) src(%dma_wait3A_522 : memref<8x128xf32, #tpu.memory_space<hbm>>) dst(%dma_wait3A_507 : memref<8x128xf32, #tpu.memory_space<vmem>>)
    %dma_wait3A_523 = arith.constant 0 : i32
    %dma_wait3A_524 = arith.constant 0 : i32
    %dma_wait3A_525 = arith.constant 0 : i32
    %dma_wait3A_526 = arith.constant 2 : i32
    %dma_wait3A_527 = arith.constant 0 : i32
    %dma_wait3A_528 = arith.constant 2 : i32
    %dma_wait3A_529 = arith.constant 0 : i32
    %dma_wait3A_530 = arith.constant 0 : i32
    %dma_wait3A_531 = arith.constant 0 : i32
    %dma_wait3A_532 = tpu.memref_slice %arg7[%dma_wait3A_526, %dma_wait3A_529, %dma_wait3A_530, %dma_wait3A_531] : memref<4x4x8x128xf32, #tpu.memory_space<vmem>> -> memref<1x4x8x128xf32, #tpu.memory_space<vmem>>
    %dma_wait3A_533 = tpu.memref_squeeze %dma_wait3A_532 : memref<1x4x8x128xf32, #tpu.memory_space<vmem>> -> memref<4x8x128xf32, #tpu.memory_space<vmem>>
    %dma_wait3A_534 = arith.constant 0 : i32
    %dma_wait3A_535 = arith.constant 0 : i32
    %dma_wait3A_536 = tpu.memref_slice %dma_wait3A_533[%dma_wait3A_527, %dma_wait3A_534, %dma_wait3A_535] : memref<4x8x128xf32, #tpu.memory_space<vmem>> -> memref<1x8x128xf32, #tpu.memory_space<vmem>>
    %dma_wait3A_537 = tpu.memref_squeeze %dma_wait3A_536 : memref<1x8x128xf32, #tpu.memory_space<vmem>> -> memref<8x128xf32, #tpu.memory_space<vmem>>
    %dma_wait3A_538 = arith.constant 0 : i32
    %dma_wait3A_539 = arith.constant 0 : i32
    %dma_wait3A_540 = arith.constant 0 : i32
    %dma_wait3A_541 = arith.constant 0 : i32
    %dma_wait3A_542 = tpu.memref_slice %arg4[%dma_wait3A_523, %dma_wait3A_538, %dma_wait3A_539, %dma_wait3A_540, %dma_wait3A_541] : memref<50x4x128x8x128xf32, #tpu.memory_space<hbm>> -> memref<1x4x128x8x128xf32, #tpu.memory_space<hbm>>
    %dma_wait3A_543 = tpu.memref_squeeze %dma_wait3A_542 : memref<1x4x128x8x128xf32, #tpu.memory_space<hbm>> -> memref<4x128x8x128xf32, #tpu.memory_space<hbm>>
    %dma_wait3A_544 = arith.constant 0 : i32
    %dma_wait3A_545 = arith.constant 0 : i32
    %dma_wait3A_546 = arith.constant 0 : i32
    %dma_wait3A_547 = tpu.memref_slice %dma_wait3A_543[%dma_wait3A_524, %dma_wait3A_544, %dma_wait3A_545, %dma_wait3A_546] : memref<4x128x8x128xf32, #tpu.memory_space<hbm>> -> memref<1x128x8x128xf32, #tpu.memory_space<hbm>>
    %dma_wait3A_548 = tpu.memref_squeeze %dma_wait3A_547 : memref<1x128x8x128xf32, #tpu.memory_space<hbm>> -> memref<128x8x128xf32, #tpu.memory_space<hbm>>
    %dma_wait3A_549 = arith.constant 0 : i32
    %dma_wait3A_550 = arith.constant 0 : i32
    %dma_wait3A_551 = tpu.memref_slice %dma_wait3A_548[%dma_wait3A_525, %dma_wait3A_549, %dma_wait3A_550] : memref<128x8x128xf32, #tpu.memory_space<hbm>> -> memref<1x8x128xf32, #tpu.memory_space<hbm>>
    %dma_wait3A_552 = tpu.memref_squeeze %dma_wait3A_551 : memref<1x8x128xf32, #tpu.memory_space<hbm>> -> memref<8x128xf32, #tpu.memory_space<hbm>>
    %dma_wait3A_553 = tpu.memref_slice %arg9[%dma_wait3A_528] : memref<4x!tpu.dma_semaphore, #tpu.memory_space<semaphore_mem>> -> memref<1x!tpu.dma_semaphore, #tpu.memory_space<semaphore_mem>>
    %dma_wait3A_554 = tpu.memref_squeeze %dma_wait3A_553 : memref<1x!tpu.dma_semaphore, #tpu.memory_space<semaphore_mem>> -> memref<!tpu.dma_semaphore, #tpu.memory_space<semaphore_mem>>
    %dma_wait3A_555 = arith.constant 0 : i32
    %dma_wait3A_556 = arith.constant 0 : i32
    %dma_wait3A_557 = arith.constant 0 : i32
    %dma_wait3A_558 = tpu.memref_slice %arg7[%dma_wait3A_526, %dma_wait3A_555, %dma_wait3A_556, %dma_wait3A_557] : memref<4x4x8x128xf32, #tpu.memory_space<vmem>> -> memref<1x4x8x128xf32, #tpu.memory_space<vmem>>
    %dma_wait3A_559 = tpu.memref_squeeze %dma_wait3A_558 : memref<1x4x8x128xf32, #tpu.memory_space<vmem>> -> memref<4x8x128xf32, #tpu.memory_space<vmem>>
    %dma_wait3A_560 = arith.constant 0 : i32
    %dma_wait3A_561 = arith.constant 0 : i32
    %dma_wait3A_562 = tpu.memref_slice %dma_wait3A_559[%dma_wait3A_527, %dma_wait3A_560, %dma_wait3A_561] : memref<4x8x128xf32, #tpu.memory_space<vmem>> -> memref<1x8x128xf32, #tpu.memory_space<vmem>>
    %dma_wait3A_563 = tpu.memref_squeeze %dma_wait3A_562 : memref<1x8x128xf32, #tpu.memory_space<vmem>> -> memref<8x128xf32, #tpu.memory_space<vmem>>
    %dma_wait3A_564 = arith.constant 0 : i32
    %dma_wait3A_565 = arith.constant 0 : i32
    %dma_wait3A_566 = arith.constant 0 : i32
    %dma_wait3A_567 = arith.constant 0 : i32
    %dma_wait3A_568 = tpu.memref_slice %arg4[%dma_wait3A_523, %dma_wait3A_564, %dma_wait3A_565, %dma_wait3A_566, %dma_wait3A_567] : memref<50x4x128x8x128xf32, #tpu.memory_space<hbm>> -> memref<1x4x128x8x128xf32, #tpu.memory_space<hbm>>
    %dma_wait3A_569 = tpu.memref_squeeze %dma_wait3A_568 : memref<1x4x128x8x128xf32, #tpu.memory_space<hbm>> -> memref<4x128x8x128xf32, #tpu.memory_space<hbm>>
    %dma_wait3A_570 = arith.constant 0 : i32
    %dma_wait3A_571 = arith.constant 0 : i32
    %dma_wait3A_572 = arith.constant 0 : i32
    %dma_wait3A_573 = tpu.memref_slice %dma_wait3A_569[%dma_wait3A_524, %dma_wait3A_570, %dma_wait3A_571, %dma_wait3A_572] : memref<4x128x8x128xf32, #tpu.memory_space<hbm>> -> memref<1x128x8x128xf32, #tpu.memory_space<hbm>>
    %dma_wait3A_574 = tpu.memref_squeeze %dma_wait3A_573 : memref<1x128x8x128xf32, #tpu.memory_space<hbm>> -> memref<128x8x128xf32, #tpu.memory_space<hbm>>
    %dma_wait3A_575 = arith.constant 0 : i32
    %dma_wait3A_576 = arith.constant 0 : i32
    %dma_wait3A_577 = tpu.memref_slice %dma_wait3A_574[%dma_wait3A_525, %dma_wait3A_575, %dma_wait3A_576] : memref<128x8x128xf32, #tpu.memory_space<hbm>> -> memref<1x8x128xf32, #tpu.memory_space<hbm>>
    %dma_wait3A_578 = tpu.memref_squeeze %dma_wait3A_577 : memref<1x8x128xf32, #tpu.memory_space<hbm>> -> memref<8x128xf32, #tpu.memory_space<hbm>>
    tpu.wait_dma2 semaphore(%dma_wait3A_554 : memref<!tpu.dma_semaphore, #tpu.memory_space<semaphore_mem>>) src(%dma_wait3A_578 : memref<8x128xf32, #tpu.memory_space<hbm>>) dst(%dma_wait3A_563 : memref<8x128xf32, #tpu.memory_space<vmem>>)
    %dma_wait3A_579 = arith.constant 0 : i32
    %dma_wait3A_580 = arith.constant 0 : i32
    %dma_wait3A_581 = arith.constant 0 : i32
    %dma_wait3A_582 = arith.constant 2 : i32
    %dma_wait3A_583 = arith.constant 1 : i32
    %dma_wait3A_584 = arith.constant 2 : i32
    %dma_wait3A_585 = arith.constant 0 : i32
    %dma_wait3A_586 = arith.constant 0 : i32
    %dma_wait3A_587 = arith.constant 0 : i32
    %dma_wait3A_588 = tpu.memref_slice %arg7[%dma_wait3A_582, %dma_wait3A_585, %dma_wait3A_586, %dma_wait3A_587] : memref<4x4x8x128xf32, #tpu.memory_space<vmem>> -> memref<1x4x8x128xf32, #tpu.memory_space<vmem>>
    %dma_wait3A_589 = tpu.memref_squeeze %dma_wait3A_588 : memref<1x4x8x128xf32, #tpu.memory_space<vmem>> -> memref<4x8x128xf32, #tpu.memory_space<vmem>>
    %dma_wait3A_590 = arith.constant 0 : i32
    %dma_wait3A_591 = arith.constant 0 : i32
    %dma_wait3A_592 = tpu.memref_slice %dma_wait3A_589[%dma_wait3A_583, %dma_wait3A_590, %dma_wait3A_591] : memref<4x8x128xf32, #tpu.memory_space<vmem>> -> memref<1x8x128xf32, #tpu.memory_space<vmem>>
    %dma_wait3A_593 = tpu.memref_squeeze %dma_wait3A_592 : memref<1x8x128xf32, #tpu.memory_space<vmem>> -> memref<8x128xf32, #tpu.memory_space<vmem>>
    %dma_wait3A_594 = arith.constant 0 : i32
    %dma_wait3A_595 = arith.constant 0 : i32
    %dma_wait3A_596 = arith.constant 0 : i32
    %dma_wait3A_597 = arith.constant 0 : i32
    %dma_wait3A_598 = tpu.memref_slice %arg4[%dma_wait3A_579, %dma_wait3A_594, %dma_wait3A_595, %dma_wait3A_596, %dma_wait3A_597] : memref<50x4x128x8x128xf32, #tpu.memory_space<hbm>> -> memref<1x4x128x8x128xf32, #tpu.memory_space<hbm>>
    %dma_wait3A_599 = tpu.memref_squeeze %dma_wait3A_598 : memref<1x4x128x8x128xf32, #tpu.memory_space<hbm>> -> memref<4x128x8x128xf32, #tpu.memory_space<hbm>>
    %dma_wait3A_600 = arith.constant 0 : i32
    %dma_wait3A_601 = arith.constant 0 : i32
    %dma_wait3A_602 = arith.constant 0 : i32
    %dma_wait3A_603 = tpu.memref_slice %dma_wait3A_599[%dma_wait3A_580, %dma_wait3A_600, %dma_wait3A_601, %dma_wait3A_602] : memref<4x128x8x128xf32, #tpu.memory_space<hbm>> -> memref<1x128x8x128xf32, #tpu.memory_space<hbm>>
    %dma_wait3A_604 = tpu.memref_squeeze %dma_wait3A_603 : memref<1x128x8x128xf32, #tpu.memory_space<hbm>> -> memref<128x8x128xf32, #tpu.memory_space<hbm>>
    %dma_wait3A_605 = arith.constant 0 : i32
    %dma_wait3A_606 = arith.constant 0 : i32
    %dma_wait3A_607 = tpu.memref_slice %dma_wait3A_604[%dma_wait3A_581, %dma_wait3A_605, %dma_wait3A_606] : memref<128x8x128xf32, #tpu.memory_space<hbm>> -> memref<1x8x128xf32, #tpu.memory_space<hbm>>
    %dma_wait3A_608 = tpu.memref_squeeze %dma_wait3A_607 : memref<1x8x128xf32, #tpu.memory_space<hbm>> -> memref<8x128xf32, #tpu.memory_space<hbm>>
    %dma_wait3A_609 = tpu.memref_slice %arg9[%dma_wait3A_584] : memref<4x!tpu.dma_semaphore, #tpu.memory_space<semaphore_mem>> -> memref<1x!tpu.dma_semaphore, #tpu.memory_space<semaphore_mem>>
    %dma_wait3A_610 = tpu.memref_squeeze %dma_wait3A_609 : memref<1x!tpu.dma_semaphore, #tpu.memory_space<semaphore_mem>> -> memref<!tpu.dma_semaphore, #tpu.memory_space<semaphore_mem>>
    %dma_wait3A_611 = arith.constant 0 : i32
    %dma_wait3A_612 = arith.constant 0 : i32
    %dma_wait3A_613 = arith.constant 0 : i32
    %dma_wait3A_614 = tpu.memref_slice %arg7[%dma_wait3A_582, %dma_wait3A_611, %dma_wait3A_612, %dma_wait3A_613] : memref<4x4x8x128xf32, #tpu.memory_space<vmem>> -> memref<1x4x8x128xf32, #tpu.memory_space<vmem>>
    %dma_wait3A_615 = tpu.memref_squeeze %dma_wait3A_614 : memref<1x4x8x128xf32, #tpu.memory_space<vmem>> -> memref<4x8x128xf32, #tpu.memory_space<vmem>>
    %dma_wait3A_616 = arith.constant 0 : i32
    %dma_wait3A_617 = arith.constant 0 : i32
    %dma_wait3A_618 = tpu.memref_slice %dma_wait3A_615[%dma_wait3A_583, %dma_wait3A_616, %dma_wait3A_617] : memref<4x8x128xf32, #tpu.memory_space<vmem>> -> memref<1x8x128xf32, #tpu.memory_space<vmem>>
    %dma_wait3A_619 = tpu.memref_squeeze %dma_wait3A_618 : memref<1x8x128xf32, #tpu.memory_space<vmem>> -> memref<8x128xf32, #tpu.memory_space<vmem>>
    %dma_wait3A_620 = arith.constant 0 : i32
    %dma_wait3A_621 = arith.constant 0 : i32
    %dma_wait3A_622 = arith.constant 0 : i32
    %dma_wait3A_623 = arith.constant 0 : i32
    %dma_wait3A_624 = tpu.memref_slice %arg4[%dma_wait3A_579, %dma_wait3A_620, %dma_wait3A_621, %dma_wait3A_622, %dma_wait3A_623] : memref<50x4x128x8x128xf32, #tpu.memory_space<hbm>> -> memref<1x4x128x8x128xf32, #tpu.memory_space<hbm>>
    %dma_wait3A_625 = tpu.memref_squeeze %dma_wait3A_624 : memref<1x4x128x8x128xf32, #tpu.memory_space<hbm>> -> memref<4x128x8x128xf32, #tpu.memory_space<hbm>>
    %dma_wait3A_626 = arith.constant 0 : i32
    %dma_wait3A_627 = arith.constant 0 : i32
    %dma_wait3A_628 = arith.constant 0 : i32
    %dma_wait3A_629 = tpu.memref_slice %dma_wait3A_625[%dma_wait3A_580, %dma_wait3A_626, %dma_wait3A_627, %dma_wait3A_628] : memref<4x128x8x128xf32, #tpu.memory_space<hbm>> -> memref<1x128x8x128xf32, #tpu.memory_space<hbm>>
    %dma_wait3A_630 = tpu.memref_squeeze %dma_wait3A_629 : memref<1x128x8x128xf32, #tpu.memory_space<hbm>> -> memref<128x8x128xf32, #tpu.memory_space<hbm>>
    %dma_wait3A_631 = arith.constant 0 : i32
    %dma_wait3A_632 = arith.constant 0 : i32
    %dma_wait3A_633 = tpu.memref_slice %dma_wait3A_630[%dma_wait3A_581, %dma_wait3A_631, %dma_wait3A_632] : memref<128x8x128xf32, #tpu.memory_space<hbm>> -> memref<1x8x128xf32, #tpu.memory_space<hbm>>
    %dma_wait3A_634 = tpu.memref_squeeze %dma_wait3A_633 : memref<1x8x128xf32, #tpu.memory_space<hbm>> -> memref<8x128xf32, #tpu.memory_space<hbm>>
    tpu.wait_dma2 semaphore(%dma_wait3A_610 : memref<!tpu.dma_semaphore, #tpu.memory_space<semaphore_mem>>) src(%dma_wait3A_634 : memref<8x128xf32, #tpu.memory_space<hbm>>) dst(%dma_wait3A_619 : memref<8x128xf32, #tpu.memory_space<vmem>>)
    %dma_wait3A_635 = arith.constant 0 : i32
    %dma_wait3A_636 = arith.constant 0 : i32
    %dma_wait3A_637 = arith.constant 0 : i32
    %dma_wait3A_638 = arith.constant 2 : i32
    %dma_wait3A_639 = arith.constant 2 : i32
    %dma_wait3A_640 = arith.constant 2 : i32
    %dma_wait3A_641 = arith.constant 0 : i32
    %dma_wait3A_642 = arith.constant 0 : i32
    %dma_wait3A_643 = arith.constant 0 : i32
    %dma_wait3A_644 = tpu.memref_slice %arg7[%dma_wait3A_638, %dma_wait3A_641, %dma_wait3A_642, %dma_wait3A_643] : memref<4x4x8x128xf32, #tpu.memory_space<vmem>> -> memref<1x4x8x128xf32, #tpu.memory_space<vmem>>
    %dma_wait3A_645 = tpu.memref_squeeze %dma_wait3A_644 : memref<1x4x8x128xf32, #tpu.memory_space<vmem>> -> memref<4x8x128xf32, #tpu.memory_space<vmem>>
    %dma_wait3A_646 = arith.constant 0 : i32
    %dma_wait3A_647 = arith.constant 0 : i32
    %dma_wait3A_648 = tpu.memref_slice %dma_wait3A_645[%dma_wait3A_639, %dma_wait3A_646, %dma_wait3A_647] : memref<4x8x128xf32, #tpu.memory_space<vmem>> -> memref<1x8x128xf32, #tpu.memory_space<vmem>>
    %dma_wait3A_649 = tpu.memref_squeeze %dma_wait3A_648 : memref<1x8x128xf32, #tpu.memory_space<vmem>> -> memref<8x128xf32, #tpu.memory_space<vmem>>
    %dma_wait3A_650 = arith.constant 0 : i32
    %dma_wait3A_651 = arith.constant 0 : i32
    %dma_wait3A_652 = arith.constant 0 : i32
    %dma_wait3A_653 = arith.constant 0 : i32
    %dma_wait3A_654 = tpu.memref_slice %arg4[%dma_wait3A_635, %dma_wait3A_650, %dma_wait3A_651, %dma_wait3A_652, %dma_wait3A_653] : memref<50x4x128x8x128xf32, #tpu.memory_space<hbm>> -> memref<1x4x128x8x128xf32, #tpu.memory_space<hbm>>
    %dma_wait3A_655 = tpu.memref_squeeze %dma_wait3A_654 : memref<1x4x128x8x128xf32, #tpu.memory_space<hbm>> -> memref<4x128x8x128xf32, #tpu.memory_space<hbm>>
    %dma_wait3A_656 = arith.constant 0 : i32
    %dma_wait3A_657 = arith.constant 0 : i32
    %dma_wait3A_658 = arith.constant 0 : i32
    %dma_wait3A_659 = tpu.memref_slice %dma_wait3A_655[%dma_wait3A_636, %dma_wait3A_656, %dma_wait3A_657, %dma_wait3A_658] : memref<4x128x8x128xf32, #tpu.memory_space<hbm>> -> memref<1x128x8x128xf32, #tpu.memory_space<hbm>>
    %dma_wait3A_660 = tpu.memref_squeeze %dma_wait3A_659 : memref<1x128x8x128xf32, #tpu.memory_space<hbm>> -> memref<128x8x128xf32, #tpu.memory_space<hbm>>
    %dma_wait3A_661 = arith.constant 0 : i32
    %dma_wait3A_662 = arith.constant 0 : i32
    %dma_wait3A_663 = tpu.memref_slice %dma_wait3A_660[%dma_wait3A_637, %dma_wait3A_661, %dma_wait3A_662] : memref<128x8x128xf32, #tpu.memory_space<hbm>> -> memref<1x8x128xf32, #tpu.memory_space<hbm>>
    %dma_wait3A_664 = tpu.memref_squeeze %dma_wait3A_663 : memref<1x8x128xf32, #tpu.memory_space<hbm>> -> memref<8x128xf32, #tpu.memory_space<hbm>>
    %dma_wait3A_665 = tpu.memref_slice %arg9[%dma_wait3A_640] : memref<4x!tpu.dma_semaphore, #tpu.memory_space<semaphore_mem>> -> memref<1x!tpu.dma_semaphore, #tpu.memory_space<semaphore_mem>>
    %dma_wait3A_666 = tpu.memref_squeeze %dma_wait3A_665 : memref<1x!tpu.dma_semaphore, #tpu.memory_space<semaphore_mem>> -> memref<!tpu.dma_semaphore, #tpu.memory_space<semaphore_mem>>
    %dma_wait3A_667 = arith.constant 0 : i32
    %dma_wait3A_668 = arith.constant 0 : i32
    %dma_wait3A_669 = arith.constant 0 : i32
    %dma_wait3A_670 = tpu.memref_slice %arg7[%dma_wait3A_638, %dma_wait3A_667, %dma_wait3A_668, %dma_wait3A_669] : memref<4x4x8x128xf32, #tpu.memory_space<vmem>> -> memref<1x4x8x128xf32, #tpu.memory_space<vmem>>
    %dma_wait3A_671 = tpu.memref_squeeze %dma_wait3A_670 : memref<1x4x8x128xf32, #tpu.memory_space<vmem>> -> memref<4x8x128xf32, #tpu.memory_space<vmem>>
    %dma_wait3A_672 = arith.constant 0 : i32
    %dma_wait3A_673 = arith.constant 0 : i32
    %dma_wait3A_674 = tpu.memref_slice %dma_wait3A_671[%dma_wait3A_639, %dma_wait3A_672, %dma_wait3A_673] : memref<4x8x128xf32, #tpu.memory_space<vmem>> -> memref<1x8x128xf32, #tpu.memory_space<vmem>>
    %dma_wait3A_675 = tpu.memref_squeeze %dma_wait3A_674 : memref<1x8x128xf32, #tpu.memory_space<vmem>> -> memref<8x128xf32, #tpu.memory_space<vmem>>
    %dma_wait3A_676 = arith.constant 0 : i32
    %dma_wait3A_677 = arith.constant 0 : i32
    %dma_wait3A_678 = arith.constant 0 : i32
    %dma_wait3A_679 = arith.constant 0 : i32
    %dma_wait3A_680 = tpu.memref_slice %arg4[%dma_wait3A_635, %dma_wait3A_676, %dma_wait3A_677, %dma_wait3A_678, %dma_wait3A_679] : memref<50x4x128x8x128xf32, #tpu.memory_space<hbm>> -> memref<1x4x128x8x128xf32, #tpu.memory_space<hbm>>
    %dma_wait3A_681 = tpu.memref_squeeze %dma_wait3A_680 : memref<1x4x128x8x128xf32, #tpu.memory_space<hbm>> -> memref<4x128x8x128xf32, #tpu.memory_space<hbm>>
    %dma_wait3A_682 = arith.constant 0 : i32
    %dma_wait3A_683 = arith.constant 0 : i32
    %dma_wait3A_684 = arith.constant 0 : i32
    %dma_wait3A_685 = tpu.memref_slice %dma_wait3A_681[%dma_wait3A_636, %dma_wait3A_682, %dma_wait3A_683, %dma_wait3A_684] : memref<4x128x8x128xf32, #tpu.memory_space<hbm>> -> memref<1x128x8x128xf32, #tpu.memory_space<hbm>>
    %dma_wait3A_686 = tpu.memref_squeeze %dma_wait3A_685 : memref<1x128x8x128xf32, #tpu.memory_space<hbm>> -> memref<128x8x128xf32, #tpu.memory_space<hbm>>
    %dma_wait3A_687 = arith.constant 0 : i32
    %dma_wait3A_688 = arith.constant 0 : i32
    %dma_wait3A_689 = tpu.memref_slice %dma_wait3A_686[%dma_wait3A_637, %dma_wait3A_687, %dma_wait3A_688] : memref<128x8x128xf32, #tpu.memory_space<hbm>> -> memref<1x8x128xf32, #tpu.memory_space<hbm>>
    %dma_wait3A_690 = tpu.memref_squeeze %dma_wait3A_689 : memref<1x8x128xf32, #tpu.memory_space<hbm>> -> memref<8x128xf32, #tpu.memory_space<hbm>>
    tpu.wait_dma2 semaphore(%dma_wait3A_666 : memref<!tpu.dma_semaphore, #tpu.memory_space<semaphore_mem>>) src(%dma_wait3A_690 : memref<8x128xf32, #tpu.memory_space<hbm>>) dst(%dma_wait3A_675 : memref<8x128xf32, #tpu.memory_space<vmem>>)
    %dma_wait3A_691 = arith.constant 0 : i32
    %dma_wait3A_692 = arith.constant 0 : i32
    %dma_wait3A_693 = arith.constant 0 : i32
    %dma_wait3A_694 = arith.constant 2 : i32
    %dma_wait3A_695 = arith.constant 3 : i32
    %dma_wait3A_696 = arith.constant 2 : i32
    %dma_wait3A_697 = arith.constant 0 : i32
    %dma_wait3A_698 = arith.constant 0 : i32
    %dma_wait3A_699 = arith.constant 0 : i32
    %dma_wait3A_700 = tpu.memref_slice %arg7[%dma_wait3A_694, %dma_wait3A_697, %dma_wait3A_698, %dma_wait3A_699] : memref<4x4x8x128xf32, #tpu.memory_space<vmem>> -> memref<1x4x8x128xf32, #tpu.memory_space<vmem>>
    %dma_wait3A_701 = tpu.memref_squeeze %dma_wait3A_700 : memref<1x4x8x128xf32, #tpu.memory_space<vmem>> -> memref<4x8x128xf32, #tpu.memory_space<vmem>>
    %dma_wait3A_702 = arith.constant 0 : i32
    %dma_wait3A_703 = arith.constant 0 : i32
    %dma_wait3A_704 = tpu.memref_slice %dma_wait3A_701[%dma_wait3A_695, %dma_wait3A_702, %dma_wait3A_703] : memref<4x8x128xf32, #tpu.memory_space<vmem>> -> memref<1x8x128xf32, #tpu.memory_space<vmem>>
    %dma_wait3A_705 = tpu.memref_squeeze %dma_wait3A_704 : memref<1x8x128xf32, #tpu.memory_space<vmem>> -> memref<8x128xf32, #tpu.memory_space<vmem>>
    %dma_wait3A_706 = arith.constant 0 : i32
    %dma_wait3A_707 = arith.constant 0 : i32
    %dma_wait3A_708 = arith.constant 0 : i32
    %dma_wait3A_709 = arith.constant 0 : i32
    %dma_wait3A_710 = tpu.memref_slice %arg4[%dma_wait3A_691, %dma_wait3A_706, %dma_wait3A_707, %dma_wait3A_708, %dma_wait3A_709] : memref<50x4x128x8x128xf32, #tpu.memory_space<hbm>> -> memref<1x4x128x8x128xf32, #tpu.memory_space<hbm>>
    %dma_wait3A_711 = tpu.memref_squeeze %dma_wait3A_710 : memref<1x4x128x8x128xf32, #tpu.memory_space<hbm>> -> memref<4x128x8x128xf32, #tpu.memory_space<hbm>>
    %dma_wait3A_712 = arith.constant 0 : i32
    %dma_wait3A_713 = arith.constant 0 : i32
    %dma_wait3A_714 = arith.constant 0 : i32
    %dma_wait3A_715 = tpu.memref_slice %dma_wait3A_711[%dma_wait3A_692, %dma_wait3A_712, %dma_wait3A_713, %dma_wait3A_714] : memref<4x128x8x128xf32, #tpu.memory_space<hbm>> -> memref<1x128x8x128xf32, #tpu.memory_space<hbm>>
    %dma_wait3A_716 = tpu.memref_squeeze %dma_wait3A_715 : memref<1x128x8x128xf32, #tpu.memory_space<hbm>> -> memref<128x8x128xf32, #tpu.memory_space<hbm>>
    %dma_wait3A_717 = arith.constant 0 : i32
    %dma_wait3A_718 = arith.constant 0 : i32
    %dma_wait3A_719 = tpu.memref_slice %dma_wait3A_716[%dma_wait3A_693, %dma_wait3A_717, %dma_wait3A_718] : memref<128x8x128xf32, #tpu.memory_space<hbm>> -> memref<1x8x128xf32, #tpu.memory_space<hbm>>
    %dma_wait3A_720 = tpu.memref_squeeze %dma_wait3A_719 : memref<1x8x128xf32, #tpu.memory_space<hbm>> -> memref<8x128xf32, #tpu.memory_space<hbm>>
    %dma_wait3A_721 = tpu.memref_slice %arg9[%dma_wait3A_696] : memref<4x!tpu.dma_semaphore, #tpu.memory_space<semaphore_mem>> -> memref<1x!tpu.dma_semaphore, #tpu.memory_space<semaphore_mem>>
    %dma_wait3A_722 = tpu.memref_squeeze %dma_wait3A_721 : memref<1x!tpu.dma_semaphore, #tpu.memory_space<semaphore_mem>> -> memref<!tpu.dma_semaphore, #tpu.memory_space<semaphore_mem>>
    %dma_wait3A_723 = arith.constant 0 : i32
    %dma_wait3A_724 = arith.constant 0 : i32
    %dma_wait3A_725 = arith.constant 0 : i32
    %dma_wait3A_726 = tpu.memref_slice %arg7[%dma_wait3A_694, %dma_wait3A_723, %dma_wait3A_724, %dma_wait3A_725] : memref<4x4x8x128xf32, #tpu.memory_space<vmem>> -> memref<1x4x8x128xf32, #tpu.memory_space<vmem>>
    %dma_wait3A_727 = tpu.memref_squeeze %dma_wait3A_726 : memref<1x4x8x128xf32, #tpu.memory_space<vmem>> -> memref<4x8x128xf32, #tpu.memory_space<vmem>>
    %dma_wait3A_728 = arith.constant 0 : i32
    %dma_wait3A_729 = arith.constant 0 : i32
    %dma_wait3A_730 = tpu.memref_slice %dma_wait3A_727[%dma_wait3A_695, %dma_wait3A_728, %dma_wait3A_729] : memref<4x8x128xf32, #tpu.memory_space<vmem>> -> memref<1x8x128xf32, #tpu.memory_space<vmem>>
    %dma_wait3A_731 = tpu.memref_squeeze %dma_wait3A_730 : memref<1x8x128xf32, #tpu.memory_space<vmem>> -> memref<8x128xf32, #tpu.memory_space<vmem>>
    %dma_wait3A_732 = arith.constant 0 : i32
    %dma_wait3A_733 = arith.constant 0 : i32
    %dma_wait3A_734 = arith.constant 0 : i32
    %dma_wait3A_735 = arith.constant 0 : i32
    %dma_wait3A_736 = tpu.memref_slice %arg4[%dma_wait3A_691, %dma_wait3A_732, %dma_wait3A_733, %dma_wait3A_734, %dma_wait3A_735] : memref<50x4x128x8x128xf32, #tpu.memory_space<hbm>> -> memref<1x4x128x8x128xf32, #tpu.memory_space<hbm>>
    %dma_wait3A_737 = tpu.memref_squeeze %dma_wait3A_736 : memref<1x4x128x8x128xf32, #tpu.memory_space<hbm>> -> memref<4x128x8x128xf32, #tpu.memory_space<hbm>>
    %dma_wait3A_738 = arith.constant 0 : i32
    %dma_wait3A_739 = arith.constant 0 : i32
    %dma_wait3A_740 = arith.constant 0 : i32
    %dma_wait3A_741 = tpu.memref_slice %dma_wait3A_737[%dma_wait3A_692, %dma_wait3A_738, %dma_wait3A_739, %dma_wait3A_740] : memref<4x128x8x128xf32, #tpu.memory_space<hbm>> -> memref<1x128x8x128xf32, #tpu.memory_space<hbm>>
    %dma_wait3A_742 = tpu.memref_squeeze %dma_wait3A_741 : memref<1x128x8x128xf32, #tpu.memory_space<hbm>> -> memref<128x8x128xf32, #tpu.memory_space<hbm>>
    %dma_wait3A_743 = arith.constant 0 : i32
    %dma_wait3A_744 = arith.constant 0 : i32
    %dma_wait3A_745 = tpu.memref_slice %dma_wait3A_742[%dma_wait3A_693, %dma_wait3A_743, %dma_wait3A_744] : memref<128x8x128xf32, #tpu.memory_space<hbm>> -> memref<1x8x128xf32, #tpu.memory_space<hbm>>
    %dma_wait3A_746 = tpu.memref_squeeze %dma_wait3A_745 : memref<1x8x128xf32, #tpu.memory_space<hbm>> -> memref<8x128xf32, #tpu.memory_space<hbm>>
    tpu.wait_dma2 semaphore(%dma_wait3A_722 : memref<!tpu.dma_semaphore, #tpu.memory_space<semaphore_mem>>) src(%dma_wait3A_746 : memref<8x128xf32, #tpu.memory_space<hbm>>) dst(%dma_wait3A_731 : memref<8x128xf32, #tpu.memory_space<vmem>>)
    %dma_wait3A_747 = arith.constant 0 : i32
    %dma_wait3A_748 = arith.constant 0 : i32
    %dma_wait3A_749 = arith.constant 0 : i32
    %dma_wait3A_750 = arith.constant 3 : i32
    %dma_wait3A_751 = arith.constant 0 : i32
    %dma_wait3A_752 = arith.constant 3 : i32
    %dma_wait3A_753 = arith.constant 0 : i32
    %dma_wait3A_754 = arith.constant 0 : i32
    %dma_wait3A_755 = arith.constant 0 : i32
    %dma_wait3A_756 = tpu.memref_slice %arg7[%dma_wait3A_750, %dma_wait3A_753, %dma_wait3A_754, %dma_wait3A_755] : memref<4x4x8x128xf32, #tpu.memory_space<vmem>> -> memref<1x4x8x128xf32, #tpu.memory_space<vmem>>
    %dma_wait3A_757 = tpu.memref_squeeze %dma_wait3A_756 : memref<1x4x8x128xf32, #tpu.memory_space<vmem>> -> memref<4x8x128xf32, #tpu.memory_space<vmem>>
    %dma_wait3A_758 = arith.constant 0 : i32
    %dma_wait3A_759 = arith.constant 0 : i32
    %dma_wait3A_760 = tpu.memref_slice %dma_wait3A_757[%dma_wait3A_751, %dma_wait3A_758, %dma_wait3A_759] : memref<4x8x128xf32, #tpu.memory_space<vmem>> -> memref<1x8x128xf32, #tpu.memory_space<vmem>>
    %dma_wait3A_761 = tpu.memref_squeeze %dma_wait3A_760 : memref<1x8x128xf32, #tpu.memory_space<vmem>> -> memref<8x128xf32, #tpu.memory_space<vmem>>
    %dma_wait3A_762 = arith.constant 0 : i32
    %dma_wait3A_763 = arith.constant 0 : i32
    %dma_wait3A_764 = arith.constant 0 : i32
    %dma_wait3A_765 = arith.constant 0 : i32
    %dma_wait3A_766 = tpu.memref_slice %arg4[%dma_wait3A_747, %dma_wait3A_762, %dma_wait3A_763, %dma_wait3A_764, %dma_wait3A_765] : memref<50x4x128x8x128xf32, #tpu.memory_space<hbm>> -> memref<1x4x128x8x128xf32, #tpu.memory_space<hbm>>
    %dma_wait3A_767 = tpu.memref_squeeze %dma_wait3A_766 : memref<1x4x128x8x128xf32, #tpu.memory_space<hbm>> -> memref<4x128x8x128xf32, #tpu.memory_space<hbm>>
    %dma_wait3A_768 = arith.constant 0 : i32
    %dma_wait3A_769 = arith.constant 0 : i32
    %dma_wait3A_770 = arith.constant 0 : i32
    %dma_wait3A_771 = tpu.memref_slice %dma_wait3A_767[%dma_wait3A_748, %dma_wait3A_768, %dma_wait3A_769, %dma_wait3A_770] : memref<4x128x8x128xf32, #tpu.memory_space<hbm>> -> memref<1x128x8x128xf32, #tpu.memory_space<hbm>>
    %dma_wait3A_772 = tpu.memref_squeeze %dma_wait3A_771 : memref<1x128x8x128xf32, #tpu.memory_space<hbm>> -> memref<128x8x128xf32, #tpu.memory_space<hbm>>
    %dma_wait3A_773 = arith.constant 0 : i32
    %dma_wait3A_774 = arith.constant 0 : i32
    %dma_wait3A_775 = tpu.memref_slice %dma_wait3A_772[%dma_wait3A_749, %dma_wait3A_773, %dma_wait3A_774] : memref<128x8x128xf32, #tpu.memory_space<hbm>> -> memref<1x8x128xf32, #tpu.memory_space<hbm>>
    %dma_wait3A_776 = tpu.memref_squeeze %dma_wait3A_775 : memref<1x8x128xf32, #tpu.memory_space<hbm>> -> memref<8x128xf32, #tpu.memory_space<hbm>>
    %dma_wait3A_777 = tpu.memref_slice %arg9[%dma_wait3A_752] : memref<4x!tpu.dma_semaphore, #tpu.memory_space<semaphore_mem>> -> memref<1x!tpu.dma_semaphore, #tpu.memory_space<semaphore_mem>>
    %dma_wait3A_778 = tpu.memref_squeeze %dma_wait3A_777 : memref<1x!tpu.dma_semaphore, #tpu.memory_space<semaphore_mem>> -> memref<!tpu.dma_semaphore, #tpu.memory_space<semaphore_mem>>
    %dma_wait3A_779 = arith.constant 0 : i32
    %dma_wait3A_780 = arith.constant 0 : i32
    %dma_wait3A_781 = arith.constant 0 : i32
    %dma_wait3A_782 = tpu.memref_slice %arg7[%dma_wait3A_750, %dma_wait3A_779, %dma_wait3A_780, %dma_wait3A_781] : memref<4x4x8x128xf32, #tpu.memory_space<vmem>> -> memref<1x4x8x128xf32, #tpu.memory_space<vmem>>
    %dma_wait3A_783 = tpu.memref_squeeze %dma_wait3A_782 : memref<1x4x8x128xf32, #tpu.memory_space<vmem>> -> memref<4x8x128xf32, #tpu.memory_space<vmem>>
    %dma_wait3A_784 = arith.constant 0 : i32
    %dma_wait3A_785 = arith.constant 0 : i32
    %dma_wait3A_786 = tpu.memref_slice %dma_wait3A_783[%dma_wait3A_751, %dma_wait3A_784, %dma_wait3A_785] : memref<4x8x128xf32, #tpu.memory_space<vmem>> -> memref<1x8x128xf32, #tpu.memory_space<vmem>>
    %dma_wait3A_787 = tpu.memref_squeeze %dma_wait3A_786 : memref<1x8x128xf32, #tpu.memory_space<vmem>> -> memref<8x128xf32, #tpu.memory_space<vmem>>
    %dma_wait3A_788 = arith.constant 0 : i32
    %dma_wait3A_789 = arith.constant 0 : i32
    %dma_wait3A_790 = arith.constant 0 : i32
    %dma_wait3A_791 = arith.constant 0 : i32
    %dma_wait3A_792 = tpu.memref_slice %arg4[%dma_wait3A_747, %dma_wait3A_788, %dma_wait3A_789, %dma_wait3A_790, %dma_wait3A_791] : memref<50x4x128x8x128xf32, #tpu.memory_space<hbm>> -> memref<1x4x128x8x128xf32, #tpu.memory_space<hbm>>
    %dma_wait3A_793 = tpu.memref_squeeze %dma_wait3A_792 : memref<1x4x128x8x128xf32, #tpu.memory_space<hbm>> -> memref<4x128x8x128xf32, #tpu.memory_space<hbm>>
    %dma_wait3A_794 = arith.constant 0 : i32
    %dma_wait3A_795 = arith.constant 0 : i32
    %dma_wait3A_796 = arith.constant 0 : i32
    %dma_wait3A_797 = tpu.memref_slice %dma_wait3A_793[%dma_wait3A_748, %dma_wait3A_794, %dma_wait3A_795, %dma_wait3A_796] : memref<4x128x8x128xf32, #tpu.memory_space<hbm>> -> memref<1x128x8x128xf32, #tpu.memory_space<hbm>>
    %dma_wait3A_798 = tpu.memref_squeeze %dma_wait3A_797 : memref<1x128x8x128xf32, #tpu.memory_space<hbm>> -> memref<128x8x128xf32, #tpu.memory_space<hbm>>
    %dma_wait3A_799 = arith.constant 0 : i32
    %dma_wait3A_800 = arith.constant 0 : i32
    %dma_wait3A_801 = tpu.memref_slice %dma_wait3A_798[%dma_wait3A_749, %dma_wait3A_799, %dma_wait3A_800] : memref<128x8x128xf32, #tpu.memory_space<hbm>> -> memref<1x8x128xf32, #tpu.memory_space<hbm>>
    %dma_wait3A_802 = tpu.memref_squeeze %dma_wait3A_801 : memref<1x8x128xf32, #tpu.memory_space<hbm>> -> memref<8x128xf32, #tpu.memory_space<hbm>>
    tpu.wait_dma2 semaphore(%dma_wait3A_778 : memref<!tpu.dma_semaphore, #tpu.memory_space<semaphore_mem>>) src(%dma_wait3A_802 : memref<8x128xf32, #tpu.memory_space<hbm>>) dst(%dma_wait3A_787 : memref<8x128xf32, #tpu.memory_space<vmem>>)
    %dma_wait3A_803 = arith.constant 0 : i32
    %dma_wait3A_804 = arith.constant 0 : i32
    %dma_wait3A_805 = arith.constant 0 : i32
    %dma_wait3A_806 = arith.constant 3 : i32
    %dma_wait3A_807 = arith.constant 1 : i32
    %dma_wait3A_808 = arith.constant 3 : i32
    %dma_wait3A_809 = arith.constant 0 : i32
    %dma_wait3A_810 = arith.constant 0 : i32
    %dma_wait3A_811 = arith.constant 0 : i32
    %dma_wait3A_812 = tpu.memref_slice %arg7[%dma_wait3A_806, %dma_wait3A_809, %dma_wait3A_810, %dma_wait3A_811] : memref<4x4x8x128xf32, #tpu.memory_space<vmem>> -> memref<1x4x8x128xf32, #tpu.memory_space<vmem>>
    %dma_wait3A_813 = tpu.memref_squeeze %dma_wait3A_812 : memref<1x4x8x128xf32, #tpu.memory_space<vmem>> -> memref<4x8x128xf32, #tpu.memory_space<vmem>>
    %dma_wait3A_814 = arith.constant 0 : i32
    %dma_wait3A_815 = arith.constant 0 : i32
    %dma_wait3A_816 = tpu.memref_slice %dma_wait3A_813[%dma_wait3A_807, %dma_wait3A_814, %dma_wait3A_815] : memref<4x8x128xf32, #tpu.memory_space<vmem>> -> memref<1x8x128xf32, #tpu.memory_space<vmem>>
    %dma_wait3A_817 = tpu.memref_squeeze %dma_wait3A_816 : memref<1x8x128xf32, #tpu.memory_space<vmem>> -> memref<8x128xf32, #tpu.memory_space<vmem>>
    %dma_wait3A_818 = arith.constant 0 : i32
    %dma_wait3A_819 = arith.constant 0 : i32
    %dma_wait3A_820 = arith.constant 0 : i32
    %dma_wait3A_821 = arith.constant 0 : i32
    %dma_wait3A_822 = tpu.memref_slice %arg4[%dma_wait3A_803, %dma_wait3A_818, %dma_wait3A_819, %dma_wait3A_820, %dma_wait3A_821] : memref<50x4x128x8x128xf32, #tpu.memory_space<hbm>> -> memref<1x4x128x8x128xf32, #tpu.memory_space<hbm>>
    %dma_wait3A_823 = tpu.memref_squeeze %dma_wait3A_822 : memref<1x4x128x8x128xf32, #tpu.memory_space<hbm>> -> memref<4x128x8x128xf32, #tpu.memory_space<hbm>>
    %dma_wait3A_824 = arith.constant 0 : i32
    %dma_wait3A_825 = arith.constant 0 : i32
    %dma_wait3A_826 = arith.constant 0 : i32
    %dma_wait3A_827 = tpu.memref_slice %dma_wait3A_823[%dma_wait3A_804, %dma_wait3A_824, %dma_wait3A_825, %dma_wait3A_826] : memref<4x128x8x128xf32, #tpu.memory_space<hbm>> -> memref<1x128x8x128xf32, #tpu.memory_space<hbm>>
    %dma_wait3A_828 = tpu.memref_squeeze %dma_wait3A_827 : memref<1x128x8x128xf32, #tpu.memory_space<hbm>> -> memref<128x8x128xf32, #tpu.memory_space<hbm>>
    %dma_wait3A_829 = arith.constant 0 : i32
    %dma_wait3A_830 = arith.constant 0 : i32
    %dma_wait3A_831 = tpu.memref_slice %dma_wait3A_828[%dma_wait3A_805, %dma_wait3A_829, %dma_wait3A_830] : memref<128x8x128xf32, #tpu.memory_space<hbm>> -> memref<1x8x128xf32, #tpu.memory_space<hbm>>
    %dma_wait3A_832 = tpu.memref_squeeze %dma_wait3A_831 : memref<1x8x128xf32, #tpu.memory_space<hbm>> -> memref<8x128xf32, #tpu.memory_space<hbm>>
    %dma_wait3A_833 = tpu.memref_slice %arg9[%dma_wait3A_808] : memref<4x!tpu.dma_semaphore, #tpu.memory_space<semaphore_mem>> -> memref<1x!tpu.dma_semaphore, #tpu.memory_space<semaphore_mem>>
    %dma_wait3A_834 = tpu.memref_squeeze %dma_wait3A_833 : memref<1x!tpu.dma_semaphore, #tpu.memory_space<semaphore_mem>> -> memref<!tpu.dma_semaphore, #tpu.memory_space<semaphore_mem>>
    %dma_wait3A_835 = arith.constant 0 : i32
    %dma_wait3A_836 = arith.constant 0 : i32
    %dma_wait3A_837 = arith.constant 0 : i32
    %dma_wait3A_838 = tpu.memref_slice %arg7[%dma_wait3A_806, %dma_wait3A_835, %dma_wait3A_836, %dma_wait3A_837] : memref<4x4x8x128xf32, #tpu.memory_space<vmem>> -> memref<1x4x8x128xf32, #tpu.memory_space<vmem>>
    %dma_wait3A_839 = tpu.memref_squeeze %dma_wait3A_838 : memref<1x4x8x128xf32, #tpu.memory_space<vmem>> -> memref<4x8x128xf32, #tpu.memory_space<vmem>>
    %dma_wait3A_840 = arith.constant 0 : i32
    %dma_wait3A_841 = arith.constant 0 : i32
    %dma_wait3A_842 = tpu.memref_slice %dma_wait3A_839[%dma_wait3A_807, %dma_wait3A_840, %dma_wait3A_841] : memref<4x8x128xf32, #tpu.memory_space<vmem>> -> memref<1x8x128xf32, #tpu.memory_space<vmem>>
    %dma_wait3A_843 = tpu.memref_squeeze %dma_wait3A_842 : memref<1x8x128xf32, #tpu.memory_space<vmem>> -> memref<8x128xf32, #tpu.memory_space<vmem>>
    %dma_wait3A_844 = arith.constant 0 : i32
    %dma_wait3A_845 = arith.constant 0 : i32
    %dma_wait3A_846 = arith.constant 0 : i32
    %dma_wait3A_847 = arith.constant 0 : i32
    %dma_wait3A_848 = tpu.memref_slice %arg4[%dma_wait3A_803, %dma_wait3A_844, %dma_wait3A_845, %dma_wait3A_846, %dma_wait3A_847] : memref<50x4x128x8x128xf32, #tpu.memory_space<hbm>> -> memref<1x4x128x8x128xf32, #tpu.memory_space<hbm>>
    %dma_wait3A_849 = tpu.memref_squeeze %dma_wait3A_848 : memref<1x4x128x8x128xf32, #tpu.memory_space<hbm>> -> memref<4x128x8x128xf32, #tpu.memory_space<hbm>>
    %dma_wait3A_850 = arith.constant 0 : i32
    %dma_wait3A_851 = arith.constant 0 : i32
    %dma_wait3A_852 = arith.constant 0 : i32
    %dma_wait3A_853 = tpu.memref_slice %dma_wait3A_849[%dma_wait3A_804, %dma_wait3A_850, %dma_wait3A_851, %dma_wait3A_852] : memref<4x128x8x128xf32, #tpu.memory_space<hbm>> -> memref<1x128x8x128xf32, #tpu.memory_space<hbm>>
    %dma_wait3A_854 = tpu.memref_squeeze %dma_wait3A_853 : memref<1x128x8x128xf32, #tpu.memory_space<hbm>> -> memref<128x8x128xf32, #tpu.memory_space<hbm>>
    %dma_wait3A_855 = arith.constant 0 : i32
    %dma_wait3A_856 = arith.constant 0 : i32
    %dma_wait3A_857 = tpu.memref_slice %dma_wait3A_854[%dma_wait3A_805, %dma_wait3A_855, %dma_wait3A_856] : memref<128x8x128xf32, #tpu.memory_space<hbm>> -> memref<1x8x128xf32, #tpu.memory_space<hbm>>
    %dma_wait3A_858 = tpu.memref_squeeze %dma_wait3A_857 : memref<1x8x128xf32, #tpu.memory_space<hbm>> -> memref<8x128xf32, #tpu.memory_space<hbm>>
    tpu.wait_dma2 semaphore(%dma_wait3A_834 : memref<!tpu.dma_semaphore, #tpu.memory_space<semaphore_mem>>) src(%dma_wait3A_858 : memref<8x128xf32, #tpu.memory_space<hbm>>) dst(%dma_wait3A_843 : memref<8x128xf32, #tpu.memory_space<vmem>>)
    %dma_wait3A_859 = arith.constant 0 : i32
    %dma_wait3A_860 = arith.constant 0 : i32
    %dma_wait3A_861 = arith.constant 0 : i32
    %dma_wait3A_862 = arith.constant 3 : i32
    %dma_wait3A_863 = arith.constant 2 : i32
    %dma_wait3A_864 = arith.constant 3 : i32
    %dma_wait3A_865 = arith.constant 0 : i32
    %dma_wait3A_866 = arith.constant 0 : i32
    %dma_wait3A_867 = arith.constant 0 : i32
    %dma_wait3A_868 = tpu.memref_slice %arg7[%dma_wait3A_862, %dma_wait3A_865, %dma_wait3A_866, %dma_wait3A_867] : memref<4x4x8x128xf32, #tpu.memory_space<vmem>> -> memref<1x4x8x128xf32, #tpu.memory_space<vmem>>
    %dma_wait3A_869 = tpu.memref_squeeze %dma_wait3A_868 : memref<1x4x8x128xf32, #tpu.memory_space<vmem>> -> memref<4x8x128xf32, #tpu.memory_space<vmem>>
    %dma_wait3A_870 = arith.constant 0 : i32
    %dma_wait3A_871 = arith.constant 0 : i32
    %dma_wait3A_872 = tpu.memref_slice %dma_wait3A_869[%dma_wait3A_863, %dma_wait3A_870, %dma_wait3A_871] : memref<4x8x128xf32, #tpu.memory_space<vmem>> -> memref<1x8x128xf32, #tpu.memory_space<vmem>>
    %dma_wait3A_873 = tpu.memref_squeeze %dma_wait3A_872 : memref<1x8x128xf32, #tpu.memory_space<vmem>> -> memref<8x128xf32, #tpu.memory_space<vmem>>
    %dma_wait3A_874 = arith.constant 0 : i32
    %dma_wait3A_875 = arith.constant 0 : i32
    %dma_wait3A_876 = arith.constant 0 : i32
    %dma_wait3A_877 = arith.constant 0 : i32
    %dma_wait3A_878 = tpu.memref_slice %arg4[%dma_wait3A_859, %dma_wait3A_874, %dma_wait3A_875, %dma_wait3A_876, %dma_wait3A_877] : memref<50x4x128x8x128xf32, #tpu.memory_space<hbm>> -> memref<1x4x128x8x128xf32, #tpu.memory_space<hbm>>
    %dma_wait3A_879 = tpu.memref_squeeze %dma_wait3A_878 : memref<1x4x128x8x128xf32, #tpu.memory_space<hbm>> -> memref<4x128x8x128xf32, #tpu.memory_space<hbm>>
    %dma_wait3A_880 = arith.constant 0 : i32
    %dma_wait3A_881 = arith.constant 0 : i32
    %dma_wait3A_882 = arith.constant 0 : i32
    %dma_wait3A_883 = tpu.memref_slice %dma_wait3A_879[%dma_wait3A_860, %dma_wait3A_880, %dma_wait3A_881, %dma_wait3A_882] : memref<4x128x8x128xf32, #tpu.memory_space<hbm>> -> memref<1x128x8x128xf32, #tpu.memory_space<hbm>>
    %dma_wait3A_884 = tpu.memref_squeeze %dma_wait3A_883 : memref<1x128x8x128xf32, #tpu.memory_space<hbm>> -> memref<128x8x128xf32, #tpu.memory_space<hbm>>
    %dma_wait3A_885 = arith.constant 0 : i32
    %dma_wait3A_886 = arith.constant 0 : i32
    %dma_wait3A_887 = tpu.memref_slice %dma_wait3A_884[%dma_wait3A_861, %dma_wait3A_885, %dma_wait3A_886] : memref<128x8x128xf32, #tpu.memory_space<hbm>> -> memref<1x8x128xf32, #tpu.memory_space<hbm>>
    %dma_wait3A_888 = tpu.memref_squeeze %dma_wait3A_887 : memref<1x8x128xf32, #tpu.memory_space<hbm>> -> memref<8x128xf32, #tpu.memory_space<hbm>>
    %dma_wait3A_889 = tpu.memref_slice %arg9[%dma_wait3A_864] : memref<4x!tpu.dma_semaphore, #tpu.memory_space<semaphore_mem>> -> memref<1x!tpu.dma_semaphore, #tpu.memory_space<semaphore_mem>>
    %dma_wait3A_890 = tpu.memref_squeeze %dma_wait3A_889 : memref<1x!tpu.dma_semaphore, #tpu.memory_space<semaphore_mem>> -> memref<!tpu.dma_semaphore, #tpu.memory_space<semaphore_mem>>
    %dma_wait3A_891 = arith.constant 0 : i32
    %dma_wait3A_892 = arith.constant 0 : i32
    %dma_wait3A_893 = arith.constant 0 : i32
    %dma_wait3A_894 = tpu.memref_slice %arg7[%dma_wait3A_862, %dma_wait3A_891, %dma_wait3A_892, %dma_wait3A_893] : memref<4x4x8x128xf32, #tpu.memory_space<vmem>> -> memref<1x4x8x128xf32, #tpu.memory_space<vmem>>
    %dma_wait3A_895 = tpu.memref_squeeze %dma_wait3A_894 : memref<1x4x8x128xf32, #tpu.memory_space<vmem>> -> memref<4x8x128xf32, #tpu.memory_space<vmem>>
    %dma_wait3A_896 = arith.constant 0 : i32
    %dma_wait3A_897 = arith.constant 0 : i32
    %dma_wait3A_898 = tpu.memref_slice %dma_wait3A_895[%dma_wait3A_863, %dma_wait3A_896, %dma_wait3A_897] : memref<4x8x128xf32, #tpu.memory_space<vmem>> -> memref<1x8x128xf32, #tpu.memory_space<vmem>>
    %dma_wait3A_899 = tpu.memref_squeeze %dma_wait3A_898 : memref<1x8x128xf32, #tpu.memory_space<vmem>> -> memref<8x128xf32, #tpu.memory_space<vmem>>
    %dma_wait3A_900 = arith.constant 0 : i32
    %dma_wait3A_901 = arith.constant 0 : i32
    %dma_wait3A_902 = arith.constant 0 : i32
    %dma_wait3A_903 = arith.constant 0 : i32
    %dma_wait3A_904 = tpu.memref_slice %arg4[%dma_wait3A_859, %dma_wait3A_900, %dma_wait3A_901, %dma_wait3A_902, %dma_wait3A_903] : memref<50x4x128x8x128xf32, #tpu.memory_space<hbm>> -> memref<1x4x128x8x128xf32, #tpu.memory_space<hbm>>
    %dma_wait3A_905 = tpu.memref_squeeze %dma_wait3A_904 : memref<1x4x128x8x128xf32, #tpu.memory_space<hbm>> -> memref<4x128x8x128xf32, #tpu.memory_space<hbm>>
    %dma_wait3A_906 = arith.constant 0 : i32
    %dma_wait3A_907 = arith.constant 0 : i32
    %dma_wait3A_908 = arith.constant 0 : i32
    %dma_wait3A_909 = tpu.memref_slice %dma_wait3A_905[%dma_wait3A_860, %dma_wait3A_906, %dma_wait3A_907, %dma_wait3A_908] : memref<4x128x8x128xf32, #tpu.memory_space<hbm>> -> memref<1x128x8x128xf32, #tpu.memory_space<hbm>>
    %dma_wait3A_910 = tpu.memref_squeeze %dma_wait3A_909 : memref<1x128x8x128xf32, #tpu.memory_space<hbm>> -> memref<128x8x128xf32, #tpu.memory_space<hbm>>
    %dma_wait3A_911 = arith.constant 0 : i32
    %dma_wait3A_912 = arith.constant 0 : i32
    %dma_wait3A_913 = tpu.memref_slice %dma_wait3A_910[%dma_wait3A_861, %dma_wait3A_911, %dma_wait3A_912] : memref<128x8x128xf32, #tpu.memory_space<hbm>> -> memref<1x8x128xf32, #tpu.memory_space<hbm>>
    %dma_wait3A_914 = tpu.memref_squeeze %dma_wait3A_913 : memref<1x8x128xf32, #tpu.memory_space<hbm>> -> memref<8x128xf32, #tpu.memory_space<hbm>>
    tpu.wait_dma2 semaphore(%dma_wait3A_890 : memref<!tpu.dma_semaphore, #tpu.memory_space<semaphore_mem>>) src(%dma_wait3A_914 : memref<8x128xf32, #tpu.memory_space<hbm>>) dst(%dma_wait3A_899 : memref<8x128xf32, #tpu.memory_space<vmem>>)
    %dma_wait3A_915 = arith.constant 0 : i32
    %dma_wait3A_916 = arith.constant 0 : i32
    %dma_wait3A_917 = arith.constant 0 : i32
    %dma_wait3A_918 = arith.constant 3 : i32
    %dma_wait3A_919 = arith.constant 3 : i32
    %dma_wait3A_920 = arith.constant 3 : i32
    %dma_wait3A_921 = arith.constant 0 : i32
    %dma_wait3A_922 = arith.constant 0 : i32
    %dma_wait3A_923 = arith.constant 0 : i32
    %dma_wait3A_924 = tpu.memref_slice %arg7[%dma_wait3A_918, %dma_wait3A_921, %dma_wait3A_922, %dma_wait3A_923] : memref<4x4x8x128xf32, #tpu.memory_space<vmem>> -> memref<1x4x8x128xf32, #tpu.memory_space<vmem>>
    %dma_wait3A_925 = tpu.memref_squeeze %dma_wait3A_924 : memref<1x4x8x128xf32, #tpu.memory_space<vmem>> -> memref<4x8x128xf32, #tpu.memory_space<vmem>>
    %dma_wait3A_926 = arith.constant 0 : i32
    %dma_wait3A_927 = arith.constant 0 : i32
    %dma_wait3A_928 = tpu.memref_slice %dma_wait3A_925[%dma_wait3A_919, %dma_wait3A_926, %dma_wait3A_927] : memref<4x8x128xf32, #tpu.memory_space<vmem>> -> memref<1x8x128xf32, #tpu.memory_space<vmem>>
    %dma_wait3A_929 = tpu.memref_squeeze %dma_wait3A_928 : memref<1x8x128xf32, #tpu.memory_space<vmem>> -> memref<8x128xf32, #tpu.memory_space<vmem>>
    %dma_wait3A_930 = arith.constant 0 : i32
    %dma_wait3A_931 = arith.constant 0 : i32
    %dma_wait3A_932 = arith.constant 0 : i32
    %dma_wait3A_933 = arith.constant 0 : i32
    %dma_wait3A_934 = tpu.memref_slice %arg4[%dma_wait3A_915, %dma_wait3A_930, %dma_wait3A_931, %dma_wait3A_932, %dma_wait3A_933] : memref<50x4x128x8x128xf32, #tpu.memory_space<hbm>> -> memref<1x4x128x8x128xf32, #tpu.memory_space<hbm>>
    %dma_wait3A_935 = tpu.memref_squeeze %dma_wait3A_934 : memref<1x4x128x8x128xf32, #tpu.memory_space<hbm>> -> memref<4x128x8x128xf32, #tpu.memory_space<hbm>>
    %dma_wait3A_936 = arith.constant 0 : i32
    %dma_wait3A_937 = arith.constant 0 : i32
    %dma_wait3A_938 = arith.constant 0 : i32
    %dma_wait3A_939 = tpu.memref_slice %dma_wait3A_935[%dma_wait3A_916, %dma_wait3A_936, %dma_wait3A_937, %dma_wait3A_938] : memref<4x128x8x128xf32, #tpu.memory_space<hbm>> -> memref<1x128x8x128xf32, #tpu.memory_space<hbm>>
    %dma_wait3A_940 = tpu.memref_squeeze %dma_wait3A_939 : memref<1x128x8x128xf32, #tpu.memory_space<hbm>> -> memref<128x8x128xf32, #tpu.memory_space<hbm>>
    %dma_wait3A_941 = arith.constant 0 : i32
    %dma_wait3A_942 = arith.constant 0 : i32
    %dma_wait3A_943 = tpu.memref_slice %dma_wait3A_940[%dma_wait3A_917, %dma_wait3A_941, %dma_wait3A_942] : memref<128x8x128xf32, #tpu.memory_space<hbm>> -> memref<1x8x128xf32, #tpu.memory_space<hbm>>
    %dma_wait3A_944 = tpu.memref_squeeze %dma_wait3A_943 : memref<1x8x128xf32, #tpu.memory_space<hbm>> -> memref<8x128xf32, #tpu.memory_space<hbm>>
    %dma_wait3A_945 = tpu.memref_slice %arg9[%dma_wait3A_920] : memref<4x!tpu.dma_semaphore, #tpu.memory_space<semaphore_mem>> -> memref<1x!tpu.dma_semaphore, #tpu.memory_space<semaphore_mem>>
    %dma_wait3A_946 = tpu.memref_squeeze %dma_wait3A_945 : memref<1x!tpu.dma_semaphore, #tpu.memory_space<semaphore_mem>> -> memref<!tpu.dma_semaphore, #tpu.memory_space<semaphore_mem>>
    %dma_wait3A_947 = arith.constant 0 : i32
    %dma_wait3A_948 = arith.constant 0 : i32
    %dma_wait3A_949 = arith.constant 0 : i32
    %dma_wait3A_950 = tpu.memref_slice %arg7[%dma_wait3A_918, %dma_wait3A_947, %dma_wait3A_948, %dma_wait3A_949] : memref<4x4x8x128xf32, #tpu.memory_space<vmem>> -> memref<1x4x8x128xf32, #tpu.memory_space<vmem>>
    %dma_wait3A_951 = tpu.memref_squeeze %dma_wait3A_950 : memref<1x4x8x128xf32, #tpu.memory_space<vmem>> -> memref<4x8x128xf32, #tpu.memory_space<vmem>>
    %dma_wait3A_952 = arith.constant 0 : i32
    %dma_wait3A_953 = arith.constant 0 : i32
    %dma_wait3A_954 = tpu.memref_slice %dma_wait3A_951[%dma_wait3A_919, %dma_wait3A_952, %dma_wait3A_953] : memref<4x8x128xf32, #tpu.memory_space<vmem>> -> memref<1x8x128xf32, #tpu.memory_space<vmem>>
    %dma_wait3A_955 = tpu.memref_squeeze %dma_wait3A_954 : memref<1x8x128xf32, #tpu.memory_space<vmem>> -> memref<8x128xf32, #tpu.memory_space<vmem>>
    %dma_wait3A_956 = arith.constant 0 : i32
    %dma_wait3A_957 = arith.constant 0 : i32
    %dma_wait3A_958 = arith.constant 0 : i32
    %dma_wait3A_959 = arith.constant 0 : i32
    %dma_wait3A_960 = tpu.memref_slice %arg4[%dma_wait3A_915, %dma_wait3A_956, %dma_wait3A_957, %dma_wait3A_958, %dma_wait3A_959] : memref<50x4x128x8x128xf32, #tpu.memory_space<hbm>> -> memref<1x4x128x8x128xf32, #tpu.memory_space<hbm>>
    %dma_wait3A_961 = tpu.memref_squeeze %dma_wait3A_960 : memref<1x4x128x8x128xf32, #tpu.memory_space<hbm>> -> memref<4x128x8x128xf32, #tpu.memory_space<hbm>>
    %dma_wait3A_962 = arith.constant 0 : i32
    %dma_wait3A_963 = arith.constant 0 : i32
    %dma_wait3A_964 = arith.constant 0 : i32
    %dma_wait3A_965 = tpu.memref_slice %dma_wait3A_961[%dma_wait3A_916, %dma_wait3A_962, %dma_wait3A_963, %dma_wait3A_964] : memref<4x128x8x128xf32, #tpu.memory_space<hbm>> -> memref<1x128x8x128xf32, #tpu.memory_space<hbm>>
    %dma_wait3A_966 = tpu.memref_squeeze %dma_wait3A_965 : memref<1x128x8x128xf32, #tpu.memory_space<hbm>> -> memref<128x8x128xf32, #tpu.memory_space<hbm>>
    %dma_wait3A_967 = arith.constant 0 : i32
    %dma_wait3A_968 = arith.constant 0 : i32
    %dma_wait3A_969 = tpu.memref_slice %dma_wait3A_966[%dma_wait3A_917, %dma_wait3A_967, %dma_wait3A_968] : memref<128x8x128xf32, #tpu.memory_space<hbm>> -> memref<1x8x128xf32, #tpu.memory_space<hbm>>
    %dma_wait3A_970 = tpu.memref_squeeze %dma_wait3A_969 : memref<1x8x128xf32, #tpu.memory_space<hbm>> -> memref<8x128xf32, #tpu.memory_space<hbm>>
    tpu.wait_dma2 semaphore(%dma_wait3A_946 : memref<!tpu.dma_semaphore, #tpu.memory_space<semaphore_mem>>) src(%dma_wait3A_970 : memref<8x128xf32, #tpu.memory_space<hbm>>) dst(%dma_wait3A_955 : memref<8x128xf32, #tpu.memory_space<vmem>>)
    return
  }
}

</mosaic_0001>

<sc_bundles>
// kernel: _sc_gather.3.cloned.1.call-start
scs
__scs_entry_jumppad:
0x0: {  	(pc) =	sbr.rel $0x88, $3  }
0x1: {  	(tag) =	ssettag $0x0;
	lr =	simm.s32 $0x1  }
0x2: {  	[smem:$0x3F9F] =	sst lr;
	_ =	strace $0xD0000000  }
0x3: {  	_ = 	snop  }
0x4: {  	_ = 	snop  }
0x5: {  	_ = 	snop  }
0x6: {  	_ = 	snop  }
0x7: {  	_ = 	snop  }
__scs_overlays_trampoline_lowered:
0x8: {  	[smem:$0x3FAE] =	sst s0  }
0x9: {  	[smem:$0x3FAF] =	sst s1  }
0xa: {  	[smem:$0x3FB0] =	sst s2  }
0xb: {  	[smem:$0x3FB1] =	sst s3  }
0xc: {  	[smem:$0x3FB2] =	sst s4  }
0xd: {  	[smem:$0x3FB3] =	sst s5  }
0xe: {  	[smem:$0x3FB4] =	sst s6  }
0xf: {  	[smem:$0x3FB5] =	sst s7  }
0x10: {  	[smem:$0x3FB6] =	sst s8  }
0x11: {  	[smem:$0x3FB7] =	sst s9;
	s0 =	simm.s32 @!p0 $0x0  }
0x12: {  	s1 =	sld [smem:$0x3F9D];
	s0 =	simm.s32 @p0 $0x1  }
0x13: {  	[smem:$0x3FB8] =	sst s0;
	s0 =	simm.s32 @!p1 $0x0  }
0x14: {  	s2 =	sld [smem:$0x3F9C];
	s0 =	simm.s32 @p1 $0x1  }
0x15: {  	[smem:$0x3FB9] =	sst s0;
	s0 =	simm.s32 @!p2 $0x0  }
0x16: {  	s3 =	sld [smem:$0x3FDB];
	s0 =	simm.s32 @p2 $0x1  }
0x17: {  	s4 =	simm.s32 $0x1BF5;
	[smem:$0x3FBB] =	sst s0  }
0x18: {  	s0 =	sld [smem:$0x3F9E];
	_ =	swait.ge [sflag:s4], $0x0  }
0x19: {  	s7 =	sld [smem:$0x3F9F]  }
0x1a: {  	s8 =	sadd.s32 $0xFFFFE003, lr  }
0x1b: {  	s9 =	sadd.s32 $0xFFFFFEF7, lr;
	s5 =	simm.s32 $0xFFFFFFFF;
	p2 =	slt.u32 s8, $0xFFFFF086  }
0x1c: {  	p1 =	slt.u32 s9, $0xF7A;
	s5 =	simm.s32 @!p2 $0x0  }
0x1d: {  	s5 =	simm.s32 @p1 $0x1;
	p0 =	seq.s32 s7, s2  }
0x1e: {  	s7 =	smul.u32 @!p0 $0xF7A, s2;
	p2 =	seq.s32 @!p0 s5, $0x0  }
0x1f: {  	s9 =	smul.u32 $0xF7A, s1;
	s8 =	simm.s32 @!p0 $0x1BF5;
	p2 =	por !p2, p0  }
0x20: {  	[sflag:s8] =	ssyncset.s32 @!p0 $0xFFFFF086;
	s6 =	sadd.s32 @!p0 s3, s7;
	s7 =	simm.s32 @!p0 $0x108  }
0x21: {  	s3 =	sadd.s32 s3, s9;
	s6 =	sadd.s32 @!p0 $0x88, s6;
	s7 =	simm.s32 @p2 $0x1082  }
0x22: {  	[simem:s7], [sflag:s8] =	dma.local @!p0 [hbm:s6], $0xF7A  }
0x23: {  	s9 =	sor.u32 $0xD0000000, s2;
	s6 =	simm.s32 $0x108;
	_ =	swait.ge @!p0 [sflag:s8], $0x0  }
0x24: {  	s3 =	sadd.s32 $0x88, s3;
	s6 =	simm.s32 @!p1 $0x1082;
	[sflag:s4] =	ssyncset.s32 $0xFFFFF086  }
0x25: {  	[simem:s6], [sflag:s4] =	dma.local [hbm:s3], $0xF7A  }
0x26: {  	[smem:$0x3F9F] =	sst s1;
	(tag) =	ssettag s2;
	_ =	strace s9  }
0x27: {  	s1 =	sld [smem:$0x3FAF]  }
0x28: {  	s2 =	sld [smem:$0x3FB0]  }
0x29: {  	s4 =	sld [smem:$0x3FB2]  }
0x2a: {  	p0 =	seq.s32 s5, $0x0;
	s5 =	sld [smem:$0x3FB3]  }
0x2b: {  	s6 =	sld [smem:$0x3FB4]  }
0x2c: {  	s7 =	sld [smem:$0x3FB5]  }
0x2d: {  	s3 =	simm.s32 $0x108;
	s8 =	sld [smem:$0x3FB6]  }
0x2e: {  	s3 =	simm.s32 @!p0 $0x1082;
	s9 =	sld [smem:$0x3FB7]  }
0x2f: {  	lr =	sadd.s32 s0, s3;
	s0 =	sld [smem:$0x3FAE]  }
0x30: {  	s3 =	sld [smem:$0x3FB1]  }
0x31: {  	[smem:$0x3FBA] =	sst s10  }
0x32: {  	s10 =	sld [smem:$0x3FB8];
	_ =	sdelay $0x3  }
0x33: {  	p0 =	seq.s32 s10, $0x1;
	s10 =	sld [smem:$0x3FBA];
	_ =	sdelay $0x3  }
0x34: {  	[smem:$0x3FBA] =	sst s10  }
0x35: {  	s10 =	sld [smem:$0x3FB9];
	_ =	sdelay $0x3  }
0x36: {  	p1 =	seq.s32 s10, $0x1;
	s10 =	sld [smem:$0x3FBA];
	_ =	sdelay $0x3  }
0x37: {  	[smem:$0x3FBA] =	sst s10  }
0x38: {  	s10 =	sld [smem:$0x3FBB]  }
0x39: {  	_ = 	snop;
	(pc) =	sbr.ind lr, $3  }
0x3a: {  	_ = 	snop  }
0x3b: {  	_ = 	snop  }
0x3c: {  	p2 =	seq.s32 s10, $0x1;
	s10 =	sld [smem:$0x3FBA]  }
0x3d: {  	_ =	shalt  }
0x3e: {  	_ =	shalt  }
0x3f: {  	_ =	shalt  }
0x40: {  	_ =	shalt  }
0x41: {  	_ =	shalt  }
0x42: {  	_ =	shalt  }
0x43: {  	_ =	shalt  }
0x44: {  	_ =	shalt  }
0x45: {  	_ =	shalt  }
0x46: {  	_ =	shalt  }
0x47: {  	_ =	shalt  }
0x48: {  	_ =	shalt  }
0x49: {  	_ =	shalt  }
0x4a: {  	_ =	shalt  }
0x4b: {  	_ =	shalt  }
0x4c: {  	_ =	shalt  }
0x4d: {  	_ =	shalt  }
0x4e: {  	_ =	shalt  }
0x4f: {  	_ =	shalt  }
0x50: {  	_ =	shalt  }
0x51: {  	_ =	shalt  }
0x52: {  	_ =	shalt  }
0x53: {  	_ =	shalt  }
0x54: {  	_ =	shalt  }
0x55: {  	_ =	shalt  }
0x56: {  	_ =	shalt  }
0x57: {  	_ =	shalt  }
0x58: {  	_ =	shalt  }
0x59: {  	_ =	shalt  }
0x5a: {  	_ =	shalt  }
0x5b: {  	_ =	shalt  }
0x5c: {  	_ =	shalt  }
0x5d: {  	_ =	shalt  }
0x5e: {  	_ =	shalt  }
0x5f: {  	_ =	shalt  }
0x60: {  	_ =	shalt  }
0x61: {  	_ =	shalt  }
0x62: {  	_ =	shalt  }
0x63: {  	_ =	shalt  }
0x64: {  	_ =	shalt  }
0x65: {  	_ =	shalt  }
0x66: {  	_ =	shalt  }
0x67: {  	_ =	shalt  }
0x68: {  	_ =	shalt  }
0x69: {  	_ =	shalt  }
0x6a: {  	_ =	shalt  }
0x6b: {  	_ =	shalt  }
0x6c: {  	_ =	shalt  }
0x6d: {  	_ =	shalt  }
0x6e: {  	_ =	shalt  }
0x6f: {  	_ =	shalt  }
0x70: {  	_ =	shalt  }
0x71: {  	_ =	shalt  }
0x72: {  	_ =	shalt  }
0x73: {  	_ =	shalt  }
0x74: {  	_ =	shalt  }
0x75: {  	_ =	shalt  }
0x76: {  	_ =	shalt  }
0x77: {  	_ =	shalt  }
0x78: {  	_ =	shalt  }
0x79: {  	_ =	shalt  }
0x7a: {  	_ =	shalt  }
0x7b: {  	_ =	shalt  }
0x7c: {  	_ =	shalt  }
0x7d: {  	_ =	shalt  }
0x7e: {  	_ =	shalt  }
0x7f: {  	_ =	shalt  }
0x80: {  	_ =	shalt  }
0x81: {  	_ =	shalt  }
0x82: {  	_ =	shalt  }
0x83: {  	_ =	shalt  }
0x84: {  	_ =	shalt  }
0x85: {  	_ =	shalt  }
0x86: {  	_ =	shalt  }
0x87: {  	_ =	shalt  }
.Lfunc_end0:
.L_simem_size_0:
called_computation_lowered:
.L_overlay_start_0:
0x88: {  	s2 =	sld [smem:$0x3FD9]  }
0x89: {  	s3 =	sld [smem:$0x3FFE];
	_ =	sdelay $0x1  }
0x8a: {  	s1 =	srdreg.scid  }
0x8b: {  	s0 =	sand.u32 $0x1, s1  }
0x8c: {  	s17 =	sshll.u32 s0, $0xA;
	s2 =	sadd.s32 s3, s2  }
0x8d: {  	s2 =	sadd.s32 s2, s17  }
0x8e: {  	[smem:$0x3FC6] =	sst s2  }
0x8f: {  	_ = 	snop  }
0x90: {  	s2 =	sld [smem:$0x3FC9]  }
0x91: {  	s18 =	sld [smem:$0x3FD0];
	(tm) =	ssettm $0x1  }
0x92: {  	s4 =	sld [smem:$0x3FFB];
	_ =	sdelay $0x3  }
0x93: {  	_ =	strace s4  }
0x94: {  	s4 =	sld [smem:$0x3FFC];
	_ =	sdelay $0x3  }
0x95: {  	_ =	strace s4  }
0x96: {  	s4 =	sld [smem:$0x3FFD];
	_ =	sdelay $0x3  }
0x97: {  	_ =	strace s4  }
0x98: {  	_ =	strace $0x8FFFFFFF  }
0x99: {  	s19 =	sld [smem:$0x3FDB];
	_ =	sdelay $0x1  }
0x9a: {  	s5 =	simm.s32 $_scs_section_size  }
0x9b: {  	s6 =	simm.s32 $_size__tile_overlayer_lowered;
	s7 =	simm.s32 $_tile_overlayer_lowered  }
0x9c: {  	s22 =	simm.s32 $0x1BFF;
	s21 =	sshll.u32 s7, $0x1;
	s4 =	sadd.s32 s5, s19  }
0x9d: {  	s8 =	simm.s32 $0x0;
	s20 =	sshll.u32 s6, $0x1;
	s6 =	sadd.s32 s21, s4  }
0x9e: {  	[timem:s8], [sflag:s22] =	dma.local [hbm:s6], s20  }
0x9f: {  	_ =	swait.ge [sflag:s22], s20  }
0xa0: {  	s5 =	ssub.s32 $0x0, s20;
	[sflag:s22] =	ssyncset.done $0x0  }
0xa1: {  	[sflag:s22] =	ssyncadd.s32 s5;
	_ =	sdelay $0x1  }
0xa2: {  	s23 =	simm.s32 $0x1B8B  }
0xa3: {  	_ =	swait.ge [sflag:s23], $0x1  }
0xa4: {  	[sflag:s23] =	ssyncset.done $0x0  }
0xa5: {  	s25 =	simm.s32 $0x1B8E;
	s24 =	sld [smem:$0x3FFE];
	[sflag:s23] =	ssyncadd.s32 $0xFFFFFFFF  }
0xa6: {  	s26 =	simm.s32 $execute0_lowered;
	[smem:$0x3FD2] =	sst s25  }
0xa7: {  	s6 =	sshll.u32 s26, $0x1;
	_ =	strace $0x80000046;
	[dreg:$0x1] =	wrdreg $0xFFFFFFFF  }
0xa8: {  	s28 =	simm.s32 $_size_execute0_lowered;
	s4 =	sadd.s32 s4, s6;
	[dreg:$0x0] =	wrdreg $0x0  }
0xa9: {  	s6 =	sshll.u32 s28, $0x1;
	[dreg:$0x2] =	wrdreg s4  }
0xaa: {  	[dreg:$0x3] =	wrdreg s6  }
0xab: {  	[dreg:$0x4] =	wrdreg $0xC0  }
0xac: {  	_ =	task [dreg:s8], $0x5FFFF  }
0xad: {  	[dreg:$0x1] =	wrdreg $0xFFFFFFFF  }
0xae: {  	[dreg:$0x0] =	wrdreg $0x60  }
0xaf: {  	[dreg:$0x2] =	wrdreg s2  }
0xb0: {  	[dreg:$0x3] =	wrdreg s24  }
0xb1: {  	[dreg:$0x4] =	wrdreg s18  }
0xb2: {  	[dreg:$0x5] =	wrdreg $0x9  }
0xb3: {  	_ =	task.clear_ibuf [dreg:s8], $0x6FFFF;
	_ =	strace $0x90000046  }
0xb4: {  	s29 =	simm.s32 $0x9;
	_ =	strace $0x80000048  }
0xb5: {  	_ =	swait.ge [sflag:s29], $0x1  }
0xb6: {  	[sflag:s29] =	ssyncadd.s32 $0xFFFFFFFF  }
0xb7: {  	_ =	strace $0x90000048  }
0xb8: {  	_ =	sfence  }
0xb9: {  	s30 =	sld [smem:$0x0];
	_ =	sdelay $0x2  }
0xba: {  	s31 =	sshll.u32 s1, $0xD;
	s1 =	sshrl.u32 s1, $0x2  }
0xbb: {  	s3 =	sand.u32 $0x4000, s31;
	s1 =	sadd.s32 s1, s30  }
0xbc: {  	s0 =	sor.u32 s3, s0;
	s1 =	sshll.u32 s1, $0x11  }
0xbd: {  	s0 =	sor.u32 s1, s0  }
0xbe: {  	s0 =	sadd.s32 $0x8F2B, s0  }
0xbf: {  	[sflag:s0] =	ssyncadd.remote.s32 $0x1  }
0xc0: {  	_ =	sfence.sel $0xFFFF  }
0xc1: {  	[dreg:$0x0] =	wrdreg $0xFFFFFFFF;
	(pc) =	sbr.abs _section_cstart, $3  }
0xc2: {  	[dreg:$0x1] =	wrdreg $0xFFFFFFFF  }
0xc3: {  	_ =	task.clear_ibuf [dreg:s8], $0x2FFFF;
	_ =	strace $0x9FFFFFFF  }
0xc4: {  	(tm) =	ssettm $0x7FFFFFFF  }
0xc5: {  	_ =	shalt  }
tec
execute0_lowered:
.L_overlay_start_1:
0x0: {  	(tag) =	ssettag $0x1  }
0x1: {  	s0 =	srdreg.scid;
	s1 =	rddreg [dreg:$0x0]  }
0x2: {  	s10 =	stileid.u32;
	s4 =	rddreg [dreg:$0x1]  }
0x3: {  	s16 =	simm.s32 $0x1;
	s21 =	simm.s32 $0x2;
	s22 =	simm.s32 $0x6  }
0x4: {  	s23 =	simm.s32 $0xB400;
	s24 =	simm.s32 $0xB800;
	s25 =	simm.s32 $0xBC00  }
0x5: {  	s28 =	simm.s32 $0x3;
	s29 =	simm.s32 $0x7;
	s30 =	simm.s32 $0xC400  }
0x6: {  	s31 =	simm.s32 $0xC800;
	s13 =	simm.s32 $0x4;
	s6 =	smul.u32 $0x32000, s10  }
0x7: {  	s0 =	sand.u32 $0x1, s0;
	s2 =	sshll.u32 s10, $0x1;
	s10 =	smul.u32 $0xC800, s10  }
0x8: {  	s11 =	simm.s32 $0xE000;
	s14 =	simm.s32 $0x0;
	s8 =	smul.u32 $0x19000, s0  }
0x9: {  	s3 =	sor.u32 s0, s2;
	s7 =	ssub.s32 $0x2, s0;
	s0 =	smul.u32 $0x6400, s0  }
0xa: {  	s2 =	rddreg [dreg:$0x2];
	s5 =	smul.u32 $0xC80, s3;
	s3 =	simm.s32 $0x0  }
0xb: {  	s4 =	sadd.s32 $0xF42800, s4;
	s9 =	sshrl.u32 s7, $0x1;
	[smem:$0x7FF] =	sst s3  }
0xc: {  	s7 =	ssub.s32 s7, s9;
	s0 =	sadd.s32 s0, s10;
	s10 =	simm.s32 $0x80  }
.Ltmp0:
0xd: {  	s9 =	simm.s32 $0xDC00;
	_ =	strace $0x80000047;
	(pc) =	sbr.rel .LBB2_1-.Ltmp0, $4  }
0xe: {  	s1 =	sadd.s32 s1, s5;
	s26 =	smax.u32 s7, $0x1;
	s7 =	sadd.s32 s8, s6  }
0xf: {  	[dreg:$0x6] =	wrdreg s0;
	s0 =	simm.s32 $0xD000;
	s5 =	simm.s32 $0x8  }
0x10: {  	s6 =	simm.s32 $0xD400;
	s8 =	simm.s32 $0xD800;
	[dreg:$0x4] =	wrdreg s1  }
0x11: {  	[dreg:$0x5] =	wrdreg s26;
	s26 =	simm.s32 $0xC000;
	s1 =	simm.s32 $0xCC00  }
.LBB2_15:
0x12: {  	s12 =	simm.s32 $0x5  }
0x13: {  	_ =	swait.ge [sflag:s12], $0x400  }
0x14: {  	[sflag:s12] =	ssyncset.done $0x0  }
0x15: {  	[sflag:s12] =	ssyncadd.s32 $0xFFFFFC00  }
0x16: {  	_ =	swait.ge [sflag:s12], $0x400  }
0x17: {  	[sflag:s12] =	ssyncset.done $0x0  }
0x18: {  	[sflag:s12] =	ssyncadd.s32 $0xFFFFFC00  }
0x19: {  	_ =	swait.ge [sflag:s12], $0x400  }
0x1a: {  	[sflag:s12] =	ssyncset.done $0x0  }
0x1b: {  	[sflag:s12] =	ssyncadd.s32 $0xFFFFFC00  }
0x1c: {  	_ =	swait.ge [sflag:s12], $0x400  }
0x1d: {  	[sflag:s12] =	ssyncset.done $0x0  }
0x1e: {  	[sflag:s12] =	ssyncadd.s32 $0xFFFFFC00  }
0x1f: {  	_ =	swait.ge [sflag:s22], $0x400  }
0x20: {  	[sflag:s22] =	ssyncset.done $0x0  }
0x21: {  	[sflag:s22] =	ssyncadd.s32 $0xFFFFFC00  }
0x22: {  	_ =	swait.ge [sflag:s22], $0x400  }
0x23: {  	[sflag:s22] =	ssyncset.done $0x0  }
0x24: {  	[sflag:s22] =	ssyncadd.s32 $0xFFFFFC00  }
0x25: {  	_ =	swait.ge [sflag:s22], $0x400  }
0x26: {  	[sflag:s22] =	ssyncset.done $0x0  }
0x27: {  	[sflag:s22] =	ssyncadd.s32 $0xFFFFFC00  }
0x28: {  	_ =	swait.ge [sflag:s22], $0x400  }
0x29: {  	[sflag:s22] =	ssyncset.done $0x0  }
0x2a: {  	[sflag:s22] =	ssyncadd.s32 $0xFFFFFC00  }
0x2b: {  	_ =	swait.ge [sflag:s29], $0x400  }
0x2c: {  	[sflag:s29] =	ssyncset.done $0x0  }
0x2d: {  	[sflag:s29] =	ssyncadd.s32 $0xFFFFFC00  }
0x2e: {  	_ =	swait.ge [sflag:s29], $0x400  }
0x2f: {  	[sflag:s29] =	ssyncset.done $0x0  }
0x30: {  	[sflag:s29] =	ssyncadd.s32 $0xFFFFFC00  }
0x31: {  	_ =	swait.ge [sflag:s29], $0x400  }
0x32: {  	[sflag:s29] =	ssyncset.done $0x0  }
0x33: {  	[sflag:s29] =	ssyncadd.s32 $0xFFFFFC00  }
0x34: {  	_ =	swait.ge [sflag:s29], $0x400  }
0x35: {  	[sflag:s29] =	ssyncset.done $0x0  }
0x36: {  	[sflag:s29] =	ssyncadd.s32 $0xFFFFFC00  }
0x37: {  	_ =	swait.ge [sflag:s5], $0x400  }
0x38: {  	[sflag:s5] =	ssyncset.done $0x0  }
0x39: {  	[sflag:s5] =	ssyncadd.s32 $0xFFFFFC00  }
0x3a: {  	_ =	swait.ge [sflag:s5], $0x400  }
0x3b: {  	[sflag:s5] =	ssyncset.done $0x0  }
0x3c: {  	[sflag:s5] =	ssyncadd.s32 $0xFFFFFC00  }
0x3d: {  	_ =	swait.ge [sflag:s5], $0x400  }
0x3e: {  	[sflag:s5] =	ssyncset.done $0x0  }
0x3f: {  	[sflag:s5] =	ssyncadd.s32 $0xFFFFFC00  }
0x40: {  	_ =	swait.ge [sflag:s5], $0x400  }
0x41: {  	s14 =	rddreg [dreg:$0x7]  }
0x42: {  	s20 =	rddreg [dreg:$0x5];
	s14 =	sadd.s32 $0x1, s14  }
0x43: {  	p0 =	sne.s32 s14, s20  }
.Ltmp1:
0x44: {  	_ = 	snop;
	(pc) =	sbr.rel @!p0 .LBB2_16-.Ltmp1, $3  }
0x45: {  	_ =	sdelay $0x1  }
0x46: {  	[sflag:s5] =	ssyncset.done $0x0  }
0x47: {  	[sflag:s5] =	ssyncadd.s32 $0xFFFFFC00  }
.LBB2_1:
0x48: {  	[dreg:$0x7] =	wrdreg s14  }
0x49: {  	s12 =	rddreg [dreg:$0x4];
	s15 =	simm.s32 $0x9  }
0x4a: {  	[tilespmem:s3], [sflag:$0x9] =	stream.linear.gather [hbm4b:s12+s3], $0x6400, $0x38;
	[tilespmem:$0xE400] =	vst v63  }
0x4b: {  	_ =	swait.ge [sflag:s15], $0x6400  }
0x4c: {  	[sflag:s15] =	ssyncset.done $0x0  }
0x4d: {  	s17 =	simm.s32 $0x6400;
	[sflag:s15] =	ssyncadd.s32 $0xFFFF9C00  }
0x4e: {  	[tilespmem:s17], [sflag:$0x1] =	stream.indirect.gather [hbm4b:s4+s10], $0x20, s3, s10, $0xb8;
	[tilespmem:$0xE400] =	vst v63  }
.Ltmp2:
0x4f: {  	_ = 	snop;
	(pc) =	sbr.rel .LBB2_2-.Ltmp2, $4  }
0x50: {  	s18 =	simm.s32 $0x7400;
	s19 =	simm.s32 $0x100  }
0x51: {  	[tilespmem:s18], [sflag:$0x2] =	stream.indirect.gather [hbm4b:s4+s10], $0x20, s10, s10, $0xb8;
	[tilespmem:$0xE400] =	vst v63  }
0x52: {  	s20 =	simm.s32 $0x8400;
	s14 =	simm.s32 $0x0;
	s12 =	rddreg [dreg:$0x6]  }
0x53: {  	[tilespmem:s20], [sflag:$0x3] =	stream.indirect.gather [hbm4b:s4+s10], $0x20, s19, s10, $0xb8;
	[tilespmem:$0xE400] =	vst v63  }
.LBB2_11:
0x54: {  	_ =	swait.ge [sflag:s13], $0x1000  }
0x55: {  	[sflag:s13] =	ssyncset.done $0x0  }
0x56: {  	[sflag:s13] =	ssyncadd.s32 $0xFFFFF000  }
.LBB2_13:
0x57: {  	_ =	swait.ge [sflag:s5], $0x400  }
0x58: {  	[sflag:s5] =	ssyncset.done $0x0  }
0x59: {  	[sflag:s5] =	ssyncadd.s32 $0xFFFFFC00  }
0x5a: {  	_ =	swait.ge [sflag:s5], $0x400  }
0x5b: {  	[sflag:s5] =	ssyncset.done $0x0  }
0x5c: {  	[sflag:s5] =	ssyncadd.s32 $0xFFFFFC00  }
0x5d: {  	_ =	swait.ge [sflag:s5], $0x400  }
0x5e: {  	[sflag:s5] =	ssyncset.done $0x0  }
0x5f: {  	[sflag:s5] =	ssyncadd.s32 $0xFFFFFC00  }
0x60: {  	_ =	swait.ge [sflag:s5], $0x400  }
0x61: {  	[sflag:s5] =	ssyncset.done $0x0  }
0x62: {  	[sflag:s5] =	ssyncadd.s32 $0xFFFFFC00  }
.LBB2_14:
0x63: {  	s15 =	sadd.s32 $0x600, s15  }
0x64: {  	s17 =	sadd.s32 $0x180, s12;
	s15 =	sand.u32 $0x1FFF0000, s15  }
0x65: {  	s17 =	sand.u32 $0x3F80, s17;
	s15 =	sadd.s32 s2, s15  }
0x66: {  	s14 =	sadd.s32 $0x800, s14;
	s15 =	sadd.s32 s17, s15  }
0x67: {  	[hbm4b:s15+s3] =	stream.linear.scatter [tilespmem:s6], [sflag:$0x8], $0x400, $0x38;
	[tilespmem:$0xE400] =	vst v63  }
0x68: {  	p0 =	sne.s32 s14, $0x19000;
	s17 =	sadd.s32 $0x4000, s15  }
0x69: {  	[hbm4b:s17+s3] =	stream.linear.scatter [tilespmem:s8], [sflag:$0x8], $0x400, $0x38;
	[tilespmem:$0xE400] =	vst v63  }
.Ltmp3:
0x6a: {  	_ = 	snop;
	(pc) =	sbr.rel @!p0 .LBB2_15-.Ltmp3, $4  }
0x6b: {  	s20 =	sadd.s32 $0x8000, s15  }
0x6c: {  	[hbm4b:s20+s3] =	stream.linear.scatter [tilespmem:s9], [sflag:$0x8], $0x400, $0x38;
	[tilespmem:$0xE400] =	vst v63  }
0x6d: {  	s12 =	sadd.s32 $0x200, s12;
	s15 =	sadd.s32 $0xC000, s15  }
0x6e: {  	[hbm4b:s15+s3] =	stream.linear.scatter [tilespmem:s11], [sflag:$0x8], $0x400, $0x38;
	[tilespmem:$0xE400] =	vst v63  }
.LBB2_2:
0x6f: {  	s17 =	sshra.s32 s14, $0x2  }
0x70: {  	s18 =	simm.s32 $0x9400;
	s15 =	sadd.s32 $0x180, s17  }
0x71: {  	[tilespmem:s18], [sflag:$0x4] =	stream.indirect.gather [hbm4b:s4+s10], $0x20, s15, s10, $0xb8;
	[tilespmem:$0xE400] =	vst v63  }
0x72: {  	_ =	swait.ge [sflag:s16], $0x1000  }
0x73: {  	p0 =	seq.s32 s14, $0x0;
	[sflag:s16] =	ssyncset.done $0x0  }
0x74: {  	s18 =	simm.s32 @!p0 $0x5;
	[sflag:s16] =	ssyncadd.s32 $0xFFFFF000  }
0x75: {  	_ =	swait.ge @!p0 [sflag:s18], $0x400  }
0x76: {  	[sflag:s18] =	ssyncset.done @!p0 $0x0  }
0x77: {  	[sflag:s18] =	ssyncadd.s32 @!p0 $0xFFFFFC00  }
0x78: {  	_ =	swait.ge @!p0 [sflag:s18], $0x400  }
0x79: {  	[sflag:s18] =	ssyncset.done @!p0 $0x0  }
0x7a: {  	[sflag:s18] =	ssyncadd.s32 @!p0 $0xFFFFFC00  }
0x7b: {  	_ =	swait.ge @!p0 [sflag:s18], $0x400  }
0x7c: {  	[sflag:s18] =	ssyncset.done @!p0 $0x0  }
0x7d: {  	s15 =	sadd.s32 s14, s7;
	[sflag:s18] =	ssyncadd.s32 @!p0 $0xFFFFFC00  }
0x7e: {  	s19 =	sand.u32 $0x1FFF0000, s15;
	_ =	swait.ge @!p0 [sflag:s18], $0x400  }
0x7f: {  	s20 =	sand.u32 $0x3E00, s12;
	s19 =	sadd.s32 s2, s19;
	[sflag:s18] =	ssyncset.done @!p0 $0x0  }
0x80: {  	[sflag:s18] =	ssyncadd.s32 @!p0 $0xFFFFFC00;
	s18 =	sadd.s32 s20, s19;
	s20 =	simm.s32 $0xA400  }
0x81: {  	[hbm4b:s18+s3] =	stream.linear.scatter [tilespmem:s20], [sflag:$0x5], $0x400, $0x38;
	[tilespmem:$0xE400] =	vst v63  }
0x82: {  	p1 =	sne.s32 s14, $0x18800;
	s19 =	sadd.s32 $0x4000, s18;
	s20 =	simm.s32 $0xA800  }
0x83: {  	[hbm4b:s19+s3] =	stream.linear.scatter [tilespmem:s20], [sflag:$0x5], $0x400, $0x38;
	[tilespmem:$0xE400] =	vst v63  }
.Ltmp4:
0x84: {  	_ = 	snop;
	(pc) =	sbr.rel @p1 .LBB2_4-.Ltmp4, $4  }
0x85: {  	s19 =	sadd.s32 $0x8000, s18;
	s20 =	simm.s32 $0xAC00  }
0x86: {  	[hbm4b:s19+s3] =	stream.linear.scatter [tilespmem:s20], [sflag:$0x5], $0x400, $0x38;
	[tilespmem:$0xE400] =	vst v63  }
0x87: {  	s18 =	sadd.s32 $0xC000, s18;
	s20 =	simm.s32 $0xB000  }
0x88: {  	[hbm4b:s18+s3] =	stream.linear.scatter [tilespmem:s20], [sflag:$0x5], $0x400, $0x38;
	[tilespmem:$0xE400] =	vst v63  }
.Ltmp5:
0x89: {  	(pc) =	sbr.rel .LBB2_5-.Ltmp5, $4  }
0x8a: {  	_ = 	snop  }
0x8b: {  	_ =	swait.ge [sflag:s21], $0x1000  }
0x8c: {  	[sflag:s21] =	ssyncset.done $0x0  }
0x8d: {  	[sflag:s21] =	ssyncadd.s32 $0xFFFFF000  }
.LBB2_4:
.Ltmp6:
0x8e: {  	s18 =	sadd.s32 $0x200, s17;
	s19 =	simm.s32 $0x6400;
	(pc) =	sbr.rel @p0 .LBB2_6-.Ltmp6, $4  }
0x8f: {  	[tilespmem:s19], [sflag:$0x1] =	stream.indirect.gather [hbm4b:s4+s10], $0x20, s18, s10, $0xb8;
	[tilespmem:$0xE400] =	vst v63  }
0x90: {  	_ =	swait.ge [sflag:s21], $0x1000  }
0x91: {  	[sflag:s21] =	ssyncset.done $0x0  }
0x92: {  	[sflag:s21] =	ssyncadd.s32 $0xFFFFF000  }
.LBB2_5:
0x93: {  	_ =	swait.ge [sflag:s22], $0x400  }
0x94: {  	[sflag:s22] =	ssyncset.done $0x0  }
0x95: {  	[sflag:s22] =	ssyncadd.s32 $0xFFFFFC00  }
0x96: {  	_ =	swait.ge [sflag:s22], $0x400  }
0x97: {  	[sflag:s22] =	ssyncset.done $0x0  }
0x98: {  	[sflag:s22] =	ssyncadd.s32 $0xFFFFFC00  }
0x99: {  	_ =	swait.ge [sflag:s22], $0x400  }
0x9a: {  	[sflag:s22] =	ssyncset.done $0x0  }
0x9b: {  	[sflag:s22] =	ssyncadd.s32 $0xFFFFFC00  }
0x9c: {  	_ =	swait.ge [sflag:s22], $0x400  }
0x9d: {  	[sflag:s22] =	ssyncset.done $0x0  }
0x9e: {  	[sflag:s22] =	ssyncadd.s32 $0xFFFFFC00  }
.LBB2_6:
0x9f: {  	s18 =	sadd.s32 $0x200, s15  }
0xa0: {  	s19 =	sadd.s32 $0x80, s12;
	s18 =	sand.u32 $0x1FFF0000, s18  }
0xa1: {  	s19 =	sand.u32 $0x3E80, s19;
	s18 =	sadd.s32 s2, s18  }
0xa2: {  	s18 =	sadd.s32 s19, s18  }
0xa3: {  	[hbm4b:s18+s3] =	stream.linear.scatter [tilespmem:s23], [sflag:$0x6], $0x400, $0x38;
	[tilespmem:$0xE400] =	vst v63  }
0xa4: {  	s19 =	sadd.s32 $0x4000, s18  }
0xa5: {  	[hbm4b:s19+s3] =	stream.linear.scatter [tilespmem:s24], [sflag:$0x6], $0x400, $0x38;
	[tilespmem:$0xE400] =	vst v63  }
.Ltmp7:
0xa6: {  	_ = 	snop;
	(pc) =	sbr.rel @p1 .LBB2_8-.Ltmp7, $4  }
0xa7: {  	s20 =	sadd.s32 $0x8000, s18  }
0xa8: {  	[hbm4b:s20+s3] =	stream.linear.scatter [tilespmem:s25], [sflag:$0x6], $0x400, $0x38;
	[tilespmem:$0xE400] =	vst v63  }
0xa9: {  	s18 =	sadd.s32 $0xC000, s18  }
0xaa: {  	[hbm4b:s18+s3] =	stream.linear.scatter [tilespmem:s26], [sflag:$0x6], $0x400, $0x38;
	[tilespmem:$0xE400] =	vst v63  }
.Ltmp8:
0xab: {  	(pc) =	sbr.rel .LBB2_9-.Ltmp8, $4  }
0xac: {  	_ = 	snop  }
0xad: {  	_ =	swait.ge [sflag:s28], $0x1000  }
0xae: {  	[sflag:s28] =	ssyncset.done $0x0  }
0xaf: {  	[sflag:s28] =	ssyncadd.s32 $0xFFFFF000  }
.LBB2_8:
.Ltmp9:
0xb0: {  	s18 =	sadd.s32 $0x280, s17;
	s19 =	simm.s32 $0x7400;
	(pc) =	sbr.rel @p0 .LBB2_10-.Ltmp9, $4  }
0xb1: {  	[tilespmem:s19], [sflag:$0x2] =	stream.indirect.gather [hbm4b:s4+s10], $0x20, s18, s10, $0xb8;
	[tilespmem:$0xE400] =	vst v63  }
0xb2: {  	_ =	swait.ge [sflag:s28], $0x1000  }
0xb3: {  	[sflag:s28] =	ssyncset.done $0x0  }
0xb4: {  	[sflag:s28] =	ssyncadd.s32 $0xFFFFF000  }
.LBB2_9:
0xb5: {  	_ =	swait.ge [sflag:s29], $0x400  }
0xb6: {  	[sflag:s29] =	ssyncset.done $0x0  }
0xb7: {  	[sflag:s29] =	ssyncadd.s32 $0xFFFFFC00  }
0xb8: {  	_ =	swait.ge [sflag:s29], $0x400  }
0xb9: {  	[sflag:s29] =	ssyncset.done $0x0  }
0xba: {  	[sflag:s29] =	ssyncadd.s32 $0xFFFFFC00  }
0xbb: {  	_ =	swait.ge [sflag:s29], $0x400  }
0xbc: {  	[sflag:s29] =	ssyncset.done $0x0  }
0xbd: {  	[sflag:s29] =	ssyncadd.s32 $0xFFFFFC00  }
0xbe: {  	_ =	swait.ge [sflag:s29], $0x400  }
0xbf: {  	[sflag:s29] =	ssyncset.done $0x0  }
0xc0: {  	[sflag:s29] =	ssyncadd.s32 $0xFFFFFC00  }
.LBB2_10:
0xc1: {  	s18 =	sadd.s32 $0x400, s15  }
0xc2: {  	s19 =	sadd.s32 $0x100, s12;
	s18 =	sand.u32 $0x1FFF0000, s18  }
0xc3: {  	s19 =	sand.u32 $0x3F00, s19;
	s18 =	sadd.s32 s2, s18  }
0xc4: {  	s18 =	sadd.s32 s19, s18  }
0xc5: {  	[hbm4b:s18+s3] =	stream.linear.scatter [tilespmem:s30], [sflag:$0x7], $0x400, $0x38;
	[tilespmem:$0xE400] =	vst v63  }
0xc6: {  	s19 =	sadd.s32 $0x4000, s18  }
0xc7: {  	[hbm4b:s19+s3] =	stream.linear.scatter [tilespmem:s31], [sflag:$0x7], $0x400, $0x38;
	[tilespmem:$0xE400] =	vst v63  }
.Ltmp10:
0xc8: {  	_ = 	snop;
	(pc) =	sbr.rel @!p1 .LBB2_11-.Ltmp10, $4  }
0xc9: {  	s20 =	sadd.s32 $0x8000, s18  }
0xca: {  	[hbm4b:s20+s3] =	stream.linear.scatter [tilespmem:s1], [sflag:$0x7], $0x400, $0x38;
	[tilespmem:$0xE400] =	vst v63  }
0xcb: {  	s18 =	sadd.s32 $0xC000, s18  }
0xcc: {  	[hbm4b:s18+s3] =	stream.linear.scatter [tilespmem:s0], [sflag:$0x7], $0x400, $0x38;
	[tilespmem:$0xE400] =	vst v63  }
0xcd: {  	s17 =	sadd.s32 $0x300, s17;
	s18 =	simm.s32 $0x8400  }
0xce: {  	[tilespmem:s18], [sflag:$0x3] =	stream.indirect.gather [hbm4b:s4+s10], $0x20, s17, s10, $0xb8;
	[tilespmem:$0xE400] =	vst v63  }
.Ltmp11:
0xcf: {  	_ = 	snop;
	(pc) =	sbr.rel @!p0 .LBB2_13-.Ltmp11, $4  }
.Ltmp12:
0xd0: {  	_ = 	snop;
	(pc) =	sbr.rel @p0 .LBB2_14-.Ltmp12, $4  }
0xd1: {  	_ =	swait.ge [sflag:s13], $0x1000  }
0xd2: {  	[sflag:s13] =	ssyncset.done $0x0  }
0xd3: {  	[sflag:s13] =	ssyncadd.s32 $0xFFFFF000  }
0xd4: {  	_ = 	snop  }
.LBB2_16:
0xd5: {  	_ =	sfence.sel $0x180000  }
0xd6: {  	[bflag:$0x0] =	sbarrier.arrive $0xFFFF  }
0xd7: {  	_ =	strace $0x90000047  }
0xd8: {  	s0 =	stileid.u32;
	[bflag:$0x2] =	sbarrier.arrive $0xFFFF  }
0xd9: {  	p0 =	sne.s32 s0, $0x0;
	s0 =	rddreg [dreg:$0x3]  }
0xda: {  	s0 =	sadd.s32 @!p0 $0x100000, s0  }
0xdb: {  	[sflag:s0] =	ssyncadd.tile.s32 @!p0 $0x1;
	_ =	shalt  }
.Lfunc_end2:
_tile_overlayer_lowered:
.L_overlay_start_2:
0xdc: {  	(tag) =	ssettag $0x2  }
0xdd: {  	s0 =	rddreg [dreg:$0x0];
	s2 =	stileid.u32  }
0xde: {  	s1 =	rddreg [dreg:$0x1];
	p0 =	sne.s32 s2, $0x0  }
0xdf: {  	s3 =	rddreg [dreg:$0x2];
	[bflag:$0x3] =	sbarrier.arrive $0xFFFF;
	s2 =	simm.s32 @!p0 $0x1C09  }
0xe0: {  	[timem:s3], [sflag:s2] =	dma.local @!p0 [hbm:s0], s1  }
0xe1: {  	s0 =	simm.s32 @!p0 $0x9  }
0xe2: {  	_ =	swait.ge @!p0 [sflag:s0], s1  }
0xe3: {  	s1 =	ssub.s32 @!p0 $0x0, s1;
	[sflag:s0] =	ssyncset.done @!p0 $0x0  }
0xe4: {  	[sflag:s0] =	ssyncadd.s32 @!p0 s1  }
0xe5: {  	[bflag:$0x3] =	sbarrier.arrive $0xFFFF  }
0xe6: {  	_ =	shalt  }

</sc_bundles>
